<compile_context>
chip_gen: v7x
topology: tpu7x:2x2x1
jax: 0.10.2.dev20260603
libtpu: 0.0.44.dev20260713+nightly
codegen_flags: <defaults>
</compile_context>

<pallas_src>
import functools

import jax
import jax.numpy as jnp
from jax import lax
from jax.experimental import pallas as pl
from jax.experimental.pallas import tpu as pltpu
from jax.experimental.pallas import tpu_sc as plsc

NK = 512
NN = 1_000_000
SL = 31_264
NP = 32 * SL
NB = 2048
CAP = 128
NCAND = 32 * CAP
ITER = SL // 16

SL2 = 31_280
NPP = 32 * SL2
ZCH = SL2 // 5
HALF = 16 * SL2

WCAP = 544
ECAP = 2048
E2CAP = 128

IMIN = -2147483648

_MESH_CACHE = []


def _get_mesh():
    if not _MESH_CACHE:
        _MESH_CACHE.append(plsc.VectorSubcoreMesh(
            core_axis_name="c", subcore_axis_name="s"))
    return _MESH_CACHE[0]


def _key_of(v16):
    b = lax.bitcast_convert_type(v16, jnp.int32)
    sgn = lax.shift_right_arithmetic(b, 31)
    return b ^ (sgn & jnp.int32(0x7FFFFFFF))


def _val_of(k16):
    sgn = lax.shift_right_arithmetic(k16, 31)
    return lax.bitcast_convert_type(k16 ^ (sgn & jnp.int32(0x7FFFFFFF)), jnp.float32)


def _iota16():
    return lax.broadcasted_iota(jnp.int32, (16,), 0)


def _lane0(v):
    return lax.squeeze(lax.slice(v, (0,), (1,)), (0,))


def _lane15(v):
    return lax.squeeze(lax.slice(v, (15,), (16,)), (0,))


def _stage1(x_hbm, ck_hbm, ci_hbm, h2_hbm,
            data_v, lhist_v, mhist_v, ghist_v, ck_v, ci_v, cut_v, sh_v, shc_v):
    c = lax.axis_index("c")
    s = lax.axis_index("s")
    wid = c * 16 + s
    base = wid * SL
    iota = _iota16()
    zeros16 = jnp.zeros((16,), jnp.int32)
    ones16 = jnp.ones((16,), jnp.int32)

    pltpu.sync_copy(x_hbm.at[pl.ds(base, SL)], data_v)

    def zl(i, _):
        lhist_v[pl.ds(i * 16, 16)] = zeros16
        return 0
    lax.fori_loop(0, NB * 16 // 16, zl, 0, unroll=8)

    lanemul = iota * NB

    def hist_body2(i):
        v = data_v[pl.ds(i * 16, 16)]
        key = _key_of(v)
        bin1 = lax.shift_right_arithmetic(key, 21) + jnp.int32(1024)
        plsc.addupdate_scatter(lhist_v, [bin1 + lanemul], ones16)
    plsc.parallel_loop(0, ITER, 1, unroll=8)(hist_body2)

    def merge_body(j, _):
        acc = zeros16
        for l in range(16):
            acc = acc + lhist_v[pl.ds(l * NB + j * 16, 16)]
        mhist_v[pl.ds(j * 16, 16)] = acc
        return 0
    lax.fori_loop(0, NB // 16, merge_body, 0)

    pltpu.sync_copy(mhist_v, sh_v.at[s])
    plsc.subcore_barrier()

    @pl.when(s == 0)
    def _select_cutoff():
        pltpu.sync_copy(sh_v, ghist_v)

        def merge2(j, _):
            acc = zeros16
            for l in range(16):
                acc = acc + ghist_v[l, pl.ds(j * 16, 16)]
            mhist_v[pl.ds(j * 16, 16)] = acc
            return 0
        lax.fori_loop(0, NB // 16, merge2, 0)

        pltpu.sync_copy(mhist_v, h2_hbm.at[c])

        def cut_body(jj, carry):
            c_above, cmax = carry
            j = NB // 16 - 1 - jj
            chunk = mhist_v[pl.ds(j * 16, 16)]
            csum = plsc.cumsum(chunk)
            tot = _lane15(csum)
            suffix = tot - csum + chunk
            cnt = c_above + suffix
            bins = iota + j * 16
            cand = jnp.where(cnt >= NK, bins, jnp.int32(-1))
            return (c_above + tot, jnp.maximum(cmax, cand))
        _, cmax = lax.fori_loop(
            0, NB // 16, cut_body,
            (jnp.int32(0), jnp.full((16,), -1, jnp.int32)))
        cbin = jnp.max(cmax)
        cut_key = lax.shift_left(cbin - jnp.int32(1024), 21)
        cut_v[...] = jnp.full((16,), 1, jnp.int32) * cut_key
        pltpu.sync_copy(cut_v, shc_v)

    plsc.subcore_barrier()
    pltpu.sync_copy(shc_v, cut_v)
    cut_key = jnp.max(cut_v[...])

    minkey16 = jnp.full((16,), IMIN, jnp.int32)
    pad16 = jnp.full((16,), NP, jnp.int32)
    for t in range(CAP // 16):
        ck_v[pl.ds(t * 16, 16)] = minkey16
        ci_v[pl.ds(t * 16, 16)] = pad16

    def cp_body(i, cnt):
        v = data_v[pl.ds(i * 16, 16)]
        key = _key_of(v)
        m = key >= cut_key
        gidx = base + i * 16 + iota
        cc = jnp.minimum(cnt, CAP - 16)
        plsc.store_compressed(ck_v.at[pl.ds(cc, 16)], key, mask=m)
        plsc.store_compressed(ci_v.at[pl.ds(cc, 16)], gidx, mask=m)
        return cnt + _lane0(plsc.all_reduce_population_count(m))
    lax.fori_loop(0, ITER, cp_body, jnp.int32(0), unroll=8)

    pltpu.sync_copy(ck_v, ck_hbm.at[pl.ds(wid * CAP, CAP)])
    pltpu.sync_copy(ci_v, ci_hbm.at[pl.ds(wid * CAP, CAP)])


def _append(dst_k, dst_i, cnt, cap, key, gidx, m):
    cc = jnp.minimum(cnt, cap - 16)
    plsc.store_compressed(dst_k.at[pl.ds(cc, 16)], key, mask=m)
    plsc.store_compressed(dst_i.at[pl.ds(cc, 16)], gidx, mask=m)
    return cnt + _lane0(plsc.all_reduce_population_count(m))


def _stage2(ck_hbm, ci_hbm, h2_hbm, out_hbm,
            slice_v, ckv, civ, h2v, mh_v, wk_v, wi_v, ek_v, ei_v,
            lh2_v, mh2_v, e2k_v, e2i_v, swk_v, swi_v):
    c = lax.axis_index("c")
    s = lax.axis_index("s")
    wid = c * 16 + s
    base2 = wid * SL2
    iota = _iota16()
    zeros16f = jnp.zeros((16,), jnp.float32)
    zeros16 = jnp.zeros((16,), jnp.int32)

    def zf(i, _):
        slice_v[pl.ds(i * 16, 16)] = zeros16f
        return 0
    lax.fori_loop(0, SL2 // 16, zf, 0, unroll=8)

    @pl.when(s == 0)
    def _select():
        pltpu.sync_copy(ck_hbm, ckv)
        pltpu.sync_copy(ci_hbm, civ)
        pltpu.sync_copy(h2_hbm, h2v)

        def mh_body(j, _):
            mh_v[pl.ds(j * 16, 16)] = (h2v[0, pl.ds(j * 16, 16)]
                                       + h2v[1, pl.ds(j * 16, 16)])
            return 0
        lax.fori_loop(0, NB // 16, mh_body, 0)

        def cut_body(jj, carry):
            c_above, cmax = carry
            j = NB // 16 - 1 - jj
            chunk = mh_v[pl.ds(j * 16, 16)]
            csum = plsc.cumsum(chunk)
            tot = _lane15(csum)
            cnt = c_above + (tot - csum + chunk)
            bins = iota + j * 16
            cand = jnp.where(cnt >= NK, bins, jnp.int32(-1))
            return (c_above + tot, jnp.maximum(cmax, cand))
        _, cmax = lax.fori_loop(
            0, NB // 16, cut_body,
            (jnp.int32(0), jnp.full((16,), -1, jnp.int32)))
        c1 = jnp.max(cmax)

        def ge_body(j, acc):
            g_acc, e_acc = acc
            chunk = mh_v[pl.ds(j * 16, 16)]
            bins = iota + j * 16
            g_acc = g_acc + jnp.where(bins > c1, chunk, zeros16)
            e_acc = e_acc + jnp.where(bins == c1, chunk, zeros16)
            return (g_acc, e_acc)
        g_acc, e_acc = lax.fori_loop(0, NB // 16, ge_body, (zeros16, zeros16))
        need1 = NK - jnp.sum(g_acc)

        minkey16 = jnp.full((16,), IMIN, jnp.int32)
        pad16 = jnp.full((16,), NP, jnp.int32)
        for t in range(WCAP // 16):
            wk_v[pl.ds(t * 16, 16)] = minkey16
            wi_v[pl.ds(t * 16, 16)] = pad16

        def cls1(i, carry):
            cw, ce = carry
            key = ckv[pl.ds(i * 16, 16)]
            gidx = civ[pl.ds(i * 16, 16)]
            bin1 = lax.shift_right_arithmetic(key, 21) + jnp.int32(1024)
            cw = _append(wk_v, wi_v, cw, WCAP, key, gidx, bin1 > c1)
            ce = _append(ek_v, ei_v, ce, ECAP, key, gidx, bin1 == c1)
            return (cw, ce)
        cw, ce = lax.fori_loop(0, NCAND // 16, cls1,
                               (jnp.int32(0), jnp.int32(0)), unroll=2)

        def zl2(i, _):
            lh2_v[pl.ds(i * 16, 16)] = zeros16
            return 0
        lax.fori_loop(0, 256 * 16 // 16, zl2, 0, unroll=8)

        ones16 = jnp.ones((16,), jnp.int32)
        lanemul2 = iota * 256

        def h2_body(i, _):
            key = ek_v[pl.ds(i * 16, 16)]
            valid = (i * 16 + iota) < ce
            bin2 = lax.shift_right_logical(key, 13) & jnp.int32(0xFF)
            plsc.addupdate_scatter(lh2_v, [bin2 + lanemul2], ones16,
                                   mask=valid)
            return 0
        lax.fori_loop(0, ECAP // 16, h2_body, 0)

        def merge2(j, _):
            acc = zeros16
            for l in range(16):
                acc = acc + lh2_v[pl.ds(l * 256 + j * 16, 16)]
            mh2_v[pl.ds(j * 16, 16)] = acc
            return 0
        lax.fori_loop(0, 16, merge2, 0)

        def cut2_body(jj, carry):
            c_above, cmax2 = carry
            j = 15 - jj
            chunk = mh2_v[pl.ds(j * 16, 16)]
            csum = plsc.cumsum(chunk)
            tot = _lane15(csum)
            cnt = c_above + (tot - csum + chunk)
            bins = iota + j * 16
            cand = jnp.where(cnt >= need1, bins, jnp.int32(-1))
            return (c_above + tot, jnp.maximum(cmax2, cand))
        _, cmax2 = lax.fori_loop(
            0, 16, cut2_body, (jnp.int32(0), jnp.full((16,), -1, jnp.int32)))
        c2 = jnp.max(cmax2)

        def ge2_body(j, acc):
            chunk = mh2_v[pl.ds(j * 16, 16)]
            bins = iota + j * 16
            return acc + jnp.where(bins > c2, chunk, zeros16)
        g2_acc = lax.fori_loop(0, 16, ge2_body, zeros16)
        need2 = need1 - jnp.sum(g2_acc)

        def cls2(i, carry):
            cw, ce2 = carry
            key = ek_v[pl.ds(i * 16, 16)]
            gidx = ei_v[pl.ds(i * 16, 16)]
            valid = (i * 16 + iota) < ce
            bin2 = lax.shift_right_logical(key, 13) & jnp.int32(0xFF)
            cw = _append(wk_v, wi_v, cw, WCAP, key, gidx,
                         valid & (bin2 > c2))
            ce2 = _append(e2k_v, e2i_v, ce2, E2CAP, key, gidx,
                          valid & (bin2 == c2))
            return (cw, ce2)
        cw, ce2 = lax.fori_loop(0, ECAP // 16, cls2, (cw, jnp.int32(0)))

        k0 = e2k_v[pl.ds(0, 16)]
        hb = _lane0(k0) & jnp.int32(~0x1FFF)

        def vb_round(r, t):
            candk = t | lax.shift_left(jnp.int32(1), jnp.int32(12) - r)
            acc = zeros16
            for i in range(E2CAP // 16):
                key = e2k_v[pl.ds(i * 16, 16)]
                valid = (i * 16 + iota) < ce2
                acc = acc + jnp.where(valid & (key >= candk), ones16, zeros16)
            return jnp.where(jnp.sum(acc) >= need2, candk, t)
        tkey = lax.fori_loop(0, 13, vb_round, hb)

        gacc = zeros16
        for i in range(E2CAP // 16):
            key = e2k_v[pl.ds(i * 16, 16)]
            valid = (i * 16 + iota) < ce2
            gacc = gacc + jnp.where(valid & (key > tkey), ones16, zeros16)
        need3 = need2 - jnp.sum(gacc)

        def ib_round(r, t2):
            candi = t2 | lax.shift_left(jnp.int32(1), jnp.int32(19) - r)
            acc = zeros16
            for i in range(E2CAP // 16):
                key = e2k_v[pl.ds(i * 16, 16)]
                gidx = e2i_v[pl.ds(i * 16, 16)]
                valid = (i * 16 + iota) < ce2
                m = valid & (key == tkey) & (gidx < candi)
                acc = acc + jnp.where(m, ones16, zeros16)
            return jnp.where(jnp.sum(acc) < need3, candi, t2)
        t2 = lax.fori_loop(0, 20, ib_round, jnp.int32(0))

        for i in range(E2CAP // 16):
            key = e2k_v[pl.ds(i * 16, 16)]
            gidx = e2i_v[pl.ds(i * 16, 16)]
            valid = (i * 16 + iota) < ce2
            m = valid & ((key > tkey) | ((key == tkey) & (gidx <= t2)))
            cw = _append(wk_v, wi_v, cw, WCAP, key, gidx, m)

        pltpu.sync_copy(wk_v, swk_v)
        pltpu.sync_copy(wi_v, swi_v)

    plsc.subcore_barrier()

    pltpu.sync_copy(swk_v, wk_v)
    pltpu.sync_copy(swi_v, wi_v)
    for t in range(WCAP // 16):
        key = wk_v[pl.ds(t * 16, 16)]
        gidx = wi_v[pl.ds(t * 16, 16)]
        own = (gidx >= base2) & (gidx < base2 + SL2)
        local = gidx - base2
        plsc.store_scatter(slice_v, [local], _val_of(key), mask=own)

    pltpu.sync_copy(slice_v, out_hbm.at[pl.ds(base2, SL2)])


def _make_stage1():
  return functools.partial(
    pl.kernel,
    mesh=_get_mesh(),
    name="sc_stage1_hist_compact",
    compiler_params=pltpu.CompilerParams(needs_layout_passes=False),
    out_type=[
        jax.ShapeDtypeStruct((NCAND,), jnp.int32),
        jax.ShapeDtypeStruct((NCAND,), jnp.int32),
        jax.ShapeDtypeStruct((2, NB), jnp.int32),
    ],
    scratch_types=[
        pltpu.VMEM((SL,), jnp.float32),
        pltpu.VMEM((NB * 16,), jnp.int32),
        pltpu.VMEM((NB,), jnp.int32),
        pltpu.VMEM((16, NB), jnp.int32),
        pltpu.VMEM((CAP,), jnp.int32),
        pltpu.VMEM((CAP,), jnp.int32),
        pltpu.VMEM((16,), jnp.int32),
        pltpu.VMEM_SHARED((16, NB), jnp.int32),
        pltpu.VMEM_SHARED((16,), jnp.int32),
    ]
  )(_stage1)


def _make_stage2():
  return functools.partial(
    pl.kernel,
    mesh=_get_mesh(),
    name="sc_stage2_select_scatter",
    compiler_params=pltpu.CompilerParams(needs_layout_passes=False),
    out_type=[jax.ShapeDtypeStruct((NPP,), jnp.float32)],
    scratch_types=[
        pltpu.VMEM((SL2,), jnp.float32),
        pltpu.VMEM((NCAND,), jnp.int32),
        pltpu.VMEM((NCAND,), jnp.int32),
        pltpu.VMEM((2, NB), jnp.int32),
        pltpu.VMEM((NB,), jnp.int32),
        pltpu.VMEM((WCAP,), jnp.int32),
        pltpu.VMEM((WCAP,), jnp.int32),
        pltpu.VMEM((ECAP,), jnp.int32),
        pltpu.VMEM((ECAP,), jnp.int32),
        pltpu.VMEM((256 * 16,), jnp.int32),
        pltpu.VMEM((256,), jnp.int32),
        pltpu.VMEM((E2CAP,), jnp.int32),
        pltpu.VMEM((E2CAP,), jnp.int32),
        pltpu.VMEM_SHARED((WCAP,), jnp.int32),
        pltpu.VMEM_SHARED((WCAP,), jnp.int32),
    ],
  )(_stage2)


@jax.jit
def kernel(x):
    xp = jnp.concatenate(
        [x, jnp.full((NP - NN,), -jnp.inf, dtype=jnp.float32)])
    ck, ci, h2 = _make_stage1()(xp)
    (out,) = _make_stage2()(ck, ci, h2)
    return out[:NN]

# --- scband reference (transcript-rebuilt; emitter-appended) ---
"""Pipeline reference for scband-top-kactivation-82566451298891 (READ-ONLY COPY).

The authoritative reference and input builder live on the scoring server;
editing this copy changes nothing except your own understanding.
"""

import jax, jax.numpy as jnp
import numpy as np

K = 512
N = 1000000


def setup_inputs(seed: int = 0) -> dict:
    key = jax.random.key(seed)
    x = jax.random.normal(key, (N,), dtype=jnp.float32)
    return {"x": x}


def reference(x):
    # torch.topk(x, k, dim=-1) on a 1-D tensor -> top-k values (descending) and indices
    values, indices = jax.lax.top_k(x, K)
    # output = torch.zeros_like(x); output[indices] = values
    # For 1-D x this is a scatter-overwrite along the single axis.
    output = jnp.zeros_like(x)
    output = output.at[indices].set(values)
    return output

if __name__ == "__main__":
    import jax
    _d = setup_inputs()
    print(jax.jit(kernel)(*tuple(_d.values())))

</pallas_src>

<mosaic_0001>
#map = affine_map<(d0, d1) -> (0)>
#map1 = affine_map<(d0, d1) -> (0, 0)>
module attributes {stable_mosaic.version = 14 : i64} {
  func.func @sc_stage1_hist_compact(%arg0: i32, %arg1: i32, %arg2: memref<1000448xf32, #tpu.memory_space<hbm>>, %arg3: memref<4096xi32, #tpu.memory_space<hbm>>, %arg4: memref<4096xi32, #tpu.memory_space<hbm>>, %arg5: memref<2x2048xi32, #tpu.memory_space<hbm>>, %arg6: memref<31264xf32, #tpu.memory_space<vmem>>, %arg7: memref<32768xi32, #tpu.memory_space<vmem>>, %arg8: memref<2048xi32, #tpu.memory_space<vmem>>, %arg9: memref<16x2048xi32, #tpu.memory_space<vmem>>, %arg10: memref<128xi32, #tpu.memory_space<vmem>>, %arg11: memref<128xi32, #tpu.memory_space<vmem>>, %arg12: memref<16xi32, #tpu.memory_space<vmem>>, %arg13: memref<16x2048xi32, #tpu.memory_space<vmem_shared>>, %arg14: memref<16xi32, #tpu.memory_space<vmem_shared>>) attributes {dimension_semantics = [#tpu.dimension_semantics<core_parallel>, #tpu.dimension_semantics<subcore_parallel>], iteration_bounds = array<i64: 2, 16>, scalar_prefetch = 0 : i64, scratch_operands = 9 : i64, tpu.core_type = #tpu.core_type<sc_vector_subcore>, window_params = [{transform_indices = #map}, {transform_indices = #map}, {transform_indices = #map}, {transform_indices = #map1}]} {
    %mul3A = arith.constant 16 : i32
    %mul3A_0 = arith.muli %arg0, %mul3A : i32
    %add3A = arith.addi %mul3A_0, %arg1 : i32
    %mul3A_1 = arith.constant 31264 : i32
    %mul3A_2 = arith.muli %add3A, %mul3A_1 : i32
    %iota3A = tpu.iota {dimensions = array<i32: 0>} : vector<16xi32>
    %broadcast_in_dim3A = arith.constant 0 : i32
    %broadcast_in_dim3A_3 = vector.broadcast %broadcast_in_dim3A : i32 to vector<16xi32>
    %broadcast_in_dim3A_4 = arith.constant 1 : i32
    %broadcast_in_dim3A_5 = vector.broadcast %broadcast_in_dim3A_4 : i32 to vector<16xi32>
    "tpu.region"() ({
      %run_scoped3A = tpu.sem_alloc : memref<!tpu.dma_semaphore, #tpu.memory_space<semaphore_mem>>
      %dma_start3A = tpu.memref_slice %arg2[%mul3A_2] : memref<1000448xf32, #tpu.memory_space<hbm>> -> memref<31264xf32, #tpu.memory_space<hbm>>
      %dma_start3A_134 = tpu.memref_slice %arg2[%mul3A_2] : memref<1000448xf32, #tpu.memory_space<hbm>> -> memref<31264xf32, #tpu.memory_space<hbm>>
      tpu.enqueue_dma source(%dma_start3A_134 : memref<31264xf32, #tpu.memory_space<hbm>>) target(%arg6 : memref<31264xf32, #tpu.memory_space<vmem>>) target_semaphore(%run_scoped3A : memref<!tpu.dma_semaphore, #tpu.memory_space<semaphore_mem>>)
      %dma_wait3A = tpu.memref_slice %arg2[%mul3A_2] : memref<1000448xf32, #tpu.memory_space<hbm>> -> memref<31264xf32, #tpu.memory_space<hbm>>
      %dma_wait3A_135 = tpu.memref_slice %arg2[%mul3A_2] : memref<1000448xf32, #tpu.memory_space<hbm>> -> memref<31264xf32, #tpu.memory_space<hbm>>
      tpu.wait_dma2 semaphore(%run_scoped3A : memref<!tpu.dma_semaphore, #tpu.memory_space<semaphore_mem>>) src(%dma_wait3A_135 : memref<31264xf32, #tpu.memory_space<hbm>>) dst(%arg6 : memref<31264xf32, #tpu.memory_space<vmem>>)
      tpu.yield
    }) : () -> ()
    %scan3A = arith.constant 0 : i32
    %scan3A_6 = arith.constant 0 : i32
    %scan3A_7 = arith.constant 2048 : i32
    %scan3A_8 = arith.addi %scan3A_6, %scan3A_7 : i32
    %scan3A_9 = arith.constant 8 : i32
    %scan3A_10 = scf.for %scan3A_134 = %scan3A_6 to %scan3A_8 step %scan3A_9 iter_args(%scan3A_135 = %scan3A) -> (i32)  : i32 {
      %mul3A_136 = arith.constant 16 : i32
      %mul3A_137 = arith.muli %scan3A_134, %mul3A_136 : i32
      %swap3A_138 = arith.index_cast %mul3A_137 : i32 to index
      %swap3A_139 = tpu.vector_load %arg7[%swap3A_138] {strides = array<i32>} : memref<32768xi32, #tpu.memory_space<vmem>>, vector<16xi32>,
      tpu.vector_store %arg7[%swap3A_138], %broadcast_in_dim3A_3 {strides = array<i32>} : memref<32768xi32, #tpu.memory_space<vmem>>, vector<16xi32>,
      %scan3A_140 = arith.constant 0 : i32
      %scan3A_141 = arith.constant 1 : i32
      %scan3A_142 = arith.addi %scan3A_134, %scan3A_141 : i32
      %mul3A_143 = arith.constant 16 : i32
      %mul3A_144 = arith.muli %scan3A_142, %mul3A_143 : i32
      %swap3A_145 = arith.index_cast %mul3A_144 : i32 to index
      %swap3A_146 = tpu.vector_load %arg7[%swap3A_145] {strides = array<i32>} : memref<32768xi32, #tpu.memory_space<vmem>>, vector<16xi32>,
      tpu.vector_store %arg7[%swap3A_145], %broadcast_in_dim3A_3 {strides = array<i32>} : memref<32768xi32, #tpu.memory_space<vmem>>, vector<16xi32>,
      %scan3A_147 = arith.constant 0 : i32
      %scan3A_148 = arith.constant 2 : i32
      %scan3A_149 = arith.addi %scan3A_134, %scan3A_148 : i32
      %mul3A_150 = arith.constant 16 : i32
      %mul3A_151 = arith.muli %scan3A_149, %mul3A_150 : i32
      %swap3A_152 = arith.index_cast %mul3A_151 : i32 to index
      %swap3A_153 = tpu.vector_load %arg7[%swap3A_152] {strides = array<i32>} : memref<32768xi32, #tpu.memory_space<vmem>>, vector<16xi32>,
      tpu.vector_store %arg7[%swap3A_152], %broadcast_in_dim3A_3 {strides = array<i32>} : memref<32768xi32, #tpu.memory_space<vmem>>, vector<16xi32>,
      %scan3A_154 = arith.constant 0 : i32
      %scan3A_155 = arith.constant 3 : i32
      %scan3A_156 = arith.addi %scan3A_134, %scan3A_155 : i32
      %mul3A_157 = arith.constant 16 : i32
      %mul3A_158 = arith.muli %scan3A_156, %mul3A_157 : i32
      %swap3A_159 = arith.index_cast %mul3A_158 : i32 to index
      %swap3A_160 = tpu.vector_load %arg7[%swap3A_159] {strides = array<i32>} : memref<32768xi32, #tpu.memory_space<vmem>>, vector<16xi32>,
      tpu.vector_store %arg7[%swap3A_159], %broadcast_in_dim3A_3 {strides = array<i32>} : memref<32768xi32, #tpu.memory_space<vmem>>, vector<16xi32>,
      %scan3A_161 = arith.constant 0 : i32
      %scan3A_162 = arith.constant 4 : i32
      %scan3A_163 = arith.addi %scan3A_134, %scan3A_162 : i32
      %mul3A_164 = arith.constant 16 : i32
      %mul3A_165 = arith.muli %scan3A_163, %mul3A_164 : i32
      %swap3A_166 = arith.index_cast %mul3A_165 : i32 to index
      %swap3A_167 = tpu.vector_load %arg7[%swap3A_166] {strides = array<i32>} : memref<32768xi32, #tpu.memory_space<vmem>>, vector<16xi32>,
      tpu.vector_store %arg7[%swap3A_166], %broadcast_in_dim3A_3 {strides = array<i32>} : memref<32768xi32, #tpu.memory_space<vmem>>, vector<16xi32>,
      %scan3A_168 = arith.constant 0 : i32
      %scan3A_169 = arith.constant 5 : i32
      %scan3A_170 = arith.addi %scan3A_134, %scan3A_169 : i32
      %mul3A_171 = arith.constant 16 : i32
      %mul3A_172 = arith.muli %scan3A_170, %mul3A_171 : i32
      %swap3A_173 = arith.index_cast %mul3A_172 : i32 to index
      %swap3A_174 = tpu.vector_load %arg7[%swap3A_173] {strides = array<i32>} : memref<32768xi32, #tpu.memory_space<vmem>>, vector<16xi32>,
      tpu.vector_store %arg7[%swap3A_173], %broadcast_in_dim3A_3 {strides = array<i32>} : memref<32768xi32, #tpu.memory_space<vmem>>, vector<16xi32>,
      %scan3A_175 = arith.constant 0 : i32
      %scan3A_176 = arith.constant 6 : i32
      %scan3A_177 = arith.addi %scan3A_134, %scan3A_176 : i32
      %mul3A_178 = arith.constant 16 : i32
      %mul3A_179 = arith.muli %scan3A_177, %mul3A_178 : i32
      %swap3A_180 = arith.index_cast %mul3A_179 : i32 to index
      %swap3A_181 = tpu.vector_load %arg7[%swap3A_180] {strides = array<i32>} : memref<32768xi32, #tpu.memory_space<vmem>>, vector<16xi32>,
      tpu.vector_store %arg7[%swap3A_180], %broadcast_in_dim3A_3 {strides = array<i32>} : memref<32768xi32, #tpu.memory_space<vmem>>, vector<16xi32>,
      %scan3A_182 = arith.constant 0 : i32
      %scan3A_183 = arith.constant 7 : i32
      %scan3A_184 = arith.addi %scan3A_134, %scan3A_183 : i32
      %mul3A_185 = arith.constant 16 : i32
      %mul3A_186 = arith.muli %scan3A_184, %mul3A_185 : i32
      %swap3A_187 = arith.index_cast %mul3A_186 : i32 to index
      %swap3A_188 = tpu.vector_load %arg7[%swap3A_187] {strides = array<i32>} : memref<32768xi32, #tpu.memory_space<vmem>>, vector<16xi32>,
      tpu.vector_store %arg7[%swap3A_187], %broadcast_in_dim3A_3 {strides = array<i32>} : memref<32768xi32, #tpu.memory_space<vmem>>, vector<16xi32>,
      %scan3A_189 = arith.constant 0 : i32
      scf.yield %scan3A_189 : i32
    }
    %scan3A_11 = arith.constant 2048 : i32
    %mul3A_12 = arith.constant 2048 : i32
    %mul3A_13 = vector.broadcast %mul3A_12 : i32 to vector<16xi32>
    %mul3A_14 = arith.muli %iota3A, %mul3A_13 : vector<16xi32>
    %parallel_loop3A = arith.constant 0 : i32
    %parallel_loop3A_15 = arith.constant 1954 : i32
    %parallel_loop3A_16 = arith.constant 1 : i32
    scf.for %parallel_loop3A_134 = %parallel_loop3A to %parallel_loop3A_15 step %parallel_loop3A_16  : i32 {
      %parallel_loop3A_135 = arith.constant 16 : i32
      %parallel_loop3A_136 = arith.muli %parallel_loop3A_134, %parallel_loop3A_135 : i32
      %parallel_loop3A_137 = arith.index_cast %parallel_loop3A_136 : i32 to index
      %parallel_loop3A_138 = tpu.vector_load %arg6[%parallel_loop3A_137] {strides = array<i32>} : memref<31264xf32, #tpu.memory_space<vmem>>, vector<16xf32>,
      %parallel_loop3A_139 = tpu.bitcast %parallel_loop3A_138 : vector<16xf32> -> vector<16xi32>
      %parallel_loop3A_140 = arith.constant 31 : i32
      %parallel_loop3A_141 = vector.broadcast %parallel_loop3A_140 : i32 to vector<16xi32>
      %parallel_loop3A_142 = arith.shrsi %parallel_loop3A_139, %parallel_loop3A_141 : vector<16xi32>
      %parallel_loop3A_143 = arith.constant 2147483647 : i32
      %parallel_loop3A_144 = vector.broadcast %parallel_loop3A_143 : i32 to vector<16xi32>
      %parallel_loop3A_145 = arith.andi %parallel_loop3A_142, %parallel_loop3A_144 : vector<16xi32>
      %parallel_loop3A_146 = arith.xori %parallel_loop3A_139, %parallel_loop3A_145 : vector<16xi32>
      %parallel_loop3A_147 = arith.constant 21 : i32
      %parallel_loop3A_148 = vector.broadcast %parallel_loop3A_147 : i32 to vector<16xi32>
      %parallel_loop3A_149 = arith.shrsi %parallel_loop3A_146, %parallel_loop3A_148 : vector<16xi32>
      %parallel_loop3A_150 = arith.constant 1024 : i32
      %parallel_loop3A_151 = vector.broadcast %parallel_loop3A_150 : i32 to vector<16xi32>
      %parallel_loop3A_152 = arith.addi %parallel_loop3A_149, %parallel_loop3A_151 : vector<16xi32>
      %parallel_loop3A_153 = arith.addi %parallel_loop3A_152, %mul3A_14 : vector<16xi32>
      tpu.vector_store_idx %arg7[%parallel_loop3A_153], %broadcast_in_dim3A_5 {add = true} : memref<32768xi32, #tpu.memory_space<vmem>>[vector<16xi32>], vector<16xi32>,
    } {sc.loop_unroll_factor = 8 : i64, sc.parallel_access}
    %scan3A_17 = arith.constant 0 : i32
    %scan3A_18 = arith.constant 0 : i32
    %scan3A_19 = arith.constant 128 : i32
    %scan3A_20 = arith.addi %scan3A_18, %scan3A_19 : i32
    %scan3A_21 = arith.constant 1 : i32
    %scan3A_22 = scf.for %scan3A_134 = %scan3A_18 to %scan3A_20 step %scan3A_21 iter_args(%scan3A_135 = %scan3A_17) -> (i32)  : i32 {
      %mul3A_136 = arith.constant 16 : i32
      %mul3A_137 = arith.muli %scan3A_134, %mul3A_136 : i32
      %add3A_138 = arith.constant 0 : i32
      %add3A_139 = arith.addi %add3A_138, %mul3A_137 : i32
      %get3A_140 = arith.index_cast %add3A_139 : i32 to index
      %get3A_141 = tpu.vector_load %arg7[%get3A_140] {strides = array<i32>} : memref<32768xi32, #tpu.memory_space<vmem>>, vector<16xi32>,
      %add3A_142 = arith.addi %broadcast_in_dim3A_3, %get3A_141 : vector<16xi32>
      %mul3A_143 = arith.constant 16 : i32
      %mul3A_144 = arith.muli %scan3A_134, %mul3A_143 : i32
      %add3A_145 = arith.constant 2048 : i32
      %add3A_146 = arith.addi %add3A_145, %mul3A_144 : i32
      %get3A_147 = arith.index_cast %add3A_146 : i32 to index
      %get3A_148 = tpu.vector_load %arg7[%get3A_147] {strides = array<i32>} : memref<32768xi32, #tpu.memory_space<vmem>>, vector<16xi32>,
      %add3A_149 = arith.addi %add3A_142, %get3A_148 : vector<16xi32>
      %mul3A_150 = arith.constant 16 : i32
      %mul3A_151 = arith.muli %scan3A_134, %mul3A_150 : i32
      %add3A_152 = arith.constant 4096 : i32
      %add3A_153 = arith.addi %add3A_152, %mul3A_151 : i32
      %get3A_154 = arith.index_cast %add3A_153 : i32 to index
      %get3A_155 = tpu.vector_load %arg7[%get3A_154] {strides = array<i32>} : memref<32768xi32, #tpu.memory_space<vmem>>, vector<16xi32>,
      %add3A_156 = arith.addi %add3A_149, %get3A_155 : vector<16xi32>
      %mul3A_157 = arith.constant 16 : i32
      %mul3A_158 = arith.muli %scan3A_134, %mul3A_157 : i32
      %add3A_159 = arith.constant 6144 : i32
      %add3A_160 = arith.addi %add3A_159, %mul3A_158 : i32
      %get3A_161 = arith.index_cast %add3A_160 : i32 to index
      %get3A_162 = tpu.vector_load %arg7[%get3A_161] {strides = array<i32>} : memref<32768xi32, #tpu.memory_space<vmem>>, vector<16xi32>,
      %add3A_163 = arith.addi %add3A_156, %get3A_162 : vector<16xi32>
      %mul3A_164 = arith.constant 16 : i32
      %mul3A_165 = arith.muli %scan3A_134, %mul3A_164 : i32
      %add3A_166 = arith.constant 8192 : i32
      %add3A_167 = arith.addi %add3A_166, %mul3A_165 : i32
      %get3A_168 = arith.index_cast %add3A_167 : i32 to index
      %get3A_169 = tpu.vector_load %arg7[%get3A_168] {strides = array<i32>} : memref<32768xi32, #tpu.memory_space<vmem>>, vector<16xi32>,
      %add3A_170 = arith.addi %add3A_163, %get3A_169 : vector<16xi32>
      %mul3A_171 = arith.constant 16 : i32
      %mul3A_172 = arith.muli %scan3A_134, %mul3A_171 : i32
      %add3A_173 = arith.constant 10240 : i32
      %add3A_174 = arith.addi %add3A_173, %mul3A_172 : i32
      %get3A_175 = arith.index_cast %add3A_174 : i32 to index
      %get3A_176 = tpu.vector_load %arg7[%get3A_175] {strides = array<i32>} : memref<32768xi32, #tpu.memory_space<vmem>>, vector<16xi32>,
      %add3A_177 = arith.addi %add3A_170, %get3A_176 : vector<16xi32>
      %mul3A_178 = arith.constant 16 : i32
      %mul3A_179 = arith.muli %scan3A_134, %mul3A_178 : i32
      %add3A_180 = arith.constant 12288 : i32
      %add3A_181 = arith.addi %add3A_180, %mul3A_179 : i32
      %get3A_182 = arith.index_cast %add3A_181 : i32 to index
      %get3A_183 = tpu.vector_load %arg7[%get3A_182] {strides = array<i32>} : memref<32768xi32, #tpu.memory_space<vmem>>, vector<16xi32>,
      %add3A_184 = arith.addi %add3A_177, %get3A_183 : vector<16xi32>
      %mul3A_185 = arith.constant 16 : i32
      %mul3A_186 = arith.muli %scan3A_134, %mul3A_185 : i32
      %add3A_187 = arith.constant 14336 : i32
      %add3A_188 = arith.addi %add3A_187, %mul3A_186 : i32
      %get3A_189 = arith.index_cast %add3A_188 : i32 to index
      %get3A_190 = tpu.vector_load %arg7[%get3A_189] {strides = array<i32>} : memref<32768xi32, #tpu.memory_space<vmem>>, vector<16xi32>,
      %add3A_191 = arith.addi %add3A_184, %get3A_190 : vector<16xi32>
      %mul3A_192 = arith.constant 16 : i32
      %mul3A_193 = arith.muli %scan3A_134, %mul3A_192 : i32
      %add3A_194 = arith.constant 16384 : i32
      %add3A_195 = arith.addi %add3A_194, %mul3A_193 : i32
      %get3A_196 = arith.index_cast %add3A_195 : i32 to index
      %get3A_197 = tpu.vector_load %arg7[%get3A_196] {strides = array<i32>} : memref<32768xi32, #tpu.memory_space<vmem>>, vector<16xi32>,
      %add3A_198 = arith.addi %add3A_191, %get3A_197 : vector<16xi32>
      %mul3A_199 = arith.constant 16 : i32
      %mul3A_200 = arith.muli %scan3A_134, %mul3A_199 : i32
      %add3A_201 = arith.constant 18432 : i32
      %add3A_202 = arith.addi %add3A_201, %mul3A_200 : i32
      %get3A_203 = arith.index_cast %add3A_202 : i32 to index
      %get3A_204 = tpu.vector_load %arg7[%get3A_203] {strides = array<i32>} : memref<32768xi32, #tpu.memory_space<vmem>>, vector<16xi32>,
      %add3A_205 = arith.addi %add3A_198, %get3A_204 : vector<16xi32>
      %mul3A_206 = arith.constant 16 : i32
      %mul3A_207 = arith.muli %scan3A_134, %mul3A_206 : i32
      %add3A_208 = arith.constant 20480 : i32
      %add3A_209 = arith.addi %add3A_208, %mul3A_207 : i32
      %get3A_210 = arith.index_cast %add3A_209 : i32 to index
      %get3A_211 = tpu.vector_load %arg7[%get3A_210] {strides = array<i32>} : memref<32768xi32, #tpu.memory_space<vmem>>, vector<16xi32>,
      %add3A_212 = arith.addi %add3A_205, %get3A_211 : vector<16xi32>
      %mul3A_213 = arith.constant 16 : i32
      %mul3A_214 = arith.muli %scan3A_134, %mul3A_213 : i32
      %add3A_215 = arith.constant 22528 : i32
      %add3A_216 = arith.addi %add3A_215, %mul3A_214 : i32
      %get3A_217 = arith.index_cast %add3A_216 : i32 to index
      %get3A_218 = tpu.vector_load %arg7[%get3A_217] {strides = array<i32>} : memref<32768xi32, #tpu.memory_space<vmem>>, vector<16xi32>,
      %add3A_219 = arith.addi %add3A_212, %get3A_218 : vector<16xi32>
      %mul3A_220 = arith.constant 16 : i32
      %mul3A_221 = arith.muli %scan3A_134, %mul3A_220 : i32
      %add3A_222 = arith.constant 24576 : i32
      %add3A_223 = arith.addi %add3A_222, %mul3A_221 : i32
      %get3A_224 = arith.index_cast %add3A_223 : i32 to index
      %get3A_225 = tpu.vector_load %arg7[%get3A_224] {strides = array<i32>} : memref<32768xi32, #tpu.memory_space<vmem>>, vector<16xi32>,
      %add3A_226 = arith.addi %add3A_219, %get3A_225 : vector<16xi32>
      %mul3A_227 = arith.constant 16 : i32
      %mul3A_228 = arith.muli %scan3A_134, %mul3A_227 : i32
      %add3A_229 = arith.constant 26624 : i32
      %add3A_230 = arith.addi %add3A_229, %mul3A_228 : i32
      %get3A_231 = arith.index_cast %add3A_230 : i32 to index
      %get3A_232 = tpu.vector_load %arg7[%get3A_231] {strides = array<i32>} : memref<32768xi32, #tpu.memory_space<vmem>>, vector<16xi32>,
      %add3A_233 = arith.addi %add3A_226, %get3A_232 : vector<16xi32>
      %mul3A_234 = arith.constant 16 : i32
      %mul3A_235 = arith.muli %scan3A_134, %mul3A_234 : i32
      %add3A_236 = arith.constant 28672 : i32
      %add3A_237 = arith.addi %add3A_236, %mul3A_235 : i32
      %get3A_238 = arith.index_cast %add3A_237 : i32 to index
      %get3A_239 = tpu.vector_load %arg7[%get3A_238] {strides = array<i32>} : memref<32768xi32, #tpu.memory_space<vmem>>, vector<16xi32>,
      %add3A_240 = arith.addi %add3A_233, %get3A_239 : vector<16xi32>
      %mul3A_241 = arith.constant 16 : i32
      %mul3A_242 = arith.muli %scan3A_134, %mul3A_241 : i32
      %add3A_243 = arith.constant 30720 : i32
      %add3A_244 = arith.addi %add3A_243, %mul3A_242 : i32
      %get3A_245 = arith.index_cast %add3A_244 : i32 to index
      %get3A_246 = tpu.vector_load %arg7[%get3A_245] {strides = array<i32>} : memref<32768xi32, #tpu.memory_space<vmem>>, vector<16xi32>,
      %add3A_247 = arith.addi %add3A_240, %get3A_246 : vector<16xi32>
      %mul3A_248 = arith.constant 16 : i32
      %mul3A_249 = arith.muli %scan3A_134, %mul3A_248 : i32
      %swap3A_250 = arith.index_cast %mul3A_249 : i32 to index
      %swap3A_251 = tpu.vector_load %arg8[%swap3A_250] {strides = array<i32>} : memref<2048xi32, #tpu.memory_space<vmem>>, vector<16xi32>,
      tpu.vector_store %arg8[%swap3A_250], %add3A_247 {strides = array<i32>} : memref<2048xi32, #tpu.memory_space<vmem>>, vector<16xi32>,
      %scan3A_252 = arith.constant 0 : i32
      scf.yield %scan3A_252 : i32
    }
    %scan3A_23 = arith.constant 128 : i32
    "tpu.region"() ({
      %run_scoped3A = tpu.sem_alloc : memref<!tpu.dma_semaphore, #tpu.memory_space<semaphore_mem>>
      %dma_start3A = arith.constant 0 : i32
      %dma_start3A_134 = tpu.memref_slice %arg13[%arg1, %dma_start3A] : memref<16x2048xi32, #tpu.memory_space<vmem_shared>> -> memref<1x2048xi32, #tpu.memory_space<vmem_shared>>
      %dma_start3A_135 = tpu.memref_squeeze %dma_start3A_134 : memref<1x2048xi32, #tpu.memory_space<vmem_shared>> -> memref<2048xi32, #tpu.memory_space<vmem_shared>>
      %dma_start3A_136 = arith.constant 0 : i32
      %dma_start3A_137 = tpu.memref_slice %arg13[%arg1, %dma_start3A_136] : memref<16x2048xi32, #tpu.memory_space<vmem_shared>> -> memref<1x2048xi32, #tpu.memory_space<vmem_shared>>
      %dma_start3A_138 = tpu.memref_squeeze %dma_start3A_137 : memref<1x2048xi32, #tpu.memory_space<vmem_shared>> -> memref<2048xi32, #tpu.memory_space<vmem_shared>>
      tpu.enqueue_dma source(%arg8 : memref<2048xi32, #tpu.memory_space<vmem>>) target(%dma_start3A_138 : memref<2048xi32, #tpu.memory_space<vmem_shared>>) target_semaphore(%run_scoped3A : memref<!tpu.dma_semaphore, #tpu.memory_space<semaphore_mem>>)
      %dma_wait3A = arith.constant 0 : i32
      %dma_wait3A_139 = tpu.memref_slice %arg13[%arg1, %dma_wait3A] : memref<16x2048xi32, #tpu.memory_space<vmem_shared>> -> memref<1x2048xi32, #tpu.memory_space<vmem_shared>>
      %dma_wait3A_140 = tpu.memref_squeeze %dma_wait3A_139 : memref<1x2048xi32, #tpu.memory_space<vmem_shared>> -> memref<2048xi32, #tpu.memory_space<vmem_shared>>
      %dma_wait3A_141 = arith.constant 0 : i32
      %dma_wait3A_142 = tpu.memref_slice %arg13[%arg1, %dma_wait3A_141] : memref<16x2048xi32, #tpu.memory_space<vmem_shared>> -> memref<1x2048xi32, #tpu.memory_space<vmem_shared>>
      %dma_wait3A_143 = tpu.memref_squeeze %dma_wait3A_142 : memref<1x2048xi32, #tpu.memory_space<vmem_shared>> -> memref<2048xi32, #tpu.memory_space<vmem_shared>>
      tpu.wait_dma2 semaphore(%run_scoped3A : memref<!tpu.dma_semaphore, #tpu.memory_space<semaphore_mem>>) src(%arg8 : memref<2048xi32, #tpu.memory_space<vmem>>) dst(%dma_wait3A_143 : memref<2048xi32, #tpu.memory_space<vmem_shared>>)
      tpu.yield
    }) : () -> ()
    %barrier3A = arith.constant 0 : index
    tpu.barrier barrier_id(%barrier3A)
    %eq3A = arith.constant 0 : i32
    %eq3A_24 = arith.cmpi eq, %arg1, %eq3A : i32
    %convert_element_type3A = arith.extui %eq3A_24 : i1 to i32
    %cond3A = arith.constant 0 : i32
    %cond3A_25 = arith.cmpi ne, %convert_element_type3A, %cond3A : i32
    scf.if %cond3A_25 {
      "tpu.region"() ({
        %run_scoped3A = tpu.sem_alloc : memref<!tpu.dma_semaphore, #tpu.memory_space<semaphore_mem>>
        tpu.enqueue_dma source(%arg13 : memref<16x2048xi32, #tpu.memory_space<vmem_shared>>) target(%arg9 : memref<16x2048xi32, #tpu.memory_space<vmem>>) target_semaphore(%run_scoped3A : memref<!tpu.dma_semaphore, #tpu.memory_space<semaphore_mem>>)
        tpu.wait_dma2 semaphore(%run_scoped3A : memref<!tpu.dma_semaphore, #tpu.memory_space<semaphore_mem>>) src(%arg13 : memref<16x2048xi32, #tpu.memory_space<vmem_shared>>) dst(%arg9 : memref<16x2048xi32, #tpu.memory_space<vmem>>)
        tpu.yield
      }) : () -> ()
      %scan3A_134 = arith.constant 0 : i32
      %scan3A_135 = arith.constant 0 : i32
      %scan3A_136 = arith.constant 128 : i32
      %scan3A_137 = arith.addi %scan3A_135, %scan3A_136 : i32
      %scan3A_138 = arith.constant 1 : i32
      %scan3A_139 = scf.for %scan3A_166 = %scan3A_135 to %scan3A_137 step %scan3A_138 iter_args(%scan3A_167 = %scan3A_134) -> (i32)  : i32 {
        %mul3A_168 = arith.constant 16 : i32
        %mul3A_169 = arith.muli %scan3A_166, %mul3A_168 : i32
        %get3A_170 = arith.constant 0 : i32
        %get3A_171 = arith.index_cast %get3A_170 : i32 to index
        %get3A_172 = arith.index_cast %mul3A_169 : i32 to index
        %get3A_173 = tpu.vector_load %arg9[%get3A_171, %get3A_172] {strides = array<i32>} : memref<16x2048xi32, #tpu.memory_space<vmem>>, vector<16xi32>,
        %add3A_174 = arith.addi %broadcast_in_dim3A_3, %get3A_173 : vector<16xi32>
        %mul3A_175 = arith.constant 16 : i32
        %mul3A_176 = arith.muli %scan3A_166, %mul3A_175 : i32
        %get3A_177 = arith.constant 1 : i32
        %get3A_178 = arith.index_cast %get3A_177 : i32 to index
        %get3A_179 = arith.index_cast %mul3A_176 : i32 to index
        %get3A_180 = tpu.vector_load %arg9[%get3A_178, %get3A_179] {strides = array<i32>} : memref<16x2048xi32, #tpu.memory_space<vmem>>, vector<16xi32>,
        %add3A_181 = arith.addi %add3A_174, %get3A_180 : vector<16xi32>
        %mul3A_182 = arith.constant 16 : i32
        %mul3A_183 = arith.muli %scan3A_166, %mul3A_182 : i32
        %get3A_184 = arith.constant 2 : i32
        %get3A_185 = arith.index_cast %get3A_184 : i32 to index
        %get3A_186 = arith.index_cast %mul3A_183 : i32 to index
        %get3A_187 = tpu.vector_load %arg9[%get3A_185, %get3A_186] {strides = array<i32>} : memref<16x2048xi32, #tpu.memory_space<vmem>>, vector<16xi32>,
        %add3A_188 = arith.addi %add3A_181, %get3A_187 : vector<16xi32>
        %mul3A_189 = arith.constant 16 : i32
        %mul3A_190 = arith.muli %scan3A_166, %mul3A_189 : i32
        %get3A_191 = arith.constant 3 : i32
        %get3A_192 = arith.index_cast %get3A_191 : i32 to index
        %get3A_193 = arith.index_cast %mul3A_190 : i32 to index
        %get3A_194 = tpu.vector_load %arg9[%get3A_192, %get3A_193] {strides = array<i32>} : memref<16x2048xi32, #tpu.memory_space<vmem>>, vector<16xi32>,
        %add3A_195 = arith.addi %add3A_188, %get3A_194 : vector<16xi32>
        %mul3A_196 = arith.constant 16 : i32
        %mul3A_197 = arith.muli %scan3A_166, %mul3A_196 : i32
        %get3A_198 = arith.constant 4 : i32
        %get3A_199 = arith.index_cast %get3A_198 : i32 to index
        %get3A_200 = arith.index_cast %mul3A_197 : i32 to index
        %get3A_201 = tpu.vector_load %arg9[%get3A_199, %get3A_200] {strides = array<i32>} : memref<16x2048xi32, #tpu.memory_space<vmem>>, vector<16xi32>,
        %add3A_202 = arith.addi %add3A_195, %get3A_201 : vector<16xi32>
        %mul3A_203 = arith.constant 16 : i32
        %mul3A_204 = arith.muli %scan3A_166, %mul3A_203 : i32
        %get3A_205 = arith.constant 5 : i32
        %get3A_206 = arith.index_cast %get3A_205 : i32 to index
        %get3A_207 = arith.index_cast %mul3A_204 : i32 to index
        %get3A_208 = tpu.vector_load %arg9[%get3A_206, %get3A_207] {strides = array<i32>} : memref<16x2048xi32, #tpu.memory_space<vmem>>, vector<16xi32>,
        %add3A_209 = arith.addi %add3A_202, %get3A_208 : vector<16xi32>
        %mul3A_210 = arith.constant 16 : i32
        %mul3A_211 = arith.muli %scan3A_166, %mul3A_210 : i32
        %get3A_212 = arith.constant 6 : i32
        %get3A_213 = arith.index_cast %get3A_212 : i32 to index
        %get3A_214 = arith.index_cast %mul3A_211 : i32 to index
        %get3A_215 = tpu.vector_load %arg9[%get3A_213, %get3A_214] {strides = array<i32>} : memref<16x2048xi32, #tpu.memory_space<vmem>>, vector<16xi32>,
        %add3A_216 = arith.addi %add3A_209, %get3A_215 : vector<16xi32>
        %mul3A_217 = arith.constant 16 : i32
        %mul3A_218 = arith.muli %scan3A_166, %mul3A_217 : i32
        %get3A_219 = arith.constant 7 : i32
        %get3A_220 = arith.index_cast %get3A_219 : i32 to index
        %get3A_221 = arith.index_cast %mul3A_218 : i32 to index
        %get3A_222 = tpu.vector_load %arg9[%get3A_220, %get3A_221] {strides = array<i32>} : memref<16x2048xi32, #tpu.memory_space<vmem>>, vector<16xi32>,
        %add3A_223 = arith.addi %add3A_216, %get3A_222 : vector<16xi32>
        %mul3A_224 = arith.constant 16 : i32
        %mul3A_225 = arith.muli %scan3A_166, %mul3A_224 : i32
        %get3A_226 = arith.constant 8 : i32
        %get3A_227 = arith.index_cast %get3A_226 : i32 to index
        %get3A_228 = arith.index_cast %mul3A_225 : i32 to index
        %get3A_229 = tpu.vector_load %arg9[%get3A_227, %get3A_228] {strides = array<i32>} : memref<16x2048xi32, #tpu.memory_space<vmem>>, vector<16xi32>,
        %add3A_230 = arith.addi %add3A_223, %get3A_229 : vector<16xi32>
        %mul3A_231 = arith.constant 16 : i32
        %mul3A_232 = arith.muli %scan3A_166, %mul3A_231 : i32
        %get3A_233 = arith.constant 9 : i32
        %get3A_234 = arith.index_cast %get3A_233 : i32 to index
        %get3A_235 = arith.index_cast %mul3A_232 : i32 to index
        %get3A_236 = tpu.vector_load %arg9[%get3A_234, %get3A_235] {strides = array<i32>} : memref<16x2048xi32, #tpu.memory_space<vmem>>, vector<16xi32>,
        %add3A_237 = arith.addi %add3A_230, %get3A_236 : vector<16xi32>
        %mul3A_238 = arith.constant 16 : i32
        %mul3A_239 = arith.muli %scan3A_166, %mul3A_238 : i32
        %get3A_240 = arith.constant 10 : i32
        %get3A_241 = arith.index_cast %get3A_240 : i32 to index
        %get3A_242 = arith.index_cast %mul3A_239 : i32 to index
        %get3A_243 = tpu.vector_load %arg9[%get3A_241, %get3A_242] {strides = array<i32>} : memref<16x2048xi32, #tpu.memory_space<vmem>>, vector<16xi32>,
        %add3A_244 = arith.addi %add3A_237, %get3A_243 : vector<16xi32>
        %mul3A_245 = arith.constant 16 : i32
        %mul3A_246 = arith.muli %scan3A_166, %mul3A_245 : i32
        %get3A_247 = arith.constant 11 : i32
        %get3A_248 = arith.index_cast %get3A_247 : i32 to index
        %get3A_249 = arith.index_cast %mul3A_246 : i32 to index
        %get3A_250 = tpu.vector_load %arg9[%get3A_248, %get3A_249] {strides = array<i32>} : memref<16x2048xi32, #tpu.memory_space<vmem>>, vector<16xi32>,
        %add3A_251 = arith.addi %add3A_244, %get3A_250 : vector<16xi32>
        %mul3A_252 = arith.constant 16 : i32
        %mul3A_253 = arith.muli %scan3A_166, %mul3A_252 : i32
        %get3A_254 = arith.constant 12 : i32
        %get3A_255 = arith.index_cast %get3A_254 : i32 to index
        %get3A_256 = arith.index_cast %mul3A_253 : i32 to index
        %get3A_257 = tpu.vector_load %arg9[%get3A_255, %get3A_256] {strides = array<i32>} : memref<16x2048xi32, #tpu.memory_space<vmem>>, vector<16xi32>,
        %add3A_258 = arith.addi %add3A_251, %get3A_257 : vector<16xi32>
        %mul3A_259 = arith.constant 16 : i32
        %mul3A_260 = arith.muli %scan3A_166, %mul3A_259 : i32
        %get3A_261 = arith.constant 13 : i32
        %get3A_262 = arith.index_cast %get3A_261 : i32 to index
        %get3A_263 = arith.index_cast %mul3A_260 : i32 to index
        %get3A_264 = tpu.vector_load %arg9[%get3A_262, %get3A_263] {strides = array<i32>} : memref<16x2048xi32, #tpu.memory_space<vmem>>, vector<16xi32>,
        %add3A_265 = arith.addi %add3A_258, %get3A_264 : vector<16xi32>
        %mul3A_266 = arith.constant 16 : i32
        %mul3A_267 = arith.muli %scan3A_166, %mul3A_266 : i32
        %get3A_268 = arith.constant 14 : i32
        %get3A_269 = arith.index_cast %get3A_268 : i32 to index
        %get3A_270 = arith.index_cast %mul3A_267 : i32 to index
        %get3A_271 = tpu.vector_load %arg9[%get3A_269, %get3A_270] {strides = array<i32>} : memref<16x2048xi32, #tpu.memory_space<vmem>>, vector<16xi32>,
        %add3A_272 = arith.addi %add3A_265, %get3A_271 : vector<16xi32>
        %mul3A_273 = arith.constant 16 : i32
        %mul3A_274 = arith.muli %scan3A_166, %mul3A_273 : i32
        %get3A_275 = arith.constant 15 : i32
        %get3A_276 = arith.index_cast %get3A_275 : i32 to index
        %get3A_277 = arith.index_cast %mul3A_274 : i32 to index
        %get3A_278 = tpu.vector_load %arg9[%get3A_276, %get3A_277] {strides = array<i32>} : memref<16x2048xi32, #tpu.memory_space<vmem>>, vector<16xi32>,
        %add3A_279 = arith.addi %add3A_272, %get3A_278 : vector<16xi32>
        %mul3A_280 = arith.constant 16 : i32
        %mul3A_281 = arith.muli %scan3A_166, %mul3A_280 : i32
        %swap3A_282 = arith.index_cast %mul3A_281 : i32 to index
        %swap3A_283 = tpu.vector_load %arg8[%swap3A_282] {strides = array<i32>} : memref<2048xi32, #tpu.memory_space<vmem>>, vector<16xi32>,
        tpu.vector_store %arg8[%swap3A_282], %add3A_279 {strides = array<i32>} : memref<2048xi32, #tpu.memory_space<vmem>>, vector<16xi32>,
        %scan3A_284 = arith.constant 0 : i32
        scf.yield %scan3A_284 : i32
      }
      %scan3A_140 = arith.constant 128 : i32
      "tpu.region"() ({
        %run_scoped3A = tpu.sem_alloc : memref<!tpu.dma_semaphore, #tpu.memory_space<semaphore_mem>>
        %dma_start3A = arith.constant 0 : i32
        %dma_start3A_166 = tpu.memref_slice %arg5[%arg0, %dma_start3A] : memref<2x2048xi32, #tpu.memory_space<hbm>> -> memref<1x2048xi32, #tpu.memory_space<hbm>>
        %dma_start3A_167 = tpu.memref_squeeze %dma_start3A_166 : memref<1x2048xi32, #tpu.memory_space<hbm>> -> memref<2048xi32, #tpu.memory_space<hbm>>
        %dma_start3A_168 = arith.constant 0 : i32
        %dma_start3A_169 = tpu.memref_slice %arg5[%arg0, %dma_start3A_168] : memref<2x2048xi32, #tpu.memory_space<hbm>> -> memref<1x2048xi32, #tpu.memory_space<hbm>>
        %dma_start3A_170 = tpu.memref_squeeze %dma_start3A_169 : memref<1x2048xi32, #tpu.memory_space<hbm>> -> memref<2048xi32, #tpu.memory_space<hbm>>
        tpu.enqueue_dma source(%arg8 : memref<2048xi32, #tpu.memory_space<vmem>>) target(%dma_start3A_170 : memref<2048xi32, #tpu.memory_space<hbm>>) target_semaphore(%run_scoped3A : memref<!tpu.dma_semaphore, #tpu.memory_space<semaphore_mem>>)
        %dma_wait3A = arith.constant 0 : i32
        %dma_wait3A_171 = tpu.memref_slice %arg5[%arg0, %dma_wait3A] : memref<2x2048xi32, #tpu.memory_space<hbm>> -> memref<1x2048xi32, #tpu.memory_space<hbm>>
        %dma_wait3A_172 = tpu.memref_squeeze %dma_wait3A_171 : memref<1x2048xi32, #tpu.memory_space<hbm>> -> memref<2048xi32, #tpu.memory_space<hbm>>
        %dma_wait3A_173 = arith.constant 0 : i32
        %dma_wait3A_174 = tpu.memref_slice %arg5[%arg0, %dma_wait3A_173] : memref<2x2048xi32, #tpu.memory_space<hbm>> -> memref<1x2048xi32, #tpu.memory_space<hbm>>
        %dma_wait3A_175 = tpu.memref_squeeze %dma_wait3A_174 : memref<1x2048xi32, #tpu.memory_space<hbm>> -> memref<2048xi32, #tpu.memory_space<hbm>>
        tpu.wait_dma2 semaphore(%run_scoped3A : memref<!tpu.dma_semaphore, #tpu.memory_space<semaphore_mem>>) src(%arg8 : memref<2048xi32, #tpu.memory_space<vmem>>) dst(%dma_wait3A_175 : memref<2048xi32, #tpu.memory_space<hbm>>)
        tpu.yield
      }) : () -> ()
      %broadcast_in_dim3A_141 = arith.constant -1 : i32
      %broadcast_in_dim3A_142 = vector.broadcast %broadcast_in_dim3A_141 : i32 to vector<16xi32>
      %scan3A_143 = arith.constant 0 : i32
      %scan3A_144 = arith.constant 0 : i32
      %scan3A_145 = arith.constant 128 : i32
      %scan3A_146 = arith.addi %scan3A_144, %scan3A_145 : i32
      %scan3A_147 = arith.constant 1 : i32
      %scan3A_148:2 = scf.for %scan3A_166 = %scan3A_144 to %scan3A_146 step %scan3A_147 iter_args(%scan3A_167 = %scan3A_143, %scan3A_168 = %broadcast_in_dim3A_142) -> (i32, vector<16xi32>)  : i32 {
        %sub3A_169 = arith.constant 127 : i32
        %sub3A_170 = arith.subi %sub3A_169, %scan3A_166 : i32
        %mul3A_171 = arith.constant 16 : i32
        %mul3A_172 = arith.muli %sub3A_170, %mul3A_171 : i32
        %get3A_173 = arith.index_cast %mul3A_172 : i32 to index
        %get3A_174 = tpu.vector_load %arg8[%get3A_173] {strides = array<i32>} : memref<2048xi32, #tpu.memory_space<vmem>>, vector<16xi32>,
        %broadcast_in_dim3A_175 = arith.constant true
        %broadcast_in_dim3A_176 = vector.broadcast %broadcast_in_dim3A_175 : i1 to vector<16xi1>
        %masked_cumsum3A = tpu.scan <sum>, %get3A_174 masked %broadcast_in_dim3A_176 : vector<16xi32>, vector<16xi1> -> vector<16xi32>
        %slice3A_177 = vector.extract_strided_slice %masked_cumsum3A {offsets = [15], sizes = [1], strides = [1]} : vector<16xi32> to vector<1xi32>
        %squeeze3A_178 = vector.extract %slice3A_177[0] : i32 from vector<1xi32>
        %sub3A_179 = vector.broadcast %squeeze3A_178 : i32 to vector<16xi32>
        %sub3A_180 = arith.subi %sub3A_179, %masked_cumsum3A : vector<16xi32>
        %add3A_181 = arith.addi %sub3A_180, %get3A_174 : vector<16xi32>
        %add3A_182 = vector.broadcast %scan3A_167 : i32 to vector<16xi32>
        %add3A_183 = arith.addi %add3A_182, %add3A_181 : vector<16xi32>
        %mul3A_184 = arith.constant 16 : i32
        %mul3A_185 = arith.muli %sub3A_170, %mul3A_184 : i32
        %add3A_186 = vector.broadcast %mul3A_185 : i32 to vector<16xi32>
        %add3A_187 = arith.addi %iota3A, %add3A_186 : vector<16xi32>
        %ge3A_188 = arith.constant 512 : i32
        %ge3A_189 = vector.broadcast %ge3A_188 : i32 to vector<16xi32>
        %ge3A_190 = arith.cmpi sge, %add3A_183, %ge3A_189 : vector<16xi32>
        %jit3A = arith.constant -1 : i32
        %broadcast_in_dim3A_191 = vector.broadcast %jit3A : i32 to vector<16xi32>
        %select_n3A = arith.select %ge3A_190, %add3A_187, %broadcast_in_dim3A_191 : vector<16xi1>, vector<16xi32>
        %add3A_192 = arith.addi %scan3A_167, %squeeze3A_178 : i32
        %max3A = arith.maxsi %scan3A_168, %select_n3A : vector<16xi32>
        scf.yield %add3A_192, %max3A : i32, vector<16xi32>
      }
      %scan3A_149 = arith.constant 128 : i32
      %reduce_max3A_150 = arith.constant true
      %reduce_max3A_151 = vector.broadcast %reduce_max3A_150 : i1 to vector<16xi1>
      %reduce_max3A_152 = arith.constant -2147483648 : i32
      %reduce_max3A_153 = vector.broadcast %reduce_max3A_152 : i32 to vector<16xi32>
      %reduce_max3A_154 = arith.xori %scan3A_148#1, %reduce_max3A_153 : vector<16xi32>
      %reduce_max3A_155 = tpu.scan <max>, %reduce_max3A_154 masked %reduce_max3A_151 : vector<16xi32>, vector<16xi1> -> vector<16xi32>
      %reduce_max3A_156 = arith.xori %reduce_max3A_155, %reduce_max3A_153 : vector<16xi32>
      %reduce_max3A_157 = vector.extract %reduce_max3A_156[15] : i32 from vector<16xi32>
      %sub3A = arith.constant 1024 : i32
      %sub3A_158 = arith.subi %reduce_max3A_157, %sub3A : i32
      %shift_left3A = arith.constant 21 : i32
      %shift_left3A_159 = arith.shli %sub3A_158, %shift_left3A : i32
      %broadcast_in_dim3A_160 = arith.constant 1 : i32
      %broadcast_in_dim3A_161 = vector.broadcast %broadcast_in_dim3A_160 : i32 to vector<16xi32>
      %mul3A_162 = vector.broadcast %shift_left3A_159 : i32 to vector<16xi32>
      %mul3A_163 = arith.muli %broadcast_in_dim3A_161, %mul3A_162 : vector<16xi32>
      %swap3A_164 = arith.constant 0 : index
      %swap3A_165 = tpu.vector_load %arg12[%swap3A_164] {strides = array<i32>} : memref<16xi32, #tpu.memory_space<vmem>>, vector<16xi32>,
      tpu.vector_store %arg12[%swap3A_164], %mul3A_163 {strides = array<i32>} : memref<16xi32, #tpu.memory_space<vmem>>, vector<16xi32>,
      "tpu.region"() ({
        %run_scoped3A = tpu.sem_alloc : memref<!tpu.dma_semaphore, #tpu.memory_space<semaphore_mem>>
        tpu.enqueue_dma source(%arg12 : memref<16xi32, #tpu.memory_space<vmem>>) target(%arg14 : memref<16xi32, #tpu.memory_space<vmem_shared>>) target_semaphore(%run_scoped3A : memref<!tpu.dma_semaphore, #tpu.memory_space<semaphore_mem>>)
        tpu.wait_dma2 semaphore(%run_scoped3A : memref<!tpu.dma_semaphore, #tpu.memory_space<semaphore_mem>>) src(%arg12 : memref<16xi32, #tpu.memory_space<vmem>>) dst(%arg14 : memref<16xi32, #tpu.memory_space<vmem_shared>>)
        tpu.yield
      }) : () -> ()
    } else {
    }
    %barrier3A_26 = arith.constant 0 : index
    tpu.barrier barrier_id(%barrier3A_26)
    "tpu.region"() ({
      %run_scoped3A = tpu.sem_alloc : memref<!tpu.dma_semaphore, #tpu.memory_space<semaphore_mem>>
      tpu.enqueue_dma source(%arg14 : memref<16xi32, #tpu.memory_space<vmem_shared>>) target(%arg12 : memref<16xi32, #tpu.memory_space<vmem>>) target_semaphore(%run_scoped3A : memref<!tpu.dma_semaphore, #tpu.memory_space<semaphore_mem>>)
      tpu.wait_dma2 semaphore(%run_scoped3A : memref<!tpu.dma_semaphore, #tpu.memory_space<semaphore_mem>>) src(%arg14 : memref<16xi32, #tpu.memory_space<vmem_shared>>) dst(%arg12 : memref<16xi32, #tpu.memory_space<vmem>>)
      tpu.yield
    }) : () -> ()
    %get3A = arith.constant 0 : index
    %get3A_27 = tpu.vector_load %arg12[%get3A] {strides = array<i32>} : memref<16xi32, #tpu.memory_space<vmem>>, vector<16xi32>,
    %reduce_max3A = arith.constant true
    %reduce_max3A_28 = vector.broadcast %reduce_max3A : i1 to vector<16xi1>
    %reduce_max3A_29 = arith.constant -2147483648 : i32
    %reduce_max3A_30 = vector.broadcast %reduce_max3A_29 : i32 to vector<16xi32>
    %reduce_max3A_31 = arith.xori %get3A_27, %reduce_max3A_30 : vector<16xi32>
    %reduce_max3A_32 = tpu.scan <max>, %reduce_max3A_31 masked %reduce_max3A_28 : vector<16xi32>, vector<16xi1> -> vector<16xi32>
    %reduce_max3A_33 = arith.xori %reduce_max3A_32, %reduce_max3A_30 : vector<16xi32>
    %reduce_max3A_34 = vector.extract %reduce_max3A_33[15] : i32 from vector<16xi32>
    %broadcast_in_dim3A_35 = arith.constant -2147483648 : i32
    %broadcast_in_dim3A_36 = vector.broadcast %broadcast_in_dim3A_35 : i32 to vector<16xi32>
    %broadcast_in_dim3A_37 = arith.constant 1000448 : i32
    %broadcast_in_dim3A_38 = vector.broadcast %broadcast_in_dim3A_37 : i32 to vector<16xi32>
    %swap3A = arith.constant 0 : index
    %swap3A_39 = tpu.vector_load %arg10[%swap3A] {strides = array<i32>} : memref<128xi32, #tpu.memory_space<vmem>>, vector<16xi32>,
    tpu.vector_store %arg10[%swap3A], %broadcast_in_dim3A_36 {strides = array<i32>} : memref<128xi32, #tpu.memory_space<vmem>>, vector<16xi32>,
    %swap3A_40 = arith.constant 0 : index
    %swap3A_41 = tpu.vector_load %arg11[%swap3A_40] {strides = array<i32>} : memref<128xi32, #tpu.memory_space<vmem>>, vector<16xi32>,
    tpu.vector_store %arg11[%swap3A_40], %broadcast_in_dim3A_38 {strides = array<i32>} : memref<128xi32, #tpu.memory_space<vmem>>, vector<16xi32>,
    %swap3A_42 = arith.constant 16 : index
    %swap3A_43 = tpu.vector_load %arg10[%swap3A_42] {strides = array<i32>} : memref<128xi32, #tpu.memory_space<vmem>>, vector<16xi32>,
    tpu.vector_store %arg10[%swap3A_42], %broadcast_in_dim3A_36 {strides = array<i32>} : memref<128xi32, #tpu.memory_space<vmem>>, vector<16xi32>,
    %swap3A_44 = arith.constant 16 : index
    %swap3A_45 = tpu.vector_load %arg11[%swap3A_44] {strides = array<i32>} : memref<128xi32, #tpu.memory_space<vmem>>, vector<16xi32>,
    tpu.vector_store %arg11[%swap3A_44], %broadcast_in_dim3A_38 {strides = array<i32>} : memref<128xi32, #tpu.memory_space<vmem>>, vector<16xi32>,
    %swap3A_46 = arith.constant 32 : index
    %swap3A_47 = tpu.vector_load %arg10[%swap3A_46] {strides = array<i32>} : memref<128xi32, #tpu.memory_space<vmem>>, vector<16xi32>,
    tpu.vector_store %arg10[%swap3A_46], %broadcast_in_dim3A_36 {strides = array<i32>} : memref<128xi32, #tpu.memory_space<vmem>>, vector<16xi32>,
    %swap3A_48 = arith.constant 32 : index
    %swap3A_49 = tpu.vector_load %arg11[%swap3A_48] {strides = array<i32>} : memref<128xi32, #tpu.memory_space<vmem>>, vector<16xi32>,
    tpu.vector_store %arg11[%swap3A_48], %broadcast_in_dim3A_38 {strides = array<i32>} : memref<128xi32, #tpu.memory_space<vmem>>, vector<16xi32>,
    %swap3A_50 = arith.constant 48 : index
    %swap3A_51 = tpu.vector_load %arg10[%swap3A_50] {strides = array<i32>} : memref<128xi32, #tpu.memory_space<vmem>>, vector<16xi32>,
    tpu.vector_store %arg10[%swap3A_50], %broadcast_in_dim3A_36 {strides = array<i32>} : memref<128xi32, #tpu.memory_space<vmem>>, vector<16xi32>,
    %swap3A_52 = arith.constant 48 : index
    %swap3A_53 = tpu.vector_load %arg11[%swap3A_52] {strides = array<i32>} : memref<128xi32, #tpu.memory_space<vmem>>, vector<16xi32>,
    tpu.vector_store %arg11[%swap3A_52], %broadcast_in_dim3A_38 {strides = array<i32>} : memref<128xi32, #tpu.memory_space<vmem>>, vector<16xi32>,
    %swap3A_54 = arith.constant 64 : index
    %swap3A_55 = tpu.vector_load %arg10[%swap3A_54] {strides = array<i32>} : memref<128xi32, #tpu.memory_space<vmem>>, vector<16xi32>,
    tpu.vector_store %arg10[%swap3A_54], %broadcast_in_dim3A_36 {strides = array<i32>} : memref<128xi32, #tpu.memory_space<vmem>>, vector<16xi32>,
    %swap3A_56 = arith.constant 64 : index
    %swap3A_57 = tpu.vector_load %arg11[%swap3A_56] {strides = array<i32>} : memref<128xi32, #tpu.memory_space<vmem>>, vector<16xi32>,
    tpu.vector_store %arg11[%swap3A_56], %broadcast_in_dim3A_38 {strides = array<i32>} : memref<128xi32, #tpu.memory_space<vmem>>, vector<16xi32>,
    %swap3A_58 = arith.constant 80 : index
    %swap3A_59 = tpu.vector_load %arg10[%swap3A_58] {strides = array<i32>} : memref<128xi32, #tpu.memory_space<vmem>>, vector<16xi32>,
    tpu.vector_store %arg10[%swap3A_58], %broadcast_in_dim3A_36 {strides = array<i32>} : memref<128xi32, #tpu.memory_space<vmem>>, vector<16xi32>,
    %swap3A_60 = arith.constant 80 : index
    %swap3A_61 = tpu.vector_load %arg11[%swap3A_60] {strides = array<i32>} : memref<128xi32, #tpu.memory_space<vmem>>, vector<16xi32>,
    tpu.vector_store %arg11[%swap3A_60], %broadcast_in_dim3A_38 {strides = array<i32>} : memref<128xi32, #tpu.memory_space<vmem>>, vector<16xi32>,
    %swap3A_62 = arith.constant 96 : index
    %swap3A_63 = tpu.vector_load %arg10[%swap3A_62] {strides = array<i32>} : memref<128xi32, #tpu.memory_space<vmem>>, vector<16xi32>,
    tpu.vector_store %arg10[%swap3A_62], %broadcast_in_dim3A_36 {strides = array<i32>} : memref<128xi32, #tpu.memory_space<vmem>>, vector<16xi32>,
    %swap3A_64 = arith.constant 96 : index
    %swap3A_65 = tpu.vector_load %arg11[%swap3A_64] {strides = array<i32>} : memref<128xi32, #tpu.memory_space<vmem>>, vector<16xi32>,
    tpu.vector_store %arg11[%swap3A_64], %broadcast_in_dim3A_38 {strides = array<i32>} : memref<128xi32, #tpu.memory_space<vmem>>, vector<16xi32>,
    %swap3A_66 = arith.constant 112 : index
    %swap3A_67 = tpu.vector_load %arg10[%swap3A_66] {strides = array<i32>} : memref<128xi32, #tpu.memory_space<vmem>>, vector<16xi32>,
    tpu.vector_store %arg10[%swap3A_66], %broadcast_in_dim3A_36 {strides = array<i32>} : memref<128xi32, #tpu.memory_space<vmem>>, vector<16xi32>,
    %swap3A_68 = arith.constant 112 : index
    %swap3A_69 = tpu.vector_load %arg11[%swap3A_68] {strides = array<i32>} : memref<128xi32, #tpu.memory_space<vmem>>, vector<16xi32>,
    tpu.vector_store %arg11[%swap3A_68], %broadcast_in_dim3A_38 {strides = array<i32>} : memref<128xi32, #tpu.memory_space<vmem>>, vector<16xi32>,
    %scan3A_70 = arith.constant 0 : i32
    %scan3A_71 = arith.constant 0 : i32
    %scan3A_72 = arith.constant 1952 : i32
    %scan3A_73 = arith.addi %scan3A_71, %scan3A_72 : i32
    %scan3A_74 = arith.constant 8 : i32
    %scan3A_75 = scf.for %scan3A_134 = %scan3A_71 to %scan3A_73 step %scan3A_74 iter_args(%scan3A_135 = %scan3A_70) -> (i32)  : i32 {
      %mul3A_136 = arith.constant 16 : i32
      %mul3A_137 = arith.muli %scan3A_134, %mul3A_136 : i32
      %get3A_138 = arith.index_cast %mul3A_137 : i32 to index
      %get3A_139 = tpu.vector_load %arg6[%get3A_138] {strides = array<i32>} : memref<31264xf32, #tpu.memory_space<vmem>>, vector<16xf32>,
      %bitcast_convert_type3A_140 = tpu.bitcast %get3A_139 : vector<16xf32> -> vector<16xi32>
      %shift_right_arithmetic3A_141 = arith.constant 31 : i32
      %shift_right_arithmetic3A_142 = vector.broadcast %shift_right_arithmetic3A_141 : i32 to vector<16xi32>
      %shift_right_arithmetic3A_143 = arith.shrsi %bitcast_convert_type3A_140, %shift_right_arithmetic3A_142 : vector<16xi32>
      %and3A_144 = arith.constant 2147483647 : i32
      %and3A_145 = vector.broadcast %and3A_144 : i32 to vector<16xi32>
      %and3A_146 = arith.andi %shift_right_arithmetic3A_143, %and3A_145 : vector<16xi32>
      %xor3A_147 = arith.xori %bitcast_convert_type3A_140, %and3A_146 : vector<16xi32>
      %ge3A_148 = vector.broadcast %reduce_max3A_34 : i32 to vector<16xi32>
      %ge3A_149 = arith.cmpi sge, %xor3A_147, %ge3A_148 : vector<16xi32>
      %mul3A_150 = arith.constant 16 : i32
      %mul3A_151 = arith.muli %scan3A_134, %mul3A_150 : i32
      %add3A_152 = arith.addi %mul3A_2, %mul3A_151 : i32
      %add3A_153 = vector.broadcast %add3A_152 : i32 to vector<16xi32>
      %add3A_154 = arith.addi %add3A_153, %iota3A : vector<16xi32>
      %min3A_155 = arith.constant 112 : i32
      %min3A_156 = arith.minsi %scan3A_135, %min3A_155 : i32
      %swap3A_157 = arith.index_cast %min3A_156 : i32 to index
      %swap3A_158 = tpu.vector_load %arg10[%swap3A_157] masked %ge3A_149 {strides = array<i32>} : memref<128xi32, #tpu.memory_space<vmem>>, vector<16xi32>, vector<16xi1>
      tpu.vector_store %arg10[%swap3A_157], %xor3A_147 masked %ge3A_149 {strides = array<i32>} : memref<128xi32, #tpu.memory_space<vmem>>, vector<16xi32>, vector<16xi1>
      %swap3A_159 = arith.index_cast %min3A_156 : i32 to index
      %swap3A_160 = tpu.vector_load %arg11[%swap3A_159] masked %ge3A_149 {strides = array<i32>} : memref<128xi32, #tpu.memory_space<vmem>>, vector<16xi32>, vector<16xi1>
      tpu.vector_store %arg11[%swap3A_159], %add3A_154 masked %ge3A_149 {strides = array<i32>} : memref<128xi32, #tpu.memory_space<vmem>>, vector<16xi32>, vector<16xi1>
      %all_reduce_population_count3A_161 = tpu.all_reduce %ge3A_149 {dim = 0 : i64, kind = #tpu.reduction_kind<sum>} : vector<16xi1> -> vector<16xi32>
      %slice3A_162 = vector.extract_strided_slice %all_reduce_population_count3A_161 {offsets = [0], sizes = [1], strides = [1]} : vector<16xi32> to vector<1xi32>
      %squeeze3A_163 = vector.extract %slice3A_162[0] : i32 from vector<1xi32>
      %add3A_164 = arith.addi %scan3A_135, %squeeze3A_163 : i32
      %scan3A_165 = arith.constant 1 : i32
      %scan3A_166 = arith.addi %scan3A_134, %scan3A_165 : i32
      %mul3A_167 = arith.constant 16 : i32
      %mul3A_168 = arith.muli %scan3A_166, %mul3A_167 : i32
      %get3A_169 = arith.index_cast %mul3A_168 : i32 to index
      %get3A_170 = tpu.vector_load %arg6[%get3A_169] {strides = array<i32>} : memref<31264xf32, #tpu.memory_space<vmem>>, vector<16xf32>,
      %bitcast_convert_type3A_171 = tpu.bitcast %get3A_170 : vector<16xf32> -> vector<16xi32>
      %shift_right_arithmetic3A_172 = arith.constant 31 : i32
      %shift_right_arithmetic3A_173 = vector.broadcast %shift_right_arithmetic3A_172 : i32 to vector<16xi32>
      %shift_right_arithmetic3A_174 = arith.shrsi %bitcast_convert_type3A_171, %shift_right_arithmetic3A_173 : vector<16xi32>
      %and3A_175 = arith.constant 2147483647 : i32
      %and3A_176 = vector.broadcast %and3A_175 : i32 to vector<16xi32>
      %and3A_177 = arith.andi %shift_right_arithmetic3A_174, %and3A_176 : vector<16xi32>
      %xor3A_178 = arith.xori %bitcast_convert_type3A_171, %and3A_177 : vector<16xi32>
      %ge3A_179 = vector.broadcast %reduce_max3A_34 : i32 to vector<16xi32>
      %ge3A_180 = arith.cmpi sge, %xor3A_178, %ge3A_179 : vector<16xi32>
      %mul3A_181 = arith.constant 16 : i32
      %mul3A_182 = arith.muli %scan3A_166, %mul3A_181 : i32
      %add3A_183 = arith.addi %mul3A_2, %mul3A_182 : i32
      %add3A_184 = vector.broadcast %add3A_183 : i32 to vector<16xi32>
      %add3A_185 = arith.addi %add3A_184, %iota3A : vector<16xi32>
      %min3A_186 = arith.constant 112 : i32
      %min3A_187 = arith.minsi %add3A_164, %min3A_186 : i32
      %swap3A_188 = arith.index_cast %min3A_187 : i32 to index
      %swap3A_189 = tpu.vector_load %arg10[%swap3A_188] masked %ge3A_180 {strides = array<i32>} : memref<128xi32, #tpu.memory_space<vmem>>, vector<16xi32>, vector<16xi1>
      tpu.vector_store %arg10[%swap3A_188], %xor3A_178 masked %ge3A_180 {strides = array<i32>} : memref<128xi32, #tpu.memory_space<vmem>>, vector<16xi32>, vector<16xi1>
      %swap3A_190 = arith.index_cast %min3A_187 : i32 to index
      %swap3A_191 = tpu.vector_load %arg11[%swap3A_190] masked %ge3A_180 {strides = array<i32>} : memref<128xi32, #tpu.memory_space<vmem>>, vector<16xi32>, vector<16xi1>
      tpu.vector_store %arg11[%swap3A_190], %add3A_185 masked %ge3A_180 {strides = array<i32>} : memref<128xi32, #tpu.memory_space<vmem>>, vector<16xi32>, vector<16xi1>
      %all_reduce_population_count3A_192 = tpu.all_reduce %ge3A_180 {dim = 0 : i64, kind = #tpu.reduction_kind<sum>} : vector<16xi1> -> vector<16xi32>
      %slice3A_193 = vector.extract_strided_slice %all_reduce_population_count3A_192 {offsets = [0], sizes = [1], strides = [1]} : vector<16xi32> to vector<1xi32>
      %squeeze3A_194 = vector.extract %slice3A_193[0] : i32 from vector<1xi32>
      %add3A_195 = arith.addi %add3A_164, %squeeze3A_194 : i32
      %scan3A_196 = arith.constant 2 : i32
      %scan3A_197 = arith.addi %scan3A_134, %scan3A_196 : i32
      %mul3A_198 = arith.constant 16 : i32
      %mul3A_199 = arith.muli %scan3A_197, %mul3A_198 : i32
      %get3A_200 = arith.index_cast %mul3A_199 : i32 to index
      %get3A_201 = tpu.vector_load %arg6[%get3A_200] {strides = array<i32>} : memref<31264xf32, #tpu.memory_space<vmem>>, vector<16xf32>,
      %bitcast_convert_type3A_202 = tpu.bitcast %get3A_201 : vector<16xf32> -> vector<16xi32>
      %shift_right_arithmetic3A_203 = arith.constant 31 : i32
      %shift_right_arithmetic3A_204 = vector.broadcast %shift_right_arithmetic3A_203 : i32 to vector<16xi32>
      %shift_right_arithmetic3A_205 = arith.shrsi %bitcast_convert_type3A_202, %shift_right_arithmetic3A_204 : vector<16xi32>
      %and3A_206 = arith.constant 2147483647 : i32
      %and3A_207 = vector.broadcast %and3A_206 : i32 to vector<16xi32>
      %and3A_208 = arith.andi %shift_right_arithmetic3A_205, %and3A_207 : vector<16xi32>
      %xor3A_209 = arith.xori %bitcast_convert_type3A_202, %and3A_208 : vector<16xi32>
      %ge3A_210 = vector.broadcast %reduce_max3A_34 : i32 to vector<16xi32>
      %ge3A_211 = arith.cmpi sge, %xor3A_209, %ge3A_210 : vector<16xi32>
      %mul3A_212 = arith.constant 16 : i32
      %mul3A_213 = arith.muli %scan3A_197, %mul3A_212 : i32
      %add3A_214 = arith.addi %mul3A_2, %mul3A_213 : i32
      %add3A_215 = vector.broadcast %add3A_214 : i32 to vector<16xi32>
      %add3A_216 = arith.addi %add3A_215, %iota3A : vector<16xi32>
      %min3A_217 = arith.constant 112 : i32
      %min3A_218 = arith.minsi %add3A_195, %min3A_217 : i32
      %swap3A_219 = arith.index_cast %min3A_218 : i32 to index
      %swap3A_220 = tpu.vector_load %arg10[%swap3A_219] masked %ge3A_211 {strides = array<i32>} : memref<128xi32, #tpu.memory_space<vmem>>, vector<16xi32>, vector<16xi1>
      tpu.vector_store %arg10[%swap3A_219], %xor3A_209 masked %ge3A_211 {strides = array<i32>} : memref<128xi32, #tpu.memory_space<vmem>>, vector<16xi32>, vector<16xi1>
      %swap3A_221 = arith.index_cast %min3A_218 : i32 to index
      %swap3A_222 = tpu.vector_load %arg11[%swap3A_221] masked %ge3A_211 {strides = array<i32>} : memref<128xi32, #tpu.memory_space<vmem>>, vector<16xi32>, vector<16xi1>
      tpu.vector_store %arg11[%swap3A_221], %add3A_216 masked %ge3A_211 {strides = array<i32>} : memref<128xi32, #tpu.memory_space<vmem>>, vector<16xi32>, vector<16xi1>
      %all_reduce_population_count3A_223 = tpu.all_reduce %ge3A_211 {dim = 0 : i64, kind = #tpu.reduction_kind<sum>} : vector<16xi1> -> vector<16xi32>
      %slice3A_224 = vector.extract_strided_slice %all_reduce_population_count3A_223 {offsets = [0], sizes = [1], strides = [1]} : vector<16xi32> to vector<1xi32>
      %squeeze3A_225 = vector.extract %slice3A_224[0] : i32 from vector<1xi32>
      %add3A_226 = arith.addi %add3A_195, %squeeze3A_225 : i32
      %scan3A_227 = arith.constant 3 : i32
      %scan3A_228 = arith.addi %scan3A_134, %scan3A_227 : i32
      %mul3A_229 = arith.constant 16 : i32
      %mul3A_230 = arith.muli %scan3A_228, %mul3A_229 : i32
      %get3A_231 = arith.index_cast %mul3A_230 : i32 to index
      %get3A_232 = tpu.vector_load %arg6[%get3A_231] {strides = array<i32>} : memref<31264xf32, #tpu.memory_space<vmem>>, vector<16xf32>,
      %bitcast_convert_type3A_233 = tpu.bitcast %get3A_232 : vector<16xf32> -> vector<16xi32>
      %shift_right_arithmetic3A_234 = arith.constant 31 : i32
      %shift_right_arithmetic3A_235 = vector.broadcast %shift_right_arithmetic3A_234 : i32 to vector<16xi32>
      %shift_right_arithmetic3A_236 = arith.shrsi %bitcast_convert_type3A_233, %shift_right_arithmetic3A_235 : vector<16xi32>
      %and3A_237 = arith.constant 2147483647 : i32
      %and3A_238 = vector.broadcast %and3A_237 : i32 to vector<16xi32>
      %and3A_239 = arith.andi %shift_right_arithmetic3A_236, %and3A_238 : vector<16xi32>
      %xor3A_240 = arith.xori %bitcast_convert_type3A_233, %and3A_239 : vector<16xi32>
      %ge3A_241 = vector.broadcast %reduce_max3A_34 : i32 to vector<16xi32>
      %ge3A_242 = arith.cmpi sge, %xor3A_240, %ge3A_241 : vector<16xi32>
      %mul3A_243 = arith.constant 16 : i32
      %mul3A_244 = arith.muli %scan3A_228, %mul3A_243 : i32
      %add3A_245 = arith.addi %mul3A_2, %mul3A_244 : i32
      %add3A_246 = vector.broadcast %add3A_245 : i32 to vector<16xi32>
      %add3A_247 = arith.addi %add3A_246, %iota3A : vector<16xi32>
      %min3A_248 = arith.constant 112 : i32
      %min3A_249 = arith.minsi %add3A_226, %min3A_248 : i32
      %swap3A_250 = arith.index_cast %min3A_249 : i32 to index
      %swap3A_251 = tpu.vector_load %arg10[%swap3A_250] masked %ge3A_242 {strides = array<i32>} : memref<128xi32, #tpu.memory_space<vmem>>, vector<16xi32>, vector<16xi1>
      tpu.vector_store %arg10[%swap3A_250], %xor3A_240 masked %ge3A_242 {strides = array<i32>} : memref<128xi32, #tpu.memory_space<vmem>>, vector<16xi32>, vector<16xi1>
      %swap3A_252 = arith.index_cast %min3A_249 : i32 to index
      %swap3A_253 = tpu.vector_load %arg11[%swap3A_252] masked %ge3A_242 {strides = array<i32>} : memref<128xi32, #tpu.memory_space<vmem>>, vector<16xi32>, vector<16xi1>
      tpu.vector_store %arg11[%swap3A_252], %add3A_247 masked %ge3A_242 {strides = array<i32>} : memref<128xi32, #tpu.memory_space<vmem>>, vector<16xi32>, vector<16xi1>
      %all_reduce_population_count3A_254 = tpu.all_reduce %ge3A_242 {dim = 0 : i64, kind = #tpu.reduction_kind<sum>} : vector<16xi1> -> vector<16xi32>
      %slice3A_255 = vector.extract_strided_slice %all_reduce_population_count3A_254 {offsets = [0], sizes = [1], strides = [1]} : vector<16xi32> to vector<1xi32>
      %squeeze3A_256 = vector.extract %slice3A_255[0] : i32 from vector<1xi32>
      %add3A_257 = arith.addi %add3A_226, %squeeze3A_256 : i32
      %scan3A_258 = arith.constant 4 : i32
      %scan3A_259 = arith.addi %scan3A_134, %scan3A_258 : i32
      %mul3A_260 = arith.constant 16 : i32
      %mul3A_261 = arith.muli %scan3A_259, %mul3A_260 : i32
      %get3A_262 = arith.index_cast %mul3A_261 : i32 to index
      %get3A_263 = tpu.vector_load %arg6[%get3A_262] {strides = array<i32>} : memref<31264xf32, #tpu.memory_space<vmem>>, vector<16xf32>,
      %bitcast_convert_type3A_264 = tpu.bitcast %get3A_263 : vector<16xf32> -> vector<16xi32>
      %shift_right_arithmetic3A_265 = arith.constant 31 : i32
      %shift_right_arithmetic3A_266 = vector.broadcast %shift_right_arithmetic3A_265 : i32 to vector<16xi32>
      %shift_right_arithmetic3A_267 = arith.shrsi %bitcast_convert_type3A_264, %shift_right_arithmetic3A_266 : vector<16xi32>
      %and3A_268 = arith.constant 2147483647 : i32
      %and3A_269 = vector.broadcast %and3A_268 : i32 to vector<16xi32>
      %and3A_270 = arith.andi %shift_right_arithmetic3A_267, %and3A_269 : vector<16xi32>
      %xor3A_271 = arith.xori %bitcast_convert_type3A_264, %and3A_270 : vector<16xi32>
      %ge3A_272 = vector.broadcast %reduce_max3A_34 : i32 to vector<16xi32>
      %ge3A_273 = arith.cmpi sge, %xor3A_271, %ge3A_272 : vector<16xi32>
      %mul3A_274 = arith.constant 16 : i32
      %mul3A_275 = arith.muli %scan3A_259, %mul3A_274 : i32
      %add3A_276 = arith.addi %mul3A_2, %mul3A_275 : i32
      %add3A_277 = vector.broadcast %add3A_276 : i32 to vector<16xi32>
      %add3A_278 = arith.addi %add3A_277, %iota3A : vector<16xi32>
      %min3A_279 = arith.constant 112 : i32
      %min3A_280 = arith.minsi %add3A_257, %min3A_279 : i32
      %swap3A_281 = arith.index_cast %min3A_280 : i32 to index
      %swap3A_282 = tpu.vector_load %arg10[%swap3A_281] masked %ge3A_273 {strides = array<i32>} : memref<128xi32, #tpu.memory_space<vmem>>, vector<16xi32>, vector<16xi1>
      tpu.vector_store %arg10[%swap3A_281], %xor3A_271 masked %ge3A_273 {strides = array<i32>} : memref<128xi32, #tpu.memory_space<vmem>>, vector<16xi32>, vector<16xi1>
      %swap3A_283 = arith.index_cast %min3A_280 : i32 to index
      %swap3A_284 = tpu.vector_load %arg11[%swap3A_283] masked %ge3A_273 {strides = array<i32>} : memref<128xi32, #tpu.memory_space<vmem>>, vector<16xi32>, vector<16xi1>
      tpu.vector_store %arg11[%swap3A_283], %add3A_278 masked %ge3A_273 {strides = array<i32>} : memref<128xi32, #tpu.memory_space<vmem>>, vector<16xi32>, vector<16xi1>
      %all_reduce_population_count3A_285 = tpu.all_reduce %ge3A_273 {dim = 0 : i64, kind = #tpu.reduction_kind<sum>} : vector<16xi1> -> vector<16xi32>
      %slice3A_286 = vector.extract_strided_slice %all_reduce_population_count3A_285 {offsets = [0], sizes = [1], strides = [1]} : vector<16xi32> to vector<1xi32>
      %squeeze3A_287 = vector.extract %slice3A_286[0] : i32 from vector<1xi32>
      %add3A_288 = arith.addi %add3A_257, %squeeze3A_287 : i32
      %scan3A_289 = arith.constant 5 : i32
      %scan3A_290 = arith.addi %scan3A_134, %scan3A_289 : i32
      %mul3A_291 = arith.constant 16 : i32
      %mul3A_292 = arith.muli %scan3A_290, %mul3A_291 : i32
      %get3A_293 = arith.index_cast %mul3A_292 : i32 to index
      %get3A_294 = tpu.vector_load %arg6[%get3A_293] {strides = array<i32>} : memref<31264xf32, #tpu.memory_space<vmem>>, vector<16xf32>,
      %bitcast_convert_type3A_295 = tpu.bitcast %get3A_294 : vector<16xf32> -> vector<16xi32>
      %shift_right_arithmetic3A_296 = arith.constant 31 : i32
      %shift_right_arithmetic3A_297 = vector.broadcast %shift_right_arithmetic3A_296 : i32 to vector<16xi32>
      %shift_right_arithmetic3A_298 = arith.shrsi %bitcast_convert_type3A_295, %shift_right_arithmetic3A_297 : vector<16xi32>
      %and3A_299 = arith.constant 2147483647 : i32
      %and3A_300 = vector.broadcast %and3A_299 : i32 to vector<16xi32>
      %and3A_301 = arith.andi %shift_right_arithmetic3A_298, %and3A_300 : vector<16xi32>
      %xor3A_302 = arith.xori %bitcast_convert_type3A_295, %and3A_301 : vector<16xi32>
      %ge3A_303 = vector.broadcast %reduce_max3A_34 : i32 to vector<16xi32>
      %ge3A_304 = arith.cmpi sge, %xor3A_302, %ge3A_303 : vector<16xi32>
      %mul3A_305 = arith.constant 16 : i32
      %mul3A_306 = arith.muli %scan3A_290, %mul3A_305 : i32
      %add3A_307 = arith.addi %mul3A_2, %mul3A_306 : i32
      %add3A_308 = vector.broadcast %add3A_307 : i32 to vector<16xi32>
      %add3A_309 = arith.addi %add3A_308, %iota3A : vector<16xi32>
      %min3A_310 = arith.constant 112 : i32
      %min3A_311 = arith.minsi %add3A_288, %min3A_310 : i32
      %swap3A_312 = arith.index_cast %min3A_311 : i32 to index
      %swap3A_313 = tpu.vector_load %arg10[%swap3A_312] masked %ge3A_304 {strides = array<i32>} : memref<128xi32, #tpu.memory_space<vmem>>, vector<16xi32>, vector<16xi1>
      tpu.vector_store %arg10[%swap3A_312], %xor3A_302 masked %ge3A_304 {strides = array<i32>} : memref<128xi32, #tpu.memory_space<vmem>>, vector<16xi32>, vector<16xi1>
      %swap3A_314 = arith.index_cast %min3A_311 : i32 to index
      %swap3A_315 = tpu.vector_load %arg11[%swap3A_314] masked %ge3A_304 {strides = array<i32>} : memref<128xi32, #tpu.memory_space<vmem>>, vector<16xi32>, vector<16xi1>
      tpu.vector_store %arg11[%swap3A_314], %add3A_309 masked %ge3A_304 {strides = array<i32>} : memref<128xi32, #tpu.memory_space<vmem>>, vector<16xi32>, vector<16xi1>
      %all_reduce_population_count3A_316 = tpu.all_reduce %ge3A_304 {dim = 0 : i64, kind = #tpu.reduction_kind<sum>} : vector<16xi1> -> vector<16xi32>
      %slice3A_317 = vector.extract_strided_slice %all_reduce_population_count3A_316 {offsets = [0], sizes = [1], strides = [1]} : vector<16xi32> to vector<1xi32>
      %squeeze3A_318 = vector.extract %slice3A_317[0] : i32 from vector<1xi32>
      %add3A_319 = arith.addi %add3A_288, %squeeze3A_318 : i32
      %scan3A_320 = arith.constant 6 : i32
      %scan3A_321 = arith.addi %scan3A_134, %scan3A_320 : i32
      %mul3A_322 = arith.constant 16 : i32
      %mul3A_323 = arith.muli %scan3A_321, %mul3A_322 : i32
      %get3A_324 = arith.index_cast %mul3A_323 : i32 to index
      %get3A_325 = tpu.vector_load %arg6[%get3A_324] {strides = array<i32>} : memref<31264xf32, #tpu.memory_space<vmem>>, vector<16xf32>,
      %bitcast_convert_type3A_326 = tpu.bitcast %get3A_325 : vector<16xf32> -> vector<16xi32>
      %shift_right_arithmetic3A_327 = arith.constant 31 : i32
      %shift_right_arithmetic3A_328 = vector.broadcast %shift_right_arithmetic3A_327 : i32 to vector<16xi32>
      %shift_right_arithmetic3A_329 = arith.shrsi %bitcast_convert_type3A_326, %shift_right_arithmetic3A_328 : vector<16xi32>
      %and3A_330 = arith.constant 2147483647 : i32
      %and3A_331 = vector.broadcast %and3A_330 : i32 to vector<16xi32>
      %and3A_332 = arith.andi %shift_right_arithmetic3A_329, %and3A_331 : vector<16xi32>
      %xor3A_333 = arith.xori %bitcast_convert_type3A_326, %and3A_332 : vector<16xi32>
      %ge3A_334 = vector.broadcast %reduce_max3A_34 : i32 to vector<16xi32>
      %ge3A_335 = arith.cmpi sge, %xor3A_333, %ge3A_334 : vector<16xi32>
      %mul3A_336 = arith.constant 16 : i32
      %mul3A_337 = arith.muli %scan3A_321, %mul3A_336 : i32
      %add3A_338 = arith.addi %mul3A_2, %mul3A_337 : i32
      %add3A_339 = vector.broadcast %add3A_338 : i32 to vector<16xi32>
      %add3A_340 = arith.addi %add3A_339, %iota3A : vector<16xi32>
      %min3A_341 = arith.constant 112 : i32
      %min3A_342 = arith.minsi %add3A_319, %min3A_341 : i32
      %swap3A_343 = arith.index_cast %min3A_342 : i32 to index
      %swap3A_344 = tpu.vector_load %arg10[%swap3A_343] masked %ge3A_335 {strides = array<i32>} : memref<128xi32, #tpu.memory_space<vmem>>, vector<16xi32>, vector<16xi1>
      tpu.vector_store %arg10[%swap3A_343], %xor3A_333 masked %ge3A_335 {strides = array<i32>} : memref<128xi32, #tpu.memory_space<vmem>>, vector<16xi32>, vector<16xi1>
      %swap3A_345 = arith.index_cast %min3A_342 : i32 to index
      %swap3A_346 = tpu.vector_load %arg11[%swap3A_345] masked %ge3A_335 {strides = array<i32>} : memref<128xi32, #tpu.memory_space<vmem>>, vector<16xi32>, vector<16xi1>
      tpu.vector_store %arg11[%swap3A_345], %add3A_340 masked %ge3A_335 {strides = array<i32>} : memref<128xi32, #tpu.memory_space<vmem>>, vector<16xi32>, vector<16xi1>
      %all_reduce_population_count3A_347 = tpu.all_reduce %ge3A_335 {dim = 0 : i64, kind = #tpu.reduction_kind<sum>} : vector<16xi1> -> vector<16xi32>
      %slice3A_348 = vector.extract_strided_slice %all_reduce_population_count3A_347 {offsets = [0], sizes = [1], strides = [1]} : vector<16xi32> to vector<1xi32>
      %squeeze3A_349 = vector.extract %slice3A_348[0] : i32 from vector<1xi32>
      %add3A_350 = arith.addi %add3A_319, %squeeze3A_349 : i32
      %scan3A_351 = arith.constant 7 : i32
      %scan3A_352 = arith.addi %scan3A_134, %scan3A_351 : i32
      %mul3A_353 = arith.constant 16 : i32
      %mul3A_354 = arith.muli %scan3A_352, %mul3A_353 : i32
      %get3A_355 = arith.index_cast %mul3A_354 : i32 to index
      %get3A_356 = tpu.vector_load %arg6[%get3A_355] {strides = array<i32>} : memref<31264xf32, #tpu.memory_space<vmem>>, vector<16xf32>,
      %bitcast_convert_type3A_357 = tpu.bitcast %get3A_356 : vector<16xf32> -> vector<16xi32>
      %shift_right_arithmetic3A_358 = arith.constant 31 : i32
      %shift_right_arithmetic3A_359 = vector.broadcast %shift_right_arithmetic3A_358 : i32 to vector<16xi32>
      %shift_right_arithmetic3A_360 = arith.shrsi %bitcast_convert_type3A_357, %shift_right_arithmetic3A_359 : vector<16xi32>
      %and3A_361 = arith.constant 2147483647 : i32
      %and3A_362 = vector.broadcast %and3A_361 : i32 to vector<16xi32>
      %and3A_363 = arith.andi %shift_right_arithmetic3A_360, %and3A_362 : vector<16xi32>
      %xor3A_364 = arith.xori %bitcast_convert_type3A_357, %and3A_363 : vector<16xi32>
      %ge3A_365 = vector.broadcast %reduce_max3A_34 : i32 to vector<16xi32>
      %ge3A_366 = arith.cmpi sge, %xor3A_364, %ge3A_365 : vector<16xi32>
      %mul3A_367 = arith.constant 16 : i32
      %mul3A_368 = arith.muli %scan3A_352, %mul3A_367 : i32
      %add3A_369 = arith.addi %mul3A_2, %mul3A_368 : i32
      %add3A_370 = vector.broadcast %add3A_369 : i32 to vector<16xi32>
      %add3A_371 = arith.addi %add3A_370, %iota3A : vector<16xi32>
      %min3A_372 = arith.constant 112 : i32
      %min3A_373 = arith.minsi %add3A_350, %min3A_372 : i32
      %swap3A_374 = arith.index_cast %min3A_373 : i32 to index
      %swap3A_375 = tpu.vector_load %arg10[%swap3A_374] masked %ge3A_366 {strides = array<i32>} : memref<128xi32, #tpu.memory_space<vmem>>, vector<16xi32>, vector<16xi1>
      tpu.vector_store %arg10[%swap3A_374], %xor3A_364 masked %ge3A_366 {strides = array<i32>} : memref<128xi32, #tpu.memory_space<vmem>>, vector<16xi32>, vector<16xi1>
      %swap3A_376 = arith.index_cast %min3A_373 : i32 to index
      %swap3A_377 = tpu.vector_load %arg11[%swap3A_376] masked %ge3A_366 {strides = array<i32>} : memref<128xi32, #tpu.memory_space<vmem>>, vector<16xi32>, vector<16xi1>
      tpu.vector_store %arg11[%swap3A_376], %add3A_371 masked %ge3A_366 {strides = array<i32>} : memref<128xi32, #tpu.memory_space<vmem>>, vector<16xi32>, vector<16xi1>
      %all_reduce_population_count3A_378 = tpu.all_reduce %ge3A_366 {dim = 0 : i64, kind = #tpu.reduction_kind<sum>} : vector<16xi1> -> vector<16xi32>
      %slice3A_379 = vector.extract_strided_slice %all_reduce_population_count3A_378 {offsets = [0], sizes = [1], strides = [1]} : vector<16xi32> to vector<1xi32>
      %squeeze3A_380 = vector.extract %slice3A_379[0] : i32 from vector<1xi32>
      %add3A_381 = arith.addi %add3A_350, %squeeze3A_380 : i32
      scf.yield %add3A_381 : i32
    }
    %scan3A_76 = arith.constant 1952 : i32
    %scan3A_77 = arith.addi %scan3A_71, %scan3A_76 : i32
    %mul3A_78 = arith.constant 16 : i32
    %mul3A_79 = arith.muli %scan3A_77, %mul3A_78 : i32
    %get3A_80 = arith.index_cast %mul3A_79 : i32 to index
    %get3A_81 = tpu.vector_load %arg6[%get3A_80] {strides = array<i32>} : memref<31264xf32, #tpu.memory_space<vmem>>, vector<16xf32>,
    %bitcast_convert_type3A = tpu.bitcast %get3A_81 : vector<16xf32> -> vector<16xi32>
    %shift_right_arithmetic3A = arith.constant 31 : i32
    %shift_right_arithmetic3A_82 = vector.broadcast %shift_right_arithmetic3A : i32 to vector<16xi32>
    %shift_right_arithmetic3A_83 = arith.shrsi %bitcast_convert_type3A, %shift_right_arithmetic3A_82 : vector<16xi32>
    %and3A = arith.constant 2147483647 : i32
    %and3A_84 = vector.broadcast %and3A : i32 to vector<16xi32>
    %and3A_85 = arith.andi %shift_right_arithmetic3A_83, %and3A_84 : vector<16xi32>
    %xor3A = arith.xori %bitcast_convert_type3A, %and3A_85 : vector<16xi32>
    %ge3A = vector.broadcast %reduce_max3A_34 : i32 to vector<16xi32>
    %ge3A_86 = arith.cmpi sge, %xor3A, %ge3A : vector<16xi32>
    %mul3A_87 = arith.constant 16 : i32
    %mul3A_88 = arith.muli %scan3A_77, %mul3A_87 : i32
    %add3A_89 = arith.addi %mul3A_2, %mul3A_88 : i32
    %add3A_90 = vector.broadcast %add3A_89 : i32 to vector<16xi32>
    %add3A_91 = arith.addi %add3A_90, %iota3A : vector<16xi32>
    %min3A = arith.constant 112 : i32
    %min3A_92 = arith.minsi %scan3A_75, %min3A : i32
    %swap3A_93 = arith.index_cast %min3A_92 : i32 to index
    %swap3A_94 = tpu.vector_load %arg10[%swap3A_93] masked %ge3A_86 {strides = array<i32>} : memref<128xi32, #tpu.memory_space<vmem>>, vector<16xi32>, vector<16xi1>
    tpu.vector_store %arg10[%swap3A_93], %xor3A masked %ge3A_86 {strides = array<i32>} : memref<128xi32, #tpu.memory_space<vmem>>, vector<16xi32>, vector<16xi1>
    %swap3A_95 = arith.index_cast %min3A_92 : i32 to index
    %swap3A_96 = tpu.vector_load %arg11[%swap3A_95] masked %ge3A_86 {strides = array<i32>} : memref<128xi32, #tpu.memory_space<vmem>>, vector<16xi32>, vector<16xi1>
    tpu.vector_store %arg11[%swap3A_95], %add3A_91 masked %ge3A_86 {strides = array<i32>} : memref<128xi32, #tpu.memory_space<vmem>>, vector<16xi32>, vector<16xi1>
    %all_reduce_population_count3A = tpu.all_reduce %ge3A_86 {dim = 0 : i64, kind = #tpu.reduction_kind<sum>} : vector<16xi1> -> vector<16xi32>
    %slice3A = vector.extract_strided_slice %all_reduce_population_count3A {offsets = [0], sizes = [1], strides = [1]} : vector<16xi32> to vector<1xi32>
    %squeeze3A = vector.extract %slice3A[0] : i32 from vector<1xi32>
    %add3A_97 = arith.addi %scan3A_75, %squeeze3A : i32
    %scan3A_98 = arith.constant 1953 : i32
    %scan3A_99 = arith.addi %scan3A_71, %scan3A_98 : i32
    %mul3A_100 = arith.constant 16 : i32
    %mul3A_101 = arith.muli %scan3A_99, %mul3A_100 : i32
    %get3A_102 = arith.index_cast %mul3A_101 : i32 to index
    %get3A_103 = tpu.vector_load %arg6[%get3A_102] {strides = array<i32>} : memref<31264xf32, #tpu.memory_space<vmem>>, vector<16xf32>,
    %bitcast_convert_type3A_104 = tpu.bitcast %get3A_103 : vector<16xf32> -> vector<16xi32>
    %shift_right_arithmetic3A_105 = arith.constant 31 : i32
    %shift_right_arithmetic3A_106 = vector.broadcast %shift_right_arithmetic3A_105 : i32 to vector<16xi32>
    %shift_right_arithmetic3A_107 = arith.shrsi %bitcast_convert_type3A_104, %shift_right_arithmetic3A_106 : vector<16xi32>
    %and3A_108 = arith.constant 2147483647 : i32
    %and3A_109 = vector.broadcast %and3A_108 : i32 to vector<16xi32>
    %and3A_110 = arith.andi %shift_right_arithmetic3A_107, %and3A_109 : vector<16xi32>
    %xor3A_111 = arith.xori %bitcast_convert_type3A_104, %and3A_110 : vector<16xi32>
    %ge3A_112 = vector.broadcast %reduce_max3A_34 : i32 to vector<16xi32>
    %ge3A_113 = arith.cmpi sge, %xor3A_111, %ge3A_112 : vector<16xi32>
    %mul3A_114 = arith.constant 16 : i32
    %mul3A_115 = arith.muli %scan3A_99, %mul3A_114 : i32
    %add3A_116 = arith.addi %mul3A_2, %mul3A_115 : i32
    %add3A_117 = vector.broadcast %add3A_116 : i32 to vector<16xi32>
    %add3A_118 = arith.addi %add3A_117, %iota3A : vector<16xi32>
    %min3A_119 = arith.constant 112 : i32
    %min3A_120 = arith.minsi %add3A_97, %min3A_119 : i32
    %swap3A_121 = arith.index_cast %min3A_120 : i32 to index
    %swap3A_122 = tpu.vector_load %arg10[%swap3A_121] masked %ge3A_113 {strides = array<i32>} : memref<128xi32, #tpu.memory_space<vmem>>, vector<16xi32>, vector<16xi1>
    tpu.vector_store %arg10[%swap3A_121], %xor3A_111 masked %ge3A_113 {strides = array<i32>} : memref<128xi32, #tpu.memory_space<vmem>>, vector<16xi32>, vector<16xi1>
    %swap3A_123 = arith.index_cast %min3A_120 : i32 to index
    %swap3A_124 = tpu.vector_load %arg11[%swap3A_123] masked %ge3A_113 {strides = array<i32>} : memref<128xi32, #tpu.memory_space<vmem>>, vector<16xi32>, vector<16xi1>
    tpu.vector_store %arg11[%swap3A_123], %add3A_118 masked %ge3A_113 {strides = array<i32>} : memref<128xi32, #tpu.memory_space<vmem>>, vector<16xi32>, vector<16xi1>
    %all_reduce_population_count3A_125 = tpu.all_reduce %ge3A_113 {dim = 0 : i64, kind = #tpu.reduction_kind<sum>} : vector<16xi1> -> vector<16xi32>
    %slice3A_126 = vector.extract_strided_slice %all_reduce_population_count3A_125 {offsets = [0], sizes = [1], strides = [1]} : vector<16xi32> to vector<1xi32>
    %squeeze3A_127 = vector.extract %slice3A_126[0] : i32 from vector<1xi32>
    %add3A_128 = arith.addi %add3A_97, %squeeze3A_127 : i32
    %scan3A_129 = arith.constant 1954 : i32
    %mul3A_130 = arith.constant 128 : i32
    %mul3A_131 = arith.muli %add3A, %mul3A_130 : i32
    "tpu.region"() ({
      %run_scoped3A = tpu.sem_alloc : memref<!tpu.dma_semaphore, #tpu.memory_space<semaphore_mem>>
      %dma_start3A = tpu.memref_slice %arg3[%mul3A_131] : memref<4096xi32, #tpu.memory_space<hbm>> -> memref<128xi32, #tpu.memory_space<hbm>>
      %dma_start3A_134 = tpu.memref_slice %arg3[%mul3A_131] : memref<4096xi32, #tpu.memory_space<hbm>> -> memref<128xi32, #tpu.memory_space<hbm>>
      tpu.enqueue_dma source(%arg10 : memref<128xi32, #tpu.memory_space<vmem>>) target(%dma_start3A_134 : memref<128xi32, #tpu.memory_space<hbm>>) target_semaphore(%run_scoped3A : memref<!tpu.dma_semaphore, #tpu.memory_space<semaphore_mem>>)
      %dma_wait3A = tpu.memref_slice %arg3[%mul3A_131] : memref<4096xi32, #tpu.memory_space<hbm>> -> memref<128xi32, #tpu.memory_space<hbm>>
      %dma_wait3A_135 = tpu.memref_slice %arg3[%mul3A_131] : memref<4096xi32, #tpu.memory_space<hbm>> -> memref<128xi32, #tpu.memory_space<hbm>>
      tpu.wait_dma2 semaphore(%run_scoped3A : memref<!tpu.dma_semaphore, #tpu.memory_space<semaphore_mem>>) src(%arg10 : memref<128xi32, #tpu.memory_space<vmem>>) dst(%dma_wait3A_135 : memref<128xi32, #tpu.memory_space<hbm>>)
      tpu.yield
    }) : () -> ()
    %mul3A_132 = arith.constant 128 : i32
    %mul3A_133 = arith.muli %add3A, %mul3A_132 : i32
    "tpu.region"() ({
      %run_scoped3A = tpu.sem_alloc : memref<!tpu.dma_semaphore, #tpu.memory_space<semaphore_mem>>
      %dma_start3A = tpu.memref_slice %arg4[%mul3A_133] : memref<4096xi32, #tpu.memory_space<hbm>> -> memref<128xi32, #tpu.memory_space<hbm>>
      %dma_start3A_134 = tpu.memref_slice %arg4[%mul3A_133] : memref<4096xi32, #tpu.memory_space<hbm>> -> memref<128xi32, #tpu.memory_space<hbm>>
      tpu.enqueue_dma source(%arg11 : memref<128xi32, #tpu.memory_space<vmem>>) target(%dma_start3A_134 : memref<128xi32, #tpu.memory_space<hbm>>) target_semaphore(%run_scoped3A : memref<!tpu.dma_semaphore, #tpu.memory_space<semaphore_mem>>)
      %dma_wait3A = tpu.memref_slice %arg4[%mul3A_133] : memref<4096xi32, #tpu.memory_space<hbm>> -> memref<128xi32, #tpu.memory_space<hbm>>
      %dma_wait3A_135 = tpu.memref_slice %arg4[%mul3A_133] : memref<4096xi32, #tpu.memory_space<hbm>> -> memref<128xi32, #tpu.memory_space<hbm>>
      tpu.wait_dma2 semaphore(%run_scoped3A : memref<!tpu.dma_semaphore, #tpu.memory_space<semaphore_mem>>) src(%arg11 : memref<128xi32, #tpu.memory_space<vmem>>) dst(%dma_wait3A_135 : memref<128xi32, #tpu.memory_space<hbm>>)
      tpu.yield
    }) : () -> ()
    return
  }
}

#map = affine_map<(d0, d1) -> (0)>
#map1 = affine_map<(d0, d1) -> (0, 0)>
module attributes {stable_mosaic.version = 14 : i64} {
  func.func @sc_stage2_select_scatter(%arg0: i32, %arg1: i32, %arg2: memref<4096xi32, #tpu.memory_space<hbm>>, %arg3: memref<4096xi32, #tpu.memory_space<hbm>>, %arg4: memref<2x2048xi32, #tpu.memory_space<hbm>>, %arg5: memref<1000960xf32, #tpu.memory_space<hbm>>, %arg6: memref<31280xf32, #tpu.memory_space<vmem>>, %arg7: memref<4096xi32, #tpu.memory_space<vmem>>, %arg8: memref<4096xi32, #tpu.memory_space<vmem>>, %arg9: memref<2x2048xi32, #tpu.memory_space<vmem>>, %arg10: memref<2048xi32, #tpu.memory_space<vmem>>, %arg11: memref<544xi32, #tpu.memory_space<vmem>>, %arg12: memref<544xi32, #tpu.memory_space<vmem>>, %arg13: memref<2048xi32, #tpu.memory_space<vmem>>, %arg14: memref<2048xi32, #tpu.memory_space<vmem>>, %arg15: memref<4096xi32, #tpu.memory_space<vmem>>, %arg16: memref<256xi32, #tpu.memory_space<vmem>>, %arg17: memref<128xi32, #tpu.memory_space<vmem>>, %arg18: memref<128xi32, #tpu.memory_space<vmem>>, %arg19: memref<544xi32, #tpu.memory_space<vmem_shared>>, %arg20: memref<544xi32, #tpu.memory_space<vmem_shared>>) attributes {dimension_semantics = [#tpu.dimension_semantics<core_parallel>, #tpu.dimension_semantics<subcore_parallel>], iteration_bounds = array<i64: 2, 16>, scalar_prefetch = 0 : i64, scratch_operands = 15 : i64, tpu.core_type = #tpu.core_type<sc_vector_subcore>, window_params = [{transform_indices = #map}, {transform_indices = #map}, {transform_indices = #map1}, {transform_indices = #map}]} {
    %mul3A = arith.constant 16 : i32
    %mul3A_0 = arith.muli %arg0, %mul3A : i32
    %add3A = arith.addi %mul3A_0, %arg1 : i32
    %mul3A_1 = arith.constant 31280 : i32
    %mul3A_2 = arith.muli %add3A, %mul3A_1 : i32
    %iota3A = tpu.iota {dimensions = array<i32: 0>} : vector<16xi32>
    %broadcast_in_dim3A = arith.constant 0.000000e+00 : f32
    %broadcast_in_dim3A_3 = vector.broadcast %broadcast_in_dim3A : f32 to vector<16xf32>
    %broadcast_in_dim3A_4 = arith.constant 0 : i32
    %broadcast_in_dim3A_5 = vector.broadcast %broadcast_in_dim3A_4 : i32 to vector<16xi32>
    %scan3A = arith.constant 0 : i32
    %scan3A_6 = arith.constant 0 : i32
    %scan3A_7 = arith.constant 1952 : i32
    %scan3A_8 = arith.addi %scan3A_6, %scan3A_7 : i32
    %scan3A_9 = arith.constant 8 : i32
    %scan3A_10 = scf.for %scan3A_740 = %scan3A_6 to %scan3A_8 step %scan3A_9 iter_args(%scan3A_741 = %scan3A) -> (i32)  : i32 {
      %mul3A_742 = arith.constant 16 : i32
      %mul3A_743 = arith.muli %scan3A_740, %mul3A_742 : i32
      %swap3A_744 = arith.index_cast %mul3A_743 : i32 to index
      %swap3A_745 = tpu.vector_load %arg6[%swap3A_744] {strides = array<i32>} : memref<31280xf32, #tpu.memory_space<vmem>>, vector<16xf32>,
      tpu.vector_store %arg6[%swap3A_744], %broadcast_in_dim3A_3 {strides = array<i32>} : memref<31280xf32, #tpu.memory_space<vmem>>, vector<16xf32>,
      %scan3A_746 = arith.constant 0 : i32
      %scan3A_747 = arith.constant 1 : i32
      %scan3A_748 = arith.addi %scan3A_740, %scan3A_747 : i32
      %mul3A_749 = arith.constant 16 : i32
      %mul3A_750 = arith.muli %scan3A_748, %mul3A_749 : i32
      %swap3A_751 = arith.index_cast %mul3A_750 : i32 to index
      %swap3A_752 = tpu.vector_load %arg6[%swap3A_751] {strides = array<i32>} : memref<31280xf32, #tpu.memory_space<vmem>>, vector<16xf32>,
      tpu.vector_store %arg6[%swap3A_751], %broadcast_in_dim3A_3 {strides = array<i32>} : memref<31280xf32, #tpu.memory_space<vmem>>, vector<16xf32>,
      %scan3A_753 = arith.constant 0 : i32
      %scan3A_754 = arith.constant 2 : i32
      %scan3A_755 = arith.addi %scan3A_740, %scan3A_754 : i32
      %mul3A_756 = arith.constant 16 : i32
      %mul3A_757 = arith.muli %scan3A_755, %mul3A_756 : i32
      %swap3A_758 = arith.index_cast %mul3A_757 : i32 to index
      %swap3A_759 = tpu.vector_load %arg6[%swap3A_758] {strides = array<i32>} : memref<31280xf32, #tpu.memory_space<vmem>>, vector<16xf32>,
      tpu.vector_store %arg6[%swap3A_758], %broadcast_in_dim3A_3 {strides = array<i32>} : memref<31280xf32, #tpu.memory_space<vmem>>, vector<16xf32>,
      %scan3A_760 = arith.constant 0 : i32
      %scan3A_761 = arith.constant 3 : i32
      %scan3A_762 = arith.addi %scan3A_740, %scan3A_761 : i32
      %mul3A_763 = arith.constant 16 : i32
      %mul3A_764 = arith.muli %scan3A_762, %mul3A_763 : i32
      %swap3A_765 = arith.index_cast %mul3A_764 : i32 to index
      %swap3A_766 = tpu.vector_load %arg6[%swap3A_765] {strides = array<i32>} : memref<31280xf32, #tpu.memory_space<vmem>>, vector<16xf32>,
      tpu.vector_store %arg6[%swap3A_765], %broadcast_in_dim3A_3 {strides = array<i32>} : memref<31280xf32, #tpu.memory_space<vmem>>, vector<16xf32>,
      %scan3A_767 = arith.constant 0 : i32
      %scan3A_768 = arith.constant 4 : i32
      %scan3A_769 = arith.addi %scan3A_740, %scan3A_768 : i32
      %mul3A_770 = arith.constant 16 : i32
      %mul3A_771 = arith.muli %scan3A_769, %mul3A_770 : i32
      %swap3A_772 = arith.index_cast %mul3A_771 : i32 to index
      %swap3A_773 = tpu.vector_load %arg6[%swap3A_772] {strides = array<i32>} : memref<31280xf32, #tpu.memory_space<vmem>>, vector<16xf32>,
      tpu.vector_store %arg6[%swap3A_772], %broadcast_in_dim3A_3 {strides = array<i32>} : memref<31280xf32, #tpu.memory_space<vmem>>, vector<16xf32>,
      %scan3A_774 = arith.constant 0 : i32
      %scan3A_775 = arith.constant 5 : i32
      %scan3A_776 = arith.addi %scan3A_740, %scan3A_775 : i32
      %mul3A_777 = arith.constant 16 : i32
      %mul3A_778 = arith.muli %scan3A_776, %mul3A_777 : i32
      %swap3A_779 = arith.index_cast %mul3A_778 : i32 to index
      %swap3A_780 = tpu.vector_load %arg6[%swap3A_779] {strides = array<i32>} : memref<31280xf32, #tpu.memory_space<vmem>>, vector<16xf32>,
      tpu.vector_store %arg6[%swap3A_779], %broadcast_in_dim3A_3 {strides = array<i32>} : memref<31280xf32, #tpu.memory_space<vmem>>, vector<16xf32>,
      %scan3A_781 = arith.constant 0 : i32
      %scan3A_782 = arith.constant 6 : i32
      %scan3A_783 = arith.addi %scan3A_740, %scan3A_782 : i32
      %mul3A_784 = arith.constant 16 : i32
      %mul3A_785 = arith.muli %scan3A_783, %mul3A_784 : i32
      %swap3A_786 = arith.index_cast %mul3A_785 : i32 to index
      %swap3A_787 = tpu.vector_load %arg6[%swap3A_786] {strides = array<i32>} : memref<31280xf32, #tpu.memory_space<vmem>>, vector<16xf32>,
      tpu.vector_store %arg6[%swap3A_786], %broadcast_in_dim3A_3 {strides = array<i32>} : memref<31280xf32, #tpu.memory_space<vmem>>, vector<16xf32>,
      %scan3A_788 = arith.constant 0 : i32
      %scan3A_789 = arith.constant 7 : i32
      %scan3A_790 = arith.addi %scan3A_740, %scan3A_789 : i32
      %mul3A_791 = arith.constant 16 : i32
      %mul3A_792 = arith.muli %scan3A_790, %mul3A_791 : i32
      %swap3A_793 = arith.index_cast %mul3A_792 : i32 to index
      %swap3A_794 = tpu.vector_load %arg6[%swap3A_793] {strides = array<i32>} : memref<31280xf32, #tpu.memory_space<vmem>>, vector<16xf32>,
      tpu.vector_store %arg6[%swap3A_793], %broadcast_in_dim3A_3 {strides = array<i32>} : memref<31280xf32, #tpu.memory_space<vmem>>, vector<16xf32>,
      %scan3A_795 = arith.constant 0 : i32
      scf.yield %scan3A_795 : i32
    }
    %scan3A_11 = arith.constant 1952 : i32
    %scan3A_12 = arith.addi %scan3A_6, %scan3A_11 : i32
    %mul3A_13 = arith.constant 16 : i32
    %mul3A_14 = arith.muli %scan3A_12, %mul3A_13 : i32
    %swap3A = arith.index_cast %mul3A_14 : i32 to index
    %swap3A_15 = tpu.vector_load %arg6[%swap3A] {strides = array<i32>} : memref<31280xf32, #tpu.memory_space<vmem>>, vector<16xf32>,
    tpu.vector_store %arg6[%swap3A], %broadcast_in_dim3A_3 {strides = array<i32>} : memref<31280xf32, #tpu.memory_space<vmem>>, vector<16xf32>,
    %scan3A_16 = arith.constant 0 : i32
    %scan3A_17 = arith.constant 1953 : i32
    %scan3A_18 = arith.addi %scan3A_6, %scan3A_17 : i32
    %mul3A_19 = arith.constant 16 : i32
    %mul3A_20 = arith.muli %scan3A_18, %mul3A_19 : i32
    %swap3A_21 = arith.index_cast %mul3A_20 : i32 to index
    %swap3A_22 = tpu.vector_load %arg6[%swap3A_21] {strides = array<i32>} : memref<31280xf32, #tpu.memory_space<vmem>>, vector<16xf32>,
    tpu.vector_store %arg6[%swap3A_21], %broadcast_in_dim3A_3 {strides = array<i32>} : memref<31280xf32, #tpu.memory_space<vmem>>, vector<16xf32>,
    %scan3A_23 = arith.constant 0 : i32
    %scan3A_24 = arith.constant 1954 : i32
    %scan3A_25 = arith.addi %scan3A_6, %scan3A_24 : i32
    %mul3A_26 = arith.constant 16 : i32
    %mul3A_27 = arith.muli %scan3A_25, %mul3A_26 : i32
    %swap3A_28 = arith.index_cast %mul3A_27 : i32 to index
    %swap3A_29 = tpu.vector_load %arg6[%swap3A_28] {strides = array<i32>} : memref<31280xf32, #tpu.memory_space<vmem>>, vector<16xf32>,
    tpu.vector_store %arg6[%swap3A_28], %broadcast_in_dim3A_3 {strides = array<i32>} : memref<31280xf32, #tpu.memory_space<vmem>>, vector<16xf32>,
    %scan3A_30 = arith.constant 0 : i32
    %scan3A_31 = arith.constant 1955 : i32
    %eq3A = arith.constant 0 : i32
    %eq3A_32 = arith.cmpi eq, %arg1, %eq3A : i32
    %convert_element_type3A = arith.extui %eq3A_32 : i1 to i32
    %cond3A = arith.constant 0 : i32
    %cond3A_33 = arith.cmpi ne, %convert_element_type3A, %cond3A : i32
    scf.if %cond3A_33 {
      "tpu.region"() ({
        %run_scoped3A = tpu.sem_alloc : memref<!tpu.dma_semaphore, #tpu.memory_space<semaphore_mem>>
        tpu.enqueue_dma source(%arg2 : memref<4096xi32, #tpu.memory_space<hbm>>) target(%arg7 : memref<4096xi32, #tpu.memory_space<vmem>>) target_semaphore(%run_scoped3A : memref<!tpu.dma_semaphore, #tpu.memory_space<semaphore_mem>>)
        tpu.wait_dma2 semaphore(%run_scoped3A : memref<!tpu.dma_semaphore, #tpu.memory_space<semaphore_mem>>) src(%arg2 : memref<4096xi32, #tpu.memory_space<hbm>>) dst(%arg7 : memref<4096xi32, #tpu.memory_space<vmem>>)
        tpu.yield
      }) : () -> ()
      "tpu.region"() ({
        %run_scoped3A = tpu.sem_alloc : memref<!tpu.dma_semaphore, #tpu.memory_space<semaphore_mem>>
        tpu.enqueue_dma source(%arg3 : memref<4096xi32, #tpu.memory_space<hbm>>) target(%arg8 : memref<4096xi32, #tpu.memory_space<vmem>>) target_semaphore(%run_scoped3A : memref<!tpu.dma_semaphore, #tpu.memory_space<semaphore_mem>>)
        tpu.wait_dma2 semaphore(%run_scoped3A : memref<!tpu.dma_semaphore, #tpu.memory_space<semaphore_mem>>) src(%arg3 : memref<4096xi32, #tpu.memory_space<hbm>>) dst(%arg8 : memref<4096xi32, #tpu.memory_space<vmem>>)
        tpu.yield
      }) : () -> ()
      "tpu.region"() ({
        %run_scoped3A = tpu.sem_alloc : memref<!tpu.dma_semaphore, #tpu.memory_space<semaphore_mem>>
        tpu.enqueue_dma source(%arg4 : memref<2x2048xi32, #tpu.memory_space<hbm>>) target(%arg9 : memref<2x2048xi32, #tpu.memory_space<vmem>>) target_semaphore(%run_scoped3A : memref<!tpu.dma_semaphore, #tpu.memory_space<semaphore_mem>>)
        tpu.wait_dma2 semaphore(%run_scoped3A : memref<!tpu.dma_semaphore, #tpu.memory_space<semaphore_mem>>) src(%arg4 : memref<2x2048xi32, #tpu.memory_space<hbm>>) dst(%arg9 : memref<2x2048xi32, #tpu.memory_space<vmem>>)
        tpu.yield
      }) : () -> ()
      %scan3A_740 = arith.constant 0 : i32
      %scan3A_741 = arith.constant 0 : i32
      %scan3A_742 = arith.constant 128 : i32
      %scan3A_743 = arith.addi %scan3A_741, %scan3A_742 : i32
      %scan3A_744 = arith.constant 1 : i32
      %scan3A_745 = scf.for %scan3A_1319 = %scan3A_741 to %scan3A_743 step %scan3A_744 iter_args(%scan3A_1320 = %scan3A_740) -> (i32)  : i32 {
        %mul3A_1321 = arith.constant 16 : i32
        %mul3A_1322 = arith.muli %scan3A_1319, %mul3A_1321 : i32
        %get3A_1323 = arith.constant 0 : i32
        %get3A_1324 = arith.index_cast %get3A_1323 : i32 to index
        %get3A_1325 = arith.index_cast %mul3A_1322 : i32 to index
        %get3A_1326 = tpu.vector_load %arg9[%get3A_1324, %get3A_1325] {strides = array<i32>} : memref<2x2048xi32, #tpu.memory_space<vmem>>, vector<16xi32>,
        %mul3A_1327 = arith.constant 16 : i32
        %mul3A_1328 = arith.muli %scan3A_1319, %mul3A_1327 : i32
        %get3A_1329 = arith.constant 1 : i32
        %get3A_1330 = arith.index_cast %get3A_1329 : i32 to index
        %get3A_1331 = arith.index_cast %mul3A_1328 : i32 to index
        %get3A_1332 = tpu.vector_load %arg9[%get3A_1330, %get3A_1331] {strides = array<i32>} : memref<2x2048xi32, #tpu.memory_space<vmem>>, vector<16xi32>,
        %add3A_1333 = arith.addi %get3A_1326, %get3A_1332 : vector<16xi32>
        %mul3A_1334 = arith.constant 16 : i32
        %mul3A_1335 = arith.muli %scan3A_1319, %mul3A_1334 : i32
        %swap3A_1336 = arith.index_cast %mul3A_1335 : i32 to index
        %swap3A_1337 = tpu.vector_load %arg10[%swap3A_1336] {strides = array<i32>} : memref<2048xi32, #tpu.memory_space<vmem>>, vector<16xi32>,
        tpu.vector_store %arg10[%swap3A_1336], %add3A_1333 {strides = array<i32>} : memref<2048xi32, #tpu.memory_space<vmem>>, vector<16xi32>,
        %scan3A_1338 = arith.constant 0 : i32
        scf.yield %scan3A_1338 : i32
      }
      %scan3A_746 = arith.constant 128 : i32
      %broadcast_in_dim3A_747 = arith.constant -1 : i32
      %broadcast_in_dim3A_748 = vector.broadcast %broadcast_in_dim3A_747 : i32 to vector<16xi32>
      %scan3A_749 = arith.constant 0 : i32
      %scan3A_750 = arith.constant 0 : i32
      %scan3A_751 = arith.constant 128 : i32
      %scan3A_752 = arith.addi %scan3A_750, %scan3A_751 : i32
      %scan3A_753 = arith.constant 1 : i32
      %scan3A_754:2 = scf.for %scan3A_1319 = %scan3A_750 to %scan3A_752 step %scan3A_753 iter_args(%scan3A_1320 = %scan3A_749, %scan3A_1321 = %broadcast_in_dim3A_748) -> (i32, vector<16xi32>)  : i32 {
        %sub3A_1322 = arith.constant 127 : i32
        %sub3A_1323 = arith.subi %sub3A_1322, %scan3A_1319 : i32
        %mul3A_1324 = arith.constant 16 : i32
        %mul3A_1325 = arith.muli %sub3A_1323, %mul3A_1324 : i32
        %get3A_1326 = arith.index_cast %mul3A_1325 : i32 to index
        %get3A_1327 = tpu.vector_load %arg10[%get3A_1326] {strides = array<i32>} : memref<2048xi32, #tpu.memory_space<vmem>>, vector<16xi32>,
        %broadcast_in_dim3A_1328 = arith.constant true
        %broadcast_in_dim3A_1329 = vector.broadcast %broadcast_in_dim3A_1328 : i1 to vector<16xi1>
        %masked_cumsum3A = tpu.scan <sum>, %get3A_1327 masked %broadcast_in_dim3A_1329 : vector<16xi32>, vector<16xi1> -> vector<16xi32>
        %slice3A_1330 = vector.extract_strided_slice %masked_cumsum3A {offsets = [15], sizes = [1], strides = [1]} : vector<16xi32> to vector<1xi32>
        %squeeze3A_1331 = vector.extract %slice3A_1330[0] : i32 from vector<1xi32>
        %sub3A_1332 = vector.broadcast %squeeze3A_1331 : i32 to vector<16xi32>
        %sub3A_1333 = arith.subi %sub3A_1332, %masked_cumsum3A : vector<16xi32>
        %add3A_1334 = arith.addi %sub3A_1333, %get3A_1327 : vector<16xi32>
        %add3A_1335 = vector.broadcast %scan3A_1320 : i32 to vector<16xi32>
        %add3A_1336 = arith.addi %add3A_1335, %add3A_1334 : vector<16xi32>
        %mul3A_1337 = arith.constant 16 : i32
        %mul3A_1338 = arith.muli %sub3A_1323, %mul3A_1337 : i32
        %add3A_1339 = vector.broadcast %mul3A_1338 : i32 to vector<16xi32>
        %add3A_1340 = arith.addi %iota3A, %add3A_1339 : vector<16xi32>
        %ge3A_1341 = arith.constant 512 : i32
        %ge3A_1342 = vector.broadcast %ge3A_1341 : i32 to vector<16xi32>
        %ge3A_1343 = arith.cmpi sge, %add3A_1336, %ge3A_1342 : vector<16xi32>
        %jit3A = arith.constant -1 : i32
        %broadcast_in_dim3A_1344 = vector.broadcast %jit3A : i32 to vector<16xi32>
        %select_n3A_1345 = arith.select %ge3A_1343, %add3A_1340, %broadcast_in_dim3A_1344 : vector<16xi1>, vector<16xi32>
        %add3A_1346 = arith.addi %scan3A_1320, %squeeze3A_1331 : i32
        %max3A = arith.maxsi %scan3A_1321, %select_n3A_1345 : vector<16xi32>
        scf.yield %add3A_1346, %max3A : i32, vector<16xi32>
      }
      %scan3A_755 = arith.constant 128 : i32
      %reduce_max3A = arith.constant true
      %reduce_max3A_756 = vector.broadcast %reduce_max3A : i1 to vector<16xi1>
      %reduce_max3A_757 = arith.constant -2147483648 : i32
      %reduce_max3A_758 = vector.broadcast %reduce_max3A_757 : i32 to vector<16xi32>
      %reduce_max3A_759 = arith.xori %scan3A_754#1, %reduce_max3A_758 : vector<16xi32>
      %reduce_max3A_760 = tpu.scan <max>, %reduce_max3A_759 masked %reduce_max3A_756 : vector<16xi32>, vector<16xi1> -> vector<16xi32>
      %reduce_max3A_761 = arith.xori %reduce_max3A_760, %reduce_max3A_758 : vector<16xi32>
      %reduce_max3A_762 = vector.extract %reduce_max3A_761[15] : i32 from vector<16xi32>
      %scan3A_763 = arith.constant 0 : i32
      %scan3A_764 = arith.constant 128 : i32
      %scan3A_765 = arith.addi %scan3A_763, %scan3A_764 : i32
      %scan3A_766 = arith.constant 1 : i32
      %scan3A_767:2 = scf.for %scan3A_1319 = %scan3A_763 to %scan3A_765 step %scan3A_766 iter_args(%scan3A_1320 = %broadcast_in_dim3A_5, %scan3A_1321 = %broadcast_in_dim3A_5) -> (vector<16xi32>, vector<16xi32>)  : i32 {
        %mul3A_1322 = arith.constant 16 : i32
        %mul3A_1323 = arith.muli %scan3A_1319, %mul3A_1322 : i32
        %get3A_1324 = arith.index_cast %mul3A_1323 : i32 to index
        %get3A_1325 = tpu.vector_load %arg10[%get3A_1324] {strides = array<i32>} : memref<2048xi32, #tpu.memory_space<vmem>>, vector<16xi32>,
        %mul3A_1326 = arith.constant 16 : i32
        %mul3A_1327 = arith.muli %scan3A_1319, %mul3A_1326 : i32
        %add3A_1328 = vector.broadcast %mul3A_1327 : i32 to vector<16xi32>
        %add3A_1329 = arith.addi %iota3A, %add3A_1328 : vector<16xi32>
        %gt3A_1330 = vector.broadcast %reduce_max3A_762 : i32 to vector<16xi32>
        %gt3A_1331 = arith.cmpi sgt, %add3A_1329, %gt3A_1330 : vector<16xi32>
        %select_n3A_1332 = arith.select %gt3A_1331, %get3A_1325, %broadcast_in_dim3A_5 : vector<16xi1>, vector<16xi32>
        %add3A_1333 = arith.addi %scan3A_1320, %select_n3A_1332 : vector<16xi32>
        %eq3A_1334 = vector.broadcast %reduce_max3A_762 : i32 to vector<16xi32>
        %eq3A_1335 = arith.cmpi eq, %add3A_1329, %eq3A_1334 : vector<16xi32>
        %select_n3A_1336 = arith.select %eq3A_1335, %get3A_1325, %broadcast_in_dim3A_5 : vector<16xi1>, vector<16xi32>
        %add3A_1337 = arith.addi %scan3A_1321, %select_n3A_1336 : vector<16xi32>
        scf.yield %add3A_1333, %add3A_1337 : vector<16xi32>, vector<16xi32>
      }
      %scan3A_768 = arith.constant 128 : i32
      %reduce_sum3A = arith.constant true
      %reduce_sum3A_769 = vector.broadcast %reduce_sum3A : i1 to vector<16xi1>
      %reduce_sum3A_770 = tpu.scan <sum>, %scan3A_767#0 masked %reduce_sum3A_769 : vector<16xi32>, vector<16xi1> -> vector<16xi32>
      %reduce_sum3A_771 = vector.extract %reduce_sum3A_770[15] : i32 from vector<16xi32>
      %sub3A_772 = arith.constant 512 : i32
      %sub3A_773 = arith.subi %sub3A_772, %reduce_sum3A_771 : i32
      %broadcast_in_dim3A_774 = arith.constant -2147483648 : i32
      %broadcast_in_dim3A_775 = vector.broadcast %broadcast_in_dim3A_774 : i32 to vector<16xi32>
      %broadcast_in_dim3A_776 = arith.constant 1000448 : i32
      %broadcast_in_dim3A_777 = vector.broadcast %broadcast_in_dim3A_776 : i32 to vector<16xi32>
      %swap3A_778 = arith.constant 0 : index
      %swap3A_779 = tpu.vector_load %arg11[%swap3A_778] {strides = array<i32>} : memref<544xi32, #tpu.memory_space<vmem>>, vector<16xi32>,
      tpu.vector_store %arg11[%swap3A_778], %broadcast_in_dim3A_775 {strides = array<i32>} : memref<544xi32, #tpu.memory_space<vmem>>, vector<16xi32>,
      %swap3A_780 = arith.constant 0 : index
      %swap3A_781 = tpu.vector_load %arg12[%swap3A_780] {strides = array<i32>} : memref<544xi32, #tpu.memory_space<vmem>>, vector<16xi32>,
      tpu.vector_store %arg12[%swap3A_780], %broadcast_in_dim3A_777 {strides = array<i32>} : memref<544xi32, #tpu.memory_space<vmem>>, vector<16xi32>,
      %swap3A_782 = arith.constant 16 : index
      %swap3A_783 = tpu.vector_load %arg11[%swap3A_782] {strides = array<i32>} : memref<544xi32, #tpu.memory_space<vmem>>, vector<16xi32>,
      tpu.vector_store %arg11[%swap3A_782], %broadcast_in_dim3A_775 {strides = array<i32>} : memref<544xi32, #tpu.memory_space<vmem>>, vector<16xi32>,
      %swap3A_784 = arith.constant 16 : index
      %swap3A_785 = tpu.vector_load %arg12[%swap3A_784] {strides = array<i32>} : memref<544xi32, #tpu.memory_space<vmem>>, vector<16xi32>,
      tpu.vector_store %arg12[%swap3A_784], %broadcast_in_dim3A_777 {strides = array<i32>} : memref<544xi32, #tpu.memory_space<vmem>>, vector<16xi32>,
      %swap3A_786 = arith.constant 32 : index
      %swap3A_787 = tpu.vector_load %arg11[%swap3A_786] {strides = array<i32>} : memref<544xi32, #tpu.memory_space<vmem>>, vector<16xi32>,
      tpu.vector_store %arg11[%swap3A_786], %broadcast_in_dim3A_775 {strides = array<i32>} : memref<544xi32, #tpu.memory_space<vmem>>, vector<16xi32>,
      %swap3A_788 = arith.constant 32 : index
      %swap3A_789 = tpu.vector_load %arg12[%swap3A_788] {strides = array<i32>} : memref<544xi32, #tpu.memory_space<vmem>>, vector<16xi32>,
      tpu.vector_store %arg12[%swap3A_788], %broadcast_in_dim3A_777 {strides = array<i32>} : memref<544xi32, #tpu.memory_space<vmem>>, vector<16xi32>,
      %swap3A_790 = arith.constant 48 : index
      %swap3A_791 = tpu.vector_load %arg11[%swap3A_790] {strides = array<i32>} : memref<544xi32, #tpu.memory_space<vmem>>, vector<16xi32>,
      tpu.vector_store %arg11[%swap3A_790], %broadcast_in_dim3A_775 {strides = array<i32>} : memref<544xi32, #tpu.memory_space<vmem>>, vector<16xi32>,
      %swap3A_792 = arith.constant 48 : index
      %swap3A_793 = tpu.vector_load %arg12[%swap3A_792] {strides = array<i32>} : memref<544xi32, #tpu.memory_space<vmem>>, vector<16xi32>,
      tpu.vector_store %arg12[%swap3A_792], %broadcast_in_dim3A_777 {strides = array<i32>} : memref<544xi32, #tpu.memory_space<vmem>>, vector<16xi32>,
      %swap3A_794 = arith.constant 64 : index
      %swap3A_795 = tpu.vector_load %arg11[%swap3A_794] {strides = array<i32>} : memref<544xi32, #tpu.memory_space<vmem>>, vector<16xi32>,
      tpu.vector_store %arg11[%swap3A_794], %broadcast_in_dim3A_775 {strides = array<i32>} : memref<544xi32, #tpu.memory_space<vmem>>, vector<16xi32>,
      %swap3A_796 = arith.constant 64 : index
      %swap3A_797 = tpu.vector_load %arg12[%swap3A_796] {strides = array<i32>} : memref<544xi32, #tpu.memory_space<vmem>>, vector<16xi32>,
      tpu.vector_store %arg12[%swap3A_796], %broadcast_in_dim3A_777 {strides = array<i32>} : memref<544xi32, #tpu.memory_space<vmem>>, vector<16xi32>,
      %swap3A_798 = arith.constant 80 : index
      %swap3A_799 = tpu.vector_load %arg11[%swap3A_798] {strides = array<i32>} : memref<544xi32, #tpu.memory_space<vmem>>, vector<16xi32>,
      tpu.vector_store %arg11[%swap3A_798], %broadcast_in_dim3A_775 {strides = array<i32>} : memref<544xi32, #tpu.memory_space<vmem>>, vector<16xi32>,
      %swap3A_800 = arith.constant 80 : index
      %swap3A_801 = tpu.vector_load %arg12[%swap3A_800] {strides = array<i32>} : memref<544xi32, #tpu.memory_space<vmem>>, vector<16xi32>,
      tpu.vector_store %arg12[%swap3A_800], %broadcast_in_dim3A_777 {strides = array<i32>} : memref<544xi32, #tpu.memory_space<vmem>>, vector<16xi32>,
      %swap3A_802 = arith.constant 96 : index
      %swap3A_803 = tpu.vector_load %arg11[%swap3A_802] {strides = array<i32>} : memref<544xi32, #tpu.memory_space<vmem>>, vector<16xi32>,
      tpu.vector_store %arg11[%swap3A_802], %broadcast_in_dim3A_775 {strides = array<i32>} : memref<544xi32, #tpu.memory_space<vmem>>, vector<16xi32>,
      %swap3A_804 = arith.constant 96 : index
      %swap3A_805 = tpu.vector_load %arg12[%swap3A_804] {strides = array<i32>} : memref<544xi32, #tpu.memory_space<vmem>>, vector<16xi32>,
      tpu.vector_store %arg12[%swap3A_804], %broadcast_in_dim3A_777 {strides = array<i32>} : memref<544xi32, #tpu.memory_space<vmem>>, vector<16xi32>,
      %swap3A_806 = arith.constant 112 : index
      %swap3A_807 = tpu.vector_load %arg11[%swap3A_806] {strides = array<i32>} : memref<544xi32, #tpu.memory_space<vmem>>, vector<16xi32>,
      tpu.vector_store %arg11[%swap3A_806], %broadcast_in_dim3A_775 {strides = array<i32>} : memref<544xi32, #tpu.memory_space<vmem>>, vector<16xi32>,
      %swap3A_808 = arith.constant 112 : index
      %swap3A_809 = tpu.vector_load %arg12[%swap3A_808] {strides = array<i32>} : memref<544xi32, #tpu.memory_space<vmem>>, vector<16xi32>,
      tpu.vector_store %arg12[%swap3A_808], %broadcast_in_dim3A_777 {strides = array<i32>} : memref<544xi32, #tpu.memory_space<vmem>>, vector<16xi32>,
      %swap3A_810 = arith.constant 128 : index
      %swap3A_811 = tpu.vector_load %arg11[%swap3A_810] {strides = array<i32>} : memref<544xi32, #tpu.memory_space<vmem>>, vector<16xi32>,
      tpu.vector_store %arg11[%swap3A_810], %broadcast_in_dim3A_775 {strides = array<i32>} : memref<544xi32, #tpu.memory_space<vmem>>, vector<16xi32>,
      %swap3A_812 = arith.constant 128 : index
      %swap3A_813 = tpu.vector_load %arg12[%swap3A_812] {strides = array<i32>} : memref<544xi32, #tpu.memory_space<vmem>>, vector<16xi32>,
      tpu.vector_store %arg12[%swap3A_812], %broadcast_in_dim3A_777 {strides = array<i32>} : memref<544xi32, #tpu.memory_space<vmem>>, vector<16xi32>,
      %swap3A_814 = arith.constant 144 : index
      %swap3A_815 = tpu.vector_load %arg11[%swap3A_814] {strides = array<i32>} : memref<544xi32, #tpu.memory_space<vmem>>, vector<16xi32>,
      tpu.vector_store %arg11[%swap3A_814], %broadcast_in_dim3A_775 {strides = array<i32>} : memref<544xi32, #tpu.memory_space<vmem>>, vector<16xi32>,
      %swap3A_816 = arith.constant 144 : index
      %swap3A_817 = tpu.vector_load %arg12[%swap3A_816] {strides = array<i32>} : memref<544xi32, #tpu.memory_space<vmem>>, vector<16xi32>,
      tpu.vector_store %arg12[%swap3A_816], %broadcast_in_dim3A_777 {strides = array<i32>} : memref<544xi32, #tpu.memory_space<vmem>>, vector<16xi32>,
      %swap3A_818 = arith.constant 160 : index
      %swap3A_819 = tpu.vector_load %arg11[%swap3A_818] {strides = array<i32>} : memref<544xi32, #tpu.memory_space<vmem>>, vector<16xi32>,
      tpu.vector_store %arg11[%swap3A_818], %broadcast_in_dim3A_775 {strides = array<i32>} : memref<544xi32, #tpu.memory_space<vmem>>, vector<16xi32>,
      %swap3A_820 = arith.constant 160 : index
      %swap3A_821 = tpu.vector_load %arg12[%swap3A_820] {strides = array<i32>} : memref<544xi32, #tpu.memory_space<vmem>>, vector<16xi32>,
      tpu.vector_store %arg12[%swap3A_820], %broadcast_in_dim3A_777 {strides = array<i32>} : memref<544xi32, #tpu.memory_space<vmem>>, vector<16xi32>,
      %swap3A_822 = arith.constant 176 : index
      %swap3A_823 = tpu.vector_load %arg11[%swap3A_822] {strides = array<i32>} : memref<544xi32, #tpu.memory_space<vmem>>, vector<16xi32>,
      tpu.vector_store %arg11[%swap3A_822], %broadcast_in_dim3A_775 {strides = array<i32>} : memref<544xi32, #tpu.memory_space<vmem>>, vector<16xi32>,
      %swap3A_824 = arith.constant 176 : index
      %swap3A_825 = tpu.vector_load %arg12[%swap3A_824] {strides = array<i32>} : memref<544xi32, #tpu.memory_space<vmem>>, vector<16xi32>,
      tpu.vector_store %arg12[%swap3A_824], %broadcast_in_dim3A_777 {strides = array<i32>} : memref<544xi32, #tpu.memory_space<vmem>>, vector<16xi32>,
      %swap3A_826 = arith.constant 192 : index
      %swap3A_827 = tpu.vector_load %arg11[%swap3A_826] {strides = array<i32>} : memref<544xi32, #tpu.memory_space<vmem>>, vector<16xi32>,
      tpu.vector_store %arg11[%swap3A_826], %broadcast_in_dim3A_775 {strides = array<i32>} : memref<544xi32, #tpu.memory_space<vmem>>, vector<16xi32>,
      %swap3A_828 = arith.constant 192 : index
      %swap3A_829 = tpu.vector_load %arg12[%swap3A_828] {strides = array<i32>} : memref<544xi32, #tpu.memory_space<vmem>>, vector<16xi32>,
      tpu.vector_store %arg12[%swap3A_828], %broadcast_in_dim3A_777 {strides = array<i32>} : memref<544xi32, #tpu.memory_space<vmem>>, vector<16xi32>,
      %swap3A_830 = arith.constant 208 : index
      %swap3A_831 = tpu.vector_load %arg11[%swap3A_830] {strides = array<i32>} : memref<544xi32, #tpu.memory_space<vmem>>, vector<16xi32>,
      tpu.vector_store %arg11[%swap3A_830], %broadcast_in_dim3A_775 {strides = array<i32>} : memref<544xi32, #tpu.memory_space<vmem>>, vector<16xi32>,
      %swap3A_832 = arith.constant 208 : index
      %swap3A_833 = tpu.vector_load %arg12[%swap3A_832] {strides = array<i32>} : memref<544xi32, #tpu.memory_space<vmem>>, vector<16xi32>,
      tpu.vector_store %arg12[%swap3A_832], %broadcast_in_dim3A_777 {strides = array<i32>} : memref<544xi32, #tpu.memory_space<vmem>>, vector<16xi32>,
      %swap3A_834 = arith.constant 224 : index
      %swap3A_835 = tpu.vector_load %arg11[%swap3A_834] {strides = array<i32>} : memref<544xi32, #tpu.memory_space<vmem>>, vector<16xi32>,
      tpu.vector_store %arg11[%swap3A_834], %broadcast_in_dim3A_775 {strides = array<i32>} : memref<544xi32, #tpu.memory_space<vmem>>, vector<16xi32>,
      %swap3A_836 = arith.constant 224 : index
      %swap3A_837 = tpu.vector_load %arg12[%swap3A_836] {strides = array<i32>} : memref<544xi32, #tpu.memory_space<vmem>>, vector<16xi32>,
      tpu.vector_store %arg12[%swap3A_836], %broadcast_in_dim3A_777 {strides = array<i32>} : memref<544xi32, #tpu.memory_space<vmem>>, vector<16xi32>,
      %swap3A_838 = arith.constant 240 : index
      %swap3A_839 = tpu.vector_load %arg11[%swap3A_838] {strides = array<i32>} : memref<544xi32, #tpu.memory_space<vmem>>, vector<16xi32>,
      tpu.vector_store %arg11[%swap3A_838], %broadcast_in_dim3A_775 {strides = array<i32>} : memref<544xi32, #tpu.memory_space<vmem>>, vector<16xi32>,
      %swap3A_840 = arith.constant 240 : index
      %swap3A_841 = tpu.vector_load %arg12[%swap3A_840] {strides = array<i32>} : memref<544xi32, #tpu.memory_space<vmem>>, vector<16xi32>,
      tpu.vector_store %arg12[%swap3A_840], %broadcast_in_dim3A_777 {strides = array<i32>} : memref<544xi32, #tpu.memory_space<vmem>>, vector<16xi32>,
      %swap3A_842 = arith.constant 256 : index
      %swap3A_843 = tpu.vector_load %arg11[%swap3A_842] {strides = array<i32>} : memref<544xi32, #tpu.memory_space<vmem>>, vector<16xi32>,
      tpu.vector_store %arg11[%swap3A_842], %broadcast_in_dim3A_775 {strides = array<i32>} : memref<544xi32, #tpu.memory_space<vmem>>, vector<16xi32>,
      %swap3A_844 = arith.constant 256 : index
      %swap3A_845 = tpu.vector_load %arg12[%swap3A_844] {strides = array<i32>} : memref<544xi32, #tpu.memory_space<vmem>>, vector<16xi32>,
      tpu.vector_store %arg12[%swap3A_844], %broadcast_in_dim3A_777 {strides = array<i32>} : memref<544xi32, #tpu.memory_space<vmem>>, vector<16xi32>,
      %swap3A_846 = arith.constant 272 : index
      %swap3A_847 = tpu.vector_load %arg11[%swap3A_846] {strides = array<i32>} : memref<544xi32, #tpu.memory_space<vmem>>, vector<16xi32>,
      tpu.vector_store %arg11[%swap3A_846], %broadcast_in_dim3A_775 {strides = array<i32>} : memref<544xi32, #tpu.memory_space<vmem>>, vector<16xi32>,
      %swap3A_848 = arith.constant 272 : index
      %swap3A_849 = tpu.vector_load %arg12[%swap3A_848] {strides = array<i32>} : memref<544xi32, #tpu.memory_space<vmem>>, vector<16xi32>,
      tpu.vector_store %arg12[%swap3A_848], %broadcast_in_dim3A_777 {strides = array<i32>} : memref<544xi32, #tpu.memory_space<vmem>>, vector<16xi32>,
      %swap3A_850 = arith.constant 288 : index
      %swap3A_851 = tpu.vector_load %arg11[%swap3A_850] {strides = array<i32>} : memref<544xi32, #tpu.memory_space<vmem>>, vector<16xi32>,
      tpu.vector_store %arg11[%swap3A_850], %broadcast_in_dim3A_775 {strides = array<i32>} : memref<544xi32, #tpu.memory_space<vmem>>, vector<16xi32>,
      %swap3A_852 = arith.constant 288 : index
      %swap3A_853 = tpu.vector_load %arg12[%swap3A_852] {strides = array<i32>} : memref<544xi32, #tpu.memory_space<vmem>>, vector<16xi32>,
      tpu.vector_store %arg12[%swap3A_852], %broadcast_in_dim3A_777 {strides = array<i32>} : memref<544xi32, #tpu.memory_space<vmem>>, vector<16xi32>,
      %swap3A_854 = arith.constant 304 : index
      %swap3A_855 = tpu.vector_load %arg11[%swap3A_854] {strides = array<i32>} : memref<544xi32, #tpu.memory_space<vmem>>, vector<16xi32>,
      tpu.vector_store %arg11[%swap3A_854], %broadcast_in_dim3A_775 {strides = array<i32>} : memref<544xi32, #tpu.memory_space<vmem>>, vector<16xi32>,
      %swap3A_856 = arith.constant 304 : index
      %swap3A_857 = tpu.vector_load %arg12[%swap3A_856] {strides = array<i32>} : memref<544xi32, #tpu.memory_space<vmem>>, vector<16xi32>,
      tpu.vector_store %arg12[%swap3A_856], %broadcast_in_dim3A_777 {strides = array<i32>} : memref<544xi32, #tpu.memory_space<vmem>>, vector<16xi32>,
      %swap3A_858 = arith.constant 320 : index
      %swap3A_859 = tpu.vector_load %arg11[%swap3A_858] {strides = array<i32>} : memref<544xi32, #tpu.memory_space<vmem>>, vector<16xi32>,
      tpu.vector_store %arg11[%swap3A_858], %broadcast_in_dim3A_775 {strides = array<i32>} : memref<544xi32, #tpu.memory_space<vmem>>, vector<16xi32>,
      %swap3A_860 = arith.constant 320 : index
      %swap3A_861 = tpu.vector_load %arg12[%swap3A_860] {strides = array<i32>} : memref<544xi32, #tpu.memory_space<vmem>>, vector<16xi32>,
      tpu.vector_store %arg12[%swap3A_860], %broadcast_in_dim3A_777 {strides = array<i32>} : memref<544xi32, #tpu.memory_space<vmem>>, vector<16xi32>,
      %swap3A_862 = arith.constant 336 : index
      %swap3A_863 = tpu.vector_load %arg11[%swap3A_862] {strides = array<i32>} : memref<544xi32, #tpu.memory_space<vmem>>, vector<16xi32>,
      tpu.vector_store %arg11[%swap3A_862], %broadcast_in_dim3A_775 {strides = array<i32>} : memref<544xi32, #tpu.memory_space<vmem>>, vector<16xi32>,
      %swap3A_864 = arith.constant 336 : index
      %swap3A_865 = tpu.vector_load %arg12[%swap3A_864] {strides = array<i32>} : memref<544xi32, #tpu.memory_space<vmem>>, vector<16xi32>,
      tpu.vector_store %arg12[%swap3A_864], %broadcast_in_dim3A_777 {strides = array<i32>} : memref<544xi32, #tpu.memory_space<vmem>>, vector<16xi32>,
      %swap3A_866 = arith.constant 352 : index
      %swap3A_867 = tpu.vector_load %arg11[%swap3A_866] {strides = array<i32>} : memref<544xi32, #tpu.memory_space<vmem>>, vector<16xi32>,
      tpu.vector_store %arg11[%swap3A_866], %broadcast_in_dim3A_775 {strides = array<i32>} : memref<544xi32, #tpu.memory_space<vmem>>, vector<16xi32>,
      %swap3A_868 = arith.constant 352 : index
      %swap3A_869 = tpu.vector_load %arg12[%swap3A_868] {strides = array<i32>} : memref<544xi32, #tpu.memory_space<vmem>>, vector<16xi32>,
      tpu.vector_store %arg12[%swap3A_868], %broadcast_in_dim3A_777 {strides = array<i32>} : memref<544xi32, #tpu.memory_space<vmem>>, vector<16xi32>,
      %swap3A_870 = arith.constant 368 : index
      %swap3A_871 = tpu.vector_load %arg11[%swap3A_870] {strides = array<i32>} : memref<544xi32, #tpu.memory_space<vmem>>, vector<16xi32>,
      tpu.vector_store %arg11[%swap3A_870], %broadcast_in_dim3A_775 {strides = array<i32>} : memref<544xi32, #tpu.memory_space<vmem>>, vector<16xi32>,
      %swap3A_872 = arith.constant 368 : index
      %swap3A_873 = tpu.vector_load %arg12[%swap3A_872] {strides = array<i32>} : memref<544xi32, #tpu.memory_space<vmem>>, vector<16xi32>,
      tpu.vector_store %arg12[%swap3A_872], %broadcast_in_dim3A_777 {strides = array<i32>} : memref<544xi32, #tpu.memory_space<vmem>>, vector<16xi32>,
      %swap3A_874 = arith.constant 384 : index
      %swap3A_875 = tpu.vector_load %arg11[%swap3A_874] {strides = array<i32>} : memref<544xi32, #tpu.memory_space<vmem>>, vector<16xi32>,
      tpu.vector_store %arg11[%swap3A_874], %broadcast_in_dim3A_775 {strides = array<i32>} : memref<544xi32, #tpu.memory_space<vmem>>, vector<16xi32>,
      %swap3A_876 = arith.constant 384 : index
      %swap3A_877 = tpu.vector_load %arg12[%swap3A_876] {strides = array<i32>} : memref<544xi32, #tpu.memory_space<vmem>>, vector<16xi32>,
      tpu.vector_store %arg12[%swap3A_876], %broadcast_in_dim3A_777 {strides = array<i32>} : memref<544xi32, #tpu.memory_space<vmem>>, vector<16xi32>,
      %swap3A_878 = arith.constant 400 : index
      %swap3A_879 = tpu.vector_load %arg11[%swap3A_878] {strides = array<i32>} : memref<544xi32, #tpu.memory_space<vmem>>, vector<16xi32>,
      tpu.vector_store %arg11[%swap3A_878], %broadcast_in_dim3A_775 {strides = array<i32>} : memref<544xi32, #tpu.memory_space<vmem>>, vector<16xi32>,
      %swap3A_880 = arith.constant 400 : index
      %swap3A_881 = tpu.vector_load %arg12[%swap3A_880] {strides = array<i32>} : memref<544xi32, #tpu.memory_space<vmem>>, vector<16xi32>,
      tpu.vector_store %arg12[%swap3A_880], %broadcast_in_dim3A_777 {strides = array<i32>} : memref<544xi32, #tpu.memory_space<vmem>>, vector<16xi32>,
      %swap3A_882 = arith.constant 416 : index
      %swap3A_883 = tpu.vector_load %arg11[%swap3A_882] {strides = array<i32>} : memref<544xi32, #tpu.memory_space<vmem>>, vector<16xi32>,
      tpu.vector_store %arg11[%swap3A_882], %broadcast_in_dim3A_775 {strides = array<i32>} : memref<544xi32, #tpu.memory_space<vmem>>, vector<16xi32>,
      %swap3A_884 = arith.constant 416 : index
      %swap3A_885 = tpu.vector_load %arg12[%swap3A_884] {strides = array<i32>} : memref<544xi32, #tpu.memory_space<vmem>>, vector<16xi32>,
      tpu.vector_store %arg12[%swap3A_884], %broadcast_in_dim3A_777 {strides = array<i32>} : memref<544xi32, #tpu.memory_space<vmem>>, vector<16xi32>,
      %swap3A_886 = arith.constant 432 : index
      %swap3A_887 = tpu.vector_load %arg11[%swap3A_886] {strides = array<i32>} : memref<544xi32, #tpu.memory_space<vmem>>, vector<16xi32>,
      tpu.vector_store %arg11[%swap3A_886], %broadcast_in_dim3A_775 {strides = array<i32>} : memref<544xi32, #tpu.memory_space<vmem>>, vector<16xi32>,
      %swap3A_888 = arith.constant 432 : index
      %swap3A_889 = tpu.vector_load %arg12[%swap3A_888] {strides = array<i32>} : memref<544xi32, #tpu.memory_space<vmem>>, vector<16xi32>,
      tpu.vector_store %arg12[%swap3A_888], %broadcast_in_dim3A_777 {strides = array<i32>} : memref<544xi32, #tpu.memory_space<vmem>>, vector<16xi32>,
      %swap3A_890 = arith.constant 448 : index
      %swap3A_891 = tpu.vector_load %arg11[%swap3A_890] {strides = array<i32>} : memref<544xi32, #tpu.memory_space<vmem>>, vector<16xi32>,
      tpu.vector_store %arg11[%swap3A_890], %broadcast_in_dim3A_775 {strides = array<i32>} : memref<544xi32, #tpu.memory_space<vmem>>, vector<16xi32>,
      %swap3A_892 = arith.constant 448 : index
      %swap3A_893 = tpu.vector_load %arg12[%swap3A_892] {strides = array<i32>} : memref<544xi32, #tpu.memory_space<vmem>>, vector<16xi32>,
      tpu.vector_store %arg12[%swap3A_892], %broadcast_in_dim3A_777 {strides = array<i32>} : memref<544xi32, #tpu.memory_space<vmem>>, vector<16xi32>,
      %swap3A_894 = arith.constant 464 : index
      %swap3A_895 = tpu.vector_load %arg11[%swap3A_894] {strides = array<i32>} : memref<544xi32, #tpu.memory_space<vmem>>, vector<16xi32>,
      tpu.vector_store %arg11[%swap3A_894], %broadcast_in_dim3A_775 {strides = array<i32>} : memref<544xi32, #tpu.memory_space<vmem>>, vector<16xi32>,
      %swap3A_896 = arith.constant 464 : index
      %swap3A_897 = tpu.vector_load %arg12[%swap3A_896] {strides = array<i32>} : memref<544xi32, #tpu.memory_space<vmem>>, vector<16xi32>,
      tpu.vector_store %arg12[%swap3A_896], %broadcast_in_dim3A_777 {strides = array<i32>} : memref<544xi32, #tpu.memory_space<vmem>>, vector<16xi32>,
      %swap3A_898 = arith.constant 480 : index
      %swap3A_899 = tpu.vector_load %arg11[%swap3A_898] {strides = array<i32>} : memref<544xi32, #tpu.memory_space<vmem>>, vector<16xi32>,
      tpu.vector_store %arg11[%swap3A_898], %broadcast_in_dim3A_775 {strides = array<i32>} : memref<544xi32, #tpu.memory_space<vmem>>, vector<16xi32>,
      %swap3A_900 = arith.constant 480 : index
      %swap3A_901 = tpu.vector_load %arg12[%swap3A_900] {strides = array<i32>} : memref<544xi32, #tpu.memory_space<vmem>>, vector<16xi32>,
      tpu.vector_store %arg12[%swap3A_900], %broadcast_in_dim3A_777 {strides = array<i32>} : memref<544xi32, #tpu.memory_space<vmem>>, vector<16xi32>,
      %swap3A_902 = arith.constant 496 : index
      %swap3A_903 = tpu.vector_load %arg11[%swap3A_902] {strides = array<i32>} : memref<544xi32, #tpu.memory_space<vmem>>, vector<16xi32>,
      tpu.vector_store %arg11[%swap3A_902], %broadcast_in_dim3A_775 {strides = array<i32>} : memref<544xi32, #tpu.memory_space<vmem>>, vector<16xi32>,
      %swap3A_904 = arith.constant 496 : index
      %swap3A_905 = tpu.vector_load %arg12[%swap3A_904] {strides = array<i32>} : memref<544xi32, #tpu.memory_space<vmem>>, vector<16xi32>,
      tpu.vector_store %arg12[%swap3A_904], %broadcast_in_dim3A_777 {strides = array<i32>} : memref<544xi32, #tpu.memory_space<vmem>>, vector<16xi32>,
      %swap3A_906 = arith.constant 512 : index
      %swap3A_907 = tpu.vector_load %arg11[%swap3A_906] {strides = array<i32>} : memref<544xi32, #tpu.memory_space<vmem>>, vector<16xi32>,
      tpu.vector_store %arg11[%swap3A_906], %broadcast_in_dim3A_775 {strides = array<i32>} : memref<544xi32, #tpu.memory_space<vmem>>, vector<16xi32>,
      %swap3A_908 = arith.constant 512 : index
      %swap3A_909 = tpu.vector_load %arg12[%swap3A_908] {strides = array<i32>} : memref<544xi32, #tpu.memory_space<vmem>>, vector<16xi32>,
      tpu.vector_store %arg12[%swap3A_908], %broadcast_in_dim3A_777 {strides = array<i32>} : memref<544xi32, #tpu.memory_space<vmem>>, vector<16xi32>,
      %swap3A_910 = arith.constant 528 : index
      %swap3A_911 = tpu.vector_load %arg11[%swap3A_910] {strides = array<i32>} : memref<544xi32, #tpu.memory_space<vmem>>, vector<16xi32>,
      tpu.vector_store %arg11[%swap3A_910], %broadcast_in_dim3A_775 {strides = array<i32>} : memref<544xi32, #tpu.memory_space<vmem>>, vector<16xi32>,
      %swap3A_912 = arith.constant 528 : index
      %swap3A_913 = tpu.vector_load %arg12[%swap3A_912] {strides = array<i32>} : memref<544xi32, #tpu.memory_space<vmem>>, vector<16xi32>,
      tpu.vector_store %arg12[%swap3A_912], %broadcast_in_dim3A_777 {strides = array<i32>} : memref<544xi32, #tpu.memory_space<vmem>>, vector<16xi32>,
      %scan3A_914 = arith.constant 0 : i32
      %scan3A_915 = arith.constant 0 : i32
      %scan3A_916 = arith.constant 0 : i32
      %scan3A_917 = arith.constant 256 : i32
      %scan3A_918 = arith.addi %scan3A_916, %scan3A_917 : i32
      %scan3A_919 = arith.constant 2 : i32
      %scan3A_920:2 = scf.for %scan3A_1319 = %scan3A_916 to %scan3A_918 step %scan3A_919 iter_args(%scan3A_1320 = %scan3A_914, %scan3A_1321 = %scan3A_915) -> (i32, i32)  : i32 {
        %mul3A_1322 = arith.constant 16 : i32
        %mul3A_1323 = arith.muli %scan3A_1319, %mul3A_1322 : i32
        %get3A_1324 = arith.index_cast %mul3A_1323 : i32 to index
        %get3A_1325 = tpu.vector_load %arg7[%get3A_1324] {strides = array<i32>} : memref<4096xi32, #tpu.memory_space<vmem>>, vector<16xi32>,
        %mul3A_1326 = arith.constant 16 : i32
        %mul3A_1327 = arith.muli %scan3A_1319, %mul3A_1326 : i32
        %get3A_1328 = arith.index_cast %mul3A_1327 : i32 to index
        %get3A_1329 = tpu.vector_load %arg8[%get3A_1328] {strides = array<i32>} : memref<4096xi32, #tpu.memory_space<vmem>>, vector<16xi32>,
        %shift_right_arithmetic3A_1330 = arith.constant 21 : i32
        %shift_right_arithmetic3A_1331 = vector.broadcast %shift_right_arithmetic3A_1330 : i32 to vector<16xi32>
        %shift_right_arithmetic3A_1332 = arith.shrsi %get3A_1325, %shift_right_arithmetic3A_1331 : vector<16xi32>
        %add3A_1333 = arith.constant 1024 : i32
        %add3A_1334 = vector.broadcast %add3A_1333 : i32 to vector<16xi32>
        %add3A_1335 = arith.addi %shift_right_arithmetic3A_1332, %add3A_1334 : vector<16xi32>
        %gt3A_1336 = vector.broadcast %reduce_max3A_762 : i32 to vector<16xi32>
        %gt3A_1337 = arith.cmpi sgt, %add3A_1335, %gt3A_1336 : vector<16xi32>
        %min3A_1338 = arith.constant 528 : i32
        %min3A_1339 = arith.minsi %scan3A_1320, %min3A_1338 : i32
        %swap3A_1340 = arith.index_cast %min3A_1339 : i32 to index
        %swap3A_1341 = tpu.vector_load %arg11[%swap3A_1340] masked %gt3A_1337 {strides = array<i32>} : memref<544xi32, #tpu.memory_space<vmem>>, vector<16xi32>, vector<16xi1>
        tpu.vector_store %arg11[%swap3A_1340], %get3A_1325 masked %gt3A_1337 {strides = array<i32>} : memref<544xi32, #tpu.memory_space<vmem>>, vector<16xi32>, vector<16xi1>
        %swap3A_1342 = arith.index_cast %min3A_1339 : i32 to index
        %swap3A_1343 = tpu.vector_load %arg12[%swap3A_1342] masked %gt3A_1337 {strides = array<i32>} : memref<544xi32, #tpu.memory_space<vmem>>, vector<16xi32>, vector<16xi1>
        tpu.vector_store %arg12[%swap3A_1342], %get3A_1329 masked %gt3A_1337 {strides = array<i32>} : memref<544xi32, #tpu.memory_space<vmem>>, vector<16xi32>, vector<16xi1>
        %all_reduce_population_count3A_1344 = tpu.all_reduce %gt3A_1337 {dim = 0 : i64, kind = #tpu.reduction_kind<sum>} : vector<16xi1> -> vector<16xi32>
        %slice3A_1345 = vector.extract_strided_slice %all_reduce_population_count3A_1344 {offsets = [0], sizes = [1], strides = [1]} : vector<16xi32> to vector<1xi32>
        %squeeze3A_1346 = vector.extract %slice3A_1345[0] : i32 from vector<1xi32>
        %add3A_1347 = arith.addi %scan3A_1320, %squeeze3A_1346 : i32
        %eq3A_1348 = vector.broadcast %reduce_max3A_762 : i32 to vector<16xi32>
        %eq3A_1349 = arith.cmpi eq, %add3A_1335, %eq3A_1348 : vector<16xi32>
        %min3A_1350 = arith.constant 2032 : i32
        %min3A_1351 = arith.minsi %scan3A_1321, %min3A_1350 : i32
        %swap3A_1352 = arith.index_cast %min3A_1351 : i32 to index
        %swap3A_1353 = tpu.vector_load %arg13[%swap3A_1352] masked %eq3A_1349 {strides = array<i32>} : memref<2048xi32, #tpu.memory_space<vmem>>, vector<16xi32>, vector<16xi1>
        tpu.vector_store %arg13[%swap3A_1352], %get3A_1325 masked %eq3A_1349 {strides = array<i32>} : memref<2048xi32, #tpu.memory_space<vmem>>, vector<16xi32>, vector<16xi1>
        %swap3A_1354 = arith.index_cast %min3A_1351 : i32 to index
        %swap3A_1355 = tpu.vector_load %arg14[%swap3A_1354] masked %eq3A_1349 {strides = array<i32>} : memref<2048xi32, #tpu.memory_space<vmem>>, vector<16xi32>, vector<16xi1>
        tpu.vector_store %arg14[%swap3A_1354], %get3A_1329 masked %eq3A_1349 {strides = array<i32>} : memref<2048xi32, #tpu.memory_space<vmem>>, vector<16xi32>, vector<16xi1>
        %all_reduce_population_count3A_1356 = tpu.all_reduce %eq3A_1349 {dim = 0 : i64, kind = #tpu.reduction_kind<sum>} : vector<16xi1> -> vector<16xi32>
        %slice3A_1357 = vector.extract_strided_slice %all_reduce_population_count3A_1356 {offsets = [0], sizes = [1], strides = [1]} : vector<16xi32> to vector<1xi32>
        %squeeze3A_1358 = vector.extract %slice3A_1357[0] : i32 from vector<1xi32>
        %add3A_1359 = arith.addi %scan3A_1321, %squeeze3A_1358 : i32
        %scan3A_1360 = arith.constant 1 : i32
        %scan3A_1361 = arith.addi %scan3A_1319, %scan3A_1360 : i32
        %mul3A_1362 = arith.constant 16 : i32
        %mul3A_1363 = arith.muli %scan3A_1361, %mul3A_1362 : i32
        %get3A_1364 = arith.index_cast %mul3A_1363 : i32 to index
        %get3A_1365 = tpu.vector_load %arg7[%get3A_1364] {strides = array<i32>} : memref<4096xi32, #tpu.memory_space<vmem>>, vector<16xi32>,
        %mul3A_1366 = arith.constant 16 : i32
        %mul3A_1367 = arith.muli %scan3A_1361, %mul3A_1366 : i32
        %get3A_1368 = arith.index_cast %mul3A_1367 : i32 to index
        %get3A_1369 = tpu.vector_load %arg8[%get3A_1368] {strides = array<i32>} : memref<4096xi32, #tpu.memory_space<vmem>>, vector<16xi32>,
        %shift_right_arithmetic3A_1370 = arith.constant 21 : i32
        %shift_right_arithmetic3A_1371 = vector.broadcast %shift_right_arithmetic3A_1370 : i32 to vector<16xi32>
        %shift_right_arithmetic3A_1372 = arith.shrsi %get3A_1365, %shift_right_arithmetic3A_1371 : vector<16xi32>
        %add3A_1373 = arith.constant 1024 : i32
        %add3A_1374 = vector.broadcast %add3A_1373 : i32 to vector<16xi32>
        %add3A_1375 = arith.addi %shift_right_arithmetic3A_1372, %add3A_1374 : vector<16xi32>
        %gt3A_1376 = vector.broadcast %reduce_max3A_762 : i32 to vector<16xi32>
        %gt3A_1377 = arith.cmpi sgt, %add3A_1375, %gt3A_1376 : vector<16xi32>
        %min3A_1378 = arith.constant 528 : i32
        %min3A_1379 = arith.minsi %add3A_1347, %min3A_1378 : i32
        %swap3A_1380 = arith.index_cast %min3A_1379 : i32 to index
        %swap3A_1381 = tpu.vector_load %arg11[%swap3A_1380] masked %gt3A_1377 {strides = array<i32>} : memref<544xi32, #tpu.memory_space<vmem>>, vector<16xi32>, vector<16xi1>
        tpu.vector_store %arg11[%swap3A_1380], %get3A_1365 masked %gt3A_1377 {strides = array<i32>} : memref<544xi32, #tpu.memory_space<vmem>>, vector<16xi32>, vector<16xi1>
        %swap3A_1382 = arith.index_cast %min3A_1379 : i32 to index
        %swap3A_1383 = tpu.vector_load %arg12[%swap3A_1382] masked %gt3A_1377 {strides = array<i32>} : memref<544xi32, #tpu.memory_space<vmem>>, vector<16xi32>, vector<16xi1>
        tpu.vector_store %arg12[%swap3A_1382], %get3A_1369 masked %gt3A_1377 {strides = array<i32>} : memref<544xi32, #tpu.memory_space<vmem>>, vector<16xi32>, vector<16xi1>
        %all_reduce_population_count3A_1384 = tpu.all_reduce %gt3A_1377 {dim = 0 : i64, kind = #tpu.reduction_kind<sum>} : vector<16xi1> -> vector<16xi32>
        %slice3A_1385 = vector.extract_strided_slice %all_reduce_population_count3A_1384 {offsets = [0], sizes = [1], strides = [1]} : vector<16xi32> to vector<1xi32>
        %squeeze3A_1386 = vector.extract %slice3A_1385[0] : i32 from vector<1xi32>
        %add3A_1387 = arith.addi %add3A_1347, %squeeze3A_1386 : i32
        %eq3A_1388 = vector.broadcast %reduce_max3A_762 : i32 to vector<16xi32>
        %eq3A_1389 = arith.cmpi eq, %add3A_1375, %eq3A_1388 : vector<16xi32>
        %min3A_1390 = arith.constant 2032 : i32
        %min3A_1391 = arith.minsi %add3A_1359, %min3A_1390 : i32
        %swap3A_1392 = arith.index_cast %min3A_1391 : i32 to index
        %swap3A_1393 = tpu.vector_load %arg13[%swap3A_1392] masked %eq3A_1389 {strides = array<i32>} : memref<2048xi32, #tpu.memory_space<vmem>>, vector<16xi32>, vector<16xi1>
        tpu.vector_store %arg13[%swap3A_1392], %get3A_1365 masked %eq3A_1389 {strides = array<i32>} : memref<2048xi32, #tpu.memory_space<vmem>>, vector<16xi32>, vector<16xi1>
        %swap3A_1394 = arith.index_cast %min3A_1391 : i32 to index
        %swap3A_1395 = tpu.vector_load %arg14[%swap3A_1394] masked %eq3A_1389 {strides = array<i32>} : memref<2048xi32, #tpu.memory_space<vmem>>, vector<16xi32>, vector<16xi1>
        tpu.vector_store %arg14[%swap3A_1394], %get3A_1369 masked %eq3A_1389 {strides = array<i32>} : memref<2048xi32, #tpu.memory_space<vmem>>, vector<16xi32>, vector<16xi1>
        %all_reduce_population_count3A_1396 = tpu.all_reduce %eq3A_1389 {dim = 0 : i64, kind = #tpu.reduction_kind<sum>} : vector<16xi1> -> vector<16xi32>
        %slice3A_1397 = vector.extract_strided_slice %all_reduce_population_count3A_1396 {offsets = [0], sizes = [1], strides = [1]} : vector<16xi32> to vector<1xi32>
        %squeeze3A_1398 = vector.extract %slice3A_1397[0] : i32 from vector<1xi32>
        %add3A_1399 = arith.addi %add3A_1359, %squeeze3A_1398 : i32
        scf.yield %add3A_1387, %add3A_1399 : i32, i32
      }
      %scan3A_921 = arith.constant 256 : i32
      %scan3A_922 = arith.constant 0 : i32
      %scan3A_923 = arith.constant 0 : i32
      %scan3A_924 = arith.constant 256 : i32
      %scan3A_925 = arith.addi %scan3A_923, %scan3A_924 : i32
      %scan3A_926 = arith.constant 8 : i32
      %scan3A_927 = scf.for %scan3A_1319 = %scan3A_923 to %scan3A_925 step %scan3A_926 iter_args(%scan3A_1320 = %scan3A_922) -> (i32)  : i32 {
        %mul3A_1321 = arith.constant 16 : i32
        %mul3A_1322 = arith.muli %scan3A_1319, %mul3A_1321 : i32
        %swap3A_1323 = arith.index_cast %mul3A_1322 : i32 to index
        %swap3A_1324 = tpu.vector_load %arg15[%swap3A_1323] {strides = array<i32>} : memref<4096xi32, #tpu.memory_space<vmem>>, vector<16xi32>,
        tpu.vector_store %arg15[%swap3A_1323], %broadcast_in_dim3A_5 {strides = array<i32>} : memref<4096xi32, #tpu.memory_space<vmem>>, vector<16xi32>,
        %scan3A_1325 = arith.constant 0 : i32
        %scan3A_1326 = arith.constant 1 : i32
        %scan3A_1327 = arith.addi %scan3A_1319, %scan3A_1326 : i32
        %mul3A_1328 = arith.constant 16 : i32
        %mul3A_1329 = arith.muli %scan3A_1327, %mul3A_1328 : i32
        %swap3A_1330 = arith.index_cast %mul3A_1329 : i32 to index
        %swap3A_1331 = tpu.vector_load %arg15[%swap3A_1330] {strides = array<i32>} : memref<4096xi32, #tpu.memory_space<vmem>>, vector<16xi32>,
        tpu.vector_store %arg15[%swap3A_1330], %broadcast_in_dim3A_5 {strides = array<i32>} : memref<4096xi32, #tpu.memory_space<vmem>>, vector<16xi32>,
        %scan3A_1332 = arith.constant 0 : i32
        %scan3A_1333 = arith.constant 2 : i32
        %scan3A_1334 = arith.addi %scan3A_1319, %scan3A_1333 : i32
        %mul3A_1335 = arith.constant 16 : i32
        %mul3A_1336 = arith.muli %scan3A_1334, %mul3A_1335 : i32
        %swap3A_1337 = arith.index_cast %mul3A_1336 : i32 to index
        %swap3A_1338 = tpu.vector_load %arg15[%swap3A_1337] {strides = array<i32>} : memref<4096xi32, #tpu.memory_space<vmem>>, vector<16xi32>,
        tpu.vector_store %arg15[%swap3A_1337], %broadcast_in_dim3A_5 {strides = array<i32>} : memref<4096xi32, #tpu.memory_space<vmem>>, vector<16xi32>,
        %scan3A_1339 = arith.constant 0 : i32
        %scan3A_1340 = arith.constant 3 : i32
        %scan3A_1341 = arith.addi %scan3A_1319, %scan3A_1340 : i32
        %mul3A_1342 = arith.constant 16 : i32
        %mul3A_1343 = arith.muli %scan3A_1341, %mul3A_1342 : i32
        %swap3A_1344 = arith.index_cast %mul3A_1343 : i32 to index
        %swap3A_1345 = tpu.vector_load %arg15[%swap3A_1344] {strides = array<i32>} : memref<4096xi32, #tpu.memory_space<vmem>>, vector<16xi32>,
        tpu.vector_store %arg15[%swap3A_1344], %broadcast_in_dim3A_5 {strides = array<i32>} : memref<4096xi32, #tpu.memory_space<vmem>>, vector<16xi32>,
        %scan3A_1346 = arith.constant 0 : i32
        %scan3A_1347 = arith.constant 4 : i32
        %scan3A_1348 = arith.addi %scan3A_1319, %scan3A_1347 : i32
        %mul3A_1349 = arith.constant 16 : i32
        %mul3A_1350 = arith.muli %scan3A_1348, %mul3A_1349 : i32
        %swap3A_1351 = arith.index_cast %mul3A_1350 : i32 to index
        %swap3A_1352 = tpu.vector_load %arg15[%swap3A_1351] {strides = array<i32>} : memref<4096xi32, #tpu.memory_space<vmem>>, vector<16xi32>,
        tpu.vector_store %arg15[%swap3A_1351], %broadcast_in_dim3A_5 {strides = array<i32>} : memref<4096xi32, #tpu.memory_space<vmem>>, vector<16xi32>,
        %scan3A_1353 = arith.constant 0 : i32
        %scan3A_1354 = arith.constant 5 : i32
        %scan3A_1355 = arith.addi %scan3A_1319, %scan3A_1354 : i32
        %mul3A_1356 = arith.constant 16 : i32
        %mul3A_1357 = arith.muli %scan3A_1355, %mul3A_1356 : i32
        %swap3A_1358 = arith.index_cast %mul3A_1357 : i32 to index
        %swap3A_1359 = tpu.vector_load %arg15[%swap3A_1358] {strides = array<i32>} : memref<4096xi32, #tpu.memory_space<vmem>>, vector<16xi32>,
        tpu.vector_store %arg15[%swap3A_1358], %broadcast_in_dim3A_5 {strides = array<i32>} : memref<4096xi32, #tpu.memory_space<vmem>>, vector<16xi32>,
        %scan3A_1360 = arith.constant 0 : i32
        %scan3A_1361 = arith.constant 6 : i32
        %scan3A_1362 = arith.addi %scan3A_1319, %scan3A_1361 : i32
        %mul3A_1363 = arith.constant 16 : i32
        %mul3A_1364 = arith.muli %scan3A_1362, %mul3A_1363 : i32
        %swap3A_1365 = arith.index_cast %mul3A_1364 : i32 to index
        %swap3A_1366 = tpu.vector_load %arg15[%swap3A_1365] {strides = array<i32>} : memref<4096xi32, #tpu.memory_space<vmem>>, vector<16xi32>,
        tpu.vector_store %arg15[%swap3A_1365], %broadcast_in_dim3A_5 {strides = array<i32>} : memref<4096xi32, #tpu.memory_space<vmem>>, vector<16xi32>,
        %scan3A_1367 = arith.constant 0 : i32
        %scan3A_1368 = arith.constant 7 : i32
        %scan3A_1369 = arith.addi %scan3A_1319, %scan3A_1368 : i32
        %mul3A_1370 = arith.constant 16 : i32
        %mul3A_1371 = arith.muli %scan3A_1369, %mul3A_1370 : i32
        %swap3A_1372 = arith.index_cast %mul3A_1371 : i32 to index
        %swap3A_1373 = tpu.vector_load %arg15[%swap3A_1372] {strides = array<i32>} : memref<4096xi32, #tpu.memory_space<vmem>>, vector<16xi32>,
        tpu.vector_store %arg15[%swap3A_1372], %broadcast_in_dim3A_5 {strides = array<i32>} : memref<4096xi32, #tpu.memory_space<vmem>>, vector<16xi32>,
        %scan3A_1374 = arith.constant 0 : i32
        scf.yield %scan3A_1374 : i32
      }
      %scan3A_928 = arith.constant 256 : i32
      %broadcast_in_dim3A_929 = arith.constant 1 : i32
      %broadcast_in_dim3A_930 = vector.broadcast %broadcast_in_dim3A_929 : i32 to vector<16xi32>
      %mul3A_931 = arith.constant 256 : i32
      %mul3A_932 = vector.broadcast %mul3A_931 : i32 to vector<16xi32>
      %mul3A_933 = arith.muli %iota3A, %mul3A_932 : vector<16xi32>
      %scan3A_934 = arith.constant 0 : i32
      %scan3A_935 = arith.constant 0 : i32
      %scan3A_936 = arith.constant 128 : i32
      %scan3A_937 = arith.addi %scan3A_935, %scan3A_936 : i32
      %scan3A_938 = arith.constant 1 : i32
      %scan3A_939 = scf.for %scan3A_1319 = %scan3A_935 to %scan3A_937 step %scan3A_938 iter_args(%scan3A_1320 = %scan3A_934) -> (i32)  : i32 {
        %mul3A_1321 = arith.constant 16 : i32
        %mul3A_1322 = arith.muli %scan3A_1319, %mul3A_1321 : i32
        %get3A_1323 = arith.index_cast %mul3A_1322 : i32 to index
        %get3A_1324 = tpu.vector_load %arg13[%get3A_1323] {strides = array<i32>} : memref<2048xi32, #tpu.memory_space<vmem>>, vector<16xi32>,
        %mul3A_1325 = arith.constant 16 : i32
        %mul3A_1326 = arith.muli %scan3A_1319, %mul3A_1325 : i32
        %add3A_1327 = vector.broadcast %mul3A_1326 : i32 to vector<16xi32>
        %add3A_1328 = arith.addi %add3A_1327, %iota3A : vector<16xi32>
        %lt3A_1329 = vector.broadcast %scan3A_920#1 : i32 to vector<16xi32>
        %lt3A_1330 = arith.cmpi slt, %add3A_1328, %lt3A_1329 : vector<16xi32>
        %shift_right_logical3A = arith.constant 13 : i32
        %shift_right_logical3A_1331 = vector.broadcast %shift_right_logical3A : i32 to vector<16xi32>
        %shift_right_logical3A_1332 = arith.shrui %get3A_1324, %shift_right_logical3A_1331 : vector<16xi32>
        %and3A_1333 = arith.constant 255 : i32
        %and3A_1334 = vector.broadcast %and3A_1333 : i32 to vector<16xi32>
        %and3A_1335 = arith.andi %shift_right_logical3A_1332, %and3A_1334 : vector<16xi32>
        %add3A_1336 = arith.addi %and3A_1335, %mul3A_933 : vector<16xi32>
        tpu.vector_store_idx %arg15[%add3A_1336], %broadcast_in_dim3A_930 masked %lt3A_1330 {add = true} : memref<4096xi32, #tpu.memory_space<vmem>>[vector<16xi32>], vector<16xi32>, vector<16xi1>
        %scan3A_1337 = arith.constant 0 : i32
        scf.yield %scan3A_1337 : i32
      }
      %scan3A_940 = arith.constant 128 : i32
      %scan3A_941 = arith.constant 0 : i32
      %scan3A_942 = arith.constant 0 : i32
      %scan3A_943 = arith.constant 16 : i32
      %scan3A_944 = arith.addi %scan3A_942, %scan3A_943 : i32
      %scan3A_945 = arith.constant 1 : i32
      %scan3A_946 = scf.for %scan3A_1319 = %scan3A_942 to %scan3A_944 step %scan3A_945 iter_args(%scan3A_1320 = %scan3A_941) -> (i32)  : i32 {
        %mul3A_1321 = arith.constant 16 : i32
        %mul3A_1322 = arith.muli %scan3A_1319, %mul3A_1321 : i32
        %add3A_1323 = arith.constant 0 : i32
        %add3A_1324 = arith.addi %add3A_1323, %mul3A_1322 : i32
        %get3A_1325 = arith.index_cast %add3A_1324 : i32 to index
        %get3A_1326 = tpu.vector_load %arg15[%get3A_1325] {strides = array<i32>} : memref<4096xi32, #tpu.memory_space<vmem>>, vector<16xi32>,
        %add3A_1327 = arith.addi %broadcast_in_dim3A_5, %get3A_1326 : vector<16xi32>
        %mul3A_1328 = arith.constant 16 : i32
        %mul3A_1329 = arith.muli %scan3A_1319, %mul3A_1328 : i32
        %add3A_1330 = arith.constant 256 : i32
        %add3A_1331 = arith.addi %add3A_1330, %mul3A_1329 : i32
        %get3A_1332 = arith.index_cast %add3A_1331 : i32 to index
        %get3A_1333 = tpu.vector_load %arg15[%get3A_1332] {strides = array<i32>} : memref<4096xi32, #tpu.memory_space<vmem>>, vector<16xi32>,
        %add3A_1334 = arith.addi %add3A_1327, %get3A_1333 : vector<16xi32>
        %mul3A_1335 = arith.constant 16 : i32
        %mul3A_1336 = arith.muli %scan3A_1319, %mul3A_1335 : i32
        %add3A_1337 = arith.constant 512 : i32
        %add3A_1338 = arith.addi %add3A_1337, %mul3A_1336 : i32
        %get3A_1339 = arith.index_cast %add3A_1338 : i32 to index
        %get3A_1340 = tpu.vector_load %arg15[%get3A_1339] {strides = array<i32>} : memref<4096xi32, #tpu.memory_space<vmem>>, vector<16xi32>,
        %add3A_1341 = arith.addi %add3A_1334, %get3A_1340 : vector<16xi32>
        %mul3A_1342 = arith.constant 16 : i32
        %mul3A_1343 = arith.muli %scan3A_1319, %mul3A_1342 : i32
        %add3A_1344 = arith.constant 768 : i32
        %add3A_1345 = arith.addi %add3A_1344, %mul3A_1343 : i32
        %get3A_1346 = arith.index_cast %add3A_1345 : i32 to index
        %get3A_1347 = tpu.vector_load %arg15[%get3A_1346] {strides = array<i32>} : memref<4096xi32, #tpu.memory_space<vmem>>, vector<16xi32>,
        %add3A_1348 = arith.addi %add3A_1341, %get3A_1347 : vector<16xi32>
        %mul3A_1349 = arith.constant 16 : i32
        %mul3A_1350 = arith.muli %scan3A_1319, %mul3A_1349 : i32
        %add3A_1351 = arith.constant 1024 : i32
        %add3A_1352 = arith.addi %add3A_1351, %mul3A_1350 : i32
        %get3A_1353 = arith.index_cast %add3A_1352 : i32 to index
        %get3A_1354 = tpu.vector_load %arg15[%get3A_1353] {strides = array<i32>} : memref<4096xi32, #tpu.memory_space<vmem>>, vector<16xi32>,
        %add3A_1355 = arith.addi %add3A_1348, %get3A_1354 : vector<16xi32>
        %mul3A_1356 = arith.constant 16 : i32
        %mul3A_1357 = arith.muli %scan3A_1319, %mul3A_1356 : i32
        %add3A_1358 = arith.constant 1280 : i32
        %add3A_1359 = arith.addi %add3A_1358, %mul3A_1357 : i32
        %get3A_1360 = arith.index_cast %add3A_1359 : i32 to index
        %get3A_1361 = tpu.vector_load %arg15[%get3A_1360] {strides = array<i32>} : memref<4096xi32, #tpu.memory_space<vmem>>, vector<16xi32>,
        %add3A_1362 = arith.addi %add3A_1355, %get3A_1361 : vector<16xi32>
        %mul3A_1363 = arith.constant 16 : i32
        %mul3A_1364 = arith.muli %scan3A_1319, %mul3A_1363 : i32
        %add3A_1365 = arith.constant 1536 : i32
        %add3A_1366 = arith.addi %add3A_1365, %mul3A_1364 : i32
        %get3A_1367 = arith.index_cast %add3A_1366 : i32 to index
        %get3A_1368 = tpu.vector_load %arg15[%get3A_1367] {strides = array<i32>} : memref<4096xi32, #tpu.memory_space<vmem>>, vector<16xi32>,
        %add3A_1369 = arith.addi %add3A_1362, %get3A_1368 : vector<16xi32>
        %mul3A_1370 = arith.constant 16 : i32
        %mul3A_1371 = arith.muli %scan3A_1319, %mul3A_1370 : i32
        %add3A_1372 = arith.constant 1792 : i32
        %add3A_1373 = arith.addi %add3A_1372, %mul3A_1371 : i32
        %get3A_1374 = arith.index_cast %add3A_1373 : i32 to index
        %get3A_1375 = tpu.vector_load %arg15[%get3A_1374] {strides = array<i32>} : memref<4096xi32, #tpu.memory_space<vmem>>, vector<16xi32>,
        %add3A_1376 = arith.addi %add3A_1369, %get3A_1375 : vector<16xi32>
        %mul3A_1377 = arith.constant 16 : i32
        %mul3A_1378 = arith.muli %scan3A_1319, %mul3A_1377 : i32
        %add3A_1379 = arith.constant 2048 : i32
        %add3A_1380 = arith.addi %add3A_1379, %mul3A_1378 : i32
        %get3A_1381 = arith.index_cast %add3A_1380 : i32 to index
        %get3A_1382 = tpu.vector_load %arg15[%get3A_1381] {strides = array<i32>} : memref<4096xi32, #tpu.memory_space<vmem>>, vector<16xi32>,
        %add3A_1383 = arith.addi %add3A_1376, %get3A_1382 : vector<16xi32>
        %mul3A_1384 = arith.constant 16 : i32
        %mul3A_1385 = arith.muli %scan3A_1319, %mul3A_1384 : i32
        %add3A_1386 = arith.constant 2304 : i32
        %add3A_1387 = arith.addi %add3A_1386, %mul3A_1385 : i32
        %get3A_1388 = arith.index_cast %add3A_1387 : i32 to index
        %get3A_1389 = tpu.vector_load %arg15[%get3A_1388] {strides = array<i32>} : memref<4096xi32, #tpu.memory_space<vmem>>, vector<16xi32>,
        %add3A_1390 = arith.addi %add3A_1383, %get3A_1389 : vector<16xi32>
        %mul3A_1391 = arith.constant 16 : i32
        %mul3A_1392 = arith.muli %scan3A_1319, %mul3A_1391 : i32
        %add3A_1393 = arith.constant 2560 : i32
        %add3A_1394 = arith.addi %add3A_1393, %mul3A_1392 : i32
        %get3A_1395 = arith.index_cast %add3A_1394 : i32 to index
        %get3A_1396 = tpu.vector_load %arg15[%get3A_1395] {strides = array<i32>} : memref<4096xi32, #tpu.memory_space<vmem>>, vector<16xi32>,
        %add3A_1397 = arith.addi %add3A_1390, %get3A_1396 : vector<16xi32>
        %mul3A_1398 = arith.constant 16 : i32
        %mul3A_1399 = arith.muli %scan3A_1319, %mul3A_1398 : i32
        %add3A_1400 = arith.constant 2816 : i32
        %add3A_1401 = arith.addi %add3A_1400, %mul3A_1399 : i32
        %get3A_1402 = arith.index_cast %add3A_1401 : i32 to index
        %get3A_1403 = tpu.vector_load %arg15[%get3A_1402] {strides = array<i32>} : memref<4096xi32, #tpu.memory_space<vmem>>, vector<16xi32>,
        %add3A_1404 = arith.addi %add3A_1397, %get3A_1403 : vector<16xi32>
        %mul3A_1405 = arith.constant 16 : i32
        %mul3A_1406 = arith.muli %scan3A_1319, %mul3A_1405 : i32
        %add3A_1407 = arith.constant 3072 : i32
        %add3A_1408 = arith.addi %add3A_1407, %mul3A_1406 : i32
        %get3A_1409 = arith.index_cast %add3A_1408 : i32 to index
        %get3A_1410 = tpu.vector_load %arg15[%get3A_1409] {strides = array<i32>} : memref<4096xi32, #tpu.memory_space<vmem>>, vector<16xi32>,
        %add3A_1411 = arith.addi %add3A_1404, %get3A_1410 : vector<16xi32>
        %mul3A_1412 = arith.constant 16 : i32
        %mul3A_1413 = arith.muli %scan3A_1319, %mul3A_1412 : i32
        %add3A_1414 = arith.constant 3328 : i32
        %add3A_1415 = arith.addi %add3A_1414, %mul3A_1413 : i32
        %get3A_1416 = arith.index_cast %add3A_1415 : i32 to index
        %get3A_1417 = tpu.vector_load %arg15[%get3A_1416] {strides = array<i32>} : memref<4096xi32, #tpu.memory_space<vmem>>, vector<16xi32>,
        %add3A_1418 = arith.addi %add3A_1411, %get3A_1417 : vector<16xi32>
        %mul3A_1419 = arith.constant 16 : i32
        %mul3A_1420 = arith.muli %scan3A_1319, %mul3A_1419 : i32
        %add3A_1421 = arith.constant 3584 : i32
        %add3A_1422 = arith.addi %add3A_1421, %mul3A_1420 : i32
        %get3A_1423 = arith.index_cast %add3A_1422 : i32 to index
        %get3A_1424 = tpu.vector_load %arg15[%get3A_1423] {strides = array<i32>} : memref<4096xi32, #tpu.memory_space<vmem>>, vector<16xi32>,
        %add3A_1425 = arith.addi %add3A_1418, %get3A_1424 : vector<16xi32>
        %mul3A_1426 = arith.constant 16 : i32
        %mul3A_1427 = arith.muli %scan3A_1319, %mul3A_1426 : i32
        %add3A_1428 = arith.constant 3840 : i32
        %add3A_1429 = arith.addi %add3A_1428, %mul3A_1427 : i32
        %get3A_1430 = arith.index_cast %add3A_1429 : i32 to index
        %get3A_1431 = tpu.vector_load %arg15[%get3A_1430] {strides = array<i32>} : memref<4096xi32, #tpu.memory_space<vmem>>, vector<16xi32>,
        %add3A_1432 = arith.addi %add3A_1425, %get3A_1431 : vector<16xi32>
        %mul3A_1433 = arith.constant 16 : i32
        %mul3A_1434 = arith.muli %scan3A_1319, %mul3A_1433 : i32
        %swap3A_1435 = arith.index_cast %mul3A_1434 : i32 to index
        %swap3A_1436 = tpu.vector_load %arg16[%swap3A_1435] {strides = array<i32>} : memref<256xi32, #tpu.memory_space<vmem>>, vector<16xi32>,
        tpu.vector_store %arg16[%swap3A_1435], %add3A_1432 {strides = array<i32>} : memref<256xi32, #tpu.memory_space<vmem>>, vector<16xi32>,
        %scan3A_1437 = arith.constant 0 : i32
        scf.yield %scan3A_1437 : i32
      }
      %scan3A_947 = arith.constant 16 : i32
      %broadcast_in_dim3A_948 = arith.constant -1 : i32
      %broadcast_in_dim3A_949 = vector.broadcast %broadcast_in_dim3A_948 : i32 to vector<16xi32>
      %scan3A_950 = arith.constant 0 : i32
      %scan3A_951 = arith.constant 0 : i32
      %scan3A_952 = arith.constant 16 : i32
      %scan3A_953 = arith.addi %scan3A_951, %scan3A_952 : i32
      %scan3A_954 = arith.constant 1 : i32
      %scan3A_955:2 = scf.for %scan3A_1319 = %scan3A_951 to %scan3A_953 step %scan3A_954 iter_args(%scan3A_1320 = %scan3A_950, %scan3A_1321 = %broadcast_in_dim3A_949) -> (i32, vector<16xi32>)  : i32 {
        %sub3A_1322 = arith.constant 15 : i32
        %sub3A_1323 = arith.subi %sub3A_1322, %scan3A_1319 : i32
        %mul3A_1324 = arith.constant 16 : i32
        %mul3A_1325 = arith.muli %sub3A_1323, %mul3A_1324 : i32
        %get3A_1326 = arith.index_cast %mul3A_1325 : i32 to index
        %get3A_1327 = tpu.vector_load %arg16[%get3A_1326] {strides = array<i32>} : memref<256xi32, #tpu.memory_space<vmem>>, vector<16xi32>,
        %broadcast_in_dim3A_1328 = arith.constant true
        %broadcast_in_dim3A_1329 = vector.broadcast %broadcast_in_dim3A_1328 : i1 to vector<16xi1>
        %masked_cumsum3A = tpu.scan <sum>, %get3A_1327 masked %broadcast_in_dim3A_1329 : vector<16xi32>, vector<16xi1> -> vector<16xi32>
        %slice3A_1330 = vector.extract_strided_slice %masked_cumsum3A {offsets = [15], sizes = [1], strides = [1]} : vector<16xi32> to vector<1xi32>
        %squeeze3A_1331 = vector.extract %slice3A_1330[0] : i32 from vector<1xi32>
        %sub3A_1332 = vector.broadcast %squeeze3A_1331 : i32 to vector<16xi32>
        %sub3A_1333 = arith.subi %sub3A_1332, %masked_cumsum3A : vector<16xi32>
        %add3A_1334 = arith.addi %sub3A_1333, %get3A_1327 : vector<16xi32>
        %add3A_1335 = vector.broadcast %scan3A_1320 : i32 to vector<16xi32>
        %add3A_1336 = arith.addi %add3A_1335, %add3A_1334 : vector<16xi32>
        %mul3A_1337 = arith.constant 16 : i32
        %mul3A_1338 = arith.muli %sub3A_1323, %mul3A_1337 : i32
        %add3A_1339 = vector.broadcast %mul3A_1338 : i32 to vector<16xi32>
        %add3A_1340 = arith.addi %iota3A, %add3A_1339 : vector<16xi32>
        %ge3A_1341 = vector.broadcast %sub3A_773 : i32 to vector<16xi32>
        %ge3A_1342 = arith.cmpi sge, %add3A_1336, %ge3A_1341 : vector<16xi32>
        %jit3A = arith.constant -1 : i32
        %broadcast_in_dim3A_1343 = vector.broadcast %jit3A : i32 to vector<16xi32>
        %select_n3A_1344 = arith.select %ge3A_1342, %add3A_1340, %broadcast_in_dim3A_1343 : vector<16xi1>, vector<16xi32>
        %add3A_1345 = arith.addi %scan3A_1320, %squeeze3A_1331 : i32
        %max3A = arith.maxsi %scan3A_1321, %select_n3A_1344 : vector<16xi32>
        scf.yield %add3A_1345, %max3A : i32, vector<16xi32>
      }
      %scan3A_956 = arith.constant 16 : i32
      %reduce_max3A_957 = arith.constant true
      %reduce_max3A_958 = vector.broadcast %reduce_max3A_957 : i1 to vector<16xi1>
      %reduce_max3A_959 = arith.constant -2147483648 : i32
      %reduce_max3A_960 = vector.broadcast %reduce_max3A_959 : i32 to vector<16xi32>
      %reduce_max3A_961 = arith.xori %scan3A_955#1, %reduce_max3A_960 : vector<16xi32>
      %reduce_max3A_962 = tpu.scan <max>, %reduce_max3A_961 masked %reduce_max3A_958 : vector<16xi32>, vector<16xi1> -> vector<16xi32>
      %reduce_max3A_963 = arith.xori %reduce_max3A_962, %reduce_max3A_960 : vector<16xi32>
      %reduce_max3A_964 = vector.extract %reduce_max3A_963[15] : i32 from vector<16xi32>
      %scan3A_965 = arith.constant 0 : i32
      %scan3A_966 = arith.constant 16 : i32
      %scan3A_967 = arith.addi %scan3A_965, %scan3A_966 : i32
      %scan3A_968 = arith.constant 1 : i32
      %scan3A_969 = scf.for %scan3A_1319 = %scan3A_965 to %scan3A_967 step %scan3A_968 iter_args(%scan3A_1320 = %broadcast_in_dim3A_5) -> (vector<16xi32>)  : i32 {
        %mul3A_1321 = arith.constant 16 : i32
        %mul3A_1322 = arith.muli %scan3A_1319, %mul3A_1321 : i32
        %get3A_1323 = arith.index_cast %mul3A_1322 : i32 to index
        %get3A_1324 = tpu.vector_load %arg16[%get3A_1323] {strides = array<i32>} : memref<256xi32, #tpu.memory_space<vmem>>, vector<16xi32>,
        %mul3A_1325 = arith.constant 16 : i32
        %mul3A_1326 = arith.muli %scan3A_1319, %mul3A_1325 : i32
        %add3A_1327 = vector.broadcast %mul3A_1326 : i32 to vector<16xi32>
        %add3A_1328 = arith.addi %iota3A, %add3A_1327 : vector<16xi32>
        %gt3A_1329 = vector.broadcast %reduce_max3A_964 : i32 to vector<16xi32>
        %gt3A_1330 = arith.cmpi sgt, %add3A_1328, %gt3A_1329 : vector<16xi32>
        %select_n3A_1331 = arith.select %gt3A_1330, %get3A_1324, %broadcast_in_dim3A_5 : vector<16xi1>, vector<16xi32>
        %add3A_1332 = arith.addi %scan3A_1320, %select_n3A_1331 : vector<16xi32>
        scf.yield %add3A_1332 : vector<16xi32>
      }
      %scan3A_970 = arith.constant 16 : i32
      %reduce_sum3A_971 = arith.constant true
      %reduce_sum3A_972 = vector.broadcast %reduce_sum3A_971 : i1 to vector<16xi1>
      %reduce_sum3A_973 = tpu.scan <sum>, %scan3A_969 masked %reduce_sum3A_972 : vector<16xi32>, vector<16xi1> -> vector<16xi32>
      %reduce_sum3A_974 = vector.extract %reduce_sum3A_973[15] : i32 from vector<16xi32>
      %sub3A_975 = arith.subi %sub3A_773, %reduce_sum3A_974 : i32
      %scan3A_976 = arith.constant 0 : i32
      %scan3A_977 = arith.constant 0 : i32
      %scan3A_978 = arith.constant 128 : i32
      %scan3A_979 = arith.addi %scan3A_977, %scan3A_978 : i32
      %scan3A_980 = arith.constant 1 : i32
      %scan3A_981:2 = scf.for %scan3A_1319 = %scan3A_977 to %scan3A_979 step %scan3A_980 iter_args(%scan3A_1320 = %scan3A_920#0, %scan3A_1321 = %scan3A_976) -> (i32, i32)  : i32 {
        %mul3A_1322 = arith.constant 16 : i32
        %mul3A_1323 = arith.muli %scan3A_1319, %mul3A_1322 : i32
        %get3A_1324 = arith.index_cast %mul3A_1323 : i32 to index
        %get3A_1325 = tpu.vector_load %arg13[%get3A_1324] {strides = array<i32>} : memref<2048xi32, #tpu.memory_space<vmem>>, vector<16xi32>,
        %mul3A_1326 = arith.constant 16 : i32
        %mul3A_1327 = arith.muli %scan3A_1319, %mul3A_1326 : i32
        %get3A_1328 = arith.index_cast %mul3A_1327 : i32 to index
        %get3A_1329 = tpu.vector_load %arg14[%get3A_1328] {strides = array<i32>} : memref<2048xi32, #tpu.memory_space<vmem>>, vector<16xi32>,
        %mul3A_1330 = arith.constant 16 : i32
        %mul3A_1331 = arith.muli %scan3A_1319, %mul3A_1330 : i32
        %add3A_1332 = vector.broadcast %mul3A_1331 : i32 to vector<16xi32>
        %add3A_1333 = arith.addi %add3A_1332, %iota3A : vector<16xi32>
        %lt3A_1334 = vector.broadcast %scan3A_920#1 : i32 to vector<16xi32>
        %lt3A_1335 = arith.cmpi slt, %add3A_1333, %lt3A_1334 : vector<16xi32>
        %shift_right_logical3A = arith.constant 13 : i32
        %shift_right_logical3A_1336 = vector.broadcast %shift_right_logical3A : i32 to vector<16xi32>
        %shift_right_logical3A_1337 = arith.shrui %get3A_1325, %shift_right_logical3A_1336 : vector<16xi32>
        %and3A_1338 = arith.constant 255 : i32
        %and3A_1339 = vector.broadcast %and3A_1338 : i32 to vector<16xi32>
        %and3A_1340 = arith.andi %shift_right_logical3A_1337, %and3A_1339 : vector<16xi32>
        %gt3A_1341 = vector.broadcast %reduce_max3A_964 : i32 to vector<16xi32>
        %gt3A_1342 = arith.cmpi sgt, %and3A_1340, %gt3A_1341 : vector<16xi32>
        %and3A_1343 = arith.andi %lt3A_1335, %gt3A_1342 : vector<16xi1>
        %min3A_1344 = arith.constant 528 : i32
        %min3A_1345 = arith.minsi %scan3A_1320, %min3A_1344 : i32
        %swap3A_1346 = arith.index_cast %min3A_1345 : i32 to index
        %swap3A_1347 = tpu.vector_load %arg11[%swap3A_1346] masked %and3A_1343 {strides = array<i32>} : memref<544xi32, #tpu.memory_space<vmem>>, vector<16xi32>, vector<16xi1>
        tpu.vector_store %arg11[%swap3A_1346], %get3A_1325 masked %and3A_1343 {strides = array<i32>} : memref<544xi32, #tpu.memory_space<vmem>>, vector<16xi32>, vector<16xi1>
        %swap3A_1348 = arith.index_cast %min3A_1345 : i32 to index
        %swap3A_1349 = tpu.vector_load %arg12[%swap3A_1348] masked %and3A_1343 {strides = array<i32>} : memref<544xi32, #tpu.memory_space<vmem>>, vector<16xi32>, vector<16xi1>
        tpu.vector_store %arg12[%swap3A_1348], %get3A_1329 masked %and3A_1343 {strides = array<i32>} : memref<544xi32, #tpu.memory_space<vmem>>, vector<16xi32>, vector<16xi1>
        %all_reduce_population_count3A_1350 = tpu.all_reduce %and3A_1343 {dim = 0 : i64, kind = #tpu.reduction_kind<sum>} : vector<16xi1> -> vector<16xi32>
        %slice3A_1351 = vector.extract_strided_slice %all_reduce_population_count3A_1350 {offsets = [0], sizes = [1], strides = [1]} : vector<16xi32> to vector<1xi32>
        %squeeze3A_1352 = vector.extract %slice3A_1351[0] : i32 from vector<1xi32>
        %add3A_1353 = arith.addi %scan3A_1320, %squeeze3A_1352 : i32
        %eq3A_1354 = vector.broadcast %reduce_max3A_964 : i32 to vector<16xi32>
        %eq3A_1355 = arith.cmpi eq, %and3A_1340, %eq3A_1354 : vector<16xi32>
        %and3A_1356 = arith.andi %lt3A_1335, %eq3A_1355 : vector<16xi1>
        %min3A_1357 = arith.constant 112 : i32
        %min3A_1358 = arith.minsi %scan3A_1321, %min3A_1357 : i32
        %swap3A_1359 = arith.index_cast %min3A_1358 : i32 to index
        %swap3A_1360 = tpu.vector_load %arg17[%swap3A_1359] masked %and3A_1356 {strides = array<i32>} : memref<128xi32, #tpu.memory_space<vmem>>, vector<16xi32>, vector<16xi1>
        tpu.vector_store %arg17[%swap3A_1359], %get3A_1325 masked %and3A_1356 {strides = array<i32>} : memref<128xi32, #tpu.memory_space<vmem>>, vector<16xi32>, vector<16xi1>
        %swap3A_1361 = arith.index_cast %min3A_1358 : i32 to index
        %swap3A_1362 = tpu.vector_load %arg18[%swap3A_1361] masked %and3A_1356 {strides = array<i32>} : memref<128xi32, #tpu.memory_space<vmem>>, vector<16xi32>, vector<16xi1>
        tpu.vector_store %arg18[%swap3A_1361], %get3A_1329 masked %and3A_1356 {strides = array<i32>} : memref<128xi32, #tpu.memory_space<vmem>>, vector<16xi32>, vector<16xi1>
        %all_reduce_population_count3A_1363 = tpu.all_reduce %and3A_1356 {dim = 0 : i64, kind = #tpu.reduction_kind<sum>} : vector<16xi1> -> vector<16xi32>
        %slice3A_1364 = vector.extract_strided_slice %all_reduce_population_count3A_1363 {offsets = [0], sizes = [1], strides = [1]} : vector<16xi32> to vector<1xi32>
        %squeeze3A_1365 = vector.extract %slice3A_1364[0] : i32 from vector<1xi32>
        %add3A_1366 = arith.addi %scan3A_1321, %squeeze3A_1365 : i32
        scf.yield %add3A_1353, %add3A_1366 : i32, i32
      }
      %scan3A_982 = arith.constant 128 : i32
      %get3A_983 = arith.constant 0 : index
      %get3A_984 = tpu.vector_load %arg17[%get3A_983] {strides = array<i32>} : memref<128xi32, #tpu.memory_space<vmem>>, vector<16xi32>,
      %slice3A = vector.extract_strided_slice %get3A_984 {offsets = [0], sizes = [1], strides = [1]} : vector<16xi32> to vector<1xi32>
      %squeeze3A = vector.extract %slice3A[0] : i32 from vector<1xi32>
      %and3A_985 = arith.constant -8192 : i32
      %and3A_986 = arith.andi %squeeze3A, %and3A_985 : i32
      %scan3A_987 = arith.constant 0 : i32
      %scan3A_988 = arith.constant 13 : i32
      %scan3A_989 = arith.addi %scan3A_987, %scan3A_988 : i32
      %scan3A_990 = arith.constant 1 : i32
      %scan3A_991 = scf.for %scan3A_1319 = %scan3A_987 to %scan3A_989 step %scan3A_990 iter_args(%scan3A_1320 = %and3A_986) -> (i32)  : i32 {
        %sub3A_1321 = arith.constant 12 : i32
        %sub3A_1322 = arith.subi %sub3A_1321, %scan3A_1319 : i32
        %shift_left3A = arith.constant 1 : i32
        %shift_left3A_1323 = arith.shli %shift_left3A, %sub3A_1322 : i32
        %or3A_1324 = arith.ori %scan3A_1320, %shift_left3A_1323 : i32
        %get3A_1325 = arith.constant 0 : index
        %get3A_1326 = tpu.vector_load %arg17[%get3A_1325] {strides = array<i32>} : memref<128xi32, #tpu.memory_space<vmem>>, vector<16xi32>,
        %add3A_1327 = arith.constant 0 : i32
        %add3A_1328 = vector.broadcast %add3A_1327 : i32 to vector<16xi32>
        %add3A_1329 = arith.addi %add3A_1328, %iota3A : vector<16xi32>
        %lt3A_1330 = vector.broadcast %scan3A_981#1 : i32 to vector<16xi32>
        %lt3A_1331 = arith.cmpi slt, %add3A_1329, %lt3A_1330 : vector<16xi32>
        %ge3A_1332 = vector.broadcast %or3A_1324 : i32 to vector<16xi32>
        %ge3A_1333 = arith.cmpi sge, %get3A_1326, %ge3A_1332 : vector<16xi32>
        %and3A_1334 = arith.andi %lt3A_1331, %ge3A_1333 : vector<16xi1>
        %select_n3A_1335 = arith.select %and3A_1334, %broadcast_in_dim3A_930, %broadcast_in_dim3A_5 : vector<16xi1>, vector<16xi32>
        %add3A_1336 = arith.addi %broadcast_in_dim3A_5, %select_n3A_1335 : vector<16xi32>
        %get3A_1337 = arith.constant 16 : index
        %get3A_1338 = tpu.vector_load %arg17[%get3A_1337] {strides = array<i32>} : memref<128xi32, #tpu.memory_space<vmem>>, vector<16xi32>,
        %add3A_1339 = arith.constant 16 : i32
        %add3A_1340 = vector.broadcast %add3A_1339 : i32 to vector<16xi32>
        %add3A_1341 = arith.addi %add3A_1340, %iota3A : vector<16xi32>
        %lt3A_1342 = vector.broadcast %scan3A_981#1 : i32 to vector<16xi32>
        %lt3A_1343 = arith.cmpi slt, %add3A_1341, %lt3A_1342 : vector<16xi32>
        %ge3A_1344 = vector.broadcast %or3A_1324 : i32 to vector<16xi32>
        %ge3A_1345 = arith.cmpi sge, %get3A_1338, %ge3A_1344 : vector<16xi32>
        %and3A_1346 = arith.andi %lt3A_1343, %ge3A_1345 : vector<16xi1>
        %select_n3A_1347 = arith.select %and3A_1346, %broadcast_in_dim3A_930, %broadcast_in_dim3A_5 : vector<16xi1>, vector<16xi32>
        %add3A_1348 = arith.addi %add3A_1336, %select_n3A_1347 : vector<16xi32>
        %get3A_1349 = arith.constant 32 : index
        %get3A_1350 = tpu.vector_load %arg17[%get3A_1349] {strides = array<i32>} : memref<128xi32, #tpu.memory_space<vmem>>, vector<16xi32>,
        %add3A_1351 = arith.constant 32 : i32
        %add3A_1352 = vector.broadcast %add3A_1351 : i32 to vector<16xi32>
        %add3A_1353 = arith.addi %add3A_1352, %iota3A : vector<16xi32>
        %lt3A_1354 = vector.broadcast %scan3A_981#1 : i32 to vector<16xi32>
        %lt3A_1355 = arith.cmpi slt, %add3A_1353, %lt3A_1354 : vector<16xi32>
        %ge3A_1356 = vector.broadcast %or3A_1324 : i32 to vector<16xi32>
        %ge3A_1357 = arith.cmpi sge, %get3A_1350, %ge3A_1356 : vector<16xi32>
        %and3A_1358 = arith.andi %lt3A_1355, %ge3A_1357 : vector<16xi1>
        %select_n3A_1359 = arith.select %and3A_1358, %broadcast_in_dim3A_930, %broadcast_in_dim3A_5 : vector<16xi1>, vector<16xi32>
        %add3A_1360 = arith.addi %add3A_1348, %select_n3A_1359 : vector<16xi32>
        %get3A_1361 = arith.constant 48 : index
        %get3A_1362 = tpu.vector_load %arg17[%get3A_1361] {strides = array<i32>} : memref<128xi32, #tpu.memory_space<vmem>>, vector<16xi32>,
        %add3A_1363 = arith.constant 48 : i32
        %add3A_1364 = vector.broadcast %add3A_1363 : i32 to vector<16xi32>
        %add3A_1365 = arith.addi %add3A_1364, %iota3A : vector<16xi32>
        %lt3A_1366 = vector.broadcast %scan3A_981#1 : i32 to vector<16xi32>
        %lt3A_1367 = arith.cmpi slt, %add3A_1365, %lt3A_1366 : vector<16xi32>
        %ge3A_1368 = vector.broadcast %or3A_1324 : i32 to vector<16xi32>
        %ge3A_1369 = arith.cmpi sge, %get3A_1362, %ge3A_1368 : vector<16xi32>
        %and3A_1370 = arith.andi %lt3A_1367, %ge3A_1369 : vector<16xi1>
        %select_n3A_1371 = arith.select %and3A_1370, %broadcast_in_dim3A_930, %broadcast_in_dim3A_5 : vector<16xi1>, vector<16xi32>
        %add3A_1372 = arith.addi %add3A_1360, %select_n3A_1371 : vector<16xi32>
        %get3A_1373 = arith.constant 64 : index
        %get3A_1374 = tpu.vector_load %arg17[%get3A_1373] {strides = array<i32>} : memref<128xi32, #tpu.memory_space<vmem>>, vector<16xi32>,
        %add3A_1375 = arith.constant 64 : i32
        %add3A_1376 = vector.broadcast %add3A_1375 : i32 to vector<16xi32>
        %add3A_1377 = arith.addi %add3A_1376, %iota3A : vector<16xi32>
        %lt3A_1378 = vector.broadcast %scan3A_981#1 : i32 to vector<16xi32>
        %lt3A_1379 = arith.cmpi slt, %add3A_1377, %lt3A_1378 : vector<16xi32>
        %ge3A_1380 = vector.broadcast %or3A_1324 : i32 to vector<16xi32>
        %ge3A_1381 = arith.cmpi sge, %get3A_1374, %ge3A_1380 : vector<16xi32>
        %and3A_1382 = arith.andi %lt3A_1379, %ge3A_1381 : vector<16xi1>
        %select_n3A_1383 = arith.select %and3A_1382, %broadcast_in_dim3A_930, %broadcast_in_dim3A_5 : vector<16xi1>, vector<16xi32>
        %add3A_1384 = arith.addi %add3A_1372, %select_n3A_1383 : vector<16xi32>
        %get3A_1385 = arith.constant 80 : index
        %get3A_1386 = tpu.vector_load %arg17[%get3A_1385] {strides = array<i32>} : memref<128xi32, #tpu.memory_space<vmem>>, vector<16xi32>,
        %add3A_1387 = arith.constant 80 : i32
        %add3A_1388 = vector.broadcast %add3A_1387 : i32 to vector<16xi32>
        %add3A_1389 = arith.addi %add3A_1388, %iota3A : vector<16xi32>
        %lt3A_1390 = vector.broadcast %scan3A_981#1 : i32 to vector<16xi32>
        %lt3A_1391 = arith.cmpi slt, %add3A_1389, %lt3A_1390 : vector<16xi32>
        %ge3A_1392 = vector.broadcast %or3A_1324 : i32 to vector<16xi32>
        %ge3A_1393 = arith.cmpi sge, %get3A_1386, %ge3A_1392 : vector<16xi32>
        %and3A_1394 = arith.andi %lt3A_1391, %ge3A_1393 : vector<16xi1>
        %select_n3A_1395 = arith.select %and3A_1394, %broadcast_in_dim3A_930, %broadcast_in_dim3A_5 : vector<16xi1>, vector<16xi32>
        %add3A_1396 = arith.addi %add3A_1384, %select_n3A_1395 : vector<16xi32>
        %get3A_1397 = arith.constant 96 : index
        %get3A_1398 = tpu.vector_load %arg17[%get3A_1397] {strides = array<i32>} : memref<128xi32, #tpu.memory_space<vmem>>, vector<16xi32>,
        %add3A_1399 = arith.constant 96 : i32
        %add3A_1400 = vector.broadcast %add3A_1399 : i32 to vector<16xi32>
        %add3A_1401 = arith.addi %add3A_1400, %iota3A : vector<16xi32>
        %lt3A_1402 = vector.broadcast %scan3A_981#1 : i32 to vector<16xi32>
        %lt3A_1403 = arith.cmpi slt, %add3A_1401, %lt3A_1402 : vector<16xi32>
        %ge3A_1404 = vector.broadcast %or3A_1324 : i32 to vector<16xi32>
        %ge3A_1405 = arith.cmpi sge, %get3A_1398, %ge3A_1404 : vector<16xi32>
        %and3A_1406 = arith.andi %lt3A_1403, %ge3A_1405 : vector<16xi1>
        %select_n3A_1407 = arith.select %and3A_1406, %broadcast_in_dim3A_930, %broadcast_in_dim3A_5 : vector<16xi1>, vector<16xi32>
        %add3A_1408 = arith.addi %add3A_1396, %select_n3A_1407 : vector<16xi32>
        %get3A_1409 = arith.constant 112 : index
        %get3A_1410 = tpu.vector_load %arg17[%get3A_1409] {strides = array<i32>} : memref<128xi32, #tpu.memory_space<vmem>>, vector<16xi32>,
        %add3A_1411 = arith.constant 112 : i32
        %add3A_1412 = vector.broadcast %add3A_1411 : i32 to vector<16xi32>
        %add3A_1413 = arith.addi %add3A_1412, %iota3A : vector<16xi32>
        %lt3A_1414 = vector.broadcast %scan3A_981#1 : i32 to vector<16xi32>
        %lt3A_1415 = arith.cmpi slt, %add3A_1413, %lt3A_1414 : vector<16xi32>
        %ge3A_1416 = vector.broadcast %or3A_1324 : i32 to vector<16xi32>
        %ge3A_1417 = arith.cmpi sge, %get3A_1410, %ge3A_1416 : vector<16xi32>
        %and3A_1418 = arith.andi %lt3A_1415, %ge3A_1417 : vector<16xi1>
        %select_n3A_1419 = arith.select %and3A_1418, %broadcast_in_dim3A_930, %broadcast_in_dim3A_5 : vector<16xi1>, vector<16xi32>
        %add3A_1420 = arith.addi %add3A_1408, %select_n3A_1419 : vector<16xi32>
        %reduce_sum3A_1421 = arith.constant true
        %reduce_sum3A_1422 = vector.broadcast %reduce_sum3A_1421 : i1 to vector<16xi1>
        %reduce_sum3A_1423 = tpu.scan <sum>, %add3A_1420 masked %reduce_sum3A_1422 : vector<16xi32>, vector<16xi1> -> vector<16xi32>
        %reduce_sum3A_1424 = vector.extract %reduce_sum3A_1423[15] : i32 from vector<16xi32>
        %ge3A_1425 = arith.cmpi sge, %reduce_sum3A_1424, %sub3A_975 : i32
        %select_n3A_1426 = arith.select %ge3A_1425, %or3A_1324, %scan3A_1320 : i32
        scf.yield %select_n3A_1426 : i32
      }
      %scan3A_992 = arith.constant 13 : i32
      %get3A_993 = arith.constant 0 : index
      %get3A_994 = tpu.vector_load %arg17[%get3A_993] {strides = array<i32>} : memref<128xi32, #tpu.memory_space<vmem>>, vector<16xi32>,
      %add3A_995 = arith.constant 0 : i32
      %add3A_996 = vector.broadcast %add3A_995 : i32 to vector<16xi32>
      %add3A_997 = arith.addi %add3A_996, %iota3A : vector<16xi32>
      %lt3A_998 = vector.broadcast %scan3A_981#1 : i32 to vector<16xi32>
      %lt3A_999 = arith.cmpi slt, %add3A_997, %lt3A_998 : vector<16xi32>
      %gt3A = vector.broadcast %scan3A_991 : i32 to vector<16xi32>
      %gt3A_1000 = arith.cmpi sgt, %get3A_994, %gt3A : vector<16xi32>
      %and3A_1001 = arith.andi %lt3A_999, %gt3A_1000 : vector<16xi1>
      %select_n3A = arith.select %and3A_1001, %broadcast_in_dim3A_930, %broadcast_in_dim3A_5 : vector<16xi1>, vector<16xi32>
      %add3A_1002 = arith.addi %broadcast_in_dim3A_5, %select_n3A : vector<16xi32>
      %get3A_1003 = arith.constant 16 : index
      %get3A_1004 = tpu.vector_load %arg17[%get3A_1003] {strides = array<i32>} : memref<128xi32, #tpu.memory_space<vmem>>, vector<16xi32>,
      %add3A_1005 = arith.constant 16 : i32
      %add3A_1006 = vector.broadcast %add3A_1005 : i32 to vector<16xi32>
      %add3A_1007 = arith.addi %add3A_1006, %iota3A : vector<16xi32>
      %lt3A_1008 = vector.broadcast %scan3A_981#1 : i32 to vector<16xi32>
      %lt3A_1009 = arith.cmpi slt, %add3A_1007, %lt3A_1008 : vector<16xi32>
      %gt3A_1010 = vector.broadcast %scan3A_991 : i32 to vector<16xi32>
      %gt3A_1011 = arith.cmpi sgt, %get3A_1004, %gt3A_1010 : vector<16xi32>
      %and3A_1012 = arith.andi %lt3A_1009, %gt3A_1011 : vector<16xi1>
      %select_n3A_1013 = arith.select %and3A_1012, %broadcast_in_dim3A_930, %broadcast_in_dim3A_5 : vector<16xi1>, vector<16xi32>
      %add3A_1014 = arith.addi %add3A_1002, %select_n3A_1013 : vector<16xi32>
      %get3A_1015 = arith.constant 32 : index
      %get3A_1016 = tpu.vector_load %arg17[%get3A_1015] {strides = array<i32>} : memref<128xi32, #tpu.memory_space<vmem>>, vector<16xi32>,
      %add3A_1017 = arith.constant 32 : i32
      %add3A_1018 = vector.broadcast %add3A_1017 : i32 to vector<16xi32>
      %add3A_1019 = arith.addi %add3A_1018, %iota3A : vector<16xi32>
      %lt3A_1020 = vector.broadcast %scan3A_981#1 : i32 to vector<16xi32>
      %lt3A_1021 = arith.cmpi slt, %add3A_1019, %lt3A_1020 : vector<16xi32>
      %gt3A_1022 = vector.broadcast %scan3A_991 : i32 to vector<16xi32>
      %gt3A_1023 = arith.cmpi sgt, %get3A_1016, %gt3A_1022 : vector<16xi32>
      %and3A_1024 = arith.andi %lt3A_1021, %gt3A_1023 : vector<16xi1>
      %select_n3A_1025 = arith.select %and3A_1024, %broadcast_in_dim3A_930, %broadcast_in_dim3A_5 : vector<16xi1>, vector<16xi32>
      %add3A_1026 = arith.addi %add3A_1014, %select_n3A_1025 : vector<16xi32>
      %get3A_1027 = arith.constant 48 : index
      %get3A_1028 = tpu.vector_load %arg17[%get3A_1027] {strides = array<i32>} : memref<128xi32, #tpu.memory_space<vmem>>, vector<16xi32>,
      %add3A_1029 = arith.constant 48 : i32
      %add3A_1030 = vector.broadcast %add3A_1029 : i32 to vector<16xi32>
      %add3A_1031 = arith.addi %add3A_1030, %iota3A : vector<16xi32>
      %lt3A_1032 = vector.broadcast %scan3A_981#1 : i32 to vector<16xi32>
      %lt3A_1033 = arith.cmpi slt, %add3A_1031, %lt3A_1032 : vector<16xi32>
      %gt3A_1034 = vector.broadcast %scan3A_991 : i32 to vector<16xi32>
      %gt3A_1035 = arith.cmpi sgt, %get3A_1028, %gt3A_1034 : vector<16xi32>
      %and3A_1036 = arith.andi %lt3A_1033, %gt3A_1035 : vector<16xi1>
      %select_n3A_1037 = arith.select %and3A_1036, %broadcast_in_dim3A_930, %broadcast_in_dim3A_5 : vector<16xi1>, vector<16xi32>
      %add3A_1038 = arith.addi %add3A_1026, %select_n3A_1037 : vector<16xi32>
      %get3A_1039 = arith.constant 64 : index
      %get3A_1040 = tpu.vector_load %arg17[%get3A_1039] {strides = array<i32>} : memref<128xi32, #tpu.memory_space<vmem>>, vector<16xi32>,
      %add3A_1041 = arith.constant 64 : i32
      %add3A_1042 = vector.broadcast %add3A_1041 : i32 to vector<16xi32>
      %add3A_1043 = arith.addi %add3A_1042, %iota3A : vector<16xi32>
      %lt3A_1044 = vector.broadcast %scan3A_981#1 : i32 to vector<16xi32>
      %lt3A_1045 = arith.cmpi slt, %add3A_1043, %lt3A_1044 : vector<16xi32>
      %gt3A_1046 = vector.broadcast %scan3A_991 : i32 to vector<16xi32>
      %gt3A_1047 = arith.cmpi sgt, %get3A_1040, %gt3A_1046 : vector<16xi32>
      %and3A_1048 = arith.andi %lt3A_1045, %gt3A_1047 : vector<16xi1>
      %select_n3A_1049 = arith.select %and3A_1048, %broadcast_in_dim3A_930, %broadcast_in_dim3A_5 : vector<16xi1>, vector<16xi32>
      %add3A_1050 = arith.addi %add3A_1038, %select_n3A_1049 : vector<16xi32>
      %get3A_1051 = arith.constant 80 : index
      %get3A_1052 = tpu.vector_load %arg17[%get3A_1051] {strides = array<i32>} : memref<128xi32, #tpu.memory_space<vmem>>, vector<16xi32>,
      %add3A_1053 = arith.constant 80 : i32
      %add3A_1054 = vector.broadcast %add3A_1053 : i32 to vector<16xi32>
      %add3A_1055 = arith.addi %add3A_1054, %iota3A : vector<16xi32>
      %lt3A_1056 = vector.broadcast %scan3A_981#1 : i32 to vector<16xi32>
      %lt3A_1057 = arith.cmpi slt, %add3A_1055, %lt3A_1056 : vector<16xi32>
      %gt3A_1058 = vector.broadcast %scan3A_991 : i32 to vector<16xi32>
      %gt3A_1059 = arith.cmpi sgt, %get3A_1052, %gt3A_1058 : vector<16xi32>
      %and3A_1060 = arith.andi %lt3A_1057, %gt3A_1059 : vector<16xi1>
      %select_n3A_1061 = arith.select %and3A_1060, %broadcast_in_dim3A_930, %broadcast_in_dim3A_5 : vector<16xi1>, vector<16xi32>
      %add3A_1062 = arith.addi %add3A_1050, %select_n3A_1061 : vector<16xi32>
      %get3A_1063 = arith.constant 96 : index
      %get3A_1064 = tpu.vector_load %arg17[%get3A_1063] {strides = array<i32>} : memref<128xi32, #tpu.memory_space<vmem>>, vector<16xi32>,
      %add3A_1065 = arith.constant 96 : i32
      %add3A_1066 = vector.broadcast %add3A_1065 : i32 to vector<16xi32>
      %add3A_1067 = arith.addi %add3A_1066, %iota3A : vector<16xi32>
      %lt3A_1068 = vector.broadcast %scan3A_981#1 : i32 to vector<16xi32>
      %lt3A_1069 = arith.cmpi slt, %add3A_1067, %lt3A_1068 : vector<16xi32>
      %gt3A_1070 = vector.broadcast %scan3A_991 : i32 to vector<16xi32>
      %gt3A_1071 = arith.cmpi sgt, %get3A_1064, %gt3A_1070 : vector<16xi32>
      %and3A_1072 = arith.andi %lt3A_1069, %gt3A_1071 : vector<16xi1>
      %select_n3A_1073 = arith.select %and3A_1072, %broadcast_in_dim3A_930, %broadcast_in_dim3A_5 : vector<16xi1>, vector<16xi32>
      %add3A_1074 = arith.addi %add3A_1062, %select_n3A_1073 : vector<16xi32>
      %get3A_1075 = arith.constant 112 : index
      %get3A_1076 = tpu.vector_load %arg17[%get3A_1075] {strides = array<i32>} : memref<128xi32, #tpu.memory_space<vmem>>, vector<16xi32>,
      %add3A_1077 = arith.constant 112 : i32
      %add3A_1078 = vector.broadcast %add3A_1077 : i32 to vector<16xi32>
      %add3A_1079 = arith.addi %add3A_1078, %iota3A : vector<16xi32>
      %lt3A_1080 = vector.broadcast %scan3A_981#1 : i32 to vector<16xi32>
      %lt3A_1081 = arith.cmpi slt, %add3A_1079, %lt3A_1080 : vector<16xi32>
      %gt3A_1082 = vector.broadcast %scan3A_991 : i32 to vector<16xi32>
      %gt3A_1083 = arith.cmpi sgt, %get3A_1076, %gt3A_1082 : vector<16xi32>
      %and3A_1084 = arith.andi %lt3A_1081, %gt3A_1083 : vector<16xi1>
      %select_n3A_1085 = arith.select %and3A_1084, %broadcast_in_dim3A_930, %broadcast_in_dim3A_5 : vector<16xi1>, vector<16xi32>
      %add3A_1086 = arith.addi %add3A_1074, %select_n3A_1085 : vector<16xi32>
      %reduce_sum3A_1087 = arith.constant true
      %reduce_sum3A_1088 = vector.broadcast %reduce_sum3A_1087 : i1 to vector<16xi1>
      %reduce_sum3A_1089 = tpu.scan <sum>, %add3A_1086 masked %reduce_sum3A_1088 : vector<16xi32>, vector<16xi1> -> vector<16xi32>
      %reduce_sum3A_1090 = vector.extract %reduce_sum3A_1089[15] : i32 from vector<16xi32>
      %sub3A_1091 = arith.subi %sub3A_975, %reduce_sum3A_1090 : i32
      %scan3A_1092 = arith.constant 0 : i32
      %scan3A_1093 = arith.constant 0 : i32
      %scan3A_1094 = arith.constant 20 : i32
      %scan3A_1095 = arith.addi %scan3A_1093, %scan3A_1094 : i32
      %scan3A_1096 = arith.constant 1 : i32
      %scan3A_1097 = scf.for %scan3A_1319 = %scan3A_1093 to %scan3A_1095 step %scan3A_1096 iter_args(%scan3A_1320 = %scan3A_1092) -> (i32)  : i32 {
        %sub3A_1321 = arith.constant 19 : i32
        %sub3A_1322 = arith.subi %sub3A_1321, %scan3A_1319 : i32
        %shift_left3A = arith.constant 1 : i32
        %shift_left3A_1323 = arith.shli %shift_left3A, %sub3A_1322 : i32
        %or3A_1324 = arith.ori %scan3A_1320, %shift_left3A_1323 : i32
        %get3A_1325 = arith.constant 0 : index
        %get3A_1326 = tpu.vector_load %arg17[%get3A_1325] {strides = array<i32>} : memref<128xi32, #tpu.memory_space<vmem>>, vector<16xi32>,
        %get3A_1327 = arith.constant 0 : index
        %get3A_1328 = tpu.vector_load %arg18[%get3A_1327] {strides = array<i32>} : memref<128xi32, #tpu.memory_space<vmem>>, vector<16xi32>,
        %add3A_1329 = arith.constant 0 : i32
        %add3A_1330 = vector.broadcast %add3A_1329 : i32 to vector<16xi32>
        %add3A_1331 = arith.addi %add3A_1330, %iota3A : vector<16xi32>
        %lt3A_1332 = vector.broadcast %scan3A_981#1 : i32 to vector<16xi32>
        %lt3A_1333 = arith.cmpi slt, %add3A_1331, %lt3A_1332 : vector<16xi32>
        %eq3A_1334 = vector.broadcast %scan3A_991 : i32 to vector<16xi32>
        %eq3A_1335 = arith.cmpi eq, %get3A_1326, %eq3A_1334 : vector<16xi32>
        %and3A_1336 = arith.andi %lt3A_1333, %eq3A_1335 : vector<16xi1>
        %lt3A_1337 = vector.broadcast %or3A_1324 : i32 to vector<16xi32>
        %lt3A_1338 = arith.cmpi slt, %get3A_1328, %lt3A_1337 : vector<16xi32>
        %and3A_1339 = arith.andi %and3A_1336, %lt3A_1338 : vector<16xi1>
        %select_n3A_1340 = arith.select %and3A_1339, %broadcast_in_dim3A_930, %broadcast_in_dim3A_5 : vector<16xi1>, vector<16xi32>
        %add3A_1341 = arith.addi %broadcast_in_dim3A_5, %select_n3A_1340 : vector<16xi32>
        %get3A_1342 = arith.constant 16 : index
        %get3A_1343 = tpu.vector_load %arg17[%get3A_1342] {strides = array<i32>} : memref<128xi32, #tpu.memory_space<vmem>>, vector<16xi32>,
        %get3A_1344 = arith.constant 16 : index
        %get3A_1345 = tpu.vector_load %arg18[%get3A_1344] {strides = array<i32>} : memref<128xi32, #tpu.memory_space<vmem>>, vector<16xi32>,
        %add3A_1346 = arith.constant 16 : i32
        %add3A_1347 = vector.broadcast %add3A_1346 : i32 to vector<16xi32>
        %add3A_1348 = arith.addi %add3A_1347, %iota3A : vector<16xi32>
        %lt3A_1349 = vector.broadcast %scan3A_981#1 : i32 to vector<16xi32>
        %lt3A_1350 = arith.cmpi slt, %add3A_1348, %lt3A_1349 : vector<16xi32>
        %eq3A_1351 = vector.broadcast %scan3A_991 : i32 to vector<16xi32>
        %eq3A_1352 = arith.cmpi eq, %get3A_1343, %eq3A_1351 : vector<16xi32>
        %and3A_1353 = arith.andi %lt3A_1350, %eq3A_1352 : vector<16xi1>
        %lt3A_1354 = vector.broadcast %or3A_1324 : i32 to vector<16xi32>
        %lt3A_1355 = arith.cmpi slt, %get3A_1345, %lt3A_1354 : vector<16xi32>
        %and3A_1356 = arith.andi %and3A_1353, %lt3A_1355 : vector<16xi1>
        %select_n3A_1357 = arith.select %and3A_1356, %broadcast_in_dim3A_930, %broadcast_in_dim3A_5 : vector<16xi1>, vector<16xi32>
        %add3A_1358 = arith.addi %add3A_1341, %select_n3A_1357 : vector<16xi32>
        %get3A_1359 = arith.constant 32 : index
        %get3A_1360 = tpu.vector_load %arg17[%get3A_1359] {strides = array<i32>} : memref<128xi32, #tpu.memory_space<vmem>>, vector<16xi32>,
        %get3A_1361 = arith.constant 32 : index
        %get3A_1362 = tpu.vector_load %arg18[%get3A_1361] {strides = array<i32>} : memref<128xi32, #tpu.memory_space<vmem>>, vector<16xi32>,
        %add3A_1363 = arith.constant 32 : i32
        %add3A_1364 = vector.broadcast %add3A_1363 : i32 to vector<16xi32>
        %add3A_1365 = arith.addi %add3A_1364, %iota3A : vector<16xi32>
        %lt3A_1366 = vector.broadcast %scan3A_981#1 : i32 to vector<16xi32>
        %lt3A_1367 = arith.cmpi slt, %add3A_1365, %lt3A_1366 : vector<16xi32>
        %eq3A_1368 = vector.broadcast %scan3A_991 : i32 to vector<16xi32>
        %eq3A_1369 = arith.cmpi eq, %get3A_1360, %eq3A_1368 : vector<16xi32>
        %and3A_1370 = arith.andi %lt3A_1367, %eq3A_1369 : vector<16xi1>
        %lt3A_1371 = vector.broadcast %or3A_1324 : i32 to vector<16xi32>
        %lt3A_1372 = arith.cmpi slt, %get3A_1362, %lt3A_1371 : vector<16xi32>
        %and3A_1373 = arith.andi %and3A_1370, %lt3A_1372 : vector<16xi1>
        %select_n3A_1374 = arith.select %and3A_1373, %broadcast_in_dim3A_930, %broadcast_in_dim3A_5 : vector<16xi1>, vector<16xi32>
        %add3A_1375 = arith.addi %add3A_1358, %select_n3A_1374 : vector<16xi32>
        %get3A_1376 = arith.constant 48 : index
        %get3A_1377 = tpu.vector_load %arg17[%get3A_1376] {strides = array<i32>} : memref<128xi32, #tpu.memory_space<vmem>>, vector<16xi32>,
        %get3A_1378 = arith.constant 48 : index
        %get3A_1379 = tpu.vector_load %arg18[%get3A_1378] {strides = array<i32>} : memref<128xi32, #tpu.memory_space<vmem>>, vector<16xi32>,
        %add3A_1380 = arith.constant 48 : i32
        %add3A_1381 = vector.broadcast %add3A_1380 : i32 to vector<16xi32>
        %add3A_1382 = arith.addi %add3A_1381, %iota3A : vector<16xi32>
        %lt3A_1383 = vector.broadcast %scan3A_981#1 : i32 to vector<16xi32>
        %lt3A_1384 = arith.cmpi slt, %add3A_1382, %lt3A_1383 : vector<16xi32>
        %eq3A_1385 = vector.broadcast %scan3A_991 : i32 to vector<16xi32>
        %eq3A_1386 = arith.cmpi eq, %get3A_1377, %eq3A_1385 : vector<16xi32>
        %and3A_1387 = arith.andi %lt3A_1384, %eq3A_1386 : vector<16xi1>
        %lt3A_1388 = vector.broadcast %or3A_1324 : i32 to vector<16xi32>
        %lt3A_1389 = arith.cmpi slt, %get3A_1379, %lt3A_1388 : vector<16xi32>
        %and3A_1390 = arith.andi %and3A_1387, %lt3A_1389 : vector<16xi1>
        %select_n3A_1391 = arith.select %and3A_1390, %broadcast_in_dim3A_930, %broadcast_in_dim3A_5 : vector<16xi1>, vector<16xi32>
        %add3A_1392 = arith.addi %add3A_1375, %select_n3A_1391 : vector<16xi32>
        %get3A_1393 = arith.constant 64 : index
        %get3A_1394 = tpu.vector_load %arg17[%get3A_1393] {strides = array<i32>} : memref<128xi32, #tpu.memory_space<vmem>>, vector<16xi32>,
        %get3A_1395 = arith.constant 64 : index
        %get3A_1396 = tpu.vector_load %arg18[%get3A_1395] {strides = array<i32>} : memref<128xi32, #tpu.memory_space<vmem>>, vector<16xi32>,
        %add3A_1397 = arith.constant 64 : i32
        %add3A_1398 = vector.broadcast %add3A_1397 : i32 to vector<16xi32>
        %add3A_1399 = arith.addi %add3A_1398, %iota3A : vector<16xi32>
        %lt3A_1400 = vector.broadcast %scan3A_981#1 : i32 to vector<16xi32>
        %lt3A_1401 = arith.cmpi slt, %add3A_1399, %lt3A_1400 : vector<16xi32>
        %eq3A_1402 = vector.broadcast %scan3A_991 : i32 to vector<16xi32>
        %eq3A_1403 = arith.cmpi eq, %get3A_1394, %eq3A_1402 : vector<16xi32>
        %and3A_1404 = arith.andi %lt3A_1401, %eq3A_1403 : vector<16xi1>
        %lt3A_1405 = vector.broadcast %or3A_1324 : i32 to vector<16xi32>
        %lt3A_1406 = arith.cmpi slt, %get3A_1396, %lt3A_1405 : vector<16xi32>
        %and3A_1407 = arith.andi %and3A_1404, %lt3A_1406 : vector<16xi1>
        %select_n3A_1408 = arith.select %and3A_1407, %broadcast_in_dim3A_930, %broadcast_in_dim3A_5 : vector<16xi1>, vector<16xi32>
        %add3A_1409 = arith.addi %add3A_1392, %select_n3A_1408 : vector<16xi32>
        %get3A_1410 = arith.constant 80 : index
        %get3A_1411 = tpu.vector_load %arg17[%get3A_1410] {strides = array<i32>} : memref<128xi32, #tpu.memory_space<vmem>>, vector<16xi32>,
        %get3A_1412 = arith.constant 80 : index
        %get3A_1413 = tpu.vector_load %arg18[%get3A_1412] {strides = array<i32>} : memref<128xi32, #tpu.memory_space<vmem>>, vector<16xi32>,
        %add3A_1414 = arith.constant 80 : i32
        %add3A_1415 = vector.broadcast %add3A_1414 : i32 to vector<16xi32>
        %add3A_1416 = arith.addi %add3A_1415, %iota3A : vector<16xi32>
        %lt3A_1417 = vector.broadcast %scan3A_981#1 : i32 to vector<16xi32>
        %lt3A_1418 = arith.cmpi slt, %add3A_1416, %lt3A_1417 : vector<16xi32>
        %eq3A_1419 = vector.broadcast %scan3A_991 : i32 to vector<16xi32>
        %eq3A_1420 = arith.cmpi eq, %get3A_1411, %eq3A_1419 : vector<16xi32>
        %and3A_1421 = arith.andi %lt3A_1418, %eq3A_1420 : vector<16xi1>
        %lt3A_1422 = vector.broadcast %or3A_1324 : i32 to vector<16xi32>
        %lt3A_1423 = arith.cmpi slt, %get3A_1413, %lt3A_1422 : vector<16xi32>
        %and3A_1424 = arith.andi %and3A_1421, %lt3A_1423 : vector<16xi1>
        %select_n3A_1425 = arith.select %and3A_1424, %broadcast_in_dim3A_930, %broadcast_in_dim3A_5 : vector<16xi1>, vector<16xi32>
        %add3A_1426 = arith.addi %add3A_1409, %select_n3A_1425 : vector<16xi32>
        %get3A_1427 = arith.constant 96 : index
        %get3A_1428 = tpu.vector_load %arg17[%get3A_1427] {strides = array<i32>} : memref<128xi32, #tpu.memory_space<vmem>>, vector<16xi32>,
        %get3A_1429 = arith.constant 96 : index
        %get3A_1430 = tpu.vector_load %arg18[%get3A_1429] {strides = array<i32>} : memref<128xi32, #tpu.memory_space<vmem>>, vector<16xi32>,
        %add3A_1431 = arith.constant 96 : i32
        %add3A_1432 = vector.broadcast %add3A_1431 : i32 to vector<16xi32>
        %add3A_1433 = arith.addi %add3A_1432, %iota3A : vector<16xi32>
        %lt3A_1434 = vector.broadcast %scan3A_981#1 : i32 to vector<16xi32>
        %lt3A_1435 = arith.cmpi slt, %add3A_1433, %lt3A_1434 : vector<16xi32>
        %eq3A_1436 = vector.broadcast %scan3A_991 : i32 to vector<16xi32>
        %eq3A_1437 = arith.cmpi eq, %get3A_1428, %eq3A_1436 : vector<16xi32>
        %and3A_1438 = arith.andi %lt3A_1435, %eq3A_1437 : vector<16xi1>
        %lt3A_1439 = vector.broadcast %or3A_1324 : i32 to vector<16xi32>
        %lt3A_1440 = arith.cmpi slt, %get3A_1430, %lt3A_1439 : vector<16xi32>
        %and3A_1441 = arith.andi %and3A_1438, %lt3A_1440 : vector<16xi1>
        %select_n3A_1442 = arith.select %and3A_1441, %broadcast_in_dim3A_930, %broadcast_in_dim3A_5 : vector<16xi1>, vector<16xi32>
        %add3A_1443 = arith.addi %add3A_1426, %select_n3A_1442 : vector<16xi32>
        %get3A_1444 = arith.constant 112 : index
        %get3A_1445 = tpu.vector_load %arg17[%get3A_1444] {strides = array<i32>} : memref<128xi32, #tpu.memory_space<vmem>>, vector<16xi32>,
        %get3A_1446 = arith.constant 112 : index
        %get3A_1447 = tpu.vector_load %arg18[%get3A_1446] {strides = array<i32>} : memref<128xi32, #tpu.memory_space<vmem>>, vector<16xi32>,
        %add3A_1448 = arith.constant 112 : i32
        %add3A_1449 = vector.broadcast %add3A_1448 : i32 to vector<16xi32>
        %add3A_1450 = arith.addi %add3A_1449, %iota3A : vector<16xi32>
        %lt3A_1451 = vector.broadcast %scan3A_981#1 : i32 to vector<16xi32>
        %lt3A_1452 = arith.cmpi slt, %add3A_1450, %lt3A_1451 : vector<16xi32>
        %eq3A_1453 = vector.broadcast %scan3A_991 : i32 to vector<16xi32>
        %eq3A_1454 = arith.cmpi eq, %get3A_1445, %eq3A_1453 : vector<16xi32>
        %and3A_1455 = arith.andi %lt3A_1452, %eq3A_1454 : vector<16xi1>
        %lt3A_1456 = vector.broadcast %or3A_1324 : i32 to vector<16xi32>
        %lt3A_1457 = arith.cmpi slt, %get3A_1447, %lt3A_1456 : vector<16xi32>
        %and3A_1458 = arith.andi %and3A_1455, %lt3A_1457 : vector<16xi1>
        %select_n3A_1459 = arith.select %and3A_1458, %broadcast_in_dim3A_930, %broadcast_in_dim3A_5 : vector<16xi1>, vector<16xi32>
        %add3A_1460 = arith.addi %add3A_1443, %select_n3A_1459 : vector<16xi32>
        %reduce_sum3A_1461 = arith.constant true
        %reduce_sum3A_1462 = vector.broadcast %reduce_sum3A_1461 : i1 to vector<16xi1>
        %reduce_sum3A_1463 = tpu.scan <sum>, %add3A_1460 masked %reduce_sum3A_1462 : vector<16xi32>, vector<16xi1> -> vector<16xi32>
        %reduce_sum3A_1464 = vector.extract %reduce_sum3A_1463[15] : i32 from vector<16xi32>
        %lt3A_1465 = arith.cmpi slt, %reduce_sum3A_1464, %sub3A_1091 : i32
        %select_n3A_1466 = arith.select %lt3A_1465, %or3A_1324, %scan3A_1320 : i32
        scf.yield %select_n3A_1466 : i32
      }
      %scan3A_1098 = arith.constant 20 : i32
      %get3A_1099 = arith.constant 0 : index
      %get3A_1100 = tpu.vector_load %arg17[%get3A_1099] {strides = array<i32>} : memref<128xi32, #tpu.memory_space<vmem>>, vector<16xi32>,
      %get3A_1101 = arith.constant 0 : index
      %get3A_1102 = tpu.vector_load %arg18[%get3A_1101] {strides = array<i32>} : memref<128xi32, #tpu.memory_space<vmem>>, vector<16xi32>,
      %add3A_1103 = arith.constant 0 : i32
      %add3A_1104 = vector.broadcast %add3A_1103 : i32 to vector<16xi32>
      %add3A_1105 = arith.addi %add3A_1104, %iota3A : vector<16xi32>
      %lt3A_1106 = vector.broadcast %scan3A_981#1 : i32 to vector<16xi32>
      %lt3A_1107 = arith.cmpi slt, %add3A_1105, %lt3A_1106 : vector<16xi32>
      %gt3A_1108 = vector.broadcast %scan3A_991 : i32 to vector<16xi32>
      %gt3A_1109 = arith.cmpi sgt, %get3A_1100, %gt3A_1108 : vector<16xi32>
      %eq3A_1110 = vector.broadcast %scan3A_991 : i32 to vector<16xi32>
      %eq3A_1111 = arith.cmpi eq, %get3A_1100, %eq3A_1110 : vector<16xi32>
      %le3A = vector.broadcast %scan3A_1097 : i32 to vector<16xi32>
      %le3A_1112 = arith.cmpi sle, %get3A_1102, %le3A : vector<16xi32>
      %and3A_1113 = arith.andi %eq3A_1111, %le3A_1112 : vector<16xi1>
      %or3A = arith.ori %gt3A_1109, %and3A_1113 : vector<16xi1>
      %and3A_1114 = arith.andi %lt3A_1107, %or3A : vector<16xi1>
      %min3A = arith.constant 528 : i32
      %min3A_1115 = arith.minsi %scan3A_981#0, %min3A : i32
      %swap3A_1116 = arith.index_cast %min3A_1115 : i32 to index
      %swap3A_1117 = tpu.vector_load %arg11[%swap3A_1116] masked %and3A_1114 {strides = array<i32>} : memref<544xi32, #tpu.memory_space<vmem>>, vector<16xi32>, vector<16xi1>
      tpu.vector_store %arg11[%swap3A_1116], %get3A_1100 masked %and3A_1114 {strides = array<i32>} : memref<544xi32, #tpu.memory_space<vmem>>, vector<16xi32>, vector<16xi1>
      %swap3A_1118 = arith.index_cast %min3A_1115 : i32 to index
      %swap3A_1119 = tpu.vector_load %arg12[%swap3A_1118] masked %and3A_1114 {strides = array<i32>} : memref<544xi32, #tpu.memory_space<vmem>>, vector<16xi32>, vector<16xi1>
      tpu.vector_store %arg12[%swap3A_1118], %get3A_1102 masked %and3A_1114 {strides = array<i32>} : memref<544xi32, #tpu.memory_space<vmem>>, vector<16xi32>, vector<16xi1>
      %all_reduce_population_count3A = tpu.all_reduce %and3A_1114 {dim = 0 : i64, kind = #tpu.reduction_kind<sum>} : vector<16xi1> -> vector<16xi32>
      %slice3A_1120 = vector.extract_strided_slice %all_reduce_population_count3A {offsets = [0], sizes = [1], strides = [1]} : vector<16xi32> to vector<1xi32>
      %squeeze3A_1121 = vector.extract %slice3A_1120[0] : i32 from vector<1xi32>
      %add3A_1122 = arith.addi %scan3A_981#0, %squeeze3A_1121 : i32
      %get3A_1123 = arith.constant 16 : index
      %get3A_1124 = tpu.vector_load %arg17[%get3A_1123] {strides = array<i32>} : memref<128xi32, #tpu.memory_space<vmem>>, vector<16xi32>,
      %get3A_1125 = arith.constant 16 : index
      %get3A_1126 = tpu.vector_load %arg18[%get3A_1125] {strides = array<i32>} : memref<128xi32, #tpu.memory_space<vmem>>, vector<16xi32>,
      %add3A_1127 = arith.constant 16 : i32
      %add3A_1128 = vector.broadcast %add3A_1127 : i32 to vector<16xi32>
      %add3A_1129 = arith.addi %add3A_1128, %iota3A : vector<16xi32>
      %lt3A_1130 = vector.broadcast %scan3A_981#1 : i32 to vector<16xi32>
      %lt3A_1131 = arith.cmpi slt, %add3A_1129, %lt3A_1130 : vector<16xi32>
      %gt3A_1132 = vector.broadcast %scan3A_991 : i32 to vector<16xi32>
      %gt3A_1133 = arith.cmpi sgt, %get3A_1124, %gt3A_1132 : vector<16xi32>
      %eq3A_1134 = vector.broadcast %scan3A_991 : i32 to vector<16xi32>
      %eq3A_1135 = arith.cmpi eq, %get3A_1124, %eq3A_1134 : vector<16xi32>
      %le3A_1136 = vector.broadcast %scan3A_1097 : i32 to vector<16xi32>
      %le3A_1137 = arith.cmpi sle, %get3A_1126, %le3A_1136 : vector<16xi32>
      %and3A_1138 = arith.andi %eq3A_1135, %le3A_1137 : vector<16xi1>
      %or3A_1139 = arith.ori %gt3A_1133, %and3A_1138 : vector<16xi1>
      %and3A_1140 = arith.andi %lt3A_1131, %or3A_1139 : vector<16xi1>
      %min3A_1141 = arith.constant 528 : i32
      %min3A_1142 = arith.minsi %add3A_1122, %min3A_1141 : i32
      %swap3A_1143 = arith.index_cast %min3A_1142 : i32 to index
      %swap3A_1144 = tpu.vector_load %arg11[%swap3A_1143] masked %and3A_1140 {strides = array<i32>} : memref<544xi32, #tpu.memory_space<vmem>>, vector<16xi32>, vector<16xi1>
      tpu.vector_store %arg11[%swap3A_1143], %get3A_1124 masked %and3A_1140 {strides = array<i32>} : memref<544xi32, #tpu.memory_space<vmem>>, vector<16xi32>, vector<16xi1>
      %swap3A_1145 = arith.index_cast %min3A_1142 : i32 to index
      %swap3A_1146 = tpu.vector_load %arg12[%swap3A_1145] masked %and3A_1140 {strides = array<i32>} : memref<544xi32, #tpu.memory_space<vmem>>, vector<16xi32>, vector<16xi1>
      tpu.vector_store %arg12[%swap3A_1145], %get3A_1126 masked %and3A_1140 {strides = array<i32>} : memref<544xi32, #tpu.memory_space<vmem>>, vector<16xi32>, vector<16xi1>
      %all_reduce_population_count3A_1147 = tpu.all_reduce %and3A_1140 {dim = 0 : i64, kind = #tpu.reduction_kind<sum>} : vector<16xi1> -> vector<16xi32>
      %slice3A_1148 = vector.extract_strided_slice %all_reduce_population_count3A_1147 {offsets = [0], sizes = [1], strides = [1]} : vector<16xi32> to vector<1xi32>
      %squeeze3A_1149 = vector.extract %slice3A_1148[0] : i32 from vector<1xi32>
      %add3A_1150 = arith.addi %add3A_1122, %squeeze3A_1149 : i32
      %get3A_1151 = arith.constant 32 : index
      %get3A_1152 = tpu.vector_load %arg17[%get3A_1151] {strides = array<i32>} : memref<128xi32, #tpu.memory_space<vmem>>, vector<16xi32>,
      %get3A_1153 = arith.constant 32 : index
      %get3A_1154 = tpu.vector_load %arg18[%get3A_1153] {strides = array<i32>} : memref<128xi32, #tpu.memory_space<vmem>>, vector<16xi32>,
      %add3A_1155 = arith.constant 32 : i32
      %add3A_1156 = vector.broadcast %add3A_1155 : i32 to vector<16xi32>
      %add3A_1157 = arith.addi %add3A_1156, %iota3A : vector<16xi32>
      %lt3A_1158 = vector.broadcast %scan3A_981#1 : i32 to vector<16xi32>
      %lt3A_1159 = arith.cmpi slt, %add3A_1157, %lt3A_1158 : vector<16xi32>
      %gt3A_1160 = vector.broadcast %scan3A_991 : i32 to vector<16xi32>
      %gt3A_1161 = arith.cmpi sgt, %get3A_1152, %gt3A_1160 : vector<16xi32>
      %eq3A_1162 = vector.broadcast %scan3A_991 : i32 to vector<16xi32>
      %eq3A_1163 = arith.cmpi eq, %get3A_1152, %eq3A_1162 : vector<16xi32>
      %le3A_1164 = vector.broadcast %scan3A_1097 : i32 to vector<16xi32>
      %le3A_1165 = arith.cmpi sle, %get3A_1154, %le3A_1164 : vector<16xi32>
      %and3A_1166 = arith.andi %eq3A_1163, %le3A_1165 : vector<16xi1>
      %or3A_1167 = arith.ori %gt3A_1161, %and3A_1166 : vector<16xi1>
      %and3A_1168 = arith.andi %lt3A_1159, %or3A_1167 : vector<16xi1>
      %min3A_1169 = arith.constant 528 : i32
      %min3A_1170 = arith.minsi %add3A_1150, %min3A_1169 : i32
      %swap3A_1171 = arith.index_cast %min3A_1170 : i32 to index
      %swap3A_1172 = tpu.vector_load %arg11[%swap3A_1171] masked %and3A_1168 {strides = array<i32>} : memref<544xi32, #tpu.memory_space<vmem>>, vector<16xi32>, vector<16xi1>
      tpu.vector_store %arg11[%swap3A_1171], %get3A_1152 masked %and3A_1168 {strides = array<i32>} : memref<544xi32, #tpu.memory_space<vmem>>, vector<16xi32>, vector<16xi1>
      %swap3A_1173 = arith.index_cast %min3A_1170 : i32 to index
      %swap3A_1174 = tpu.vector_load %arg12[%swap3A_1173] masked %and3A_1168 {strides = array<i32>} : memref<544xi32, #tpu.memory_space<vmem>>, vector<16xi32>, vector<16xi1>
      tpu.vector_store %arg12[%swap3A_1173], %get3A_1154 masked %and3A_1168 {strides = array<i32>} : memref<544xi32, #tpu.memory_space<vmem>>, vector<16xi32>, vector<16xi1>
      %all_reduce_population_count3A_1175 = tpu.all_reduce %and3A_1168 {dim = 0 : i64, kind = #tpu.reduction_kind<sum>} : vector<16xi1> -> vector<16xi32>
      %slice3A_1176 = vector.extract_strided_slice %all_reduce_population_count3A_1175 {offsets = [0], sizes = [1], strides = [1]} : vector<16xi32> to vector<1xi32>
      %squeeze3A_1177 = vector.extract %slice3A_1176[0] : i32 from vector<1xi32>
      %add3A_1178 = arith.addi %add3A_1150, %squeeze3A_1177 : i32
      %get3A_1179 = arith.constant 48 : index
      %get3A_1180 = tpu.vector_load %arg17[%get3A_1179] {strides = array<i32>} : memref<128xi32, #tpu.memory_space<vmem>>, vector<16xi32>,
      %get3A_1181 = arith.constant 48 : index
      %get3A_1182 = tpu.vector_load %arg18[%get3A_1181] {strides = array<i32>} : memref<128xi32, #tpu.memory_space<vmem>>, vector<16xi32>,
      %add3A_1183 = arith.constant 48 : i32
      %add3A_1184 = vector.broadcast %add3A_1183 : i32 to vector<16xi32>
      %add3A_1185 = arith.addi %add3A_1184, %iota3A : vector<16xi32>
      %lt3A_1186 = vector.broadcast %scan3A_981#1 : i32 to vector<16xi32>
      %lt3A_1187 = arith.cmpi slt, %add3A_1185, %lt3A_1186 : vector<16xi32>
      %gt3A_1188 = vector.broadcast %scan3A_991 : i32 to vector<16xi32>
      %gt3A_1189 = arith.cmpi sgt, %get3A_1180, %gt3A_1188 : vector<16xi32>
      %eq3A_1190 = vector.broadcast %scan3A_991 : i32 to vector<16xi32>
      %eq3A_1191 = arith.cmpi eq, %get3A_1180, %eq3A_1190 : vector<16xi32>
      %le3A_1192 = vector.broadcast %scan3A_1097 : i32 to vector<16xi32>
      %le3A_1193 = arith.cmpi sle, %get3A_1182, %le3A_1192 : vector<16xi32>
      %and3A_1194 = arith.andi %eq3A_1191, %le3A_1193 : vector<16xi1>
      %or3A_1195 = arith.ori %gt3A_1189, %and3A_1194 : vector<16xi1>
      %and3A_1196 = arith.andi %lt3A_1187, %or3A_1195 : vector<16xi1>
      %min3A_1197 = arith.constant 528 : i32
      %min3A_1198 = arith.minsi %add3A_1178, %min3A_1197 : i32
      %swap3A_1199 = arith.index_cast %min3A_1198 : i32 to index
      %swap3A_1200 = tpu.vector_load %arg11[%swap3A_1199] masked %and3A_1196 {strides = array<i32>} : memref<544xi32, #tpu.memory_space<vmem>>, vector<16xi32>, vector<16xi1>
      tpu.vector_store %arg11[%swap3A_1199], %get3A_1180 masked %and3A_1196 {strides = array<i32>} : memref<544xi32, #tpu.memory_space<vmem>>, vector<16xi32>, vector<16xi1>
      %swap3A_1201 = arith.index_cast %min3A_1198 : i32 to index
      %swap3A_1202 = tpu.vector_load %arg12[%swap3A_1201] masked %and3A_1196 {strides = array<i32>} : memref<544xi32, #tpu.memory_space<vmem>>, vector<16xi32>, vector<16xi1>
      tpu.vector_store %arg12[%swap3A_1201], %get3A_1182 masked %and3A_1196 {strides = array<i32>} : memref<544xi32, #tpu.memory_space<vmem>>, vector<16xi32>, vector<16xi1>
      %all_reduce_population_count3A_1203 = tpu.all_reduce %and3A_1196 {dim = 0 : i64, kind = #tpu.reduction_kind<sum>} : vector<16xi1> -> vector<16xi32>
      %slice3A_1204 = vector.extract_strided_slice %all_reduce_population_count3A_1203 {offsets = [0], sizes = [1], strides = [1]} : vector<16xi32> to vector<1xi32>
      %squeeze3A_1205 = vector.extract %slice3A_1204[0] : i32 from vector<1xi32>
      %add3A_1206 = arith.addi %add3A_1178, %squeeze3A_1205 : i32
      %get3A_1207 = arith.constant 64 : index
      %get3A_1208 = tpu.vector_load %arg17[%get3A_1207] {strides = array<i32>} : memref<128xi32, #tpu.memory_space<vmem>>, vector<16xi32>,
      %get3A_1209 = arith.constant 64 : index
      %get3A_1210 = tpu.vector_load %arg18[%get3A_1209] {strides = array<i32>} : memref<128xi32, #tpu.memory_space<vmem>>, vector<16xi32>,
      %add3A_1211 = arith.constant 64 : i32
      %add3A_1212 = vector.broadcast %add3A_1211 : i32 to vector<16xi32>
      %add3A_1213 = arith.addi %add3A_1212, %iota3A : vector<16xi32>
      %lt3A_1214 = vector.broadcast %scan3A_981#1 : i32 to vector<16xi32>
      %lt3A_1215 = arith.cmpi slt, %add3A_1213, %lt3A_1214 : vector<16xi32>
      %gt3A_1216 = vector.broadcast %scan3A_991 : i32 to vector<16xi32>
      %gt3A_1217 = arith.cmpi sgt, %get3A_1208, %gt3A_1216 : vector<16xi32>
      %eq3A_1218 = vector.broadcast %scan3A_991 : i32 to vector<16xi32>
      %eq3A_1219 = arith.cmpi eq, %get3A_1208, %eq3A_1218 : vector<16xi32>
      %le3A_1220 = vector.broadcast %scan3A_1097 : i32 to vector<16xi32>
      %le3A_1221 = arith.cmpi sle, %get3A_1210, %le3A_1220 : vector<16xi32>
      %and3A_1222 = arith.andi %eq3A_1219, %le3A_1221 : vector<16xi1>
      %or3A_1223 = arith.ori %gt3A_1217, %and3A_1222 : vector<16xi1>
      %and3A_1224 = arith.andi %lt3A_1215, %or3A_1223 : vector<16xi1>
      %min3A_1225 = arith.constant 528 : i32
      %min3A_1226 = arith.minsi %add3A_1206, %min3A_1225 : i32
      %swap3A_1227 = arith.index_cast %min3A_1226 : i32 to index
      %swap3A_1228 = tpu.vector_load %arg11[%swap3A_1227] masked %and3A_1224 {strides = array<i32>} : memref<544xi32, #tpu.memory_space<vmem>>, vector<16xi32>, vector<16xi1>
      tpu.vector_store %arg11[%swap3A_1227], %get3A_1208 masked %and3A_1224 {strides = array<i32>} : memref<544xi32, #tpu.memory_space<vmem>>, vector<16xi32>, vector<16xi1>
      %swap3A_1229 = arith.index_cast %min3A_1226 : i32 to index
      %swap3A_1230 = tpu.vector_load %arg12[%swap3A_1229] masked %and3A_1224 {strides = array<i32>} : memref<544xi32, #tpu.memory_space<vmem>>, vector<16xi32>, vector<16xi1>
      tpu.vector_store %arg12[%swap3A_1229], %get3A_1210 masked %and3A_1224 {strides = array<i32>} : memref<544xi32, #tpu.memory_space<vmem>>, vector<16xi32>, vector<16xi1>
      %all_reduce_population_count3A_1231 = tpu.all_reduce %and3A_1224 {dim = 0 : i64, kind = #tpu.reduction_kind<sum>} : vector<16xi1> -> vector<16xi32>
      %slice3A_1232 = vector.extract_strided_slice %all_reduce_population_count3A_1231 {offsets = [0], sizes = [1], strides = [1]} : vector<16xi32> to vector<1xi32>
      %squeeze3A_1233 = vector.extract %slice3A_1232[0] : i32 from vector<1xi32>
      %add3A_1234 = arith.addi %add3A_1206, %squeeze3A_1233 : i32
      %get3A_1235 = arith.constant 80 : index
      %get3A_1236 = tpu.vector_load %arg17[%get3A_1235] {strides = array<i32>} : memref<128xi32, #tpu.memory_space<vmem>>, vector<16xi32>,
      %get3A_1237 = arith.constant 80 : index
      %get3A_1238 = tpu.vector_load %arg18[%get3A_1237] {strides = array<i32>} : memref<128xi32, #tpu.memory_space<vmem>>, vector<16xi32>,
      %add3A_1239 = arith.constant 80 : i32
      %add3A_1240 = vector.broadcast %add3A_1239 : i32 to vector<16xi32>
      %add3A_1241 = arith.addi %add3A_1240, %iota3A : vector<16xi32>
      %lt3A_1242 = vector.broadcast %scan3A_981#1 : i32 to vector<16xi32>
      %lt3A_1243 = arith.cmpi slt, %add3A_1241, %lt3A_1242 : vector<16xi32>
      %gt3A_1244 = vector.broadcast %scan3A_991 : i32 to vector<16xi32>
      %gt3A_1245 = arith.cmpi sgt, %get3A_1236, %gt3A_1244 : vector<16xi32>
      %eq3A_1246 = vector.broadcast %scan3A_991 : i32 to vector<16xi32>
      %eq3A_1247 = arith.cmpi eq, %get3A_1236, %eq3A_1246 : vector<16xi32>
      %le3A_1248 = vector.broadcast %scan3A_1097 : i32 to vector<16xi32>
      %le3A_1249 = arith.cmpi sle, %get3A_1238, %le3A_1248 : vector<16xi32>
      %and3A_1250 = arith.andi %eq3A_1247, %le3A_1249 : vector<16xi1>
      %or3A_1251 = arith.ori %gt3A_1245, %and3A_1250 : vector<16xi1>
      %and3A_1252 = arith.andi %lt3A_1243, %or3A_1251 : vector<16xi1>
      %min3A_1253 = arith.constant 528 : i32
      %min3A_1254 = arith.minsi %add3A_1234, %min3A_1253 : i32
      %swap3A_1255 = arith.index_cast %min3A_1254 : i32 to index
      %swap3A_1256 = tpu.vector_load %arg11[%swap3A_1255] masked %and3A_1252 {strides = array<i32>} : memref<544xi32, #tpu.memory_space<vmem>>, vector<16xi32>, vector<16xi1>
      tpu.vector_store %arg11[%swap3A_1255], %get3A_1236 masked %and3A_1252 {strides = array<i32>} : memref<544xi32, #tpu.memory_space<vmem>>, vector<16xi32>, vector<16xi1>
      %swap3A_1257 = arith.index_cast %min3A_1254 : i32 to index
      %swap3A_1258 = tpu.vector_load %arg12[%swap3A_1257] masked %and3A_1252 {strides = array<i32>} : memref<544xi32, #tpu.memory_space<vmem>>, vector<16xi32>, vector<16xi1>
      tpu.vector_store %arg12[%swap3A_1257], %get3A_1238 masked %and3A_1252 {strides = array<i32>} : memref<544xi32, #tpu.memory_space<vmem>>, vector<16xi32>, vector<16xi1>
      %all_reduce_population_count3A_1259 = tpu.all_reduce %and3A_1252 {dim = 0 : i64, kind = #tpu.reduction_kind<sum>} : vector<16xi1> -> vector<16xi32>
      %slice3A_1260 = vector.extract_strided_slice %all_reduce_population_count3A_1259 {offsets = [0], sizes = [1], strides = [1]} : vector<16xi32> to vector<1xi32>
      %squeeze3A_1261 = vector.extract %slice3A_1260[0] : i32 from vector<1xi32>
      %add3A_1262 = arith.addi %add3A_1234, %squeeze3A_1261 : i32
      %get3A_1263 = arith.constant 96 : index
      %get3A_1264 = tpu.vector_load %arg17[%get3A_1263] {strides = array<i32>} : memref<128xi32, #tpu.memory_space<vmem>>, vector<16xi32>,
      %get3A_1265 = arith.constant 96 : index
      %get3A_1266 = tpu.vector_load %arg18[%get3A_1265] {strides = array<i32>} : memref<128xi32, #tpu.memory_space<vmem>>, vector<16xi32>,
      %add3A_1267 = arith.constant 96 : i32
      %add3A_1268 = vector.broadcast %add3A_1267 : i32 to vector<16xi32>
      %add3A_1269 = arith.addi %add3A_1268, %iota3A : vector<16xi32>
      %lt3A_1270 = vector.broadcast %scan3A_981#1 : i32 to vector<16xi32>
      %lt3A_1271 = arith.cmpi slt, %add3A_1269, %lt3A_1270 : vector<16xi32>
      %gt3A_1272 = vector.broadcast %scan3A_991 : i32 to vector<16xi32>
      %gt3A_1273 = arith.cmpi sgt, %get3A_1264, %gt3A_1272 : vector<16xi32>
      %eq3A_1274 = vector.broadcast %scan3A_991 : i32 to vector<16xi32>
      %eq3A_1275 = arith.cmpi eq, %get3A_1264, %eq3A_1274 : vector<16xi32>
      %le3A_1276 = vector.broadcast %scan3A_1097 : i32 to vector<16xi32>
      %le3A_1277 = arith.cmpi sle, %get3A_1266, %le3A_1276 : vector<16xi32>
      %and3A_1278 = arith.andi %eq3A_1275, %le3A_1277 : vector<16xi1>
      %or3A_1279 = arith.ori %gt3A_1273, %and3A_1278 : vector<16xi1>
      %and3A_1280 = arith.andi %lt3A_1271, %or3A_1279 : vector<16xi1>
      %min3A_1281 = arith.constant 528 : i32
      %min3A_1282 = arith.minsi %add3A_1262, %min3A_1281 : i32
      %swap3A_1283 = arith.index_cast %min3A_1282 : i32 to index
      %swap3A_1284 = tpu.vector_load %arg11[%swap3A_1283] masked %and3A_1280 {strides = array<i32>} : memref<544xi32, #tpu.memory_space<vmem>>, vector<16xi32>, vector<16xi1>
      tpu.vector_store %arg11[%swap3A_1283], %get3A_1264 masked %and3A_1280 {strides = array<i32>} : memref<544xi32, #tpu.memory_space<vmem>>, vector<16xi32>, vector<16xi1>
      %swap3A_1285 = arith.index_cast %min3A_1282 : i32 to index
      %swap3A_1286 = tpu.vector_load %arg12[%swap3A_1285] masked %and3A_1280 {strides = array<i32>} : memref<544xi32, #tpu.memory_space<vmem>>, vector<16xi32>, vector<16xi1>
      tpu.vector_store %arg12[%swap3A_1285], %get3A_1266 masked %and3A_1280 {strides = array<i32>} : memref<544xi32, #tpu.memory_space<vmem>>, vector<16xi32>, vector<16xi1>
      %all_reduce_population_count3A_1287 = tpu.all_reduce %and3A_1280 {dim = 0 : i64, kind = #tpu.reduction_kind<sum>} : vector<16xi1> -> vector<16xi32>
      %slice3A_1288 = vector.extract_strided_slice %all_reduce_population_count3A_1287 {offsets = [0], sizes = [1], strides = [1]} : vector<16xi32> to vector<1xi32>
      %squeeze3A_1289 = vector.extract %slice3A_1288[0] : i32 from vector<1xi32>
      %add3A_1290 = arith.addi %add3A_1262, %squeeze3A_1289 : i32
      %get3A_1291 = arith.constant 112 : index
      %get3A_1292 = tpu.vector_load %arg17[%get3A_1291] {strides = array<i32>} : memref<128xi32, #tpu.memory_space<vmem>>, vector<16xi32>,
      %get3A_1293 = arith.constant 112 : index
      %get3A_1294 = tpu.vector_load %arg18[%get3A_1293] {strides = array<i32>} : memref<128xi32, #tpu.memory_space<vmem>>, vector<16xi32>,
      %add3A_1295 = arith.constant 112 : i32
      %add3A_1296 = vector.broadcast %add3A_1295 : i32 to vector<16xi32>
      %add3A_1297 = arith.addi %add3A_1296, %iota3A : vector<16xi32>
      %lt3A_1298 = vector.broadcast %scan3A_981#1 : i32 to vector<16xi32>
      %lt3A_1299 = arith.cmpi slt, %add3A_1297, %lt3A_1298 : vector<16xi32>
      %gt3A_1300 = vector.broadcast %scan3A_991 : i32 to vector<16xi32>
      %gt3A_1301 = arith.cmpi sgt, %get3A_1292, %gt3A_1300 : vector<16xi32>
      %eq3A_1302 = vector.broadcast %scan3A_991 : i32 to vector<16xi32>
      %eq3A_1303 = arith.cmpi eq, %get3A_1292, %eq3A_1302 : vector<16xi32>
      %le3A_1304 = vector.broadcast %scan3A_1097 : i32 to vector<16xi32>
      %le3A_1305 = arith.cmpi sle, %get3A_1294, %le3A_1304 : vector<16xi32>
      %and3A_1306 = arith.andi %eq3A_1303, %le3A_1305 : vector<16xi1>
      %or3A_1307 = arith.ori %gt3A_1301, %and3A_1306 : vector<16xi1>
      %and3A_1308 = arith.andi %lt3A_1299, %or3A_1307 : vector<16xi1>
      %min3A_1309 = arith.constant 528 : i32
      %min3A_1310 = arith.minsi %add3A_1290, %min3A_1309 : i32
      %swap3A_1311 = arith.index_cast %min3A_1310 : i32 to index
      %swap3A_1312 = tpu.vector_load %arg11[%swap3A_1311] masked %and3A_1308 {strides = array<i32>} : memref<544xi32, #tpu.memory_space<vmem>>, vector<16xi32>, vector<16xi1>
      tpu.vector_store %arg11[%swap3A_1311], %get3A_1292 masked %and3A_1308 {strides = array<i32>} : memref<544xi32, #tpu.memory_space<vmem>>, vector<16xi32>, vector<16xi1>
      %swap3A_1313 = arith.index_cast %min3A_1310 : i32 to index
      %swap3A_1314 = tpu.vector_load %arg12[%swap3A_1313] masked %and3A_1308 {strides = array<i32>} : memref<544xi32, #tpu.memory_space<vmem>>, vector<16xi32>, vector<16xi1>
      tpu.vector_store %arg12[%swap3A_1313], %get3A_1294 masked %and3A_1308 {strides = array<i32>} : memref<544xi32, #tpu.memory_space<vmem>>, vector<16xi32>, vector<16xi1>
      %all_reduce_population_count3A_1315 = tpu.all_reduce %and3A_1308 {dim = 0 : i64, kind = #tpu.reduction_kind<sum>} : vector<16xi1> -> vector<16xi32>
      %slice3A_1316 = vector.extract_strided_slice %all_reduce_population_count3A_1315 {offsets = [0], sizes = [1], strides = [1]} : vector<16xi32> to vector<1xi32>
      %squeeze3A_1317 = vector.extract %slice3A_1316[0] : i32 from vector<1xi32>
      %add3A_1318 = arith.addi %add3A_1290, %squeeze3A_1317 : i32
      "tpu.region"() ({
        %run_scoped3A = tpu.sem_alloc : memref<!tpu.dma_semaphore, #tpu.memory_space<semaphore_mem>>
        tpu.enqueue_dma source(%arg11 : memref<544xi32, #tpu.memory_space<vmem>>) target(%arg19 : memref<544xi32, #tpu.memory_space<vmem_shared>>) target_semaphore(%run_scoped3A : memref<!tpu.dma_semaphore, #tpu.memory_space<semaphore_mem>>)
        tpu.wait_dma2 semaphore(%run_scoped3A : memref<!tpu.dma_semaphore, #tpu.memory_space<semaphore_mem>>) src(%arg11 : memref<544xi32, #tpu.memory_space<vmem>>) dst(%arg19 : memref<544xi32, #tpu.memory_space<vmem_shared>>)
        tpu.yield
      }) : () -> ()
      "tpu.region"() ({
        %run_scoped3A = tpu.sem_alloc : memref<!tpu.dma_semaphore, #tpu.memory_space<semaphore_mem>>
        tpu.enqueue_dma source(%arg12 : memref<544xi32, #tpu.memory_space<vmem>>) target(%arg20 : memref<544xi32, #tpu.memory_space<vmem_shared>>) target_semaphore(%run_scoped3A : memref<!tpu.dma_semaphore, #tpu.memory_space<semaphore_mem>>)
        tpu.wait_dma2 semaphore(%run_scoped3A : memref<!tpu.dma_semaphore, #tpu.memory_space<semaphore_mem>>) src(%arg12 : memref<544xi32, #tpu.memory_space<vmem>>) dst(%arg20 : memref<544xi32, #tpu.memory_space<vmem_shared>>)
        tpu.yield
      }) : () -> ()
    } else {
    }
    %barrier3A = arith.constant 0 : index
    tpu.barrier barrier_id(%barrier3A)
    "tpu.region"() ({
      %run_scoped3A = tpu.sem_alloc : memref<!tpu.dma_semaphore, #tpu.memory_space<semaphore_mem>>
      tpu.enqueue_dma source(%arg19 : memref<544xi32, #tpu.memory_space<vmem_shared>>) target(%arg11 : memref<544xi32, #tpu.memory_space<vmem>>) target_semaphore(%run_scoped3A : memref<!tpu.dma_semaphore, #tpu.memory_space<semaphore_mem>>)
      tpu.wait_dma2 semaphore(%run_scoped3A : memref<!tpu.dma_semaphore, #tpu.memory_space<semaphore_mem>>) src(%arg19 : memref<544xi32, #tpu.memory_space<vmem_shared>>) dst(%arg11 : memref<544xi32, #tpu.memory_space<vmem>>)
      tpu.yield
    }) : () -> ()
    "tpu.region"() ({
      %run_scoped3A = tpu.sem_alloc : memref<!tpu.dma_semaphore, #tpu.memory_space<semaphore_mem>>
      tpu.enqueue_dma source(%arg20 : memref<544xi32, #tpu.memory_space<vmem_shared>>) target(%arg12 : memref<544xi32, #tpu.memory_space<vmem>>) target_semaphore(%run_scoped3A : memref<!tpu.dma_semaphore, #tpu.memory_space<semaphore_mem>>)
      tpu.wait_dma2 semaphore(%run_scoped3A : memref<!tpu.dma_semaphore, #tpu.memory_space<semaphore_mem>>) src(%arg20 : memref<544xi32, #tpu.memory_space<vmem_shared>>) dst(%arg12 : memref<544xi32, #tpu.memory_space<vmem>>)
      tpu.yield
    }) : () -> ()
    %get3A = arith.constant 0 : index
    %get3A_34 = tpu.vector_load %arg11[%get3A] {strides = array<i32>} : memref<544xi32, #tpu.memory_space<vmem>>, vector<16xi32>,
    %get3A_35 = arith.constant 0 : index
    %get3A_36 = tpu.vector_load %arg12[%get3A_35] {strides = array<i32>} : memref<544xi32, #tpu.memory_space<vmem>>, vector<16xi32>,
    %ge3A = vector.broadcast %mul3A_2 : i32 to vector<16xi32>
    %ge3A_37 = arith.cmpi sge, %get3A_36, %ge3A : vector<16xi32>
    %add3A_38 = arith.constant 31280 : i32
    %add3A_39 = arith.addi %mul3A_2, %add3A_38 : i32
    %lt3A = vector.broadcast %add3A_39 : i32 to vector<16xi32>
    %lt3A_40 = arith.cmpi slt, %get3A_36, %lt3A : vector<16xi32>
    %and3A = arith.andi %ge3A_37, %lt3A_40 : vector<16xi1>
    %sub3A = vector.broadcast %mul3A_2 : i32 to vector<16xi32>
    %sub3A_41 = arith.subi %get3A_36, %sub3A : vector<16xi32>
    %shift_right_arithmetic3A = arith.constant 31 : i32
    %shift_right_arithmetic3A_42 = vector.broadcast %shift_right_arithmetic3A : i32 to vector<16xi32>
    %shift_right_arithmetic3A_43 = arith.shrsi %get3A_34, %shift_right_arithmetic3A_42 : vector<16xi32>
    %and3A_44 = arith.constant 2147483647 : i32
    %and3A_45 = vector.broadcast %and3A_44 : i32 to vector<16xi32>
    %and3A_46 = arith.andi %shift_right_arithmetic3A_43, %and3A_45 : vector<16xi32>
    %xor3A = arith.xori %get3A_34, %and3A_46 : vector<16xi32>
    %bitcast_convert_type3A = tpu.bitcast %xor3A : vector<16xi32> -> vector<16xf32>
    tpu.vector_store_idx %arg6[%sub3A_41], %bitcast_convert_type3A masked %and3A : memref<31280xf32, #tpu.memory_space<vmem>>[vector<16xi32>], vector<16xf32>, vector<16xi1>
    %get3A_47 = arith.constant 16 : index
    %get3A_48 = tpu.vector_load %arg11[%get3A_47] {strides = array<i32>} : memref<544xi32, #tpu.memory_space<vmem>>, vector<16xi32>,
    %get3A_49 = arith.constant 16 : index
    %get3A_50 = tpu.vector_load %arg12[%get3A_49] {strides = array<i32>} : memref<544xi32, #tpu.memory_space<vmem>>, vector<16xi32>,
    %ge3A_51 = vector.broadcast %mul3A_2 : i32 to vector<16xi32>
    %ge3A_52 = arith.cmpi sge, %get3A_50, %ge3A_51 : vector<16xi32>
    %add3A_53 = arith.constant 31280 : i32
    %add3A_54 = arith.addi %mul3A_2, %add3A_53 : i32
    %lt3A_55 = vector.broadcast %add3A_54 : i32 to vector<16xi32>
    %lt3A_56 = arith.cmpi slt, %get3A_50, %lt3A_55 : vector<16xi32>
    %and3A_57 = arith.andi %ge3A_52, %lt3A_56 : vector<16xi1>
    %sub3A_58 = vector.broadcast %mul3A_2 : i32 to vector<16xi32>
    %sub3A_59 = arith.subi %get3A_50, %sub3A_58 : vector<16xi32>
    %shift_right_arithmetic3A_60 = arith.constant 31 : i32
    %shift_right_arithmetic3A_61 = vector.broadcast %shift_right_arithmetic3A_60 : i32 to vector<16xi32>
    %shift_right_arithmetic3A_62 = arith.shrsi %get3A_48, %shift_right_arithmetic3A_61 : vector<16xi32>
    %and3A_63 = arith.constant 2147483647 : i32
    %and3A_64 = vector.broadcast %and3A_63 : i32 to vector<16xi32>
    %and3A_65 = arith.andi %shift_right_arithmetic3A_62, %and3A_64 : vector<16xi32>
    %xor3A_66 = arith.xori %get3A_48, %and3A_65 : vector<16xi32>
    %bitcast_convert_type3A_67 = tpu.bitcast %xor3A_66 : vector<16xi32> -> vector<16xf32>
    tpu.vector_store_idx %arg6[%sub3A_59], %bitcast_convert_type3A_67 masked %and3A_57 : memref<31280xf32, #tpu.memory_space<vmem>>[vector<16xi32>], vector<16xf32>, vector<16xi1>
    %get3A_68 = arith.constant 32 : index
    %get3A_69 = tpu.vector_load %arg11[%get3A_68] {strides = array<i32>} : memref<544xi32, #tpu.memory_space<vmem>>, vector<16xi32>,
    %get3A_70 = arith.constant 32 : index
    %get3A_71 = tpu.vector_load %arg12[%get3A_70] {strides = array<i32>} : memref<544xi32, #tpu.memory_space<vmem>>, vector<16xi32>,
    %ge3A_72 = vector.broadcast %mul3A_2 : i32 to vector<16xi32>
    %ge3A_73 = arith.cmpi sge, %get3A_71, %ge3A_72 : vector<16xi32>
    %add3A_74 = arith.constant 31280 : i32
    %add3A_75 = arith.addi %mul3A_2, %add3A_74 : i32
    %lt3A_76 = vector.broadcast %add3A_75 : i32 to vector<16xi32>
    %lt3A_77 = arith.cmpi slt, %get3A_71, %lt3A_76 : vector<16xi32>
    %and3A_78 = arith.andi %ge3A_73, %lt3A_77 : vector<16xi1>
    %sub3A_79 = vector.broadcast %mul3A_2 : i32 to vector<16xi32>
    %sub3A_80 = arith.subi %get3A_71, %sub3A_79 : vector<16xi32>
    %shift_right_arithmetic3A_81 = arith.constant 31 : i32
    %shift_right_arithmetic3A_82 = vector.broadcast %shift_right_arithmetic3A_81 : i32 to vector<16xi32>
    %shift_right_arithmetic3A_83 = arith.shrsi %get3A_69, %shift_right_arithmetic3A_82 : vector<16xi32>
    %and3A_84 = arith.constant 2147483647 : i32
    %and3A_85 = vector.broadcast %and3A_84 : i32 to vector<16xi32>
    %and3A_86 = arith.andi %shift_right_arithmetic3A_83, %and3A_85 : vector<16xi32>
    %xor3A_87 = arith.xori %get3A_69, %and3A_86 : vector<16xi32>
    %bitcast_convert_type3A_88 = tpu.bitcast %xor3A_87 : vector<16xi32> -> vector<16xf32>
    tpu.vector_store_idx %arg6[%sub3A_80], %bitcast_convert_type3A_88 masked %and3A_78 : memref<31280xf32, #tpu.memory_space<vmem>>[vector<16xi32>], vector<16xf32>, vector<16xi1>
    %get3A_89 = arith.constant 48 : index
    %get3A_90 = tpu.vector_load %arg11[%get3A_89] {strides = array<i32>} : memref<544xi32, #tpu.memory_space<vmem>>, vector<16xi32>,
    %get3A_91 = arith.constant 48 : index
    %get3A_92 = tpu.vector_load %arg12[%get3A_91] {strides = array<i32>} : memref<544xi32, #tpu.memory_space<vmem>>, vector<16xi32>,
    %ge3A_93 = vector.broadcast %mul3A_2 : i32 to vector<16xi32>
    %ge3A_94 = arith.cmpi sge, %get3A_92, %ge3A_93 : vector<16xi32>
    %add3A_95 = arith.constant 31280 : i32
    %add3A_96 = arith.addi %mul3A_2, %add3A_95 : i32
    %lt3A_97 = vector.broadcast %add3A_96 : i32 to vector<16xi32>
    %lt3A_98 = arith.cmpi slt, %get3A_92, %lt3A_97 : vector<16xi32>
    %and3A_99 = arith.andi %ge3A_94, %lt3A_98 : vector<16xi1>
    %sub3A_100 = vector.broadcast %mul3A_2 : i32 to vector<16xi32>
    %sub3A_101 = arith.subi %get3A_92, %sub3A_100 : vector<16xi32>
    %shift_right_arithmetic3A_102 = arith.constant 31 : i32
    %shift_right_arithmetic3A_103 = vector.broadcast %shift_right_arithmetic3A_102 : i32 to vector<16xi32>
    %shift_right_arithmetic3A_104 = arith.shrsi %get3A_90, %shift_right_arithmetic3A_103 : vector<16xi32>
    %and3A_105 = arith.constant 2147483647 : i32
    %and3A_106 = vector.broadcast %and3A_105 : i32 to vector<16xi32>
    %and3A_107 = arith.andi %shift_right_arithmetic3A_104, %and3A_106 : vector<16xi32>
    %xor3A_108 = arith.xori %get3A_90, %and3A_107 : vector<16xi32>
    %bitcast_convert_type3A_109 = tpu.bitcast %xor3A_108 : vector<16xi32> -> vector<16xf32>
    tpu.vector_store_idx %arg6[%sub3A_101], %bitcast_convert_type3A_109 masked %and3A_99 : memref<31280xf32, #tpu.memory_space<vmem>>[vector<16xi32>], vector<16xf32>, vector<16xi1>
    %get3A_110 = arith.constant 64 : index
    %get3A_111 = tpu.vector_load %arg11[%get3A_110] {strides = array<i32>} : memref<544xi32, #tpu.memory_space<vmem>>, vector<16xi32>,
    %get3A_112 = arith.constant 64 : index
    %get3A_113 = tpu.vector_load %arg12[%get3A_112] {strides = array<i32>} : memref<544xi32, #tpu.memory_space<vmem>>, vector<16xi32>,
    %ge3A_114 = vector.broadcast %mul3A_2 : i32 to vector<16xi32>
    %ge3A_115 = arith.cmpi sge, %get3A_113, %ge3A_114 : vector<16xi32>
    %add3A_116 = arith.constant 31280 : i32
    %add3A_117 = arith.addi %mul3A_2, %add3A_116 : i32
    %lt3A_118 = vector.broadcast %add3A_117 : i32 to vector<16xi32>
    %lt3A_119 = arith.cmpi slt, %get3A_113, %lt3A_118 : vector<16xi32>
    %and3A_120 = arith.andi %ge3A_115, %lt3A_119 : vector<16xi1>
    %sub3A_121 = vector.broadcast %mul3A_2 : i32 to vector<16xi32>
    %sub3A_122 = arith.subi %get3A_113, %sub3A_121 : vector<16xi32>
    %shift_right_arithmetic3A_123 = arith.constant 31 : i32
    %shift_right_arithmetic3A_124 = vector.broadcast %shift_right_arithmetic3A_123 : i32 to vector<16xi32>
    %shift_right_arithmetic3A_125 = arith.shrsi %get3A_111, %shift_right_arithmetic3A_124 : vector<16xi32>
    %and3A_126 = arith.constant 2147483647 : i32
    %and3A_127 = vector.broadcast %and3A_126 : i32 to vector<16xi32>
    %and3A_128 = arith.andi %shift_right_arithmetic3A_125, %and3A_127 : vector<16xi32>
    %xor3A_129 = arith.xori %get3A_111, %and3A_128 : vector<16xi32>
    %bitcast_convert_type3A_130 = tpu.bitcast %xor3A_129 : vector<16xi32> -> vector<16xf32>
    tpu.vector_store_idx %arg6[%sub3A_122], %bitcast_convert_type3A_130 masked %and3A_120 : memref<31280xf32, #tpu.memory_space<vmem>>[vector<16xi32>], vector<16xf32>, vector<16xi1>
    %get3A_131 = arith.constant 80 : index
    %get3A_132 = tpu.vector_load %arg11[%get3A_131] {strides = array<i32>} : memref<544xi32, #tpu.memory_space<vmem>>, vector<16xi32>,
    %get3A_133 = arith.constant 80 : index
    %get3A_134 = tpu.vector_load %arg12[%get3A_133] {strides = array<i32>} : memref<544xi32, #tpu.memory_space<vmem>>, vector<16xi32>,
    %ge3A_135 = vector.broadcast %mul3A_2 : i32 to vector<16xi32>
    %ge3A_136 = arith.cmpi sge, %get3A_134, %ge3A_135 : vector<16xi32>
    %add3A_137 = arith.constant 31280 : i32
    %add3A_138 = arith.addi %mul3A_2, %add3A_137 : i32
    %lt3A_139 = vector.broadcast %add3A_138 : i32 to vector<16xi32>
    %lt3A_140 = arith.cmpi slt, %get3A_134, %lt3A_139 : vector<16xi32>
    %and3A_141 = arith.andi %ge3A_136, %lt3A_140 : vector<16xi1>
    %sub3A_142 = vector.broadcast %mul3A_2 : i32 to vector<16xi32>
    %sub3A_143 = arith.subi %get3A_134, %sub3A_142 : vector<16xi32>
    %shift_right_arithmetic3A_144 = arith.constant 31 : i32
    %shift_right_arithmetic3A_145 = vector.broadcast %shift_right_arithmetic3A_144 : i32 to vector<16xi32>
    %shift_right_arithmetic3A_146 = arith.shrsi %get3A_132, %shift_right_arithmetic3A_145 : vector<16xi32>
    %and3A_147 = arith.constant 2147483647 : i32
    %and3A_148 = vector.broadcast %and3A_147 : i32 to vector<16xi32>
    %and3A_149 = arith.andi %shift_right_arithmetic3A_146, %and3A_148 : vector<16xi32>
    %xor3A_150 = arith.xori %get3A_132, %and3A_149 : vector<16xi32>
    %bitcast_convert_type3A_151 = tpu.bitcast %xor3A_150 : vector<16xi32> -> vector<16xf32>
    tpu.vector_store_idx %arg6[%sub3A_143], %bitcast_convert_type3A_151 masked %and3A_141 : memref<31280xf32, #tpu.memory_space<vmem>>[vector<16xi32>], vector<16xf32>, vector<16xi1>
    %get3A_152 = arith.constant 96 : index
    %get3A_153 = tpu.vector_load %arg11[%get3A_152] {strides = array<i32>} : memref<544xi32, #tpu.memory_space<vmem>>, vector<16xi32>,
    %get3A_154 = arith.constant 96 : index
    %get3A_155 = tpu.vector_load %arg12[%get3A_154] {strides = array<i32>} : memref<544xi32, #tpu.memory_space<vmem>>, vector<16xi32>,
    %ge3A_156 = vector.broadcast %mul3A_2 : i32 to vector<16xi32>
    %ge3A_157 = arith.cmpi sge, %get3A_155, %ge3A_156 : vector<16xi32>
    %add3A_158 = arith.constant 31280 : i32
    %add3A_159 = arith.addi %mul3A_2, %add3A_158 : i32
    %lt3A_160 = vector.broadcast %add3A_159 : i32 to vector<16xi32>
    %lt3A_161 = arith.cmpi slt, %get3A_155, %lt3A_160 : vector<16xi32>
    %and3A_162 = arith.andi %ge3A_157, %lt3A_161 : vector<16xi1>
    %sub3A_163 = vector.broadcast %mul3A_2 : i32 to vector<16xi32>
    %sub3A_164 = arith.subi %get3A_155, %sub3A_163 : vector<16xi32>
    %shift_right_arithmetic3A_165 = arith.constant 31 : i32
    %shift_right_arithmetic3A_166 = vector.broadcast %shift_right_arithmetic3A_165 : i32 to vector<16xi32>
    %shift_right_arithmetic3A_167 = arith.shrsi %get3A_153, %shift_right_arithmetic3A_166 : vector<16xi32>
    %and3A_168 = arith.constant 2147483647 : i32
    %and3A_169 = vector.broadcast %and3A_168 : i32 to vector<16xi32>
    %and3A_170 = arith.andi %shift_right_arithmetic3A_167, %and3A_169 : vector<16xi32>
    %xor3A_171 = arith.xori %get3A_153, %and3A_170 : vector<16xi32>
    %bitcast_convert_type3A_172 = tpu.bitcast %xor3A_171 : vector<16xi32> -> vector<16xf32>
    tpu.vector_store_idx %arg6[%sub3A_164], %bitcast_convert_type3A_172 masked %and3A_162 : memref<31280xf32, #tpu.memory_space<vmem>>[vector<16xi32>], vector<16xf32>, vector<16xi1>
    %get3A_173 = arith.constant 112 : index
    %get3A_174 = tpu.vector_load %arg11[%get3A_173] {strides = array<i32>} : memref<544xi32, #tpu.memory_space<vmem>>, vector<16xi32>,
    %get3A_175 = arith.constant 112 : index
    %get3A_176 = tpu.vector_load %arg12[%get3A_175] {strides = array<i32>} : memref<544xi32, #tpu.memory_space<vmem>>, vector<16xi32>,
    %ge3A_177 = vector.broadcast %mul3A_2 : i32 to vector<16xi32>
    %ge3A_178 = arith.cmpi sge, %get3A_176, %ge3A_177 : vector<16xi32>
    %add3A_179 = arith.constant 31280 : i32
    %add3A_180 = arith.addi %mul3A_2, %add3A_179 : i32
    %lt3A_181 = vector.broadcast %add3A_180 : i32 to vector<16xi32>
    %lt3A_182 = arith.cmpi slt, %get3A_176, %lt3A_181 : vector<16xi32>
    %and3A_183 = arith.andi %ge3A_178, %lt3A_182 : vector<16xi1>
    %sub3A_184 = vector.broadcast %mul3A_2 : i32 to vector<16xi32>
    %sub3A_185 = arith.subi %get3A_176, %sub3A_184 : vector<16xi32>
    %shift_right_arithmetic3A_186 = arith.constant 31 : i32
    %shift_right_arithmetic3A_187 = vector.broadcast %shift_right_arithmetic3A_186 : i32 to vector<16xi32>
    %shift_right_arithmetic3A_188 = arith.shrsi %get3A_174, %shift_right_arithmetic3A_187 : vector<16xi32>
    %and3A_189 = arith.constant 2147483647 : i32
    %and3A_190 = vector.broadcast %and3A_189 : i32 to vector<16xi32>
    %and3A_191 = arith.andi %shift_right_arithmetic3A_188, %and3A_190 : vector<16xi32>
    %xor3A_192 = arith.xori %get3A_174, %and3A_191 : vector<16xi32>
    %bitcast_convert_type3A_193 = tpu.bitcast %xor3A_192 : vector<16xi32> -> vector<16xf32>
    tpu.vector_store_idx %arg6[%sub3A_185], %bitcast_convert_type3A_193 masked %and3A_183 : memref<31280xf32, #tpu.memory_space<vmem>>[vector<16xi32>], vector<16xf32>, vector<16xi1>
    %get3A_194 = arith.constant 128 : index
    %get3A_195 = tpu.vector_load %arg11[%get3A_194] {strides = array<i32>} : memref<544xi32, #tpu.memory_space<vmem>>, vector<16xi32>,
    %get3A_196 = arith.constant 128 : index
    %get3A_197 = tpu.vector_load %arg12[%get3A_196] {strides = array<i32>} : memref<544xi32, #tpu.memory_space<vmem>>, vector<16xi32>,
    %ge3A_198 = vector.broadcast %mul3A_2 : i32 to vector<16xi32>
    %ge3A_199 = arith.cmpi sge, %get3A_197, %ge3A_198 : vector<16xi32>
    %add3A_200 = arith.constant 31280 : i32
    %add3A_201 = arith.addi %mul3A_2, %add3A_200 : i32
    %lt3A_202 = vector.broadcast %add3A_201 : i32 to vector<16xi32>
    %lt3A_203 = arith.cmpi slt, %get3A_197, %lt3A_202 : vector<16xi32>
    %and3A_204 = arith.andi %ge3A_199, %lt3A_203 : vector<16xi1>
    %sub3A_205 = vector.broadcast %mul3A_2 : i32 to vector<16xi32>
    %sub3A_206 = arith.subi %get3A_197, %sub3A_205 : vector<16xi32>
    %shift_right_arithmetic3A_207 = arith.constant 31 : i32
    %shift_right_arithmetic3A_208 = vector.broadcast %shift_right_arithmetic3A_207 : i32 to vector<16xi32>
    %shift_right_arithmetic3A_209 = arith.shrsi %get3A_195, %shift_right_arithmetic3A_208 : vector<16xi32>
    %and3A_210 = arith.constant 2147483647 : i32
    %and3A_211 = vector.broadcast %and3A_210 : i32 to vector<16xi32>
    %and3A_212 = arith.andi %shift_right_arithmetic3A_209, %and3A_211 : vector<16xi32>
    %xor3A_213 = arith.xori %get3A_195, %and3A_212 : vector<16xi32>
    %bitcast_convert_type3A_214 = tpu.bitcast %xor3A_213 : vector<16xi32> -> vector<16xf32>
    tpu.vector_store_idx %arg6[%sub3A_206], %bitcast_convert_type3A_214 masked %and3A_204 : memref<31280xf32, #tpu.memory_space<vmem>>[vector<16xi32>], vector<16xf32>, vector<16xi1>
    %get3A_215 = arith.constant 144 : index
    %get3A_216 = tpu.vector_load %arg11[%get3A_215] {strides = array<i32>} : memref<544xi32, #tpu.memory_space<vmem>>, vector<16xi32>,
    %get3A_217 = arith.constant 144 : index
    %get3A_218 = tpu.vector_load %arg12[%get3A_217] {strides = array<i32>} : memref<544xi32, #tpu.memory_space<vmem>>, vector<16xi32>,
    %ge3A_219 = vector.broadcast %mul3A_2 : i32 to vector<16xi32>
    %ge3A_220 = arith.cmpi sge, %get3A_218, %ge3A_219 : vector<16xi32>
    %add3A_221 = arith.constant 31280 : i32
    %add3A_222 = arith.addi %mul3A_2, %add3A_221 : i32
    %lt3A_223 = vector.broadcast %add3A_222 : i32 to vector<16xi32>
    %lt3A_224 = arith.cmpi slt, %get3A_218, %lt3A_223 : vector<16xi32>
    %and3A_225 = arith.andi %ge3A_220, %lt3A_224 : vector<16xi1>
    %sub3A_226 = vector.broadcast %mul3A_2 : i32 to vector<16xi32>
    %sub3A_227 = arith.subi %get3A_218, %sub3A_226 : vector<16xi32>
    %shift_right_arithmetic3A_228 = arith.constant 31 : i32
    %shift_right_arithmetic3A_229 = vector.broadcast %shift_right_arithmetic3A_228 : i32 to vector<16xi32>
    %shift_right_arithmetic3A_230 = arith.shrsi %get3A_216, %shift_right_arithmetic3A_229 : vector<16xi32>
    %and3A_231 = arith.constant 2147483647 : i32
    %and3A_232 = vector.broadcast %and3A_231 : i32 to vector<16xi32>
    %and3A_233 = arith.andi %shift_right_arithmetic3A_230, %and3A_232 : vector<16xi32>
    %xor3A_234 = arith.xori %get3A_216, %and3A_233 : vector<16xi32>
    %bitcast_convert_type3A_235 = tpu.bitcast %xor3A_234 : vector<16xi32> -> vector<16xf32>
    tpu.vector_store_idx %arg6[%sub3A_227], %bitcast_convert_type3A_235 masked %and3A_225 : memref<31280xf32, #tpu.memory_space<vmem>>[vector<16xi32>], vector<16xf32>, vector<16xi1>
    %get3A_236 = arith.constant 160 : index
    %get3A_237 = tpu.vector_load %arg11[%get3A_236] {strides = array<i32>} : memref<544xi32, #tpu.memory_space<vmem>>, vector<16xi32>,
    %get3A_238 = arith.constant 160 : index
    %get3A_239 = tpu.vector_load %arg12[%get3A_238] {strides = array<i32>} : memref<544xi32, #tpu.memory_space<vmem>>, vector<16xi32>,
    %ge3A_240 = vector.broadcast %mul3A_2 : i32 to vector<16xi32>
    %ge3A_241 = arith.cmpi sge, %get3A_239, %ge3A_240 : vector<16xi32>
    %add3A_242 = arith.constant 31280 : i32
    %add3A_243 = arith.addi %mul3A_2, %add3A_242 : i32
    %lt3A_244 = vector.broadcast %add3A_243 : i32 to vector<16xi32>
    %lt3A_245 = arith.cmpi slt, %get3A_239, %lt3A_244 : vector<16xi32>
    %and3A_246 = arith.andi %ge3A_241, %lt3A_245 : vector<16xi1>
    %sub3A_247 = vector.broadcast %mul3A_2 : i32 to vector<16xi32>
    %sub3A_248 = arith.subi %get3A_239, %sub3A_247 : vector<16xi32>
    %shift_right_arithmetic3A_249 = arith.constant 31 : i32
    %shift_right_arithmetic3A_250 = vector.broadcast %shift_right_arithmetic3A_249 : i32 to vector<16xi32>
    %shift_right_arithmetic3A_251 = arith.shrsi %get3A_237, %shift_right_arithmetic3A_250 : vector<16xi32>
    %and3A_252 = arith.constant 2147483647 : i32
    %and3A_253 = vector.broadcast %and3A_252 : i32 to vector<16xi32>
    %and3A_254 = arith.andi %shift_right_arithmetic3A_251, %and3A_253 : vector<16xi32>
    %xor3A_255 = arith.xori %get3A_237, %and3A_254 : vector<16xi32>
    %bitcast_convert_type3A_256 = tpu.bitcast %xor3A_255 : vector<16xi32> -> vector<16xf32>
    tpu.vector_store_idx %arg6[%sub3A_248], %bitcast_convert_type3A_256 masked %and3A_246 : memref<31280xf32, #tpu.memory_space<vmem>>[vector<16xi32>], vector<16xf32>, vector<16xi1>
    %get3A_257 = arith.constant 176 : index
    %get3A_258 = tpu.vector_load %arg11[%get3A_257] {strides = array<i32>} : memref<544xi32, #tpu.memory_space<vmem>>, vector<16xi32>,
    %get3A_259 = arith.constant 176 : index
    %get3A_260 = tpu.vector_load %arg12[%get3A_259] {strides = array<i32>} : memref<544xi32, #tpu.memory_space<vmem>>, vector<16xi32>,
    %ge3A_261 = vector.broadcast %mul3A_2 : i32 to vector<16xi32>
    %ge3A_262 = arith.cmpi sge, %get3A_260, %ge3A_261 : vector<16xi32>
    %add3A_263 = arith.constant 31280 : i32
    %add3A_264 = arith.addi %mul3A_2, %add3A_263 : i32
    %lt3A_265 = vector.broadcast %add3A_264 : i32 to vector<16xi32>
    %lt3A_266 = arith.cmpi slt, %get3A_260, %lt3A_265 : vector<16xi32>
    %and3A_267 = arith.andi %ge3A_262, %lt3A_266 : vector<16xi1>
    %sub3A_268 = vector.broadcast %mul3A_2 : i32 to vector<16xi32>
    %sub3A_269 = arith.subi %get3A_260, %sub3A_268 : vector<16xi32>
    %shift_right_arithmetic3A_270 = arith.constant 31 : i32
    %shift_right_arithmetic3A_271 = vector.broadcast %shift_right_arithmetic3A_270 : i32 to vector<16xi32>
    %shift_right_arithmetic3A_272 = arith.shrsi %get3A_258, %shift_right_arithmetic3A_271 : vector<16xi32>
    %and3A_273 = arith.constant 2147483647 : i32
    %and3A_274 = vector.broadcast %and3A_273 : i32 to vector<16xi32>
    %and3A_275 = arith.andi %shift_right_arithmetic3A_272, %and3A_274 : vector<16xi32>
    %xor3A_276 = arith.xori %get3A_258, %and3A_275 : vector<16xi32>
    %bitcast_convert_type3A_277 = tpu.bitcast %xor3A_276 : vector<16xi32> -> vector<16xf32>
    tpu.vector_store_idx %arg6[%sub3A_269], %bitcast_convert_type3A_277 masked %and3A_267 : memref<31280xf32, #tpu.memory_space<vmem>>[vector<16xi32>], vector<16xf32>, vector<16xi1>
    %get3A_278 = arith.constant 192 : index
    %get3A_279 = tpu.vector_load %arg11[%get3A_278] {strides = array<i32>} : memref<544xi32, #tpu.memory_space<vmem>>, vector<16xi32>,
    %get3A_280 = arith.constant 192 : index
    %get3A_281 = tpu.vector_load %arg12[%get3A_280] {strides = array<i32>} : memref<544xi32, #tpu.memory_space<vmem>>, vector<16xi32>,
    %ge3A_282 = vector.broadcast %mul3A_2 : i32 to vector<16xi32>
    %ge3A_283 = arith.cmpi sge, %get3A_281, %ge3A_282 : vector<16xi32>
    %add3A_284 = arith.constant 31280 : i32
    %add3A_285 = arith.addi %mul3A_2, %add3A_284 : i32
    %lt3A_286 = vector.broadcast %add3A_285 : i32 to vector<16xi32>
    %lt3A_287 = arith.cmpi slt, %get3A_281, %lt3A_286 : vector<16xi32>
    %and3A_288 = arith.andi %ge3A_283, %lt3A_287 : vector<16xi1>
    %sub3A_289 = vector.broadcast %mul3A_2 : i32 to vector<16xi32>
    %sub3A_290 = arith.subi %get3A_281, %sub3A_289 : vector<16xi32>
    %shift_right_arithmetic3A_291 = arith.constant 31 : i32
    %shift_right_arithmetic3A_292 = vector.broadcast %shift_right_arithmetic3A_291 : i32 to vector<16xi32>
    %shift_right_arithmetic3A_293 = arith.shrsi %get3A_279, %shift_right_arithmetic3A_292 : vector<16xi32>
    %and3A_294 = arith.constant 2147483647 : i32
    %and3A_295 = vector.broadcast %and3A_294 : i32 to vector<16xi32>
    %and3A_296 = arith.andi %shift_right_arithmetic3A_293, %and3A_295 : vector<16xi32>
    %xor3A_297 = arith.xori %get3A_279, %and3A_296 : vector<16xi32>
    %bitcast_convert_type3A_298 = tpu.bitcast %xor3A_297 : vector<16xi32> -> vector<16xf32>
    tpu.vector_store_idx %arg6[%sub3A_290], %bitcast_convert_type3A_298 masked %and3A_288 : memref<31280xf32, #tpu.memory_space<vmem>>[vector<16xi32>], vector<16xf32>, vector<16xi1>
    %get3A_299 = arith.constant 208 : index
    %get3A_300 = tpu.vector_load %arg11[%get3A_299] {strides = array<i32>} : memref<544xi32, #tpu.memory_space<vmem>>, vector<16xi32>,
    %get3A_301 = arith.constant 208 : index
    %get3A_302 = tpu.vector_load %arg12[%get3A_301] {strides = array<i32>} : memref<544xi32, #tpu.memory_space<vmem>>, vector<16xi32>,
    %ge3A_303 = vector.broadcast %mul3A_2 : i32 to vector<16xi32>
    %ge3A_304 = arith.cmpi sge, %get3A_302, %ge3A_303 : vector<16xi32>
    %add3A_305 = arith.constant 31280 : i32
    %add3A_306 = arith.addi %mul3A_2, %add3A_305 : i32
    %lt3A_307 = vector.broadcast %add3A_306 : i32 to vector<16xi32>
    %lt3A_308 = arith.cmpi slt, %get3A_302, %lt3A_307 : vector<16xi32>
    %and3A_309 = arith.andi %ge3A_304, %lt3A_308 : vector<16xi1>
    %sub3A_310 = vector.broadcast %mul3A_2 : i32 to vector<16xi32>
    %sub3A_311 = arith.subi %get3A_302, %sub3A_310 : vector<16xi32>
    %shift_right_arithmetic3A_312 = arith.constant 31 : i32
    %shift_right_arithmetic3A_313 = vector.broadcast %shift_right_arithmetic3A_312 : i32 to vector<16xi32>
    %shift_right_arithmetic3A_314 = arith.shrsi %get3A_300, %shift_right_arithmetic3A_313 : vector<16xi32>
    %and3A_315 = arith.constant 2147483647 : i32
    %and3A_316 = vector.broadcast %and3A_315 : i32 to vector<16xi32>
    %and3A_317 = arith.andi %shift_right_arithmetic3A_314, %and3A_316 : vector<16xi32>
    %xor3A_318 = arith.xori %get3A_300, %and3A_317 : vector<16xi32>
    %bitcast_convert_type3A_319 = tpu.bitcast %xor3A_318 : vector<16xi32> -> vector<16xf32>
    tpu.vector_store_idx %arg6[%sub3A_311], %bitcast_convert_type3A_319 masked %and3A_309 : memref<31280xf32, #tpu.memory_space<vmem>>[vector<16xi32>], vector<16xf32>, vector<16xi1>
    %get3A_320 = arith.constant 224 : index
    %get3A_321 = tpu.vector_load %arg11[%get3A_320] {strides = array<i32>} : memref<544xi32, #tpu.memory_space<vmem>>, vector<16xi32>,
    %get3A_322 = arith.constant 224 : index
    %get3A_323 = tpu.vector_load %arg12[%get3A_322] {strides = array<i32>} : memref<544xi32, #tpu.memory_space<vmem>>, vector<16xi32>,
    %ge3A_324 = vector.broadcast %mul3A_2 : i32 to vector<16xi32>
    %ge3A_325 = arith.cmpi sge, %get3A_323, %ge3A_324 : vector<16xi32>
    %add3A_326 = arith.constant 31280 : i32
    %add3A_327 = arith.addi %mul3A_2, %add3A_326 : i32
    %lt3A_328 = vector.broadcast %add3A_327 : i32 to vector<16xi32>
    %lt3A_329 = arith.cmpi slt, %get3A_323, %lt3A_328 : vector<16xi32>
    %and3A_330 = arith.andi %ge3A_325, %lt3A_329 : vector<16xi1>
    %sub3A_331 = vector.broadcast %mul3A_2 : i32 to vector<16xi32>
    %sub3A_332 = arith.subi %get3A_323, %sub3A_331 : vector<16xi32>
    %shift_right_arithmetic3A_333 = arith.constant 31 : i32
    %shift_right_arithmetic3A_334 = vector.broadcast %shift_right_arithmetic3A_333 : i32 to vector<16xi32>
    %shift_right_arithmetic3A_335 = arith.shrsi %get3A_321, %shift_right_arithmetic3A_334 : vector<16xi32>
    %and3A_336 = arith.constant 2147483647 : i32
    %and3A_337 = vector.broadcast %and3A_336 : i32 to vector<16xi32>
    %and3A_338 = arith.andi %shift_right_arithmetic3A_335, %and3A_337 : vector<16xi32>
    %xor3A_339 = arith.xori %get3A_321, %and3A_338 : vector<16xi32>
    %bitcast_convert_type3A_340 = tpu.bitcast %xor3A_339 : vector<16xi32> -> vector<16xf32>
    tpu.vector_store_idx %arg6[%sub3A_332], %bitcast_convert_type3A_340 masked %and3A_330 : memref<31280xf32, #tpu.memory_space<vmem>>[vector<16xi32>], vector<16xf32>, vector<16xi1>
    %get3A_341 = arith.constant 240 : index
    %get3A_342 = tpu.vector_load %arg11[%get3A_341] {strides = array<i32>} : memref<544xi32, #tpu.memory_space<vmem>>, vector<16xi32>,
    %get3A_343 = arith.constant 240 : index
    %get3A_344 = tpu.vector_load %arg12[%get3A_343] {strides = array<i32>} : memref<544xi32, #tpu.memory_space<vmem>>, vector<16xi32>,
    %ge3A_345 = vector.broadcast %mul3A_2 : i32 to vector<16xi32>
    %ge3A_346 = arith.cmpi sge, %get3A_344, %ge3A_345 : vector<16xi32>
    %add3A_347 = arith.constant 31280 : i32
    %add3A_348 = arith.addi %mul3A_2, %add3A_347 : i32
    %lt3A_349 = vector.broadcast %add3A_348 : i32 to vector<16xi32>
    %lt3A_350 = arith.cmpi slt, %get3A_344, %lt3A_349 : vector<16xi32>
    %and3A_351 = arith.andi %ge3A_346, %lt3A_350 : vector<16xi1>
    %sub3A_352 = vector.broadcast %mul3A_2 : i32 to vector<16xi32>
    %sub3A_353 = arith.subi %get3A_344, %sub3A_352 : vector<16xi32>
    %shift_right_arithmetic3A_354 = arith.constant 31 : i32
    %shift_right_arithmetic3A_355 = vector.broadcast %shift_right_arithmetic3A_354 : i32 to vector<16xi32>
    %shift_right_arithmetic3A_356 = arith.shrsi %get3A_342, %shift_right_arithmetic3A_355 : vector<16xi32>
    %and3A_357 = arith.constant 2147483647 : i32
    %and3A_358 = vector.broadcast %and3A_357 : i32 to vector<16xi32>
    %and3A_359 = arith.andi %shift_right_arithmetic3A_356, %and3A_358 : vector<16xi32>
    %xor3A_360 = arith.xori %get3A_342, %and3A_359 : vector<16xi32>
    %bitcast_convert_type3A_361 = tpu.bitcast %xor3A_360 : vector<16xi32> -> vector<16xf32>
    tpu.vector_store_idx %arg6[%sub3A_353], %bitcast_convert_type3A_361 masked %and3A_351 : memref<31280xf32, #tpu.memory_space<vmem>>[vector<16xi32>], vector<16xf32>, vector<16xi1>
    %get3A_362 = arith.constant 256 : index
    %get3A_363 = tpu.vector_load %arg11[%get3A_362] {strides = array<i32>} : memref<544xi32, #tpu.memory_space<vmem>>, vector<16xi32>,
    %get3A_364 = arith.constant 256 : index
    %get3A_365 = tpu.vector_load %arg12[%get3A_364] {strides = array<i32>} : memref<544xi32, #tpu.memory_space<vmem>>, vector<16xi32>,
    %ge3A_366 = vector.broadcast %mul3A_2 : i32 to vector<16xi32>
    %ge3A_367 = arith.cmpi sge, %get3A_365, %ge3A_366 : vector<16xi32>
    %add3A_368 = arith.constant 31280 : i32
    %add3A_369 = arith.addi %mul3A_2, %add3A_368 : i32
    %lt3A_370 = vector.broadcast %add3A_369 : i32 to vector<16xi32>
    %lt3A_371 = arith.cmpi slt, %get3A_365, %lt3A_370 : vector<16xi32>
    %and3A_372 = arith.andi %ge3A_367, %lt3A_371 : vector<16xi1>
    %sub3A_373 = vector.broadcast %mul3A_2 : i32 to vector<16xi32>
    %sub3A_374 = arith.subi %get3A_365, %sub3A_373 : vector<16xi32>
    %shift_right_arithmetic3A_375 = arith.constant 31 : i32
    %shift_right_arithmetic3A_376 = vector.broadcast %shift_right_arithmetic3A_375 : i32 to vector<16xi32>
    %shift_right_arithmetic3A_377 = arith.shrsi %get3A_363, %shift_right_arithmetic3A_376 : vector<16xi32>
    %and3A_378 = arith.constant 2147483647 : i32
    %and3A_379 = vector.broadcast %and3A_378 : i32 to vector<16xi32>
    %and3A_380 = arith.andi %shift_right_arithmetic3A_377, %and3A_379 : vector<16xi32>
    %xor3A_381 = arith.xori %get3A_363, %and3A_380 : vector<16xi32>
    %bitcast_convert_type3A_382 = tpu.bitcast %xor3A_381 : vector<16xi32> -> vector<16xf32>
    tpu.vector_store_idx %arg6[%sub3A_374], %bitcast_convert_type3A_382 masked %and3A_372 : memref<31280xf32, #tpu.memory_space<vmem>>[vector<16xi32>], vector<16xf32>, vector<16xi1>
    %get3A_383 = arith.constant 272 : index
    %get3A_384 = tpu.vector_load %arg11[%get3A_383] {strides = array<i32>} : memref<544xi32, #tpu.memory_space<vmem>>, vector<16xi32>,
    %get3A_385 = arith.constant 272 : index
    %get3A_386 = tpu.vector_load %arg12[%get3A_385] {strides = array<i32>} : memref<544xi32, #tpu.memory_space<vmem>>, vector<16xi32>,
    %ge3A_387 = vector.broadcast %mul3A_2 : i32 to vector<16xi32>
    %ge3A_388 = arith.cmpi sge, %get3A_386, %ge3A_387 : vector<16xi32>
    %add3A_389 = arith.constant 31280 : i32
    %add3A_390 = arith.addi %mul3A_2, %add3A_389 : i32
    %lt3A_391 = vector.broadcast %add3A_390 : i32 to vector<16xi32>
    %lt3A_392 = arith.cmpi slt, %get3A_386, %lt3A_391 : vector<16xi32>
    %and3A_393 = arith.andi %ge3A_388, %lt3A_392 : vector<16xi1>
    %sub3A_394 = vector.broadcast %mul3A_2 : i32 to vector<16xi32>
    %sub3A_395 = arith.subi %get3A_386, %sub3A_394 : vector<16xi32>
    %shift_right_arithmetic3A_396 = arith.constant 31 : i32
    %shift_right_arithmetic3A_397 = vector.broadcast %shift_right_arithmetic3A_396 : i32 to vector<16xi32>
    %shift_right_arithmetic3A_398 = arith.shrsi %get3A_384, %shift_right_arithmetic3A_397 : vector<16xi32>
    %and3A_399 = arith.constant 2147483647 : i32
    %and3A_400 = vector.broadcast %and3A_399 : i32 to vector<16xi32>
    %and3A_401 = arith.andi %shift_right_arithmetic3A_398, %and3A_400 : vector<16xi32>
    %xor3A_402 = arith.xori %get3A_384, %and3A_401 : vector<16xi32>
    %bitcast_convert_type3A_403 = tpu.bitcast %xor3A_402 : vector<16xi32> -> vector<16xf32>
    tpu.vector_store_idx %arg6[%sub3A_395], %bitcast_convert_type3A_403 masked %and3A_393 : memref<31280xf32, #tpu.memory_space<vmem>>[vector<16xi32>], vector<16xf32>, vector<16xi1>
    %get3A_404 = arith.constant 288 : index
    %get3A_405 = tpu.vector_load %arg11[%get3A_404] {strides = array<i32>} : memref<544xi32, #tpu.memory_space<vmem>>, vector<16xi32>,
    %get3A_406 = arith.constant 288 : index
    %get3A_407 = tpu.vector_load %arg12[%get3A_406] {strides = array<i32>} : memref<544xi32, #tpu.memory_space<vmem>>, vector<16xi32>,
    %ge3A_408 = vector.broadcast %mul3A_2 : i32 to vector<16xi32>
    %ge3A_409 = arith.cmpi sge, %get3A_407, %ge3A_408 : vector<16xi32>
    %add3A_410 = arith.constant 31280 : i32
    %add3A_411 = arith.addi %mul3A_2, %add3A_410 : i32
    %lt3A_412 = vector.broadcast %add3A_411 : i32 to vector<16xi32>
    %lt3A_413 = arith.cmpi slt, %get3A_407, %lt3A_412 : vector<16xi32>
    %and3A_414 = arith.andi %ge3A_409, %lt3A_413 : vector<16xi1>
    %sub3A_415 = vector.broadcast %mul3A_2 : i32 to vector<16xi32>
    %sub3A_416 = arith.subi %get3A_407, %sub3A_415 : vector<16xi32>
    %shift_right_arithmetic3A_417 = arith.constant 31 : i32
    %shift_right_arithmetic3A_418 = vector.broadcast %shift_right_arithmetic3A_417 : i32 to vector<16xi32>
    %shift_right_arithmetic3A_419 = arith.shrsi %get3A_405, %shift_right_arithmetic3A_418 : vector<16xi32>
    %and3A_420 = arith.constant 2147483647 : i32
    %and3A_421 = vector.broadcast %and3A_420 : i32 to vector<16xi32>
    %and3A_422 = arith.andi %shift_right_arithmetic3A_419, %and3A_421 : vector<16xi32>
    %xor3A_423 = arith.xori %get3A_405, %and3A_422 : vector<16xi32>
    %bitcast_convert_type3A_424 = tpu.bitcast %xor3A_423 : vector<16xi32> -> vector<16xf32>
    tpu.vector_store_idx %arg6[%sub3A_416], %bitcast_convert_type3A_424 masked %and3A_414 : memref<31280xf32, #tpu.memory_space<vmem>>[vector<16xi32>], vector<16xf32>, vector<16xi1>
    %get3A_425 = arith.constant 304 : index
    %get3A_426 = tpu.vector_load %arg11[%get3A_425] {strides = array<i32>} : memref<544xi32, #tpu.memory_space<vmem>>, vector<16xi32>,
    %get3A_427 = arith.constant 304 : index
    %get3A_428 = tpu.vector_load %arg12[%get3A_427] {strides = array<i32>} : memref<544xi32, #tpu.memory_space<vmem>>, vector<16xi32>,
    %ge3A_429 = vector.broadcast %mul3A_2 : i32 to vector<16xi32>
    %ge3A_430 = arith.cmpi sge, %get3A_428, %ge3A_429 : vector<16xi32>
    %add3A_431 = arith.constant 31280 : i32
    %add3A_432 = arith.addi %mul3A_2, %add3A_431 : i32
    %lt3A_433 = vector.broadcast %add3A_432 : i32 to vector<16xi32>
    %lt3A_434 = arith.cmpi slt, %get3A_428, %lt3A_433 : vector<16xi32>
    %and3A_435 = arith.andi %ge3A_430, %lt3A_434 : vector<16xi1>
    %sub3A_436 = vector.broadcast %mul3A_2 : i32 to vector<16xi32>
    %sub3A_437 = arith.subi %get3A_428, %sub3A_436 : vector<16xi32>
    %shift_right_arithmetic3A_438 = arith.constant 31 : i32
    %shift_right_arithmetic3A_439 = vector.broadcast %shift_right_arithmetic3A_438 : i32 to vector<16xi32>
    %shift_right_arithmetic3A_440 = arith.shrsi %get3A_426, %shift_right_arithmetic3A_439 : vector<16xi32>
    %and3A_441 = arith.constant 2147483647 : i32
    %and3A_442 = vector.broadcast %and3A_441 : i32 to vector<16xi32>
    %and3A_443 = arith.andi %shift_right_arithmetic3A_440, %and3A_442 : vector<16xi32>
    %xor3A_444 = arith.xori %get3A_426, %and3A_443 : vector<16xi32>
    %bitcast_convert_type3A_445 = tpu.bitcast %xor3A_444 : vector<16xi32> -> vector<16xf32>
    tpu.vector_store_idx %arg6[%sub3A_437], %bitcast_convert_type3A_445 masked %and3A_435 : memref<31280xf32, #tpu.memory_space<vmem>>[vector<16xi32>], vector<16xf32>, vector<16xi1>
    %get3A_446 = arith.constant 320 : index
    %get3A_447 = tpu.vector_load %arg11[%get3A_446] {strides = array<i32>} : memref<544xi32, #tpu.memory_space<vmem>>, vector<16xi32>,
    %get3A_448 = arith.constant 320 : index
    %get3A_449 = tpu.vector_load %arg12[%get3A_448] {strides = array<i32>} : memref<544xi32, #tpu.memory_space<vmem>>, vector<16xi32>,
    %ge3A_450 = vector.broadcast %mul3A_2 : i32 to vector<16xi32>
    %ge3A_451 = arith.cmpi sge, %get3A_449, %ge3A_450 : vector<16xi32>
    %add3A_452 = arith.constant 31280 : i32
    %add3A_453 = arith.addi %mul3A_2, %add3A_452 : i32
    %lt3A_454 = vector.broadcast %add3A_453 : i32 to vector<16xi32>
    %lt3A_455 = arith.cmpi slt, %get3A_449, %lt3A_454 : vector<16xi32>
    %and3A_456 = arith.andi %ge3A_451, %lt3A_455 : vector<16xi1>
    %sub3A_457 = vector.broadcast %mul3A_2 : i32 to vector<16xi32>
    %sub3A_458 = arith.subi %get3A_449, %sub3A_457 : vector<16xi32>
    %shift_right_arithmetic3A_459 = arith.constant 31 : i32
    %shift_right_arithmetic3A_460 = vector.broadcast %shift_right_arithmetic3A_459 : i32 to vector<16xi32>
    %shift_right_arithmetic3A_461 = arith.shrsi %get3A_447, %shift_right_arithmetic3A_460 : vector<16xi32>
    %and3A_462 = arith.constant 2147483647 : i32
    %and3A_463 = vector.broadcast %and3A_462 : i32 to vector<16xi32>
    %and3A_464 = arith.andi %shift_right_arithmetic3A_461, %and3A_463 : vector<16xi32>
    %xor3A_465 = arith.xori %get3A_447, %and3A_464 : vector<16xi32>
    %bitcast_convert_type3A_466 = tpu.bitcast %xor3A_465 : vector<16xi32> -> vector<16xf32>
    tpu.vector_store_idx %arg6[%sub3A_458], %bitcast_convert_type3A_466 masked %and3A_456 : memref<31280xf32, #tpu.memory_space<vmem>>[vector<16xi32>], vector<16xf32>, vector<16xi1>
    %get3A_467 = arith.constant 336 : index
    %get3A_468 = tpu.vector_load %arg11[%get3A_467] {strides = array<i32>} : memref<544xi32, #tpu.memory_space<vmem>>, vector<16xi32>,
    %get3A_469 = arith.constant 336 : index
    %get3A_470 = tpu.vector_load %arg12[%get3A_469] {strides = array<i32>} : memref<544xi32, #tpu.memory_space<vmem>>, vector<16xi32>,
    %ge3A_471 = vector.broadcast %mul3A_2 : i32 to vector<16xi32>
    %ge3A_472 = arith.cmpi sge, %get3A_470, %ge3A_471 : vector<16xi32>
    %add3A_473 = arith.constant 31280 : i32
    %add3A_474 = arith.addi %mul3A_2, %add3A_473 : i32
    %lt3A_475 = vector.broadcast %add3A_474 : i32 to vector<16xi32>
    %lt3A_476 = arith.cmpi slt, %get3A_470, %lt3A_475 : vector<16xi32>
    %and3A_477 = arith.andi %ge3A_472, %lt3A_476 : vector<16xi1>
    %sub3A_478 = vector.broadcast %mul3A_2 : i32 to vector<16xi32>
    %sub3A_479 = arith.subi %get3A_470, %sub3A_478 : vector<16xi32>
    %shift_right_arithmetic3A_480 = arith.constant 31 : i32
    %shift_right_arithmetic3A_481 = vector.broadcast %shift_right_arithmetic3A_480 : i32 to vector<16xi32>
    %shift_right_arithmetic3A_482 = arith.shrsi %get3A_468, %shift_right_arithmetic3A_481 : vector<16xi32>
    %and3A_483 = arith.constant 2147483647 : i32
    %and3A_484 = vector.broadcast %and3A_483 : i32 to vector<16xi32>
    %and3A_485 = arith.andi %shift_right_arithmetic3A_482, %and3A_484 : vector<16xi32>
    %xor3A_486 = arith.xori %get3A_468, %and3A_485 : vector<16xi32>
    %bitcast_convert_type3A_487 = tpu.bitcast %xor3A_486 : vector<16xi32> -> vector<16xf32>
    tpu.vector_store_idx %arg6[%sub3A_479], %bitcast_convert_type3A_487 masked %and3A_477 : memref<31280xf32, #tpu.memory_space<vmem>>[vector<16xi32>], vector<16xf32>, vector<16xi1>
    %get3A_488 = arith.constant 352 : index
    %get3A_489 = tpu.vector_load %arg11[%get3A_488] {strides = array<i32>} : memref<544xi32, #tpu.memory_space<vmem>>, vector<16xi32>,
    %get3A_490 = arith.constant 352 : index
    %get3A_491 = tpu.vector_load %arg12[%get3A_490] {strides = array<i32>} : memref<544xi32, #tpu.memory_space<vmem>>, vector<16xi32>,
    %ge3A_492 = vector.broadcast %mul3A_2 : i32 to vector<16xi32>
    %ge3A_493 = arith.cmpi sge, %get3A_491, %ge3A_492 : vector<16xi32>
    %add3A_494 = arith.constant 31280 : i32
    %add3A_495 = arith.addi %mul3A_2, %add3A_494 : i32
    %lt3A_496 = vector.broadcast %add3A_495 : i32 to vector<16xi32>
    %lt3A_497 = arith.cmpi slt, %get3A_491, %lt3A_496 : vector<16xi32>
    %and3A_498 = arith.andi %ge3A_493, %lt3A_497 : vector<16xi1>
    %sub3A_499 = vector.broadcast %mul3A_2 : i32 to vector<16xi32>
    %sub3A_500 = arith.subi %get3A_491, %sub3A_499 : vector<16xi32>
    %shift_right_arithmetic3A_501 = arith.constant 31 : i32
    %shift_right_arithmetic3A_502 = vector.broadcast %shift_right_arithmetic3A_501 : i32 to vector<16xi32>
    %shift_right_arithmetic3A_503 = arith.shrsi %get3A_489, %shift_right_arithmetic3A_502 : vector<16xi32>
    %and3A_504 = arith.constant 2147483647 : i32
    %and3A_505 = vector.broadcast %and3A_504 : i32 to vector<16xi32>
    %and3A_506 = arith.andi %shift_right_arithmetic3A_503, %and3A_505 : vector<16xi32>
    %xor3A_507 = arith.xori %get3A_489, %and3A_506 : vector<16xi32>
    %bitcast_convert_type3A_508 = tpu.bitcast %xor3A_507 : vector<16xi32> -> vector<16xf32>
    tpu.vector_store_idx %arg6[%sub3A_500], %bitcast_convert_type3A_508 masked %and3A_498 : memref<31280xf32, #tpu.memory_space<vmem>>[vector<16xi32>], vector<16xf32>, vector<16xi1>
    %get3A_509 = arith.constant 368 : index
    %get3A_510 = tpu.vector_load %arg11[%get3A_509] {strides = array<i32>} : memref<544xi32, #tpu.memory_space<vmem>>, vector<16xi32>,
    %get3A_511 = arith.constant 368 : index
    %get3A_512 = tpu.vector_load %arg12[%get3A_511] {strides = array<i32>} : memref<544xi32, #tpu.memory_space<vmem>>, vector<16xi32>,
    %ge3A_513 = vector.broadcast %mul3A_2 : i32 to vector<16xi32>
    %ge3A_514 = arith.cmpi sge, %get3A_512, %ge3A_513 : vector<16xi32>
    %add3A_515 = arith.constant 31280 : i32
    %add3A_516 = arith.addi %mul3A_2, %add3A_515 : i32
    %lt3A_517 = vector.broadcast %add3A_516 : i32 to vector<16xi32>
    %lt3A_518 = arith.cmpi slt, %get3A_512, %lt3A_517 : vector<16xi32>
    %and3A_519 = arith.andi %ge3A_514, %lt3A_518 : vector<16xi1>
    %sub3A_520 = vector.broadcast %mul3A_2 : i32 to vector<16xi32>
    %sub3A_521 = arith.subi %get3A_512, %sub3A_520 : vector<16xi32>
    %shift_right_arithmetic3A_522 = arith.constant 31 : i32
    %shift_right_arithmetic3A_523 = vector.broadcast %shift_right_arithmetic3A_522 : i32 to vector<16xi32>
    %shift_right_arithmetic3A_524 = arith.shrsi %get3A_510, %shift_right_arithmetic3A_523 : vector<16xi32>
    %and3A_525 = arith.constant 2147483647 : i32
    %and3A_526 = vector.broadcast %and3A_525 : i32 to vector<16xi32>
    %and3A_527 = arith.andi %shift_right_arithmetic3A_524, %and3A_526 : vector<16xi32>
    %xor3A_528 = arith.xori %get3A_510, %and3A_527 : vector<16xi32>
    %bitcast_convert_type3A_529 = tpu.bitcast %xor3A_528 : vector<16xi32> -> vector<16xf32>
    tpu.vector_store_idx %arg6[%sub3A_521], %bitcast_convert_type3A_529 masked %and3A_519 : memref<31280xf32, #tpu.memory_space<vmem>>[vector<16xi32>], vector<16xf32>, vector<16xi1>
    %get3A_530 = arith.constant 384 : index
    %get3A_531 = tpu.vector_load %arg11[%get3A_530] {strides = array<i32>} : memref<544xi32, #tpu.memory_space<vmem>>, vector<16xi32>,
    %get3A_532 = arith.constant 384 : index
    %get3A_533 = tpu.vector_load %arg12[%get3A_532] {strides = array<i32>} : memref<544xi32, #tpu.memory_space<vmem>>, vector<16xi32>,
    %ge3A_534 = vector.broadcast %mul3A_2 : i32 to vector<16xi32>
    %ge3A_535 = arith.cmpi sge, %get3A_533, %ge3A_534 : vector<16xi32>
    %add3A_536 = arith.constant 31280 : i32
    %add3A_537 = arith.addi %mul3A_2, %add3A_536 : i32
    %lt3A_538 = vector.broadcast %add3A_537 : i32 to vector<16xi32>
    %lt3A_539 = arith.cmpi slt, %get3A_533, %lt3A_538 : vector<16xi32>
    %and3A_540 = arith.andi %ge3A_535, %lt3A_539 : vector<16xi1>
    %sub3A_541 = vector.broadcast %mul3A_2 : i32 to vector<16xi32>
    %sub3A_542 = arith.subi %get3A_533, %sub3A_541 : vector<16xi32>
    %shift_right_arithmetic3A_543 = arith.constant 31 : i32
    %shift_right_arithmetic3A_544 = vector.broadcast %shift_right_arithmetic3A_543 : i32 to vector<16xi32>
    %shift_right_arithmetic3A_545 = arith.shrsi %get3A_531, %shift_right_arithmetic3A_544 : vector<16xi32>
    %and3A_546 = arith.constant 2147483647 : i32
    %and3A_547 = vector.broadcast %and3A_546 : i32 to vector<16xi32>
    %and3A_548 = arith.andi %shift_right_arithmetic3A_545, %and3A_547 : vector<16xi32>
    %xor3A_549 = arith.xori %get3A_531, %and3A_548 : vector<16xi32>
    %bitcast_convert_type3A_550 = tpu.bitcast %xor3A_549 : vector<16xi32> -> vector<16xf32>
    tpu.vector_store_idx %arg6[%sub3A_542], %bitcast_convert_type3A_550 masked %and3A_540 : memref<31280xf32, #tpu.memory_space<vmem>>[vector<16xi32>], vector<16xf32>, vector<16xi1>
    %get3A_551 = arith.constant 400 : index
    %get3A_552 = tpu.vector_load %arg11[%get3A_551] {strides = array<i32>} : memref<544xi32, #tpu.memory_space<vmem>>, vector<16xi32>,
    %get3A_553 = arith.constant 400 : index
    %get3A_554 = tpu.vector_load %arg12[%get3A_553] {strides = array<i32>} : memref<544xi32, #tpu.memory_space<vmem>>, vector<16xi32>,
    %ge3A_555 = vector.broadcast %mul3A_2 : i32 to vector<16xi32>
    %ge3A_556 = arith.cmpi sge, %get3A_554, %ge3A_555 : vector<16xi32>
    %add3A_557 = arith.constant 31280 : i32
    %add3A_558 = arith.addi %mul3A_2, %add3A_557 : i32
    %lt3A_559 = vector.broadcast %add3A_558 : i32 to vector<16xi32>
    %lt3A_560 = arith.cmpi slt, %get3A_554, %lt3A_559 : vector<16xi32>
    %and3A_561 = arith.andi %ge3A_556, %lt3A_560 : vector<16xi1>
    %sub3A_562 = vector.broadcast %mul3A_2 : i32 to vector<16xi32>
    %sub3A_563 = arith.subi %get3A_554, %sub3A_562 : vector<16xi32>
    %shift_right_arithmetic3A_564 = arith.constant 31 : i32
    %shift_right_arithmetic3A_565 = vector.broadcast %shift_right_arithmetic3A_564 : i32 to vector<16xi32>
    %shift_right_arithmetic3A_566 = arith.shrsi %get3A_552, %shift_right_arithmetic3A_565 : vector<16xi32>
    %and3A_567 = arith.constant 2147483647 : i32
    %and3A_568 = vector.broadcast %and3A_567 : i32 to vector<16xi32>
    %and3A_569 = arith.andi %shift_right_arithmetic3A_566, %and3A_568 : vector<16xi32>
    %xor3A_570 = arith.xori %get3A_552, %and3A_569 : vector<16xi32>
    %bitcast_convert_type3A_571 = tpu.bitcast %xor3A_570 : vector<16xi32> -> vector<16xf32>
    tpu.vector_store_idx %arg6[%sub3A_563], %bitcast_convert_type3A_571 masked %and3A_561 : memref<31280xf32, #tpu.memory_space<vmem>>[vector<16xi32>], vector<16xf32>, vector<16xi1>
    %get3A_572 = arith.constant 416 : index
    %get3A_573 = tpu.vector_load %arg11[%get3A_572] {strides = array<i32>} : memref<544xi32, #tpu.memory_space<vmem>>, vector<16xi32>,
    %get3A_574 = arith.constant 416 : index
    %get3A_575 = tpu.vector_load %arg12[%get3A_574] {strides = array<i32>} : memref<544xi32, #tpu.memory_space<vmem>>, vector<16xi32>,
    %ge3A_576 = vector.broadcast %mul3A_2 : i32 to vector<16xi32>
    %ge3A_577 = arith.cmpi sge, %get3A_575, %ge3A_576 : vector<16xi32>
    %add3A_578 = arith.constant 31280 : i32
    %add3A_579 = arith.addi %mul3A_2, %add3A_578 : i32
    %lt3A_580 = vector.broadcast %add3A_579 : i32 to vector<16xi32>
    %lt3A_581 = arith.cmpi slt, %get3A_575, %lt3A_580 : vector<16xi32>
    %and3A_582 = arith.andi %ge3A_577, %lt3A_581 : vector<16xi1>
    %sub3A_583 = vector.broadcast %mul3A_2 : i32 to vector<16xi32>
    %sub3A_584 = arith.subi %get3A_575, %sub3A_583 : vector<16xi32>
    %shift_right_arithmetic3A_585 = arith.constant 31 : i32
    %shift_right_arithmetic3A_586 = vector.broadcast %shift_right_arithmetic3A_585 : i32 to vector<16xi32>
    %shift_right_arithmetic3A_587 = arith.shrsi %get3A_573, %shift_right_arithmetic3A_586 : vector<16xi32>
    %and3A_588 = arith.constant 2147483647 : i32
    %and3A_589 = vector.broadcast %and3A_588 : i32 to vector<16xi32>
    %and3A_590 = arith.andi %shift_right_arithmetic3A_587, %and3A_589 : vector<16xi32>
    %xor3A_591 = arith.xori %get3A_573, %and3A_590 : vector<16xi32>
    %bitcast_convert_type3A_592 = tpu.bitcast %xor3A_591 : vector<16xi32> -> vector<16xf32>
    tpu.vector_store_idx %arg6[%sub3A_584], %bitcast_convert_type3A_592 masked %and3A_582 : memref<31280xf32, #tpu.memory_space<vmem>>[vector<16xi32>], vector<16xf32>, vector<16xi1>
    %get3A_593 = arith.constant 432 : index
    %get3A_594 = tpu.vector_load %arg11[%get3A_593] {strides = array<i32>} : memref<544xi32, #tpu.memory_space<vmem>>, vector<16xi32>,
    %get3A_595 = arith.constant 432 : index
    %get3A_596 = tpu.vector_load %arg12[%get3A_595] {strides = array<i32>} : memref<544xi32, #tpu.memory_space<vmem>>, vector<16xi32>,
    %ge3A_597 = vector.broadcast %mul3A_2 : i32 to vector<16xi32>
    %ge3A_598 = arith.cmpi sge, %get3A_596, %ge3A_597 : vector<16xi32>
    %add3A_599 = arith.constant 31280 : i32
    %add3A_600 = arith.addi %mul3A_2, %add3A_599 : i32
    %lt3A_601 = vector.broadcast %add3A_600 : i32 to vector<16xi32>
    %lt3A_602 = arith.cmpi slt, %get3A_596, %lt3A_601 : vector<16xi32>
    %and3A_603 = arith.andi %ge3A_598, %lt3A_602 : vector<16xi1>
    %sub3A_604 = vector.broadcast %mul3A_2 : i32 to vector<16xi32>
    %sub3A_605 = arith.subi %get3A_596, %sub3A_604 : vector<16xi32>
    %shift_right_arithmetic3A_606 = arith.constant 31 : i32
    %shift_right_arithmetic3A_607 = vector.broadcast %shift_right_arithmetic3A_606 : i32 to vector<16xi32>
    %shift_right_arithmetic3A_608 = arith.shrsi %get3A_594, %shift_right_arithmetic3A_607 : vector<16xi32>
    %and3A_609 = arith.constant 2147483647 : i32
    %and3A_610 = vector.broadcast %and3A_609 : i32 to vector<16xi32>
    %and3A_611 = arith.andi %shift_right_arithmetic3A_608, %and3A_610 : vector<16xi32>
    %xor3A_612 = arith.xori %get3A_594, %and3A_611 : vector<16xi32>
    %bitcast_convert_type3A_613 = tpu.bitcast %xor3A_612 : vector<16xi32> -> vector<16xf32>
    tpu.vector_store_idx %arg6[%sub3A_605], %bitcast_convert_type3A_613 masked %and3A_603 : memref<31280xf32, #tpu.memory_space<vmem>>[vector<16xi32>], vector<16xf32>, vector<16xi1>
    %get3A_614 = arith.constant 448 : index
    %get3A_615 = tpu.vector_load %arg11[%get3A_614] {strides = array<i32>} : memref<544xi32, #tpu.memory_space<vmem>>, vector<16xi32>,
    %get3A_616 = arith.constant 448 : index
    %get3A_617 = tpu.vector_load %arg12[%get3A_616] {strides = array<i32>} : memref<544xi32, #tpu.memory_space<vmem>>, vector<16xi32>,
    %ge3A_618 = vector.broadcast %mul3A_2 : i32 to vector<16xi32>
    %ge3A_619 = arith.cmpi sge, %get3A_617, %ge3A_618 : vector<16xi32>
    %add3A_620 = arith.constant 31280 : i32
    %add3A_621 = arith.addi %mul3A_2, %add3A_620 : i32
    %lt3A_622 = vector.broadcast %add3A_621 : i32 to vector<16xi32>
    %lt3A_623 = arith.cmpi slt, %get3A_617, %lt3A_622 : vector<16xi32>
    %and3A_624 = arith.andi %ge3A_619, %lt3A_623 : vector<16xi1>
    %sub3A_625 = vector.broadcast %mul3A_2 : i32 to vector<16xi32>
    %sub3A_626 = arith.subi %get3A_617, %sub3A_625 : vector<16xi32>
    %shift_right_arithmetic3A_627 = arith.constant 31 : i32
    %shift_right_arithmetic3A_628 = vector.broadcast %shift_right_arithmetic3A_627 : i32 to vector<16xi32>
    %shift_right_arithmetic3A_629 = arith.shrsi %get3A_615, %shift_right_arithmetic3A_628 : vector<16xi32>
    %and3A_630 = arith.constant 2147483647 : i32
    %and3A_631 = vector.broadcast %and3A_630 : i32 to vector<16xi32>
    %and3A_632 = arith.andi %shift_right_arithmetic3A_629, %and3A_631 : vector<16xi32>
    %xor3A_633 = arith.xori %get3A_615, %and3A_632 : vector<16xi32>
    %bitcast_convert_type3A_634 = tpu.bitcast %xor3A_633 : vector<16xi32> -> vector<16xf32>
    tpu.vector_store_idx %arg6[%sub3A_626], %bitcast_convert_type3A_634 masked %and3A_624 : memref<31280xf32, #tpu.memory_space<vmem>>[vector<16xi32>], vector<16xf32>, vector<16xi1>
    %get3A_635 = arith.constant 464 : index
    %get3A_636 = tpu.vector_load %arg11[%get3A_635] {strides = array<i32>} : memref<544xi32, #tpu.memory_space<vmem>>, vector<16xi32>,
    %get3A_637 = arith.constant 464 : index
    %get3A_638 = tpu.vector_load %arg12[%get3A_637] {strides = array<i32>} : memref<544xi32, #tpu.memory_space<vmem>>, vector<16xi32>,
    %ge3A_639 = vector.broadcast %mul3A_2 : i32 to vector<16xi32>
    %ge3A_640 = arith.cmpi sge, %get3A_638, %ge3A_639 : vector<16xi32>
    %add3A_641 = arith.constant 31280 : i32
    %add3A_642 = arith.addi %mul3A_2, %add3A_641 : i32
    %lt3A_643 = vector.broadcast %add3A_642 : i32 to vector<16xi32>
    %lt3A_644 = arith.cmpi slt, %get3A_638, %lt3A_643 : vector<16xi32>
    %and3A_645 = arith.andi %ge3A_640, %lt3A_644 : vector<16xi1>
    %sub3A_646 = vector.broadcast %mul3A_2 : i32 to vector<16xi32>
    %sub3A_647 = arith.subi %get3A_638, %sub3A_646 : vector<16xi32>
    %shift_right_arithmetic3A_648 = arith.constant 31 : i32
    %shift_right_arithmetic3A_649 = vector.broadcast %shift_right_arithmetic3A_648 : i32 to vector<16xi32>
    %shift_right_arithmetic3A_650 = arith.shrsi %get3A_636, %shift_right_arithmetic3A_649 : vector<16xi32>
    %and3A_651 = arith.constant 2147483647 : i32
    %and3A_652 = vector.broadcast %and3A_651 : i32 to vector<16xi32>
    %and3A_653 = arith.andi %shift_right_arithmetic3A_650, %and3A_652 : vector<16xi32>
    %xor3A_654 = arith.xori %get3A_636, %and3A_653 : vector<16xi32>
    %bitcast_convert_type3A_655 = tpu.bitcast %xor3A_654 : vector<16xi32> -> vector<16xf32>
    tpu.vector_store_idx %arg6[%sub3A_647], %bitcast_convert_type3A_655 masked %and3A_645 : memref<31280xf32, #tpu.memory_space<vmem>>[vector<16xi32>], vector<16xf32>, vector<16xi1>
    %get3A_656 = arith.constant 480 : index
    %get3A_657 = tpu.vector_load %arg11[%get3A_656] {strides = array<i32>} : memref<544xi32, #tpu.memory_space<vmem>>, vector<16xi32>,
    %get3A_658 = arith.constant 480 : index
    %get3A_659 = tpu.vector_load %arg12[%get3A_658] {strides = array<i32>} : memref<544xi32, #tpu.memory_space<vmem>>, vector<16xi32>,
    %ge3A_660 = vector.broadcast %mul3A_2 : i32 to vector<16xi32>
    %ge3A_661 = arith.cmpi sge, %get3A_659, %ge3A_660 : vector<16xi32>
    %add3A_662 = arith.constant 31280 : i32
    %add3A_663 = arith.addi %mul3A_2, %add3A_662 : i32
    %lt3A_664 = vector.broadcast %add3A_663 : i32 to vector<16xi32>
    %lt3A_665 = arith.cmpi slt, %get3A_659, %lt3A_664 : vector<16xi32>
    %and3A_666 = arith.andi %ge3A_661, %lt3A_665 : vector<16xi1>
    %sub3A_667 = vector.broadcast %mul3A_2 : i32 to vector<16xi32>
    %sub3A_668 = arith.subi %get3A_659, %sub3A_667 : vector<16xi32>
    %shift_right_arithmetic3A_669 = arith.constant 31 : i32
    %shift_right_arithmetic3A_670 = vector.broadcast %shift_right_arithmetic3A_669 : i32 to vector<16xi32>
    %shift_right_arithmetic3A_671 = arith.shrsi %get3A_657, %shift_right_arithmetic3A_670 : vector<16xi32>
    %and3A_672 = arith.constant 2147483647 : i32
    %and3A_673 = vector.broadcast %and3A_672 : i32 to vector<16xi32>
    %and3A_674 = arith.andi %shift_right_arithmetic3A_671, %and3A_673 : vector<16xi32>
    %xor3A_675 = arith.xori %get3A_657, %and3A_674 : vector<16xi32>
    %bitcast_convert_type3A_676 = tpu.bitcast %xor3A_675 : vector<16xi32> -> vector<16xf32>
    tpu.vector_store_idx %arg6[%sub3A_668], %bitcast_convert_type3A_676 masked %and3A_666 : memref<31280xf32, #tpu.memory_space<vmem>>[vector<16xi32>], vector<16xf32>, vector<16xi1>
    %get3A_677 = arith.constant 496 : index
    %get3A_678 = tpu.vector_load %arg11[%get3A_677] {strides = array<i32>} : memref<544xi32, #tpu.memory_space<vmem>>, vector<16xi32>,
    %get3A_679 = arith.constant 496 : index
    %get3A_680 = tpu.vector_load %arg12[%get3A_679] {strides = array<i32>} : memref<544xi32, #tpu.memory_space<vmem>>, vector<16xi32>,
    %ge3A_681 = vector.broadcast %mul3A_2 : i32 to vector<16xi32>
    %ge3A_682 = arith.cmpi sge, %get3A_680, %ge3A_681 : vector<16xi32>
    %add3A_683 = arith.constant 31280 : i32
    %add3A_684 = arith.addi %mul3A_2, %add3A_683 : i32
    %lt3A_685 = vector.broadcast %add3A_684 : i32 to vector<16xi32>
    %lt3A_686 = arith.cmpi slt, %get3A_680, %lt3A_685 : vector<16xi32>
    %and3A_687 = arith.andi %ge3A_682, %lt3A_686 : vector<16xi1>
    %sub3A_688 = vector.broadcast %mul3A_2 : i32 to vector<16xi32>
    %sub3A_689 = arith.subi %get3A_680, %sub3A_688 : vector<16xi32>
    %shift_right_arithmetic3A_690 = arith.constant 31 : i32
    %shift_right_arithmetic3A_691 = vector.broadcast %shift_right_arithmetic3A_690 : i32 to vector<16xi32>
    %shift_right_arithmetic3A_692 = arith.shrsi %get3A_678, %shift_right_arithmetic3A_691 : vector<16xi32>
    %and3A_693 = arith.constant 2147483647 : i32
    %and3A_694 = vector.broadcast %and3A_693 : i32 to vector<16xi32>
    %and3A_695 = arith.andi %shift_right_arithmetic3A_692, %and3A_694 : vector<16xi32>
    %xor3A_696 = arith.xori %get3A_678, %and3A_695 : vector<16xi32>
    %bitcast_convert_type3A_697 = tpu.bitcast %xor3A_696 : vector<16xi32> -> vector<16xf32>
    tpu.vector_store_idx %arg6[%sub3A_689], %bitcast_convert_type3A_697 masked %and3A_687 : memref<31280xf32, #tpu.memory_space<vmem>>[vector<16xi32>], vector<16xf32>, vector<16xi1>
    %get3A_698 = arith.constant 512 : index
    %get3A_699 = tpu.vector_load %arg11[%get3A_698] {strides = array<i32>} : memref<544xi32, #tpu.memory_space<vmem>>, vector<16xi32>,
    %get3A_700 = arith.constant 512 : index
    %get3A_701 = tpu.vector_load %arg12[%get3A_700] {strides = array<i32>} : memref<544xi32, #tpu.memory_space<vmem>>, vector<16xi32>,
    %ge3A_702 = vector.broadcast %mul3A_2 : i32 to vector<16xi32>
    %ge3A_703 = arith.cmpi sge, %get3A_701, %ge3A_702 : vector<16xi32>
    %add3A_704 = arith.constant 31280 : i32
    %add3A_705 = arith.addi %mul3A_2, %add3A_704 : i32
    %lt3A_706 = vector.broadcast %add3A_705 : i32 to vector<16xi32>
    %lt3A_707 = arith.cmpi slt, %get3A_701, %lt3A_706 : vector<16xi32>
    %and3A_708 = arith.andi %ge3A_703, %lt3A_707 : vector<16xi1>
    %sub3A_709 = vector.broadcast %mul3A_2 : i32 to vector<16xi32>
    %sub3A_710 = arith.subi %get3A_701, %sub3A_709 : vector<16xi32>
    %shift_right_arithmetic3A_711 = arith.constant 31 : i32
    %shift_right_arithmetic3A_712 = vector.broadcast %shift_right_arithmetic3A_711 : i32 to vector<16xi32>
    %shift_right_arithmetic3A_713 = arith.shrsi %get3A_699, %shift_right_arithmetic3A_712 : vector<16xi32>
    %and3A_714 = arith.constant 2147483647 : i32
    %and3A_715 = vector.broadcast %and3A_714 : i32 to vector<16xi32>
    %and3A_716 = arith.andi %shift_right_arithmetic3A_713, %and3A_715 : vector<16xi32>
    %xor3A_717 = arith.xori %get3A_699, %and3A_716 : vector<16xi32>
    %bitcast_convert_type3A_718 = tpu.bitcast %xor3A_717 : vector<16xi32> -> vector<16xf32>
    tpu.vector_store_idx %arg6[%sub3A_710], %bitcast_convert_type3A_718 masked %and3A_708 : memref<31280xf32, #tpu.memory_space<vmem>>[vector<16xi32>], vector<16xf32>, vector<16xi1>
    %get3A_719 = arith.constant 528 : index
    %get3A_720 = tpu.vector_load %arg11[%get3A_719] {strides = array<i32>} : memref<544xi32, #tpu.memory_space<vmem>>, vector<16xi32>,
    %get3A_721 = arith.constant 528 : index
    %get3A_722 = tpu.vector_load %arg12[%get3A_721] {strides = array<i32>} : memref<544xi32, #tpu.memory_space<vmem>>, vector<16xi32>,
    %ge3A_723 = vector.broadcast %mul3A_2 : i32 to vector<16xi32>
    %ge3A_724 = arith.cmpi sge, %get3A_722, %ge3A_723 : vector<16xi32>
    %add3A_725 = arith.constant 31280 : i32
    %add3A_726 = arith.addi %mul3A_2, %add3A_725 : i32
    %lt3A_727 = vector.broadcast %add3A_726 : i32 to vector<16xi32>
    %lt3A_728 = arith.cmpi slt, %get3A_722, %lt3A_727 : vector<16xi32>
    %and3A_729 = arith.andi %ge3A_724, %lt3A_728 : vector<16xi1>
    %sub3A_730 = vector.broadcast %mul3A_2 : i32 to vector<16xi32>
    %sub3A_731 = arith.subi %get3A_722, %sub3A_730 : vector<16xi32>
    %shift_right_arithmetic3A_732 = arith.constant 31 : i32
    %shift_right_arithmetic3A_733 = vector.broadcast %shift_right_arithmetic3A_732 : i32 to vector<16xi32>
    %shift_right_arithmetic3A_734 = arith.shrsi %get3A_720, %shift_right_arithmetic3A_733 : vector<16xi32>
    %and3A_735 = arith.constant 2147483647 : i32
    %and3A_736 = vector.broadcast %and3A_735 : i32 to vector<16xi32>
    %and3A_737 = arith.andi %shift_right_arithmetic3A_734, %and3A_736 : vector<16xi32>
    %xor3A_738 = arith.xori %get3A_720, %and3A_737 : vector<16xi32>
    %bitcast_convert_type3A_739 = tpu.bitcast %xor3A_738 : vector<16xi32> -> vector<16xf32>
    tpu.vector_store_idx %arg6[%sub3A_731], %bitcast_convert_type3A_739 masked %and3A_729 : memref<31280xf32, #tpu.memory_space<vmem>>[vector<16xi32>], vector<16xf32>, vector<16xi1>
    "tpu.region"() ({
      %run_scoped3A = tpu.sem_alloc : memref<!tpu.dma_semaphore, #tpu.memory_space<semaphore_mem>>
      %dma_start3A = tpu.memref_slice %arg5[%mul3A_2] : memref<1000960xf32, #tpu.memory_space<hbm>> -> memref<31280xf32, #tpu.memory_space<hbm>>
      %dma_start3A_740 = tpu.memref_slice %arg5[%mul3A_2] : memref<1000960xf32, #tpu.memory_space<hbm>> -> memref<31280xf32, #tpu.memory_space<hbm>>
      tpu.enqueue_dma source(%arg6 : memref<31280xf32, #tpu.memory_space<vmem>>) target(%dma_start3A_740 : memref<31280xf32, #tpu.memory_space<hbm>>) target_semaphore(%run_scoped3A : memref<!tpu.dma_semaphore, #tpu.memory_space<semaphore_mem>>)
      %dma_wait3A = tpu.memref_slice %arg5[%mul3A_2] : memref<1000960xf32, #tpu.memory_space<hbm>> -> memref<31280xf32, #tpu.memory_space<hbm>>
      %dma_wait3A_741 = tpu.memref_slice %arg5[%mul3A_2] : memref<1000960xf32, #tpu.memory_space<hbm>> -> memref<31280xf32, #tpu.memory_space<hbm>>
      tpu.wait_dma2 semaphore(%run_scoped3A : memref<!tpu.dma_semaphore, #tpu.memory_space<semaphore_mem>>) src(%arg6 : memref<31280xf32, #tpu.memory_space<vmem>>) dst(%dma_wait3A_741 : memref<31280xf32, #tpu.memory_space<hbm>>)
      tpu.yield
    }) : () -> ()
    return
  }
}

</mosaic_0001>

<sc_bundles>
// kernel: sc_stage1_hist_compact.3.cloned.1.call-start
scs
__scs_entry_jumppad:
0x0: {  	(pc) =	sbr.rel $0x88, $3  }
0x1: {  	(tag) =	ssettag $0x0;
	lr =	simm.s32 $0x1  }
0x2: {  	[smem:$0x3FA0] =	sst lr;
	_ =	strace $0xD0000000  }
0x3: {  	_ = 	snop  }
0x4: {  	_ = 	snop  }
0x5: {  	_ = 	snop  }
0x6: {  	_ = 	snop  }
0x7: {  	_ = 	snop  }
__scs_overlays_trampoline_lowered:
0x8: {  	[smem:$0x3FAF] =	sst s0  }
0x9: {  	[smem:$0x3FB0] =	sst s1  }
0xa: {  	[smem:$0x3FB1] =	sst s2  }
0xb: {  	[smem:$0x3FB2] =	sst s3  }
0xc: {  	[smem:$0x3FB3] =	sst s4  }
0xd: {  	[smem:$0x3FB4] =	sst s5  }
0xe: {  	[smem:$0x3FB5] =	sst s6  }
0xf: {  	[smem:$0x3FB6] =	sst s7  }
0x10: {  	[smem:$0x3FB7] =	sst s8  }
0x11: {  	[smem:$0x3FB8] =	sst s9;
	s0 =	simm.s32 @!p0 $0x0  }
0x12: {  	s1 =	sld [smem:$0x3F9E];
	s0 =	simm.s32 @p0 $0x1  }
0x13: {  	[smem:$0x3FB9] =	sst s0;
	s0 =	simm.s32 @!p1 $0x0  }
0x14: {  	s2 =	sld [smem:$0x3F9D];
	s0 =	simm.s32 @p1 $0x1  }
0x15: {  	[smem:$0x3FBA] =	sst s0;
	s0 =	simm.s32 @!p2 $0x0  }
0x16: {  	s3 =	sld [smem:$0x3FDB];
	s0 =	simm.s32 @p2 $0x1  }
0x17: {  	s4 =	simm.s32 $0x1BF5;
	[smem:$0x3FBC] =	sst s0  }
0x18: {  	s0 =	sld [smem:$0x3F9F];
	_ =	swait.ge [sflag:s4], $0x0  }
0x19: {  	s7 =	sld [smem:$0x3FA0]  }
0x1a: {  	s8 =	sadd.s32 $0xFFFFE003, lr  }
0x1b: {  	s9 =	sadd.s32 $0xFFFFFEF7, lr;
	s5 =	simm.s32 $0xFFFFFFFF;
	p2 =	slt.u32 s8, $0xFFFFF086  }
0x1c: {  	p1 =	slt.u32 s9, $0xF7A;
	s5 =	simm.s32 @!p2 $0x0  }
0x1d: {  	s5 =	simm.s32 @p1 $0x1;
	p0 =	seq.s32 s7, s2  }
0x1e: {  	s7 =	smul.u32 @!p0 $0xF7A, s2;
	p2 =	seq.s32 @!p0 s5, $0x0  }
0x1f: {  	s9 =	smul.u32 $0xF7A, s1;
	s8 =	simm.s32 @!p0 $0x1BF5;
	p2 =	por !p2, p0  }
0x20: {  	[sflag:s8] =	ssyncset.s32 @!p0 $0xFFFFF086;
	s6 =	sadd.s32 @!p0 s3, s7;
	s7 =	simm.s32 @!p0 $0x108  }
0x21: {  	s3 =	sadd.s32 s3, s9;
	s6 =	sadd.s32 @!p0 $0x88, s6;
	s7 =	simm.s32 @p2 $0x1082  }
0x22: {  	[simem:s7], [sflag:s8] =	dma.local @!p0 [hbm:s6], $0xF7A  }
0x23: {  	s9 =	sor.u32 $0xD0000000, s2;
	s6 =	simm.s32 $0x108;
	_ =	swait.ge @!p0 [sflag:s8], $0x0  }
0x24: {  	s3 =	sadd.s32 $0x88, s3;
	s6 =	simm.s32 @!p1 $0x1082;
	[sflag:s4] =	ssyncset.s32 $0xFFFFF086  }
0x25: {  	[simem:s6], [sflag:s4] =	dma.local [hbm:s3], $0xF7A  }
0x26: {  	[smem:$0x3FA0] =	sst s1;
	(tag) =	ssettag s2;
	_ =	strace s9  }
0x27: {  	s1 =	sld [smem:$0x3FB0]  }
0x28: {  	s2 =	sld [smem:$0x3FB1]  }
0x29: {  	s4 =	sld [smem:$0x3FB3]  }
0x2a: {  	p0 =	seq.s32 s5, $0x0;
	s5 =	sld [smem:$0x3FB4]  }
0x2b: {  	s6 =	sld [smem:$0x3FB5]  }
0x2c: {  	s7 =	sld [smem:$0x3FB6]  }
0x2d: {  	s3 =	simm.s32 $0x108;
	s8 =	sld [smem:$0x3FB7]  }
0x2e: {  	s3 =	simm.s32 @!p0 $0x1082;
	s9 =	sld [smem:$0x3FB8]  }
0x2f: {  	lr =	sadd.s32 s0, s3;
	s0 =	sld [smem:$0x3FAF]  }
0x30: {  	s3 =	sld [smem:$0x3FB2]  }
0x31: {  	[smem:$0x3FBB] =	sst s10  }
0x32: {  	s10 =	sld [smem:$0x3FB9];
	_ =	sdelay $0x3  }
0x33: {  	p0 =	seq.s32 s10, $0x1;
	s10 =	sld [smem:$0x3FBB];
	_ =	sdelay $0x3  }
0x34: {  	[smem:$0x3FBB] =	sst s10  }
0x35: {  	s10 =	sld [smem:$0x3FBA];
	_ =	sdelay $0x3  }
0x36: {  	p1 =	seq.s32 s10, $0x1;
	s10 =	sld [smem:$0x3FBB];
	_ =	sdelay $0x3  }
0x37: {  	[smem:$0x3FBB] =	sst s10  }
0x38: {  	s10 =	sld [smem:$0x3FBC]  }
0x39: {  	_ = 	snop;
	(pc) =	sbr.ind lr, $3  }
0x3a: {  	_ = 	snop  }
0x3b: {  	_ = 	snop  }
0x3c: {  	p2 =	seq.s32 s10, $0x1;
	s10 =	sld [smem:$0x3FBB]  }
0x3d: {  	_ =	shalt  }
0x3e: {  	_ =	shalt  }
0x3f: {  	_ =	shalt  }
0x40: {  	_ =	shalt  }
0x41: {  	_ =	shalt  }
0x42: {  	_ =	shalt  }
0x43: {  	_ =	shalt  }
0x44: {  	_ =	shalt  }
0x45: {  	_ =	shalt  }
0x46: {  	_ =	shalt  }
0x47: {  	_ =	shalt  }
0x48: {  	_ =	shalt  }
0x49: {  	_ =	shalt  }
0x4a: {  	_ =	shalt  }
0x4b: {  	_ =	shalt  }
0x4c: {  	_ =	shalt  }
0x4d: {  	_ =	shalt  }
0x4e: {  	_ =	shalt  }
0x4f: {  	_ =	shalt  }
0x50: {  	_ =	shalt  }
0x51: {  	_ =	shalt  }
0x52: {  	_ =	shalt  }
0x53: {  	_ =	shalt  }
0x54: {  	_ =	shalt  }
0x55: {  	_ =	shalt  }
0x56: {  	_ =	shalt  }
0x57: {  	_ =	shalt  }
0x58: {  	_ =	shalt  }
0x59: {  	_ =	shalt  }
0x5a: {  	_ =	shalt  }
0x5b: {  	_ =	shalt  }
0x5c: {  	_ =	shalt  }
0x5d: {  	_ =	shalt  }
0x5e: {  	_ =	shalt  }
0x5f: {  	_ =	shalt  }
0x60: {  	_ =	shalt  }
0x61: {  	_ =	shalt  }
0x62: {  	_ =	shalt  }
0x63: {  	_ =	shalt  }
0x64: {  	_ =	shalt  }
0x65: {  	_ =	shalt  }
0x66: {  	_ =	shalt  }
0x67: {  	_ =	shalt  }
0x68: {  	_ =	shalt  }
0x69: {  	_ =	shalt  }
0x6a: {  	_ =	shalt  }
0x6b: {  	_ =	shalt  }
0x6c: {  	_ =	shalt  }
0x6d: {  	_ =	shalt  }
0x6e: {  	_ =	shalt  }
0x6f: {  	_ =	shalt  }
0x70: {  	_ =	shalt  }
0x71: {  	_ =	shalt  }
0x72: {  	_ =	shalt  }
0x73: {  	_ =	shalt  }
0x74: {  	_ =	shalt  }
0x75: {  	_ =	shalt  }
0x76: {  	_ =	shalt  }
0x77: {  	_ =	shalt  }
0x78: {  	_ =	shalt  }
0x79: {  	_ =	shalt  }
0x7a: {  	_ =	shalt  }
0x7b: {  	_ =	shalt  }
0x7c: {  	_ =	shalt  }
0x7d: {  	_ =	shalt  }
0x7e: {  	_ =	shalt  }
0x7f: {  	_ =	shalt  }
0x80: {  	_ =	shalt  }
0x81: {  	_ =	shalt  }
0x82: {  	_ =	shalt  }
0x83: {  	_ =	shalt  }
0x84: {  	_ =	shalt  }
0x85: {  	_ =	shalt  }
0x86: {  	_ =	shalt  }
0x87: {  	_ =	shalt  }
.Lfunc_end0:
.L_simem_size_0:
called_computation_lowered:
.L_overlay_start_0:
0x88: {  	s2 =	sld [smem:$0x3FD9]  }
0x89: {  	s3 =	sld [smem:$0x3FFE];
	_ =	sdelay $0x1  }
0x8a: {  	s1 =	srdreg.scid  }
0x8b: {  	s0 =	sand.u32 $0x1, s1  }
0x8c: {  	s17 =	sshll.u32 s0, $0xA;
	s2 =	sadd.s32 s3, s2  }
0x8d: {  	s2 =	sadd.s32 s2, s17  }
0x8e: {  	[smem:$0x3FC7] =	sst s2  }
0x8f: {  	_ = 	snop  }
0x90: {  	s2 =	sld [smem:$0x3FD0];
	(tm) =	ssettm $0x1  }
0x91: {  	s18 =	sld [smem:$0x3FFB];
	_ =	sdelay $0x3  }
0x92: {  	_ =	strace s18  }
0x93: {  	s3 =	sld [smem:$0x3FFC];
	_ =	sdelay $0x3  }
0x94: {  	_ =	strace s3  }
0x95: {  	s3 =	sld [smem:$0x3FFD];
	_ =	sdelay $0x3  }
0x96: {  	_ =	strace s3  }
0x97: {  	_ =	strace $0x8FFFFFFF  }
0x98: {  	s19 =	sld [smem:$0x3FDB];
	_ =	sdelay $0x1  }
0x99: {  	s4 =	simm.s32 $_scs_section_size  }
0x9a: {  	s5 =	simm.s32 $_size__tile_overlayer_lowered;
	s6 =	simm.s32 $_tile_overlayer_lowered  }
0x9b: {  	s22 =	simm.s32 $0x1BFF;
	s21 =	sshll.u32 s6, $0x1;
	s3 =	sadd.s32 s4, s19  }
0x9c: {  	s7 =	simm.s32 $0x0;
	s20 =	sshll.u32 s5, $0x1;
	s5 =	sadd.s32 s21, s3  }
0x9d: {  	[timem:s7], [sflag:s22] =	dma.local [hbm:s5], s20  }
0x9e: {  	_ =	swait.ge [sflag:s22], s20  }
0x9f: {  	s4 =	ssub.s32 $0x0, s20;
	[sflag:s22] =	ssyncset.done $0x0  }
0xa0: {  	[sflag:s22] =	ssyncadd.s32 s4;
	_ =	sdelay $0x1  }
0xa1: {  	s23 =	simm.s32 $0x1B8B  }
0xa2: {  	_ =	swait.ge [sflag:s23], $0x1  }
0xa3: {  	[sflag:s23] =	ssyncset.done $0x0  }
0xa4: {  	s25 =	simm.s32 $0x1B8E;
	s24 =	sld [smem:$0x3FFE];
	[sflag:s23] =	ssyncadd.s32 $0xFFFFFFFF  }
0xa5: {  	s26 =	simm.s32 $execute0_lowered;
	[smem:$0x3FD2] =	sst s25  }
0xa6: {  	s5 =	sshll.u32 s26, $0x1;
	_ =	strace $0x80000046;
	[dreg:$0x1] =	wrdreg $0xFFFFFFFF  }
0xa7: {  	s28 =	simm.s32 $_size_execute0_lowered;
	s3 =	sadd.s32 s3, s5;
	[dreg:$0x0] =	wrdreg $0x0  }
0xa8: {  	s5 =	sshll.u32 s28, $0x1;
	[dreg:$0x2] =	wrdreg s3  }
0xa9: {  	[dreg:$0x3] =	wrdreg s5  }
0xaa: {  	[dreg:$0x4] =	wrdreg $0xC0  }
0xab: {  	_ =	task [dreg:s7], $0x5FFFF  }
0xac: {  	[dreg:$0x1] =	wrdreg $0xFFFFFFFF  }
0xad: {  	[dreg:$0x0] =	wrdreg $0x60  }
0xae: {  	[dreg:$0x2] =	wrdreg s2  }
0xaf: {  	[dreg:$0x3] =	wrdreg s24  }
0xb0: {  	[dreg:$0x4] =	wrdreg $0x184000  }
0xb1: {  	[dreg:$0x5] =	wrdreg $0x18C000  }
0xb2: {  	[dreg:$0x6] =	wrdreg $0x9  }
0xb3: {  	_ =	task.clear_ibuf [dreg:s7], $0x7FFFF;
	_ =	strace $0x90000046  }
0xb4: {  	s29 =	simm.s32 $0x9;
	_ =	strace $0x80000048  }
0xb5: {  	_ =	swait.ge [sflag:s29], $0x1  }
0xb6: {  	[sflag:s29] =	ssyncadd.s32 $0xFFFFFFFF  }
0xb7: {  	_ =	strace $0x90000048  }
0xb8: {  	_ =	sfence  }
0xb9: {  	s30 =	sld [smem:$0x0];
	_ =	sdelay $0x2  }
0xba: {  	s31 =	sshll.u32 s1, $0xD;
	s1 =	sshrl.u32 s1, $0x2  }
0xbb: {  	s3 =	sand.u32 $0x4000, s31;
	s1 =	sadd.s32 s1, s30  }
0xbc: {  	s0 =	sor.u32 s3, s0;
	s1 =	sshll.u32 s1, $0x11  }
0xbd: {  	s0 =	sor.u32 s1, s0  }
0xbe: {  	s0 =	sadd.s32 $0x8F2B, s0  }
0xbf: {  	[sflag:s0] =	ssyncadd.remote.s32 $0x1  }
0xc0: {  	_ =	sfence.sel $0xFFFF  }
0xc1: {  	[dreg:$0x0] =	wrdreg $0xFFFFFFFF;
	(pc) =	sbr.abs _section_cstart, $3  }
0xc2: {  	[dreg:$0x1] =	wrdreg $0xFFFFFFFF  }
0xc3: {  	_ =	task.clear_ibuf [dreg:s7], $0x2FFFF;
	_ =	strace $0x9FFFFFFF  }
0xc4: {  	(tm) =	ssettm $0x7FFFFFFF  }
0xc5: {  	_ =	shalt  }
tec
execute0_lowered:
.L_overlay_start_1:
0x0: {  	(tag) =	ssettag $0x1  }
0x1: {  	s4 =	rddreg [dreg:$0x0]  }
0x2: {  	s5 =	rddreg [dreg:$0x1]  }
0x3: {  	s1 =	rddreg [dreg:$0x2]  }
0x4: {  	s0 =	srdreg.scid;
	s2 =	rddreg [dreg:$0x3]  }
0x5: {  	s13 =	stileid.u32;
	s3 =	simm.s32 $0x0;
	s15 =	simm.s32 $0xFA80  }
0x6: {  	s17 =	simm.s32 $0x100;
	s18 =	simm.s32 $0x18380;
	s19 =	simm.s32 $0x18280  }
0x7: {  	s20 =	simm.s32 $0x18300;
	s6 =	sand.u32 $0x1, s0;
	s0 =	rddreg [dreg:$0x4]  }
0x8: {  	s21 =	simm.s32 $0x0;
	[smem:$0x7FF] =	sst s3;
	s28 =	sshll.u32 s13, $0xB  }
0x9: {  	s29 =	sshll.u32 s13, $0x7;
	s31 =	smul.u32 $0x7A20, s13;
	p0 =	sne.s32 s13, $0x0  }
0xa: {  	s7 =	sshll.u32 s6, $0x4;
	_ =	strace $0x80000047;
	s10 =	ssub.s32 $0x2, s6  }
0xb: {  	s12 =	smul.u32 $0x7A200, s6;
	s30 =	sand.u32 $0x380, s29;
	s8 =	sor.u32 s13, s7  }
0xc: {  	s7 =	sadd.s32 s7, s5;
	s26 =	sshrl.u32 s10, $0x1;
	s13 =	simm.s32 $0x80  }
0xd: {  	s9 =	sshll.u32 s8, $0x4;
	s8 =	smul.u32 $0x7A20, s8;
	s10 =	ssub.s32 s10, s26  }
0xe: {  	s6 =	sadd.s32 $0x1000, s7;
	s9 =	sadd.s32 s9, s5;
	s5 =	sand.u32 $0x4000, s28  }
0xf: {  	s11 =	sshrl.u32 s8, $0x3;
	s5 =	sadd.s32 s5, s1;
	s14 =	sadd.s32 $0x7A00, s8  }
0x10: {  	v0 =	vlaneseq.u32;
	s16 =	sadd.s32 $0x7A10, s8;
	s7 =	sadd.s32 $0xC00, s9;
	s8 =	sadd.s32 $0xE00, s9  }
0x11: {  	v3 =	vimm.s32 $0x0;
	v4 =	vmul.u32 $0x800, v0;
	s9 =	smax.u32 s10, $0x1;
	s4 =	sadd.s32 s4, s11;
	s5 =	sadd.s32 s30, s5  }
0x12: {  	v5 =	vimm.s32 $0x1;
	v6 =	vimm.s32 $0x80000000;
	s11 =	sadd.s32 s31, s12;
	s12 =	simm.s32 $0x7A80;
	v1 =	vor.u32 s14, v0;
	s14 =	simm.s32 $0x400  }
0x13: {  	v7 =	vimm.s32 $0xF4400;
	v4 =	vor.u32 $0x400, v4;
	v2 =	vor.u32 s16, v0;
	s16 =	simm.s32 $0x10280;
	s10 =	sadd.s32 $0x70, s11;
	s11 =	simm.s32 $0x1  }
.LBB2_1:
0x14: {  	[tilespmem:s3], [sflag:$0x1] =	stream.linear.gather [hbm4b:s4+s3], $0x7A20, $0x38;
	[tilespmem:$0x18C08] =	vst v63  }
0x15: {  	_ =	swait.ge [sflag:s11], $0x7A20  }
0x16: {  	[sflag:s11] =	ssyncset.done $0x0  }
0x17: {  	s22 =	simm.s32 $0x7AC0;
	[sflag:s11] =	ssyncadd.s32 $0xFFFF85E0  }
0x18: {  	[tilespmem:s22+$0xFFFFFFC0] =	vst v3  }
0x19: {  	[tilespmem:s22+$0x30] =	vst v3  }
0x1a: {  	[tilespmem:s22+$0x20] =	vst v3  }
0x1b: {  	[tilespmem:s22+$0x10] =	vst v3  }
0x1c: {  	[tilespmem:s22+$0x0] =	vst v3  }
0x1d: {  	[tilespmem:s22+$0xFFFFFFF0] =	vst v3  }
0x1e: {  	s24 =	simm.s32 $0x0;
	[tilespmem:s22+$0xFFFFFFE0] =	vst v3  }
.LBB2_2:
0x1f: {  	s24 =	sadd.s32 $0x8, s24;
	[tilespmem:s22+$0xFFFFFFD0] =	vst v3;
	s22 =	sadd.s32 $0x80, s22;
	s23 =	simm.s32 $0x40  }
0x20: {  	[tilespmem:s22+$0xFFFFFFC0] =	vst v3;
	p1 =	slt.u32 s24, $0x7F8  }
0x21: {  	[tilespmem:s22+$0x30] =	vst v3  }
.Ltmp0:
0x22: {  	[tilespmem:s22+$0x20] =	vst v3;
	(pc) =	sbr.rel @p1 .LBB2_2-.Ltmp0, $4  }
0x23: {  	[tilespmem:s22+$0x10] =	vst v3  }
0x24: {  	[tilespmem:s22+$0x0] =	vst v3  }
0x25: {  	[tilespmem:s22+$0xFFFFFFF0] =	vst v3  }
0x26: {  	[tilespmem:s22+$0xFFFFFFE0] =	vst v3  }
0x27: {  	[tilespmem:s22+$0xFFFFFFD0] =	vst v3  }
0x28: {  	v8 =	vld [tilespmem:s23+$0x30]  }
0x29: {  	v9 =	vld [tilespmem:s23+$0xFFFFFFD0]  }
0x2a: {  	v10 =	vld [tilespmem:s23+$0xFFFFFFE0]  }
0x2b: {  	v11 =	vld [tilespmem:s23+$0xFFFFFFF0]  }
0x2c: {  	v12 =	vld [tilespmem:s23+$0x0];
	_ =	sdelay $0x1  }
0x2d: {  	v13 =	vld [tilespmem:s23+$0x10]  }
0x2e: {  	v16 =	vld [tilespmem:s23+$0x20]  }
0x2f: {  	v17 =	vld [tilespmem:s23+$0xFFFFFFC0];
	v14 =	vshra.s32 v8, $0x1F;
	v15 =	vshra.s32 v9, $0x1F;
	v18 =	vshra.s32 v10, $0x1F  }
0x30: {  	v62 =	vshra.s32 v11, $0x1F;
	v19 =	vshra.s32 v12, $0x1F;
	v14 =	vand.u32 $0x7FE00000, v14  }
0x31: {  	v15 =	vand.u32 $0x7FE00000, v15;
	v8 =	vxor.u32 v8, v14;
	v14 =	vand.u32 $0x7FE00000, v18  }
0x32: {  	v18 =	vand.u32 $0x7FE00000, v62;
	v15 =	vxor.u32 v9, v15;
	v8 =	vshra.s32 v8, $0x15  }
0x33: {  	v9 =	vshra.s32 v13, $0x1F;
	v63 =	vxor.u32 v10, v14;
	v20 =	vadd.s32 v4, v8  }
0x34: {  	v10 =	vand.u32 $0x7FE00000, v9;
	v9 =	vshra.s32 v16, $0x1F;
	v14 =	vshra.s32 v17, $0x1F  }
0x35: {  	v18 =	vxor.u32 v11, v18;
	v8 =	vand.u32 $0x7FE00000, v19;
	v11 =	vand.u32 $0x7FE00000, v9  }
0x36: {  	v14 =	vand.u32 $0x7FE00000, v14;
	v9 =	vxor.u32 v12, v8;
	v8 =	vxor.u32 v13, v10  }
0x37: {  	v12 =	vxor.u32 v17, v14;
	v10 =	vshra.s32 v15, $0x15;
	v11 =	vxor.u32 v16, v11  }
0x38: {  	s22 =	simm.s32 $0x0;
	s23 =	simm.s32 $0xC0;
	v13 =	vshra.s32 v63, $0x15;
	v14 =	vshra.s32 v12, $0x15;
	v12 =	vshra.s32 v18, $0x15;
	[tilespmem:v20+s12+$0x0] =	vst.idx.add.s32.msk $0xffff, v5  }
.LBB2_4:
0x39: {  	v15 =	vld [tilespmem:s23+$0x30];
	s22 =	sadd.s32 $0x8, s22;
	v9 =	vshra.s32 v9, $0x15;
	v8 =	vshra.s32 v8, $0x15;
	v11 =	vshra.s32 v11, $0x15  }
0x3a: {  	v14 =	vadd.s32 v4, v14;
	v10 =	vadd.s32 v4, v10;
	v13 =	vadd.s32 v4, v13;
	v16 =	vld [tilespmem:s23+$0xFFFFFFD0];
	p1 =	slt.u32 s22, $0x798  }
0x3b: {  	v12 =	vadd.s32 v4, v12;
	v9 =	vadd.s32 v4, v9;
	v18 =	vadd.s32 v4, v8;
	v17 =	vld [tilespmem:s23+$0xFFFFFFE0]  }
0x3c: {  	v19 =	vadd.s32 v4, v11;
	v8 =	vld [tilespmem:s23+$0xFFFFFFF0]  }
0x3d: {  	v11 =	vld [tilespmem:s23+$0x0]  }
0x3e: {  	v20 =	vld [tilespmem:s23+$0x10];
	v21 =	vshra.s32 v15, $0x1F  }
0x3f: {  	v22 =	vshra.s32 v16, $0x1F;
	v23 =	vld [tilespmem:s23+$0x20];
	v21 =	vand.u32 $0x7FE00000, v21  }
0x40: {  	v24 =	vld [tilespmem:s23+$0xFFFFFFC0];
	v22 =	vand.u32 $0x7FE00000, v22;
	v25 =	vshra.s32 v17, $0x1F;
	v15 =	vxor.u32 v15, v21  }
0x41: {  	v21 =	vand.u32 $0x7FE00000, v25;
	v25 =	vshra.s32 v8, $0x1F;
	v15 =	vshra.s32 v15, $0x15;
	[tilespmem:v14+s12+$0x0] =	vst.idx.add.s32.msk $0xffff, v5  }
0x42: {  	v14 =	vand.u32 $0x7FE00000, v25;
	v25 =	vshra.s32 v11, $0x1F;
	v15 =	vadd.s32 v4, v15;
	[tilespmem:v10+s12+$0x0] =	vst.idx.add.s32.msk $0xffff, v5  }
0x43: {  	v10 =	vxor.u32 v16, v22;
	v16 =	vand.u32 $0x7FE00000, v25;
	v22 =	vshra.s32 v20, $0x1F;
	[tilespmem:v13+s12+$0x0] =	vst.idx.add.s32.msk $0xffff, v5  }
.Ltmp1:
0x44: {  	v13 =	vxor.u32 v17, v21;
	v17 =	vand.u32 $0x7FE00000, v22;
	v21 =	vshra.s32 v23, $0x1F;
	[tilespmem:v12+s12+$0x0] =	vst.idx.add.s32.msk $0xffff, v5;
	(pc) =	sbr.rel @p1 .LBB2_4-.Ltmp1, $4  }
0x45: {  	v22 =	vxor.u32 v8, v14;
	v12 =	vshra.s32 v24, $0x1F;
	v14 =	vand.u32 $0x7FE00000, v21;
	[tilespmem:v9+s12+$0x0] =	vst.idx.add.s32.msk $0xffff, v5  }
0x46: {  	v9 =	vxor.u32 v11, v16;
	v8 =	vxor.u32 v20, v17;
	v12 =	vand.u32 $0x7FE00000, v12;
	[tilespmem:v18+s12+$0x0] =	vst.idx.add.s32.msk $0xffff, v5  }
0x47: {  	s24 =	simm.s32 $0x0;
	v10 =	vshra.s32 v10, $0x15;
	v11 =	vxor.u32 v23, v14;
	v12 =	vxor.u32 v24, v12;
	[tilespmem:v15+s12+$0x0] =	vst.idx.add.s32.msk $0xffff, v5  }
0x48: {  	s23 =	sadd.s32 $0x80, s23;
	v13 =	vshra.s32 v13, $0x15;
	v14 =	vshra.s32 v12, $0x15;
	v12 =	vshra.s32 v22, $0x15;
	[tilespmem:v19+s12+$0x0] =	vst.idx.add.s32.msk $0xffff, v5  }
0x49: {  	v14 =	vadd.s32 v4, v14  }
0x4a: {  	v10 =	vadd.s32 v4, v10  }
0x4b: {  	v13 =	vadd.s32 v4, v13  }
0x4c: {  	v9 =	vshra.s32 v9, $0x15;
	v12 =	vadd.s32 v4, v12  }
0x4d: {  	v8 =	vshra.s32 v8, $0x15;
	v9 =	vadd.s32 v4, v9  }
0x4e: {  	v11 =	vshra.s32 v11, $0x15;
	v8 =	vadd.s32 v4, v8;
	[tilespmem:v14+s12+$0x0] =	vst.idx.add.s32.msk $0xffff, v5  }
0x4f: {  	v11 =	vadd.s32 v4, v11;
	[tilespmem:v10+s12+$0x0] =	vst.idx.add.s32.msk $0xffff, v5  }
0x50: {  	[tilespmem:v13+s12+$0x0] =	vst.idx.add.s32.msk $0xffff, v5  }
0x51: {  	[tilespmem:v12+s12+$0x0] =	vst.idx.add.s32.msk $0xffff, v5  }
0x52: {  	[tilespmem:v9+s12+$0x0] =	vst.idx.add.s32.msk $0xffff, v5  }
0x53: {  	[tilespmem:v8+s12+$0x0] =	vst.idx.add.s32.msk $0xffff, v5  }
0x54: {  	s22 =	simm.s32 $0x0;
	[tilespmem:v11+s12+$0x0] =	vst.idx.add.s32.msk $0xffff, v5  }
.LBB2_6:
0x55: {  	s23 =	sshra.s32 s22, $0x2  }
0x56: {  	v8 =	vld [tilespmem:s23+$0x7A00];
	_ =	sdelay $0x4  }
0x57: {  	v9 =	vshra.s32 v8, $0x1F  }
0x58: {  	v9 =	vand.u32 $0x7FE00000, v9  }
0x59: {  	v8 =	vxor.u32 v8, v9  }
0x5a: {  	v8 =	vshra.s32 v8, $0x15  }
0x5b: {  	p1 =	sne.s32 s22, $0x40;
	v8 =	vadd.s32 v4, v8  }
.Ltmp2:
0x5c: {  	_ = 	snop;
	(pc) =	sbr.rel @p1 .LBB2_6-.Ltmp2, $3  }
0x5d: {  	_ =	sdelay $0x1  }
0x5e: {  	s23 =	simm.s32 $0x7A80  }
0x5f: {  	s22 =	sadd.s32 $0x40, s22;
	[tilespmem:v8+s23+$0x0] =	vst.idx.add.s32.msk $0xffff, v5  }
0x60: {  	s22 =	sand.u32 $0x7F0, s24;
	v9 =	vld [tilespmem:s23+$0x0]  }
0x61: {  	v8 =	vld [tilespmem:s22+$0x8280]  }
0x62: {  	v10 =	vld [tilespmem:s22+$0x8A80]  }
0x63: {  	v11 =	vld [tilespmem:s22+$0x9280]  }
0x64: {  	v12 =	vld [tilespmem:s22+$0x9A80]  }
0x65: {  	v13 =	vld [tilespmem:s22+$0xA280]  }
0x66: {  	v8 =	vadd.s32 v9, v8;
	v9 =	vld [tilespmem:s22+$0xAA80]  }
0x67: {  	v8 =	vadd.s32 v10, v8;
	v10 =	vld [tilespmem:s22+$0xB280]  }
0x68: {  	v8 =	vadd.s32 v11, v8;
	v11 =	vld [tilespmem:s22+$0xBA80]  }
0x69: {  	v60 =	vld [tilespmem:s22+$0xC280];
	v8 =	vadd.s32 v12, v8  }
0x6a: {  	v61 =	vld [tilespmem:s22+$0xCA80];
	v8 =	vadd.s32 v13, v8  }
0x6b: {  	v8 =	vadd.s32 v9, v8;
	v9 =	vld [tilespmem:s22+$0xD280]  }
0x6c: {  	v8 =	vadd.s32 v10, v8;
	v10 =	vld [tilespmem:s22+$0xDA80]  }
0x6d: {  	v8 =	vadd.s32 v11, v8;
	v11 =	vld [tilespmem:s22+$0xE280]  }
0x6e: {  	v62 =	vld [tilespmem:s22+$0xEA80];
	v8 =	vadd.s32 v60, v8  }
0x6f: {  	v63 =	vld [tilespmem:s22+$0xF280];
	v8 =	vadd.s32 v61, v8  }
0x70: {  	v8 =	vadd.s32 v9, v8  }
0x71: {  	v8 =	vadd.s32 v10, v8  }
0x72: {  	v8 =	vadd.s32 v11, v8  }
0x73: {  	v8 =	vadd.s32 v62, v8  }
0x74: {  	s31 =	simm.s32 $0x10;
	s22 =	simm.s32 $0xFA80;
	v8 =	vadd.s32 v63, v8  }
0x75: {  	s23 =	sand.u32 $0x7F0, s31;
	[tilespmem:s22+$0x0] =	vst v8  }
0x76: {  	s25 =	simm.s32 $0x20;
	s24 =	simm.s32 $0x7A90;
	v8 =	vld [tilespmem:s23+$0x8280]  }
.LBB2_8:
0x77: {  	p1 =	sne.s32 s25, $0x7F0;
	v9 =	vld [tilespmem:s24+$0x0]  }
0x78: {  	v10 =	vld [tilespmem:s23+$0x8A80]  }
0x79: {  	v11 =	vld [tilespmem:s23+$0x9280]  }
0x7a: {  	v12 =	vld [tilespmem:s23+$0x9A80]  }
0x7b: {  	v13 =	vld [tilespmem:s23+$0xA280]  }
0x7c: {  	v8 =	vadd.s32 v9, v8;
	v9 =	vld [tilespmem:s23+$0xAA80]  }
0x7d: {  	v8 =	vadd.s32 v10, v8;
	v10 =	vld [tilespmem:s23+$0xB280]  }
0x7e: {  	v8 =	vadd.s32 v11, v8;
	v11 =	vld [tilespmem:s23+$0xBA80]  }
0x7f: {  	v8 =	vadd.s32 v12, v8;
	v12 =	vld [tilespmem:s23+$0xC280]  }
0x80: {  	v8 =	vadd.s32 v13, v8;
	v13 =	vld [tilespmem:s23+$0xCA80]  }
0x81: {  	v8 =	vadd.s32 v9, v8;
	v9 =	vld [tilespmem:s23+$0xD280]  }
0x82: {  	v8 =	vadd.s32 v10, v8;
	v10 =	vld [tilespmem:s23+$0xDA80]  }
0x83: {  	v8 =	vadd.s32 v11, v8;
	v11 =	vld [tilespmem:s23+$0xE280]  }
0x84: {  	v8 =	vadd.s32 v12, v8;
	v12 =	vld [tilespmem:s23+$0xEA80]  }
0x85: {  	v8 =	vadd.s32 v13, v8;
	v13 =	vld [tilespmem:s23+$0xF280]  }
0x86: {  	v8 =	vadd.s32 v9, v8  }
0x87: {  	v8 =	vadd.s32 v10, v8  }
.Ltmp3:
0x88: {  	v8 =	vadd.s32 v11, v8;
	(pc) =	sbr.rel @p1 .LBB2_8-.Ltmp3, $4  }
0x89: {  	v8 =	vadd.s32 v12, v8  }
0x8a: {  	s22 =	sadd.s32 $0x10, s22;
	v8 =	vadd.s32 v13, v8  }
0x8b: {  	s23 =	sand.u32 $0x7F0, s25;
	[tilespmem:s22+$0x0] =	vst v8  }
0x8c: {  	s24 =	sadd.s32 $0x10, s24;
	s25 =	sadd.s32 $0x10, s25;
	v8 =	vld [tilespmem:s23+$0x8280]  }
0x8d: {  	v9 =	vld [tilespmem:s24+$0x0]  }
0x8e: {  	v10 =	vld [tilespmem:s23+$0x8A80]  }
0x8f: {  	v11 =	vld [tilespmem:s23+$0x9280]  }
0x90: {  	v12 =	vld [tilespmem:s23+$0x9A80]  }
0x91: {  	v13 =	vld [tilespmem:s23+$0xA280]  }
0x92: {  	v54 =	vld [tilespmem:s23+$0xAA80];
	v8 =	vadd.s32 v9, v8  }
0x93: {  	v55 =	vld [tilespmem:s23+$0xB280];
	v8 =	vadd.s32 v10, v8  }
0x94: {  	v56 =	vld [tilespmem:s23+$0xBA80];
	v8 =	vadd.s32 v11, v8  }
0x95: {  	v57 =	vld [tilespmem:s23+$0xC280];
	v8 =	vadd.s32 v12, v8  }
0x96: {  	v58 =	vld [tilespmem:s23+$0xCA80];
	v8 =	vadd.s32 v13, v8  }
0x97: {  	v59 =	vld [tilespmem:s23+$0xD280];
	v8 =	vadd.s32 v54, v8  }
0x98: {  	v60 =	vld [tilespmem:s23+$0xDA80];
	v8 =	vadd.s32 v55, v8  }
0x99: {  	v61 =	vld [tilespmem:s23+$0xE280];
	v8 =	vadd.s32 v56, v8  }
0x9a: {  	v62 =	vld [tilespmem:s23+$0xEA80];
	v8 =	vadd.s32 v57, v8  }
0x9b: {  	v63 =	vld [tilespmem:s23+$0xF280];
	v8 =	vadd.s32 v58, v8  }
0x9c: {  	v8 =	vadd.s32 v59, v8  }
0x9d: {  	v8 =	vadd.s32 v60, v8  }
0x9e: {  	v8 =	vadd.s32 v61, v8  }
0x9f: {  	v8 =	vadd.s32 v62, v8  }
0xa0: {  	s22 =	sadd.s32 $0x10, s22;
	v8 =	vadd.s32 v63, v8  }
0xa1: {  	[tilespmem:s22+$0x0] =	vst v8  }
0xa2: {  	[spmem:s5] =	stream.strided.scatter [tilespmem:s15], [sflag:$0x1], $0x800, s14, s13, $0x38;
	[tilespmem:$0x18C08] =	vst v63  }
.Ltmp4:
0xa3: {  	_ =	swait.ge [sflag:s11], $0x800;
	(pc) =	sbr.rel @p0 .LBB2_15-.Ltmp4, $3  }
0xa4: {  	[sflag:s11] =	ssyncset.done $0x0  }
0xa5: {  	[sflag:s11] =	ssyncadd.s32 $0xFFFFF800  }
0xa6: {  	[bflag:$0x0] =	sbarrier.arrive $0xFFFF;
	_ =	sdelay $0x1  }
0xa7: {  	[tilespmem:s16], [sflag:$0x1] =	stream.linear.gather [spmem:s1], $0x8000, $0x38;
	[tilespmem:$0x18C08] =	vst v63  }
0xa8: {  	s22 =	simm.s32 $0x0;
	_ =	swait.ge [sflag:s11], $0x8000  }
0xa9: {  	s23 =	sand.u32 $0x70, s22;
	s22 =	sand.u32 $0x3C00, s22;
	[sflag:s11] =	ssyncset.done $0x0  }
0xaa: {  	s22 =	sor.u32 s23, s22;
	[sflag:s11] =	ssyncadd.s32 $0xFFFF8000  }
0xab: {  	v8 =	vld [tilespmem:s22+$0x10300]  }
0xac: {  	v9 =	vld [tilespmem:s22+$0x10280]  }
0xad: {  	v10 =	vld [tilespmem:s22+$0x10380]  }
0xae: {  	v11 =	vld [tilespmem:s22+$0x10400]  }
0xaf: {  	v12 =	vld [tilespmem:s22+$0x10480]  }
0xb0: {  	v13 =	vld [tilespmem:s22+$0x10500]  }
0xb1: {  	v54 =	vld [tilespmem:s22+$0x10580];
	v8 =	vadd.s32 v9, v8  }
0xb2: {  	v55 =	vld [tilespmem:s22+$0x10600];
	v8 =	vadd.s32 v10, v8  }
0xb3: {  	v56 =	vld [tilespmem:s22+$0x14280];
	v8 =	vadd.s32 v11, v8  }
0xb4: {  	v57 =	vld [tilespmem:s22+$0x14300];
	v8 =	vadd.s32 v12, v8  }
0xb5: {  	v58 =	vld [tilespmem:s22+$0x14380];
	v8 =	vadd.s32 v13, v8  }
0xb6: {  	v59 =	vld [tilespmem:s22+$0x14400];
	v8 =	vadd.s32 v54, v8  }
0xb7: {  	v60 =	vld [tilespmem:s22+$0x14480];
	v8 =	vadd.s32 v55, v8  }
0xb8: {  	v61 =	vld [tilespmem:s22+$0x14500];
	v8 =	vadd.s32 v56, v8  }
0xb9: {  	v62 =	vld [tilespmem:s22+$0x14580];
	v8 =	vadd.s32 v57, v8  }
0xba: {  	v63 =	vld [tilespmem:s22+$0x14600];
	v8 =	vadd.s32 v58, v8  }
0xbb: {  	v8 =	vadd.s32 v59, v8  }
0xbc: {  	v8 =	vadd.s32 v60, v8  }
0xbd: {  	v8 =	vadd.s32 v61, v8  }
0xbe: {  	s31 =	simm.s32 $0x10;
	s24 =	simm.s32 $0x80;
	v8 =	vadd.s32 v62, v8  }
0xbf: {  	s25 =	sand.u32 $0x3C00, s24;
	s23 =	sand.u32 $0x70, s31;
	s22 =	simm.s32 $0xFA80;
	v8 =	vadd.s32 v63, v8  }
0xc0: {  	s23 =	sor.u32 s23, s25;
	s25 =	simm.s32 $0x20;
	[tilespmem:s22+$0x0] =	vst v8  }
.LBB2_11:
0xc1: {  	p1 =	sne.s32 s25, $0x7F0;
	v8 =	vld [tilespmem:s23+$0x10300]  }
0xc2: {  	v9 =	vld [tilespmem:s23+$0x10280]  }
0xc3: {  	v10 =	vld [tilespmem:s23+$0x10380]  }
0xc4: {  	v11 =	vld [tilespmem:s23+$0x10400]  }
0xc5: {  	v12 =	vld [tilespmem:s23+$0x10480]  }
0xc6: {  	v13 =	vld [tilespmem:s23+$0x10500]  }
0xc7: {  	v8 =	vadd.s32 v9, v8;
	v9 =	vld [tilespmem:s23+$0x10580]  }
0xc8: {  	v8 =	vadd.s32 v10, v8;
	v10 =	vld [tilespmem:s23+$0x10600]  }
0xc9: {  	v8 =	vadd.s32 v11, v8;
	v11 =	vld [tilespmem:s23+$0x14280]  }
0xca: {  	v8 =	vadd.s32 v12, v8;
	v12 =	vld [tilespmem:s23+$0x14300]  }
0xcb: {  	v8 =	vadd.s32 v13, v8;
	v13 =	vld [tilespmem:s23+$0x14380]  }
0xcc: {  	v8 =	vadd.s32 v9, v8;
	v9 =	vld [tilespmem:s23+$0x14400]  }
0xcd: {  	v8 =	vadd.s32 v10, v8;
	v10 =	vld [tilespmem:s23+$0x14480]  }
0xce: {  	v8 =	vadd.s32 v11, v8;
	v11 =	vld [tilespmem:s23+$0x14500]  }
0xcf: {  	v8 =	vadd.s32 v12, v8;
	v12 =	vld [tilespmem:s23+$0x14580]  }
0xd0: {  	v8 =	vadd.s32 v13, v8;
	v13 =	vld [tilespmem:s23+$0x14600]  }
0xd1: {  	v8 =	vadd.s32 v9, v8  }
.Ltmp5:
0xd2: {  	v8 =	vadd.s32 v10, v8;
	(pc) =	sbr.rel @p1 .LBB2_11-.Ltmp5, $4  }
0xd3: {  	v8 =	vadd.s32 v11, v8  }
0xd4: {  	s24 =	sadd.s32 $0x80, s24;
	v8 =	vadd.s32 v12, v8  }
0xd5: {  	s22 =	sadd.s32 $0x10, s22;
	s26 =	sand.u32 $0x3C00, s24;
	s23 =	sand.u32 $0x70, s25;
	v8 =	vadd.s32 v13, v8  }
0xd6: {  	s25 =	sadd.s32 $0x10, s25;
	s23 =	sor.u32 s23, s26;
	[tilespmem:s22+$0x0] =	vst v8  }
0xd7: {  	v8 =	vld [tilespmem:s23+$0x10300]  }
0xd8: {  	v9 =	vld [tilespmem:s23+$0x10280]  }
0xd9: {  	v10 =	vld [tilespmem:s23+$0x10380]  }
0xda: {  	v11 =	vld [tilespmem:s23+$0x10400]  }
0xdb: {  	v12 =	vld [tilespmem:s23+$0x10480]  }
0xdc: {  	v13 =	vld [tilespmem:s23+$0x10500]  }
0xdd: {  	v8 =	vadd.s32 v9, v8;
	v9 =	vld [tilespmem:s23+$0x10580]  }
0xde: {  	v8 =	vadd.s32 v10, v8;
	v10 =	vld [tilespmem:s23+$0x10600]  }
0xdf: {  	v8 =	vadd.s32 v11, v8;
	v11 =	vld [tilespmem:s23+$0x14280]  }
0xe0: {  	v8 =	vadd.s32 v12, v8;
	v12 =	vld [tilespmem:s23+$0x14300]  }
0xe1: {  	v8 =	vadd.s32 v13, v8;
	v13 =	vld [tilespmem:s23+$0x14380]  }
0xe2: {  	v8 =	vadd.s32 v9, v8;
	v9 =	vld [tilespmem:s23+$0x14400]  }
0xe3: {  	v8 =	vadd.s32 v10, v8;
	v10 =	vld [tilespmem:s23+$0x14480]  }
0xe4: {  	v8 =	vadd.s32 v11, v8;
	v11 =	vld [tilespmem:s23+$0x14500]  }
0xe5: {  	v8 =	vadd.s32 v12, v8;
	v12 =	vld [tilespmem:s23+$0x14580]  }
0xe6: {  	v8 =	vadd.s32 v13, v8;
	v13 =	vld [tilespmem:s23+$0x14600]  }
0xe7: {  	v8 =	vadd.s32 v9, v8  }
0xe8: {  	v8 =	vadd.s32 v10, v8  }
0xe9: {  	v8 =	vadd.s32 v11, v8  }
0xea: {  	v8 =	vadd.s32 v12, v8  }
0xeb: {  	s22 =	sadd.s32 $0x10, s22;
	v8 =	vadd.s32 v13, v8  }
0xec: {  	[tilespmem:s22+$0x0] =	vst v8  }
0xed: {  	[hbm4b:s6+s13] =	stream.strided.scatter [tilespmem:s15], [sflag:$0x1], $0x800, s17, s13, $0x38;
	[tilespmem:$0x18C08] =	vst v63  }
0xee: {  	_ =	swait.ge [sflag:s11], $0x800  }
0xef: {  	[sflag:s11] =	ssyncset.done $0x0  }
0xf0: {  	s25 =	simm.s32 $0x10270;
	[sflag:s11] =	ssyncadd.s32 $0xFFFFF800  }
0xf1: {  	v16 =	vld [tilespmem:s25+$0x0]  }
0xf2: {  	s26 =	simm.s32 $0x10260  }
0xf3: {  	v10 =	vld [tilespmem:s26+$0x0];
	_ =	sdelay $0x2  }
0xf4: {  	(xrf0) =	vadd.scan.msk.s32 $0xffff, v16;
	_ =	sdelay $0x1  }
0xf5: {  	(xrf0) =	vadd.scan.msk.s32 $0xffff, v10;
	_ =	sdelay $0x3  }
0xf6: {  	s30 =	simm.s32 $0x10250;
	v14, _, _ =	vpop (xrf0)  }
0xf7: {  	v9 =	vld [tilespmem:s30+$0x0];
	(v2sf) =	vpush v14, $0xF  }
0xf8: {  	v12, _, _ =	vpop (xrf0)  }
0xf9: {  	(v2sf) =	vpush v12, $0xF;
	_ =	sdelay $0x2  }
0xfa: {  	s31 =	simm.s32 $0x10240;
	(xrf0) =	vadd.scan.msk.s32 $0xffff, v9  }
0xfb: {  	v8 =	vld [tilespmem:s31+$0x0];
	_ =	sdelay $0x2  }
0xfc: {  	s24 =	simm.s32 $0x7E0  }
0xfd: {  	s28 =	simm.s32 $0x7B0;
	s29 =	simm.s32 $0x10230;
	s25 =	simm.s32 $0x0  }
0xfe: {  	s23 =	simm.s32 $0x7D0;
	v11 =	vimm.s32 $0xFFFFFFFF;
	s22 =	simm.s32 $0x7C0;
	s26 =	simm.s32 $0x7F0;
	v16 =	vadd.s32 s25, v16;
	(xrf0) =	vadd.scan.msk.s32 $0xffff, v8;
	v15 =	vbroadcast v14, $0xF;
	v13, _, _ =	vpop (xrf0)  }
.LBB2_13:
0xff: {  	(v2sf) =	vpush v13, $0xF;
	v17 =	vsub.s32 v16, v14;
	v16 =	vmovc v10;
	v10 =	vmovc v9;
	v9 =	vmov v8;
	v8 =	vld [tilespmem:s29+$0x0];
	s30 =	smov.u32 s28;
	p1 =	sne.s32 s28, $0x0  }
.Ltmp6:
0x100: {  	s28 =	sadd.s32 $0xFFFFFFF0, s28;
	v14 =	vmov v12;
	v12 =	vmov v13;
	v15 =	vadd.s32 v15, v17;
	(pc) =	sbr.rel @p1 .LBB2_13-.Ltmp6, $4  }
0x101: {  	v13 =	vor.u32 s26, v0;
	s26 =	smov.u32 s24;
	s24 =	smov.u32 s23;
	s23 =	smov.u32 s22;
	vm0 =	vgt.s32 v15, $0x1FF  }
0x102: {  	s22 =	smov.u32 s30;
	v17 =	vnsel vm0, $0xFFFFFFFF, v13;
	s31 =	spop (v2sf)  }
0x103: {  	s25 =	sadd.s32 s25, s31;
	vm0 =	vgt.s32 v11, v17  }
0x104: {  	s29 =	sadd.s32 $0xFFFFFFF0, s29;
	v15 =	vbroadcast v14, $0xF;
	(xrf0) =	vadd.scan.msk.s32 $0xffff, v8;
	v13, _, _ =	vpop (xrf0);
	v16 =	vadd.s32 s25, v16;
	v11 =	vsel vm0, v11, v17  }
0x105: {  	(v2sf) =	vpush v13, $0xF;
	_ =	sdelay $0x9  }
0x106: {  	s28 =	spop (v2sf)  }
0x107: {  	v14 =	vsub.s32 v16, v14;
	v52 =	vor.u32 s26, v0;
	v53 =	vbroadcast v12, $0xF;
	s25 =	sadd.s32 s25, s28  }
0x108: {  	v55 =	vor.u32 s24, v0;
	v14 =	vadd.s32 v15, v14;
	v10 =	vadd.s32 s25, v10  }
0x109: {  	v56 =	vbroadcast v13, $0xF;
	vm0 =	vgt.s32 v14, $0x1FF;
	v10 =	vsub.s32 v10, v12;
	s28 =	spop (v2sf)  }
0x10a: {  	v59 =	vor.u32 s23, v0;
	v54 =	vnsel vm0, $0xFFFFFFFF, v52;
	v10 =	vadd.s32 v53, v10;
	s29 =	sadd.s32 s25, s28  }
0x10b: {  	vm0 =	vgt.s32 v11, v54;
	vm14 =	vgt.s32 v10, $0x1FF;
	v9 =	vadd.s32 s29, v9;
	s30 =	spop (v2sf)  }
0x10c: {  	v11 =	vsel vm0, v11, v54;
	v57, _, _ =	vpop (xrf0);
	v10 =	vnsel vm14, $0xFFFFFFFF, v55;
	v9 =	vsub.s32 v9, v13;
	s24 =	sadd.s32 s29, s30  }
0x10d: {  	v58 =	vbroadcast v57, $0xF;
	v9 =	vadd.s32 v56, v9;
	v8 =	vadd.s32 s24, v8  }
0x10e: {  	vm0 =	vgt.s32 v11, v10;
	vm1 =	vgt.s32 v9, $0x1FF;
	v8 =	vsub.s32 v8, v57  }
0x10f: {  	v60 =	vsel vm0, v11, v10;
	v61 =	vnsel vm1, $0xFFFFFFFF, v59;
	v8 =	vadd.s32 v58, v8  }
0x110: {  	v62 =	vor.u32 s22, v0;
	vm0 =	vgt.s32 v60, v61;
	vm15 =	vgt.s32 v8, $0x1FF  }
0x111: {  	v8 =	vsel vm0, v60, v61;
	v63 =	vnsel vm15, $0xFFFFFFFF, v62  }
0x112: {  	vm0 =	vgt.s32 v8, v63  }
0x113: {  	v8 =	vsel vm0, v8, v63  }
0x114: {  	v8 =	vxor.u32 $0x80000000, v8  }
0x115: {  	(xrf0) =	vmax.scan.msk.u32 $0xffff, v8;
	_ =	sdelay $0x5  }
0x116: {  	(v2sf) =	vpush v57, $0xF;
	v8, _, _ =	vpop (xrf0)  }
0x117: {  	(v2sf) =	vpush v8, $0xF;
	_ =	sdelay $0xd  }
0x118: {  	s31 =	spop (v2sf)  }
0x119: {  	s22 =	spop (v2sf)  }
0x11a: {  	s22 =	sshll.u32 s22, $0x15  }
0x11b: {  	s22 =	sxor.u32 $0x80000000, s22  }
0x11c: {  	v8 =	vmov s22  }
0x11d: {  	[tilespmem:$0x18380] =	vst v8  }
0x11e: {  	[spmem:s2] =	stream.linear.scatter [tilespmem:s18], [sflag:$0x1], $0x80, $0x38;
	[tilespmem:$0x18C08] =	vst v63  }
0x11f: {  	_ =	swait.ge [sflag:s11], $0x80  }
0x120: {  	[sflag:s11] =	ssyncset.done $0x0  }
0x121: {  	[sflag:s11] =	ssyncadd.s32 $0xFFFFFF80  }
.LBB2_15:
0x122: {  	[bflag:$0x0] =	sbarrier.arrive $0xFFFF  }
0x123: {  	[tilespmem:s18], [sflag:$0x1] =	stream.linear.gather [spmem:s2], $0x80, $0x38;
	[tilespmem:$0x18C08] =	vst v63  }
0x124: {  	_ =	swait.ge [sflag:s11], $0x80  }
0x125: {  	[sflag:s11] =	ssyncset.done $0x0  }
0x126: {  	[sflag:s11] =	ssyncadd.s32 $0xFFFFFF80  }
0x127: {  	v8 =	vld [tilespmem:$0x18380];
	_ =	sdelay $0x4  }
0x128: {  	v8 =	vxor.u32 $0x80000000, v8  }
0x129: {  	(xrf0) =	vmax.scan.msk.u32 $0xffff, v8  }
0x12a: {  	[tilespmem:$0x18280] =	vst v6  }
0x12b: {  	[tilespmem:$0x18300] =	vst v7  }
0x12c: {  	[tilespmem:$0x18290] =	vst v6  }
0x12d: {  	[tilespmem:$0x18310] =	vst v7  }
0x12e: {  	[tilespmem:$0x182A0] =	vst v6  }
0x12f: {  	[tilespmem:$0x18320] =	vst v7;
	v8, _, _ =	vpop (xrf0)  }
0x130: {  	[tilespmem:$0x182B0] =	vst v6;
	(v2sf) =	vpush v8, $0xF  }
0x131: {  	[tilespmem:$0x18330] =	vst v7  }
0x132: {  	[tilespmem:$0x182C0] =	vst v6  }
0x133: {  	[tilespmem:$0x18340] =	vst v7  }
0x134: {  	[tilespmem:$0x182D0] =	vst v6  }
0x135: {  	[tilespmem:$0x18350] =	vst v7  }
0x136: {  	[tilespmem:$0x182E0] =	vst v6  }
0x137: {  	[tilespmem:$0x18360] =	vst v7  }
0x138: {  	[tilespmem:$0x182F0] =	vst v6  }
0x139: {  	s22 =	simm.s32 $0x40;
	[tilespmem:$0x18370] =	vst v7  }
0x13a: {  	v9 =	vld [tilespmem:s22+$0xFFFFFFC0];
	_ =	sdelay $0x4  }
0x13b: {  	v8 =	vshra.s32 v9, $0x1F;
	s23 =	spop (v2sf)  }
0x13c: {  	v10 =	vand.u32 $0x7FFFFFFF, v8;
	s23 =	sxor.u32 $0x80000000, s23  }
0x13d: {  	p1 =	por $0x1, $0x1;
	v9 =	vxor.u32 v9, v10;
	v8 =	vmov s23;
	s23 =	simm.s32 $0x0  }
0x13e: {  	s24 =	sadd.s32 $0xFFFFFF90, s10;
	vm0 =	vge.s32 v9, v8;
	s23 =	simm.s32 @!p1 $0x70  }
0x13f: {  	v10 =	vor.u32 s24, v0;
	[tilespmem:s23+$0x18280] =	vst.msk vm0, v9;
	v9 =	vmpcnt.ones.xlane vm0  }
0x140: {  	[tilespmem:s23+$0x18300] =	vst.msk vm0, v10  }
0x141: {  	v10 =	vld [tilespmem:s22+$0xFFFFFFD0];
	(v2sf) =	vpush v9, $0x0;
	_ =	sdelay $0x4  }
0x142: {  	v9 =	vshra.s32 v10, $0x1F  }
0x143: {  	v9 =	vand.u32 $0x7FFFFFFF, v9  }
0x144: {  	v9 =	vxor.u32 v10, v9  }
0x145: {  	vm9 =	vge.s32 v9, v8  }
0x146: {  	v10 =	vmpcnt.ones.xlane vm9;
	_ =	sdelay $0x1  }
0x147: {  	(v2sf) =	vpush v10, $0x0;
	_ =	sdelay $0x3  }
0x148: {  	s24 =	spop (v2sf)  }
0x149: {  	s23 =	sadd.s32 $0x0, s24  }
0x14a: {  	p1 =	slt.s32 s23, $0x70;
	s24 =	smov.u32 s23  }
0x14b: {  	s25 =	sadd.s32 $0xFFFFFFA0, s10;
	s24 =	simm.s32 @!p1 $0x70  }
0x14c: {  	v10 =	vor.u32 s25, v0;
	[tilespmem:s24+$0x18280] =	vst.msk vm9, v9  }
0x14d: {  	[tilespmem:s24+$0x18300] =	vst.msk vm9, v10  }
0x14e: {  	v9 =	vld [tilespmem:s22+$0xFFFFFFE0];
	_ =	sdelay $0x4  }
0x14f: {  	v10 =	vshra.s32 v9, $0x1F;
	s25 =	spop (v2sf)  }
0x150: {  	s23 =	sadd.s32 s23, s25;
	v10 =	vand.u32 $0x7FFFFFFF, v10  }
0x151: {  	v9 =	vxor.u32 v9, v10;
	p1 =	slt.s32 s23, $0x70;
	s24 =	smov.u32 s23  }
0x152: {  	s26 =	sadd.s32 $0xFFFFFFB0, s10;
	vm10 =	vge.s32 v9, v8;
	s24 =	simm.s32 @!p1 $0x70  }
0x153: {  	v10 =	vor.u32 s26, v0;
	[tilespmem:s24+$0x18280] =	vst.msk vm10, v9;
	v9 =	vmpcnt.ones.xlane vm10  }
0x154: {  	[tilespmem:s24+$0x18300] =	vst.msk vm10, v10  }
0x155: {  	v10 =	vld [tilespmem:s22+$0xFFFFFFF0];
	(v2sf) =	vpush v9, $0x0;
	_ =	sdelay $0x4  }
0x156: {  	v9 =	vshra.s32 v10, $0x1F  }
0x157: {  	v9 =	vand.u32 $0x7FFFFFFF, v9  }
0x158: {  	v9 =	vxor.u32 v10, v9  }
0x159: {  	vm11 =	vge.s32 v9, v8  }
0x15a: {  	v10 =	vmpcnt.ones.xlane vm11;
	_ =	sdelay $0x1  }
0x15b: {  	(v2sf) =	vpush v10, $0x0;
	_ =	sdelay $0x3  }
0x15c: {  	s28 =	spop (v2sf)  }
0x15d: {  	s23 =	sadd.s32 s23, s28  }
0x15e: {  	p1 =	slt.s32 s23, $0x70;
	s24 =	smov.u32 s23  }
0x15f: {  	s29 =	sadd.s32 $0xFFFFFFC0, s10;
	s24 =	simm.s32 @!p1 $0x70  }
0x160: {  	v10 =	vor.u32 s29, v0;
	[tilespmem:s24+$0x18280] =	vst.msk vm11, v9  }
0x161: {  	[tilespmem:s24+$0x18300] =	vst.msk vm11, v10  }
0x162: {  	v9 =	vld [tilespmem:s22+$0x0];
	_ =	sdelay $0x4  }
0x163: {  	v10 =	vshra.s32 v9, $0x1F;
	s30 =	spop (v2sf)  }
0x164: {  	s23 =	sadd.s32 s23, s30;
	v10 =	vand.u32 $0x7FFFFFFF, v10  }
0x165: {  	v9 =	vxor.u32 v9, v10;
	p1 =	slt.s32 s23, $0x70;
	s24 =	smov.u32 s23  }
0x166: {  	s31 =	sadd.s32 $0xFFFFFFD0, s10;
	vm12 =	vge.s32 v9, v8;
	s24 =	simm.s32 @!p1 $0x70  }
0x167: {  	v10 =	vor.u32 s31, v0;
	[tilespmem:s24+$0x18280] =	vst.msk vm12, v9;
	v9 =	vmpcnt.ones.xlane vm12  }
0x168: {  	[tilespmem:s24+$0x18300] =	vst.msk vm12, v10  }
0x169: {  	v10 =	vld [tilespmem:s22+$0x10];
	(v2sf) =	vpush v9, $0x0;
	_ =	sdelay $0x4  }
0x16a: {  	v9 =	vshra.s32 v10, $0x1F  }
0x16b: {  	v9 =	vand.u32 $0x7FFFFFFF, v9  }
0x16c: {  	v9 =	vxor.u32 v10, v9  }
0x16d: {  	vm13 =	vge.s32 v9, v8  }
0x16e: {  	v10 =	vmpcnt.ones.xlane vm13;
	_ =	sdelay $0x1  }
0x16f: {  	(v2sf) =	vpush v10, $0x0;
	_ =	sdelay $0x3  }
0x170: {  	s26 =	spop (v2sf)  }
0x171: {  	s23 =	sadd.s32 s23, s26  }
0x172: {  	p1 =	slt.s32 s23, $0x70;
	s24 =	smov.u32 s23  }
0x173: {  	s28 =	sadd.s32 $0xFFFFFFE0, s10;
	s24 =	simm.s32 @!p1 $0x70  }
0x174: {  	v10 =	vor.u32 s28, v0;
	[tilespmem:s24+$0x18280] =	vst.msk vm13, v9  }
0x175: {  	[tilespmem:s24+$0x18300] =	vst.msk vm13, v10  }
0x176: {  	v9 =	vld [tilespmem:s22+$0x20];
	_ =	sdelay $0x4  }
0x177: {  	v10 =	vshra.s32 v9, $0x1F;
	s29 =	spop (v2sf)  }
0x178: {  	s23 =	sadd.s32 s23, s29;
	v10 =	vand.u32 $0x7FFFFFFF, v10  }
0x179: {  	v9 =	vxor.u32 v9, v10;
	p1 =	slt.s32 s23, $0x70;
	s24 =	smov.u32 s23  }
0x17a: {  	s30 =	sadd.s32 $0xFFFFFFF0, s10;
	vm14 =	vge.s32 v9, v8;
	s24 =	simm.s32 @!p1 $0x70  }
0x17b: {  	v10 =	vor.u32 s30, v0;
	[tilespmem:s24+$0x18280] =	vst.msk vm14, v9;
	v9 =	vmpcnt.ones.xlane vm14  }
0x17c: {  	[tilespmem:s24+$0x18300] =	vst.msk vm14, v10  }
0x17d: {  	v10 =	vld [tilespmem:s22+$0x30];
	(v2sf) =	vpush v9, $0x0;
	_ =	sdelay $0x4  }
0x17e: {  	v9 =	vshra.s32 v10, $0x1F  }
0x17f: {  	v9 =	vand.u32 $0x7FFFFFFF, v9  }
0x180: {  	v9 =	vxor.u32 v10, v9  }
0x181: {  	vm15 =	vge.s32 v9, v8  }
0x182: {  	v10 =	vmpcnt.ones.xlane vm15;
	_ =	sdelay $0x1  }
0x183: {  	(v2sf) =	vpush v10, $0x0;
	_ =	sdelay $0x3  }
0x184: {  	s31 =	spop (v2sf)  }
0x185: {  	s25 =	sadd.s32 s23, s31  }
0x186: {  	p1 =	slt.s32 s25, $0x70;
	s22 =	smov.u32 s25  }
0x187: {  	s22 =	simm.s32 @!p1 $0x70  }
0x188: {  	v10 =	vor.u32 s10, v0;
	[tilespmem:s22+$0x18280] =	vst.msk vm15, v9  }
0x189: {  	[tilespmem:s22+$0x18300] =	vst.msk vm15, v10;
	s22 =	simm.s32 $0xC0  }
0x18a: {  	v9 =	vld [tilespmem:s22+$0xFFFFFFC0];
	_ =	sdelay $0x4  }
0x18b: {  	s24 =	simm.s32 $0x8;
	s23 =	smov.u32 s10;
	v10 =	vshra.s32 v9, $0x1F;
	s26 =	spop (v2sf)  }
.LBB2_16:
0x18c: {  	s24 =	sadd.s32 $0x8, s24;
	v10 =	vand.u32 $0x7FFFFFFF, v10;
	s25 =	sadd.s32 s25, s26;
	s23 =	sadd.s32 $0x80, s23  }
0x18d: {  	p1 =	slt.u32 s24, $0x798;
	v9 =	vxor.u32 v9, v10;
	p2 =	slt.s32 s25, $0x70;
	s28 =	smov.u32 s25  }
0x18e: {  	s26 =	sadd.s32 $0xFFFFFF90, s23;
	vm0 =	vge.s32 v9, v8;
	s28 =	simm.s32 @!p2 $0x70  }
0x18f: {  	v10 =	vor.u32 s26, v0;
	[tilespmem:s28+$0x18280] =	vst.msk vm0, v9;
	v9 =	vmpcnt.ones.xlane vm0  }
0x190: {  	[tilespmem:s28+$0x18300] =	vst.msk vm0, v10  }
0x191: {  	v10 =	vld [tilespmem:s22+$0xFFFFFFD0];
	(v2sf) =	vpush v9, $0x0;
	_ =	sdelay $0x4  }
0x192: {  	v9 =	vshra.s32 v10, $0x1F  }
0x193: {  	v9 =	vand.u32 $0x7FFFFFFF, v9  }
0x194: {  	v9 =	vxor.u32 v10, v9  }
0x195: {  	vm0 =	vge.s32 v9, v8  }
0x196: {  	v10 =	vmpcnt.ones.xlane vm0;
	_ =	sdelay $0x1  }
0x197: {  	(v2sf) =	vpush v10, $0x0;
	_ =	sdelay $0x3  }
0x198: {  	s26 =	spop (v2sf)  }
0x199: {  	s25 =	sadd.s32 s25, s26  }
0x19a: {  	p2 =	slt.s32 s25, $0x70;
	s28 =	smov.u32 s25  }
0x19b: {  	s26 =	sadd.s32 $0xFFFFFFA0, s23;
	s28 =	simm.s32 @!p2 $0x70  }
0x19c: {  	v10 =	vor.u32 s26, v0;
	[tilespmem:s28+$0x18280] =	vst.msk vm0, v9  }
0x19d: {  	[tilespmem:s28+$0x18300] =	vst.msk vm0, v10  }
0x19e: {  	v9 =	vld [tilespmem:s22+$0xFFFFFFE0];
	_ =	sdelay $0x4  }
0x19f: {  	v10 =	vshra.s32 v9, $0x1F;
	s26 =	spop (v2sf)  }
0x1a0: {  	s25 =	sadd.s32 s25, s26;
	v10 =	vand.u32 $0x7FFFFFFF, v10  }
0x1a1: {  	v9 =	vxor.u32 v9, v10;
	p2 =	slt.s32 s25, $0x70;
	s28 =	smov.u32 s25  }
0x1a2: {  	s26 =	sadd.s32 $0xFFFFFFB0, s23;
	vm0 =	vge.s32 v9, v8;
	s28 =	simm.s32 @!p2 $0x70  }
0x1a3: {  	v10 =	vor.u32 s26, v0;
	[tilespmem:s28+$0x18280] =	vst.msk vm0, v9;
	v9 =	vmpcnt.ones.xlane vm0  }
0x1a4: {  	[tilespmem:s28+$0x18300] =	vst.msk vm0, v10  }
0x1a5: {  	v10 =	vld [tilespmem:s22+$0xFFFFFFF0];
	(v2sf) =	vpush v9, $0x0;
	_ =	sdelay $0x4  }
0x1a6: {  	v9 =	vshra.s32 v10, $0x1F  }
0x1a7: {  	v9 =	vand.u32 $0x7FFFFFFF, v9  }
0x1a8: {  	v9 =	vxor.u32 v10, v9  }
0x1a9: {  	vm0 =	vge.s32 v9, v8  }
0x1aa: {  	v10 =	vmpcnt.ones.xlane vm0;
	_ =	sdelay $0x1  }
0x1ab: {  	(v2sf) =	vpush v10, $0x0;
	_ =	sdelay $0x3  }
0x1ac: {  	s26 =	spop (v2sf)  }
0x1ad: {  	s25 =	sadd.s32 s25, s26  }
0x1ae: {  	p2 =	slt.s32 s25, $0x70;
	s28 =	smov.u32 s25  }
0x1af: {  	s26 =	sadd.s32 $0xFFFFFFC0, s23;
	s28 =	simm.s32 @!p2 $0x70  }
0x1b0: {  	v10 =	vor.u32 s26, v0;
	[tilespmem:s28+$0x18280] =	vst.msk vm0, v9  }
0x1b1: {  	[tilespmem:s28+$0x18300] =	vst.msk vm0, v10  }
0x1b2: {  	v9 =	vld [tilespmem:s22+$0x0];
	_ =	sdelay $0x4  }
0x1b3: {  	v10 =	vshra.s32 v9, $0x1F;
	s26 =	spop (v2sf)  }
0x1b4: {  	s25 =	sadd.s32 s25, s26;
	v10 =	vand.u32 $0x7FFFFFFF, v10  }
0x1b5: {  	v9 =	vxor.u32 v9, v10;
	p2 =	slt.s32 s25, $0x70;
	s28 =	smov.u32 s25  }
0x1b6: {  	s26 =	sadd.s32 $0xFFFFFFD0, s23;
	vm0 =	vge.s32 v9, v8;
	s28 =	simm.s32 @!p2 $0x70  }
0x1b7: {  	v10 =	vor.u32 s26, v0;
	[tilespmem:s28+$0x18280] =	vst.msk vm0, v9;
	v9 =	vmpcnt.ones.xlane vm0  }
0x1b8: {  	[tilespmem:s28+$0x18300] =	vst.msk vm0, v10  }
0x1b9: {  	v10 =	vld [tilespmem:s22+$0x10];
	(v2sf) =	vpush v9, $0x0;
	_ =	sdelay $0x4  }
0x1ba: {  	v9 =	vshra.s32 v10, $0x1F  }
0x1bb: {  	v9 =	vand.u32 $0x7FFFFFFF, v9  }
0x1bc: {  	v9 =	vxor.u32 v10, v9  }
0x1bd: {  	vm0 =	vge.s32 v9, v8  }
0x1be: {  	v10 =	vmpcnt.ones.xlane vm0;
	_ =	sdelay $0x1  }
0x1bf: {  	(v2sf) =	vpush v10, $0x0;
	_ =	sdelay $0x3  }
0x1c0: {  	s26 =	spop (v2sf)  }
0x1c1: {  	s25 =	sadd.s32 s25, s26  }
0x1c2: {  	p2 =	slt.s32 s25, $0x70;
	s28 =	smov.u32 s25  }
0x1c3: {  	s26 =	sadd.s32 $0xFFFFFFE0, s23;
	s28 =	simm.s32 @!p2 $0x70  }
0x1c4: {  	v10 =	vor.u32 s26, v0;
	[tilespmem:s28+$0x18280] =	vst.msk vm0, v9  }
0x1c5: {  	[tilespmem:s28+$0x18300] =	vst.msk vm0, v10  }
0x1c6: {  	v9 =	vld [tilespmem:s22+$0x20];
	_ =	sdelay $0x4  }
0x1c7: {  	v10 =	vshra.s32 v9, $0x1F;
	s26 =	spop (v2sf)  }
0x1c8: {  	s25 =	sadd.s32 s25, s26;
	v10 =	vand.u32 $0x7FFFFFFF, v10  }
0x1c9: {  	v9 =	vxor.u32 v9, v10;
	p2 =	slt.s32 s25, $0x70;
	s28 =	smov.u32 s25  }
0x1ca: {  	s26 =	sadd.s32 $0xFFFFFFF0, s23;
	vm0 =	vge.s32 v9, v8;
	s28 =	simm.s32 @!p2 $0x70  }
0x1cb: {  	v10 =	vor.u32 s26, v0;
	[tilespmem:s28+$0x18280] =	vst.msk vm0, v9;
	v9 =	vmpcnt.ones.xlane vm0  }
0x1cc: {  	[tilespmem:s28+$0x18300] =	vst.msk vm0, v10  }
0x1cd: {  	v10 =	vld [tilespmem:s22+$0x30];
	(v2sf) =	vpush v9, $0x0;
	_ =	sdelay $0x4  }
0x1ce: {  	v9 =	vshra.s32 v10, $0x1F  }
0x1cf: {  	v9 =	vand.u32 $0x7FFFFFFF, v9  }
0x1d0: {  	v9 =	vxor.u32 v10, v9  }
0x1d1: {  	vm0 =	vge.s32 v9, v8  }
0x1d2: {  	v10 =	vmpcnt.ones.xlane vm0;
	_ =	sdelay $0x1  }
0x1d3: {  	(v2sf) =	vpush v10, $0x0;
	_ =	sdelay $0x3  }
0x1d4: {  	s26 =	spop (v2sf)  }
0x1d5: {  	s25 =	sadd.s32 s25, s26  }
0x1d6: {  	p2 =	slt.s32 s25, $0x70;
	s26 =	smov.u32 s25  }
0x1d7: {  	s26 =	simm.s32 @!p2 $0x70  }
0x1d8: {  	v10 =	vor.u32 s23, v0;
	[tilespmem:s26+$0x18280] =	vst.msk vm0, v9  }
0x1d9: {  	s22 =	sadd.s32 $0x80, s22;
	[tilespmem:s26+$0x18300] =	vst.msk vm0, v10  }
0x1da: {  	v9 =	vld [tilespmem:s22+$0xFFFFFFC0]  }
.Ltmp7:
0x1db: {  	(pc) =	sbr.rel @p1 .LBB2_16-.Ltmp7, $2  }
0x1dc: {  	_ =	sdelay $0x2  }
0x1dd: {  	v10 =	vshra.s32 v9, $0x1F;
	s26 =	spop (v2sf)  }
0x1de: {  	v10 =	vand.u32 $0x7FFFFFFF, v10  }
0x1df: {  	v9 =	vxor.u32 v9, v10  }
0x1e0: {  	vm0 =	vge.s32 v9, v8  }
0x1e1: {  	v38 =	vmpcnt.ones.xlane vm0;
	_ =	sdelay $0x1  }
0x1e2: {  	(v2sf) =	vpush v38, $0x0;
	_ =	sdelay $0x4  }
0x1e3: {  	s24 =	sadd.s32 s25, s26  }
0x1e4: {  	s23 =	sadd.s32 $0x80, s23;
	p1 =	slt.s32 s24, $0x70;
	s25 =	smov.u32 s24  }
0x1e5: {  	s29 =	sadd.s32 $0xFFFFFF90, s23;
	s25 =	simm.s32 @!p1 $0x70  }
0x1e6: {  	v39 =	vor.u32 s29, v0;
	[tilespmem:s25+$0x18280] =	vst.msk vm0, v9  }
0x1e7: {  	[tilespmem:s25+$0x18300] =	vst.msk vm0, v39  }
0x1e8: {  	v9 =	vld [tilespmem:s22+$0xFFFFFFD0];
	_ =	sdelay $0x4  }
0x1e9: {  	v40 =	vshra.s32 v9, $0x1F;
	s30 =	spop (v2sf)  }
0x1ea: {  	v10 =	vand.u32 $0x7FFFFFFF, v40;
	s24 =	sadd.s32 s24, s30  }
0x1eb: {  	v9 =	vxor.u32 v9, v10;
	p1 =	slt.s32 s24, $0x70;
	s25 =	smov.u32 s24  }
0x1ec: {  	s31 =	sadd.s32 $0xFFFFFFA0, s23;
	vm7 =	vge.s32 v9, v8;
	s25 =	simm.s32 @!p1 $0x70  }
0x1ed: {  	v42 =	vor.u32 s31, v0;
	v41 =	vmpcnt.ones.xlane vm7;
	[tilespmem:s25+$0x18280] =	vst.msk vm7, v9  }
0x1ee: {  	[tilespmem:s25+$0x18300] =	vst.msk vm7, v42  }
0x1ef: {  	(v2sf) =	vpush v41, $0x0;
	v9 =	vld [tilespmem:s22+$0xFFFFFFE0];
	_ =	sdelay $0x4  }
0x1f0: {  	v43 =	vshra.s32 v9, $0x1F  }
0x1f1: {  	v10 =	vand.u32 $0x7FFFFFFF, v43  }
0x1f2: {  	v9 =	vxor.u32 v9, v10  }
0x1f3: {  	vm8 =	vge.s32 v9, v8  }
0x1f4: {  	v44 =	vmpcnt.ones.xlane vm8;
	_ =	sdelay $0x1  }
0x1f5: {  	(v2sf) =	vpush v44, $0x0;
	_ =	sdelay $0x3  }
0x1f6: {  	s28 =	spop (v2sf)  }
0x1f7: {  	s24 =	sadd.s32 s24, s28  }
0x1f8: {  	p1 =	slt.s32 s24, $0x70;
	s25 =	smov.u32 s24  }
0x1f9: {  	s29 =	sadd.s32 $0xFFFFFFB0, s23;
	s25 =	simm.s32 @!p1 $0x70  }
0x1fa: {  	v45 =	vor.u32 s29, v0;
	[tilespmem:s25+$0x18280] =	vst.msk vm8, v9  }
0x1fb: {  	[tilespmem:s25+$0x18300] =	vst.msk vm8, v45  }
0x1fc: {  	v9 =	vld [tilespmem:s22+$0xFFFFFFF0];
	_ =	sdelay $0x4  }
0x1fd: {  	v46 =	vshra.s32 v9, $0x1F;
	s30 =	spop (v2sf)  }
0x1fe: {  	v10 =	vand.u32 $0x7FFFFFFF, v46;
	s24 =	sadd.s32 s24, s30  }
0x1ff: {  	v9 =	vxor.u32 v9, v10;
	p1 =	slt.s32 s24, $0x70;
	s25 =	smov.u32 s24  }
0x200: {  	s31 =	sadd.s32 $0xFFFFFFC0, s23;
	vm9 =	vge.s32 v9, v8;
	s25 =	simm.s32 @!p1 $0x70  }
0x201: {  	v48 =	vor.u32 s31, v0;
	v47 =	vmpcnt.ones.xlane vm9;
	[tilespmem:s25+$0x18280] =	vst.msk vm9, v9  }
0x202: {  	[tilespmem:s25+$0x18300] =	vst.msk vm9, v48  }
0x203: {  	(v2sf) =	vpush v47, $0x0;
	v9 =	vld [tilespmem:s22+$0x0];
	_ =	sdelay $0x4  }
0x204: {  	v49 =	vshra.s32 v9, $0x1F  }
0x205: {  	v10 =	vand.u32 $0x7FFFFFFF, v49  }
0x206: {  	v9 =	vxor.u32 v9, v10  }
0x207: {  	vm10 =	vge.s32 v9, v8  }
0x208: {  	v50 =	vmpcnt.ones.xlane vm10;
	_ =	sdelay $0x1  }
0x209: {  	(v2sf) =	vpush v50, $0x0;
	_ =	sdelay $0x3  }
0x20a: {  	s28 =	spop (v2sf)  }
0x20b: {  	s24 =	sadd.s32 s24, s28  }
0x20c: {  	p1 =	slt.s32 s24, $0x70;
	s25 =	smov.u32 s24  }
0x20d: {  	s29 =	sadd.s32 $0xFFFFFFD0, s23;
	s25 =	simm.s32 @!p1 $0x70  }
0x20e: {  	v51 =	vor.u32 s29, v0;
	[tilespmem:s25+$0x18280] =	vst.msk vm10, v9  }
0x20f: {  	[tilespmem:s25+$0x18300] =	vst.msk vm10, v51  }
0x210: {  	v9 =	vld [tilespmem:s22+$0x10];
	_ =	sdelay $0x4  }
0x211: {  	v52 =	vshra.s32 v9, $0x1F;
	s30 =	spop (v2sf)  }
0x212: {  	v10 =	vand.u32 $0x7FFFFFFF, v52;
	s24 =	sadd.s32 s24, s30  }
0x213: {  	v9 =	vxor.u32 v9, v10;
	p1 =	slt.s32 s24, $0x70;
	s25 =	smov.u32 s24  }
0x214: {  	s31 =	sadd.s32 $0xFFFFFFE0, s23;
	vm11 =	vge.s32 v9, v8;
	s25 =	simm.s32 @!p1 $0x70  }
0x215: {  	v54 =	vor.u32 s31, v0;
	v53 =	vmpcnt.ones.xlane vm11;
	[tilespmem:s25+$0x18280] =	vst.msk vm11, v9  }
0x216: {  	[tilespmem:s25+$0x18300] =	vst.msk vm11, v54  }
0x217: {  	(v2sf) =	vpush v53, $0x0;
	v9 =	vld [tilespmem:s22+$0x20];
	_ =	sdelay $0x4  }
0x218: {  	v55 =	vshra.s32 v9, $0x1F  }
0x219: {  	v10 =	vand.u32 $0x7FFFFFFF, v55  }
0x21a: {  	v9 =	vxor.u32 v9, v10  }
0x21b: {  	vm12 =	vge.s32 v9, v8  }
0x21c: {  	v56 =	vmpcnt.ones.xlane vm12;
	_ =	sdelay $0x1  }
0x21d: {  	(v2sf) =	vpush v56, $0x0;
	_ =	sdelay $0x3  }
0x21e: {  	s26 =	spop (v2sf)  }
0x21f: {  	s24 =	sadd.s32 s24, s26  }
0x220: {  	p1 =	slt.s32 s24, $0x70;
	s25 =	smov.u32 s24  }
0x221: {  	s28 =	sadd.s32 $0xFFFFFFF0, s23;
	s25 =	simm.s32 @!p1 $0x70  }
0x222: {  	v57 =	vor.u32 s28, v0;
	[tilespmem:s25+$0x18280] =	vst.msk vm12, v9  }
0x223: {  	[tilespmem:s25+$0x18300] =	vst.msk vm12, v57  }
0x224: {  	v9 =	vld [tilespmem:s22+$0x30];
	_ =	sdelay $0x4  }
0x225: {  	v58 =	vshra.s32 v9, $0x1F;
	s29 =	spop (v2sf)  }
0x226: {  	v10 =	vand.u32 $0x7FFFFFFF, v58;
	s22 =	sadd.s32 s24, s29  }
0x227: {  	v9 =	vxor.u32 v9, v10;
	p1 =	slt.s32 s22, $0x70;
	s24 =	smov.u32 s22  }
0x228: {  	vm13 =	vge.s32 v9, v8;
	s24 =	simm.s32 @!p1 $0x70  }
0x229: {  	v60 =	vor.u32 s23, v0;
	v59 =	vmpcnt.ones.xlane vm13;
	[tilespmem:s24+$0x18280] =	vst.msk vm13, v9  }
0x22a: {  	[tilespmem:s24+$0x18300] =	vst.msk vm13, v60  }
0x22b: {  	(v2sf) =	vpush v59, $0x0;
	v9 =	vld [tilespmem:$0x7A00];
	_ =	sdelay $0x4  }
0x22c: {  	v61 =	vshra.s32 v9, $0x1F  }
0x22d: {  	v10 =	vand.u32 $0x7FFFFFFF, v61  }
0x22e: {  	v9 =	vxor.u32 v9, v10  }
0x22f: {  	vm14 =	vge.s32 v9, v8  }
0x230: {  	v62 =	vmpcnt.ones.xlane vm14;
	_ =	sdelay $0x1  }
0x231: {  	(v2sf) =	vpush v62, $0x0;
	_ =	sdelay $0x3  }
0x232: {  	s30 =	spop (v2sf)  }
0x233: {  	s22 =	sadd.s32 s22, s30  }
0x234: {  	p1 =	slt.s32 s22, $0x70;
	s23 =	smov.u32 s22  }
0x235: {  	s23 =	simm.s32 @!p1 $0x70  }
0x236: {  	[tilespmem:s23+$0x18280] =	vst.msk vm14, v9  }
0x237: {  	[tilespmem:s23+$0x18300] =	vst.msk vm14, v1  }
0x238: {  	v9 =	vld [tilespmem:$0x7A10];
	_ =	sdelay $0x4  }
0x239: {  	v63 =	vshra.s32 v9, $0x1F;
	s31 =	spop (v2sf)  }
0x23a: {  	v10 =	vand.u32 $0x7FFFFFFF, v63;
	s22 =	sadd.s32 s22, s31  }
0x23b: {  	v9 =	vxor.u32 v9, v10;
	p1 =	slt.s32 s22, $0x70  }
0x23c: {  	vm15 =	vge.s32 v9, v8;
	s22 =	simm.s32 @!p1 $0x70  }
0x23d: {  	[tilespmem:s22+$0x18280] =	vst.msk vm15, v9  }
0x23e: {  	[tilespmem:s22+$0x18300] =	vst.msk vm15, v2  }
0x23f: {  	[hbm4b:s7+s3] =	stream.linear.scatter [tilespmem:s19], [sflag:$0x1], $0x80, $0x38;
	[tilespmem:$0x18C08] =	vst v63  }
0x240: {  	s21 =	sadd.s32 $0x1, s21;
	_ =	swait.ge [sflag:s11], $0x80  }
0x241: {  	p1 =	sne.s32 s21, s9;
	[sflag:s11] =	ssyncset.done $0x0  }
.Ltmp8:
0x242: {  	[sflag:s11] =	ssyncadd.s32 $0xFFFFFF80;
	(pc) =	sbr.rel @p1 .LBB2_1-.Ltmp8, $4  }
0x243: {  	[hbm4b:s8+s3] =	stream.linear.scatter [tilespmem:s20], [sflag:$0x1], $0x80, $0x38;
	[tilespmem:$0x18C08] =	vst v63  }
0x244: {  	_ =	swait.ge [sflag:s11], $0x80  }
0x245: {  	[sflag:s11] =	ssyncset.done $0x0  }
0x246: {  	[sflag:s11] =	ssyncadd.s32 $0xFFFFFF80  }
0x247: {  	_ =	sfence.sel $0x180000  }
0x248: {  	[bflag:$0x0] =	sbarrier.arrive $0xFFFF  }
0x249: {  	_ =	strace $0x90000047  }
0x24a: {  	s0 =	sadd.s32 @!p0 $0x100000, s0;
	[bflag:$0x2] =	sbarrier.arrive $0xFFFF  }
0x24b: {  	[sflag:s0] =	ssyncadd.tile.s32 @!p0 $0x1;
	_ =	shalt  }
.Lfunc_end2:
_tile_overlayer_lowered:
.L_overlay_start_2:
0x24c: {  	(tag) =	ssettag $0x2  }
0x24d: {  	s0 =	rddreg [dreg:$0x0];
	s2 =	stileid.u32  }
0x24e: {  	s1 =	rddreg [dreg:$0x1];
	p0 =	sne.s32 s2, $0x0  }
0x24f: {  	s3 =	rddreg [dreg:$0x2];
	[bflag:$0x3] =	sbarrier.arrive $0xFFFF;
	s2 =	simm.s32 @!p0 $0x1C01  }
0x250: {  	[timem:s3], [sflag:s2] =	dma.local @!p0 [hbm:s0], s1  }
0x251: {  	s0 =	simm.s32 @!p0 $0x1  }
0x252: {  	_ =	swait.ge @!p0 [sflag:s0], s1  }
0x253: {  	s1 =	ssub.s32 @!p0 $0x0, s1;
	[sflag:s0] =	ssyncset.done @!p0 $0x0  }
0x254: {  	[sflag:s0] =	ssyncadd.s32 @!p0 s1  }
0x255: {  	[bflag:$0x3] =	sbarrier.arrive $0xFFFF  }
0x256: {  	_ =	shalt  }

// kernel: sc_stage2_select_scatter.3.cloned.1.call-start
scs
__scs_entry_jumppad:
0x0: {  	(pc) =	sbr.rel $0x88, $3  }
0x1: {  	(tag) =	ssettag $0x0;
	lr =	simm.s32 $0x1  }
0x2: {  	[smem:$0x3FA0] =	sst lr;
	_ =	strace $0xD0000000  }
0x3: {  	_ = 	snop  }
0x4: {  	_ = 	snop  }
0x5: {  	_ = 	snop  }
0x6: {  	_ = 	snop  }
0x7: {  	_ = 	snop  }
__scs_overlays_trampoline_lowered:
0x8: {  	[smem:$0x3FAF] =	sst s0  }
0x9: {  	[smem:$0x3FB0] =	sst s1  }
0xa: {  	[smem:$0x3FB1] =	sst s2  }
0xb: {  	[smem:$0x3FB2] =	sst s3  }
0xc: {  	[smem:$0x3FB3] =	sst s4  }
0xd: {  	[smem:$0x3FB4] =	sst s5  }
0xe: {  	[smem:$0x3FB5] =	sst s6  }
0xf: {  	[smem:$0x3FB6] =	sst s7  }
0x10: {  	[smem:$0x3FB7] =	sst s8  }
0x11: {  	[smem:$0x3FB8] =	sst s9;
	s0 =	simm.s32 @!p0 $0x0  }
0x12: {  	s1 =	sld [smem:$0x3F9E];
	s0 =	simm.s32 @p0 $0x1  }
0x13: {  	[smem:$0x3FB9] =	sst s0;
	s0 =	simm.s32 @!p1 $0x0  }
0x14: {  	s2 =	sld [smem:$0x3F9D];
	s0 =	simm.s32 @p1 $0x1  }
0x15: {  	[smem:$0x3FBA] =	sst s0;
	s0 =	simm.s32 @!p2 $0x0  }
0x16: {  	s3 =	sld [smem:$0x3FDB];
	s0 =	simm.s32 @p2 $0x1  }
0x17: {  	s4 =	simm.s32 $0x1BF5;
	[smem:$0x3FBC] =	sst s0  }
0x18: {  	s0 =	sld [smem:$0x3F9F];
	_ =	swait.ge [sflag:s4], $0x0  }
0x19: {  	s7 =	sld [smem:$0x3FA0]  }
0x1a: {  	s8 =	sadd.s32 $0xFFFFE003, lr  }
0x1b: {  	s9 =	sadd.s32 $0xFFFFFEF7, lr;
	s5 =	simm.s32 $0xFFFFFFFF;
	p2 =	slt.u32 s8, $0xFFFFF086  }
0x1c: {  	p1 =	slt.u32 s9, $0xF7A;
	s5 =	simm.s32 @!p2 $0x0  }
0x1d: {  	s5 =	simm.s32 @p1 $0x1;
	p0 =	seq.s32 s7, s2  }
0x1e: {  	s7 =	smul.u32 @!p0 $0xF7A, s2;
	p2 =	seq.s32 @!p0 s5, $0x0  }
0x1f: {  	s9 =	smul.u32 $0xF7A, s1;
	s8 =	simm.s32 @!p0 $0x1BF5;
	p2 =	por !p2, p0  }
0x20: {  	[sflag:s8] =	ssyncset.s32 @!p0 $0xFFFFF086;
	s6 =	sadd.s32 @!p0 s3, s7;
	s7 =	simm.s32 @!p0 $0x108  }
0x21: {  	s3 =	sadd.s32 s3, s9;
	s6 =	sadd.s32 @!p0 $0x88, s6;
	s7 =	simm.s32 @p2 $0x1082  }
0x22: {  	[simem:s7], [sflag:s8] =	dma.local @!p0 [hbm:s6], $0xF7A  }
0x23: {  	s9 =	sor.u32 $0xD0000000, s2;
	s6 =	simm.s32 $0x108;
	_ =	swait.ge @!p0 [sflag:s8], $0x0  }
0x24: {  	s3 =	sadd.s32 $0x88, s3;
	s6 =	simm.s32 @!p1 $0x1082;
	[sflag:s4] =	ssyncset.s32 $0xFFFFF086  }
0x25: {  	[simem:s6], [sflag:s4] =	dma.local [hbm:s3], $0xF7A  }
0x26: {  	[smem:$0x3FA0] =	sst s1;
	(tag) =	ssettag s2;
	_ =	strace s9  }
0x27: {  	s1 =	sld [smem:$0x3FB0]  }
0x28: {  	s2 =	sld [smem:$0x3FB1]  }
0x29: {  	s4 =	sld [smem:$0x3FB3]  }
0x2a: {  	p0 =	seq.s32 s5, $0x0;
	s5 =	sld [smem:$0x3FB4]  }
0x2b: {  	s6 =	sld [smem:$0x3FB5]  }
0x2c: {  	s7 =	sld [smem:$0x3FB6]  }
0x2d: {  	s3 =	simm.s32 $0x108;
	s8 =	sld [smem:$0x3FB7]  }
0x2e: {  	s3 =	simm.s32 @!p0 $0x1082;
	s9 =	sld [smem:$0x3FB8]  }
0x2f: {  	lr =	sadd.s32 s0, s3;
	s0 =	sld [smem:$0x3FAF]  }
0x30: {  	s3 =	sld [smem:$0x3FB2]  }
0x31: {  	[smem:$0x3FBB] =	sst s10  }
0x32: {  	s10 =	sld [smem:$0x3FB9];
	_ =	sdelay $0x3  }
0x33: {  	p0 =	seq.s32 s10, $0x1;
	s10 =	sld [smem:$0x3FBB];
	_ =	sdelay $0x3  }
0x34: {  	[smem:$0x3FBB] =	sst s10  }
0x35: {  	s10 =	sld [smem:$0x3FBA];
	_ =	sdelay $0x3  }
0x36: {  	p1 =	seq.s32 s10, $0x1;
	s10 =	sld [smem:$0x3FBB];
	_ =	sdelay $0x3  }
0x37: {  	[smem:$0x3FBB] =	sst s10  }
0x38: {  	s10 =	sld [smem:$0x3FBC]  }
0x39: {  	_ = 	snop;
	(pc) =	sbr.ind lr, $3  }
0x3a: {  	_ = 	snop  }
0x3b: {  	_ = 	snop  }
0x3c: {  	p2 =	seq.s32 s10, $0x1;
	s10 =	sld [smem:$0x3FBB]  }
0x3d: {  	_ =	shalt  }
0x3e: {  	_ =	shalt  }
0x3f: {  	_ =	shalt  }
0x40: {  	_ =	shalt  }
0x41: {  	_ =	shalt  }
0x42: {  	_ =	shalt  }
0x43: {  	_ =	shalt  }
0x44: {  	_ =	shalt  }
0x45: {  	_ =	shalt  }
0x46: {  	_ =	shalt  }
0x47: {  	_ =	shalt  }
0x48: {  	_ =	shalt  }
0x49: {  	_ =	shalt  }
0x4a: {  	_ =	shalt  }
0x4b: {  	_ =	shalt  }
0x4c: {  	_ =	shalt  }
0x4d: {  	_ =	shalt  }
0x4e: {  	_ =	shalt  }
0x4f: {  	_ =	shalt  }
0x50: {  	_ =	shalt  }
0x51: {  	_ =	shalt  }
0x52: {  	_ =	shalt  }
0x53: {  	_ =	shalt  }
0x54: {  	_ =	shalt  }
0x55: {  	_ =	shalt  }
0x56: {  	_ =	shalt  }
0x57: {  	_ =	shalt  }
0x58: {  	_ =	shalt  }
0x59: {  	_ =	shalt  }
0x5a: {  	_ =	shalt  }
0x5b: {  	_ =	shalt  }
0x5c: {  	_ =	shalt  }
0x5d: {  	_ =	shalt  }
0x5e: {  	_ =	shalt  }
0x5f: {  	_ =	shalt  }
0x60: {  	_ =	shalt  }
0x61: {  	_ =	shalt  }
0x62: {  	_ =	shalt  }
0x63: {  	_ =	shalt  }
0x64: {  	_ =	shalt  }
0x65: {  	_ =	shalt  }
0x66: {  	_ =	shalt  }
0x67: {  	_ =	shalt  }
0x68: {  	_ =	shalt  }
0x69: {  	_ =	shalt  }
0x6a: {  	_ =	shalt  }
0x6b: {  	_ =	shalt  }
0x6c: {  	_ =	shalt  }
0x6d: {  	_ =	shalt  }
0x6e: {  	_ =	shalt  }
0x6f: {  	_ =	shalt  }
0x70: {  	_ =	shalt  }
0x71: {  	_ =	shalt  }
0x72: {  	_ =	shalt  }
0x73: {  	_ =	shalt  }
0x74: {  	_ =	shalt  }
0x75: {  	_ =	shalt  }
0x76: {  	_ =	shalt  }
0x77: {  	_ =	shalt  }
0x78: {  	_ =	shalt  }
0x79: {  	_ =	shalt  }
0x7a: {  	_ =	shalt  }
0x7b: {  	_ =	shalt  }
0x7c: {  	_ =	shalt  }
0x7d: {  	_ =	shalt  }
0x7e: {  	_ =	shalt  }
0x7f: {  	_ =	shalt  }
0x80: {  	_ =	shalt  }
0x81: {  	_ =	shalt  }
0x82: {  	_ =	shalt  }
0x83: {  	_ =	shalt  }
0x84: {  	_ =	shalt  }
0x85: {  	_ =	shalt  }
0x86: {  	_ =	shalt  }
0x87: {  	_ =	shalt  }
.Lfunc_end0:
.L_simem_size_0:
called_computation.1_lowered:
.L_overlay_start_0:
0x88: {  	s2 =	sld [smem:$0x3FD9]  }
0x89: {  	s3 =	sld [smem:$0x3FFE];
	_ =	sdelay $0x1  }
0x8a: {  	s1 =	srdreg.scid  }
0x8b: {  	s0 =	sand.u32 $0x1, s1  }
0x8c: {  	s16 =	sshll.u32 s0, $0xA;
	s2 =	sadd.s32 s3, s2  }
0x8d: {  	s2 =	sadd.s32 s2, s16  }
0x8e: {  	[smem:$0x3FC7] =	sst s2  }
0x8f: {  	_ = 	snop  }
0x90: {  	(tm) =	ssettm $0x1  }
0x91: {  	s17 =	sld [smem:$0x3FFB];
	_ =	sdelay $0x3  }
0x92: {  	_ =	strace s17  }
0x93: {  	s2 =	sld [smem:$0x3FFC];
	_ =	sdelay $0x3  }
0x94: {  	_ =	strace s2  }
0x95: {  	s2 =	sld [smem:$0x3FFD];
	_ =	sdelay $0x3  }
0x96: {  	_ =	strace s2  }
0x97: {  	_ =	strace $0x8FFFFFFF  }
0x98: {  	s18 =	sld [smem:$0x3FDB];
	_ =	sdelay $0x1  }
0x99: {  	s19 =	simm.s32 $_scs_section_size  }
0x9a: {  	s4 =	simm.s32 $_size__tile_overlayer_lowered;
	s5 =	simm.s32 $_tile_overlayer_lowered  }
0x9b: {  	s22 =	simm.s32 $0x1BFF;
	s21 =	sshll.u32 s5, $0x1;
	s2 =	sadd.s32 s19, s18  }
0x9c: {  	s6 =	simm.s32 $0x0;
	s20 =	sshll.u32 s4, $0x1;
	s4 =	sadd.s32 s21, s2  }
0x9d: {  	[timem:s6], [sflag:s22] =	dma.local [hbm:s4], s20  }
0x9e: {  	_ =	swait.ge [sflag:s22], s20  }
0x9f: {  	s3 =	ssub.s32 $0x0, s20;
	[sflag:s22] =	ssyncset.done $0x0  }
0xa0: {  	[sflag:s22] =	ssyncadd.s32 s3;
	_ =	sdelay $0x1  }
0xa1: {  	s23 =	simm.s32 $0x1B8B  }
0xa2: {  	_ =	swait.ge [sflag:s23], $0x1  }
0xa3: {  	[sflag:s23] =	ssyncset.done $0x0  }
0xa4: {  	s25 =	simm.s32 $0x1B8E;
	s24 =	sld [smem:$0x3FFE];
	[sflag:s23] =	ssyncadd.s32 $0xFFFFFFFF  }
0xa5: {  	s26 =	simm.s32 $execute0_lowered;
	[smem:$0x3FD2] =	sst s25  }
0xa6: {  	s4 =	sshll.u32 s26, $0x1;
	_ =	strace $0x80000049;
	[dreg:$0x1] =	wrdreg $0xFFFFFFFF  }
0xa7: {  	s28 =	simm.s32 $_size_execute0_lowered;
	s2 =	sadd.s32 s2, s4;
	[dreg:$0x0] =	wrdreg $0x0  }
0xa8: {  	s4 =	sshll.u32 s28, $0x1;
	[dreg:$0x2] =	wrdreg s2  }
0xa9: {  	[dreg:$0x3] =	wrdreg s4  }
0xaa: {  	[dreg:$0x4] =	wrdreg $0xC0  }
0xab: {  	_ =	task [dreg:s6], $0x5FFFF  }
0xac: {  	[dreg:$0x1] =	wrdreg $0xFFFFFFFF  }
0xad: {  	[dreg:$0x0] =	wrdreg $0x60  }
0xae: {  	[dreg:$0x2] =	wrdreg s24  }
0xaf: {  	[dreg:$0x3] =	wrdreg $0xD9800  }
0xb0: {  	[dreg:$0x4] =	wrdreg $0xD9A80  }
0xb1: {  	[dreg:$0x5] =	wrdreg $0x9  }
0xb2: {  	_ =	task.clear_ibuf [dreg:s6], $0x6FFFF;
	_ =	strace $0x90000049  }
0xb3: {  	s29 =	simm.s32 $0x9;
	_ =	strace $0x8000004B  }
0xb4: {  	_ =	swait.ge [sflag:s29], $0x1  }
0xb5: {  	[sflag:s29] =	ssyncadd.s32 $0xFFFFFFFF  }
0xb6: {  	_ =	strace $0x9000004B  }
0xb7: {  	_ =	sfence  }
0xb8: {  	s30 =	sld [smem:$0x0];
	_ =	sdelay $0x2  }
0xb9: {  	s31 =	sshll.u32 s1, $0xD;
	s1 =	sshrl.u32 s1, $0x2  }
0xba: {  	s3 =	sand.u32 $0x4000, s31;
	s1 =	sadd.s32 s1, s30  }
0xbb: {  	s0 =	sor.u32 s3, s0;
	s1 =	sshll.u32 s1, $0x11  }
0xbc: {  	s0 =	sor.u32 s1, s0  }
0xbd: {  	s0 =	sadd.s32 $0x8F2B, s0  }
0xbe: {  	[sflag:s0] =	ssyncadd.remote.s32 $0x1  }
0xbf: {  	_ =	sfence.sel $0xFFFF  }
0xc0: {  	[dreg:$0x0] =	wrdreg $0xFFFFFFFF;
	(pc) =	sbr.abs _section_cstart, $3  }
0xc1: {  	[dreg:$0x1] =	wrdreg $0xFFFFFFFF  }
0xc2: {  	_ =	task.clear_ibuf [dreg:s6], $0x2FFFF;
	_ =	strace $0x9FFFFFFF  }
0xc3: {  	(tm) =	ssettm $0x7FFFFFFF  }
tec
execute0_lowered:
.L_overlay_start_1:
0x0: {  	(tag) =	ssettag $0x1  }
0x1: {  	s7 =	rddreg [dreg:$0x0]  }
0x2: {  	s1 =	rddreg [dreg:$0x1]  }
0x3: {  	s2 =	rddreg [dreg:$0x2]  }
0x4: {  	s3 =	srdreg.scid;
	s0 =	rddreg [dreg:$0x3]  }
0x5: {  	s9 =	stileid.u32;
	s13 =	simm.s32 $0x1000;
	s14 =	simm.s32 $0x80000  }
0x6: {  	s15 =	simm.s32 $0xB280;
	s16 =	simm.s32 $0xB500;
	s6 =	sand.u32 $0x1, s3  }
0x7: {  	s17 =	simm.s32 $0x0;
	s3 =	simm.s32 $0x0;
	s4 =	sshll.u32 s6, $0x4  }
0x8: {  	s5 =	sadd.s32 $0xE00, s7;
	p0 =	sne.s32 s9, $0x0;
	s4 =	sor.u32 s9, s4  }
0x9: {  	v2 =	vimm.f32 $0.0e+00;
	[smem:$0x7FF] =	sst s3;
	s10 =	ssub.s32 $0x2, s6;
	s8 =	smul.u32 $0x7A30, s4  }
.Ltmp0:
0xa: {  	v3 =	vlaneseq.u32;
	v4 =	vimm.s32 $0x80000000;
	v5 =	vimm.s32 $0xF4400;
	s6 =	sadd.s32 $0x1000, s7;
	_ =	strace $0x8000004A;
	(pc) =	sbr.rel .LBB2_1-.Ltmp0, $4  }
0xb: {  	v6 =	vimm.s32 $0x0;
	v8 =	vimm.s32 $0x1;
	v7 =	vmul.u32 $0x100, v3;
	s12 =	sshrl.u32 s10, $0x1;
	s9 =	simm.s32 $0x7A80;
	s4 =	sadd.s32 $0xC00, s7  }
0xc: {  	v9 =	vor.u32 $0x70, v3;
	v10 =	vor.u32 $0x60, v3;
	s10 =	ssub.s32 s10, s12;
	s11 =	sshrl.u32 s8, $0x3;
	v0 =	vmov s8;
	s8 =	sadd.s32 $0x7A30, s8  }
0xd: {  	v11 =	vor.u32 $0x50, v3;
	v12 =	vor.u32 $0x40, v3;
	s12 =	simm.s32 $0x9A80;
	s7 =	sadd.s32 s11, s7;
	v1 =	vmov s8;
	s8 =	smax.u32 s10, $0x1  }
0xe: {  	v13 =	vor.u32 $0x30, v3;
	v14 =	vor.u32 $0x20, v3;
	v15 =	vor.u32 $0x10, v3;
	s10 =	simm.s32 $0x1;
	s11 =	simm.s32 $0x8A80;
	s7 =	sadd.s32 $0x1200, s7  }
.LBB2_28:
0xf: {  	v20 =	vld [tilespmem:$0x1FFF0]  }
0x10: {  	v46 =	vld [tilespmem:$0x1FF80]  }
0x11: {  	v45 =	vld [tilespmem:$0x1FF70]  }
0x12: {  	vm1 =	vmand vm12, vm1;
	v21 =	vld [tilespmem:$0x1FF90]  }
0x13: {  	vm5 =	vmand vm15, vm5;
	vm2 =	vmand vm13, vm2;
	vm7 =	vlt.s32 v19, s21;
	v50 =	vld [tilespmem:$0x1FFA0]  }
0x14: {  	vm4 =	vmand vm10, vm4;
	vm12 =	vmmov vm9;
	vm0 =	vmand vm11, vm0  }
0x15: {  	v52 =	vld [tilespmem:$0x1FFB0];
	vm7 =	vmand vm14, vm7;
	vm6 =	vnez.u8 v20;
	vm10 =	vnez.u8 v46  }
0x16: {  	v54 =	vld [tilespmem:$0x1FFC0];
	vm3 =	vmand vm6, vm3;
	vm6 =	vlt.s32 v18, s21;
	vm7 =	vmand vm7, vm10  }
0x17: {  	vm8 =	vnez.u8 v45;
	vm6 =	vmand vm9, vm6;
	v48 =	vsel vm7, $0x1, v6  }
0x18: {  	v56 =	vld [tilespmem:$0x1FFD0];
	vm9 =	vnez.u8 v21;
	vm7 =	vnez.u8 v50;
	vm6 =	vmand vm6, vm8  }
0x19: {  	v58 =	vld [tilespmem:$0x1FFE0];
	vm0 =	vmand vm0, vm9;
	vm14 =	vmand vm4, vm7;
	v47 =	vsel vm6, $0x1, v6  }
0x1a: {  	v49 =	vsel vm0, $0x1, v6;
	v51 =	vsel vm14, $0x1, v6;
	vm6 =	vnez.u8 v52  }
0x1b: {  	v19 =	vadd.s32 v47, v48;
	vm15 =	vmand vm5, vm6;
	vm5 =	vnez.u8 v54  }
0x1c: {  	v19 =	vadd.s32 v49, v19;
	v53 =	vsel vm15, $0x1, v6;
	vm4 =	vmand vm2, vm5  }
0x1d: {  	v19 =	vadd.s32 v51, v19;
	v55 =	vsel vm4, $0x1, v6;
	vm4 =	vnez.u8 v56  }
0x1e: {  	vm2 =	vnez.u8 v58;
	v19 =	vadd.s32 v53, v19;
	vm11 =	vmand vm3, vm4  }
0x1f: {  	vm13 =	vmand vm1, vm2;
	v57 =	vsel vm11, $0x1, v6;
	v19 =	vadd.s32 v55, v19  }
0x20: {  	v59 =	vsel vm13, $0x1, v6;
	v19 =	vadd.s32 v57, v19  }
0x21: {  	v19 =	vadd.s32 v59, v19  }
0x22: {  	(xrf0) =	vadd.scan.msk.s32 $0xffff, v19;
	_ =	sdelay $0x5  }
0x23: {  	v19, _, _ =	vpop (xrf0)  }
0x24: {  	(v2sf) =	vpush v19, $0xF;
	_ =	sdelay $0xe  }
0x25: {  	s22 =	spop (v2sf)  }
0x26: {  	p1 =	slt.s32 s22, s20  }
0x27: {  	s19 =	smov.u32 @p1 s21  }
0x28: {  	vm14 =	vle.s32 v18, s19  }
0x29: {  	vm15 =	vgt.s32 v16, v17;
	vm0 =	vmand vm12, vm14  }
0x2a: {  	vm0 =	vmor vm15, vm0  }
0x2b: {  	vm0 =	vmand vm8, vm0  }
0x2c: {  	v60 =	vmpcnt.ones.xlane vm0;
	_ =	sdelay $0x1  }
0x2d: {  	(v2sf) =	vpush v60, $0x0;
	_ =	sdelay $0x4  }
0x2e: {  	s20 =	smov.u32 s18;
	p1 =	slt.s32 s18, $0x210  }
0x2f: {  	s20 =	simm.s32 @!p1 $0x210  }
0x30: {  	[tilespmem:s20+$0xB280] =	vst.msk vm0, v16  }
0x31: {  	[tilespmem:s20+$0xB500] =	vst.msk vm0, v18  }
0x32: {  	v16 =	vld [tilespmem:$0xD890]  }
0x33: {  	v18 =	vld [tilespmem:$0xD910];
	_ =	sdelay $0x4  }
0x34: {  	vm11 =	veq.s32 v16, v17;
	vm12 =	vle.s32 v18, s19;
	s23 =	spop (v2sf)  }
0x35: {  	vm13 =	vgt.s32 v16, v17;
	vm0 =	vmand vm11, vm12;
	s24 =	sadd.s32 s18, s23  }
0x36: {  	vm0 =	vmor vm13, vm0;
	p1 =	slt.s32 s24, $0x210;
	s20 =	smov.u32 s24  }
0x37: {  	vm0 =	vmand vm10, vm0;
	s20 =	simm.s32 @!p1 $0x210  }
0x38: {  	[tilespmem:s20+$0xB280] =	vst.msk vm0, v16;
	v16 =	vmpcnt.ones.xlane vm0  }
0x39: {  	[tilespmem:s20+$0xB500] =	vst.msk vm0, v18  }
0x3a: {  	(v2sf) =	vpush v16, $0x0;
	v16 =	vld [tilespmem:$0xD8A0]  }
0x3b: {  	v18 =	vld [tilespmem:$0xD920];
	_ =	sdelay $0x4  }
0x3c: {  	vm14 =	veq.s32 v16, v17;
	vm15 =	vle.s32 v18, s19  }
0x3d: {  	vm8 =	vgt.s32 v16, v17;
	vm0 =	vmand vm14, vm15  }
0x3e: {  	vm0 =	vmor vm8, vm0  }
0x3f: {  	vm0 =	vmand vm9, vm0  }
0x40: {  	v61 =	vmpcnt.ones.xlane vm0;
	_ =	sdelay $0x1  }
0x41: {  	(v2sf) =	vpush v61, $0x0;
	_ =	sdelay $0x2  }
0x42: {  	s25 =	spop (v2sf)  }
0x43: {  	s18 =	sadd.s32 s24, s25  }
0x44: {  	p1 =	slt.s32 s18, $0x210;
	s20 =	smov.u32 s18  }
0x45: {  	s20 =	simm.s32 @!p1 $0x210  }
0x46: {  	[tilespmem:s20+$0xB280] =	vst.msk vm0, v16  }
0x47: {  	[tilespmem:s20+$0xB500] =	vst.msk vm0, v18  }
0x48: {  	v16 =	vld [tilespmem:$0xD8B0]  }
0x49: {  	v18 =	vld [tilespmem:$0xD930];
	_ =	sdelay $0x4  }
0x4a: {  	s26 =	spop (v2sf);
	vm10 =	veq.s32 v16, v17;
	vm11 =	vle.s32 v18, s19  }
0x4b: {  	vm12 =	vgt.s32 v16, v17;
	s18 =	sadd.s32 s18, s26;
	vm0 =	vmand vm10, vm11  }
0x4c: {  	vm0 =	vmor vm12, vm0;
	p1 =	slt.s32 s18, $0x210;
	s20 =	smov.u32 s18  }
0x4d: {  	vm0 =	vmand vm7, vm0;
	s20 =	simm.s32 @!p1 $0x210  }
0x4e: {  	[tilespmem:s20+$0xB280] =	vst.msk vm0, v16;
	v16 =	vmpcnt.ones.xlane vm0  }
0x4f: {  	[tilespmem:s20+$0xB500] =	vst.msk vm0, v18  }
0x50: {  	(v2sf) =	vpush v16, $0x0;
	v16 =	vld [tilespmem:$0xD8C0]  }
0x51: {  	v18 =	vld [tilespmem:$0xD940];
	_ =	sdelay $0x4  }
0x52: {  	vm13 =	veq.s32 v16, v17;
	vm14 =	vle.s32 v18, s19  }
0x53: {  	vm15 =	vgt.s32 v16, v17;
	vm0 =	vmand vm13, vm14  }
0x54: {  	vm0 =	vmor vm15, vm0  }
0x55: {  	vm0 =	vmand vm6, vm0  }
0x56: {  	v62 =	vmpcnt.ones.xlane vm0;
	_ =	sdelay $0x1  }
0x57: {  	(v2sf) =	vpush v62, $0x0;
	_ =	sdelay $0x2  }
0x58: {  	s28 =	spop (v2sf)  }
0x59: {  	s18 =	sadd.s32 s18, s28  }
0x5a: {  	p1 =	slt.s32 s18, $0x210;
	s20 =	smov.u32 s18  }
0x5b: {  	s20 =	simm.s32 @!p1 $0x210  }
0x5c: {  	[tilespmem:s20+$0xB280] =	vst.msk vm0, v16  }
0x5d: {  	[tilespmem:s20+$0xB500] =	vst.msk vm0, v18  }
0x5e: {  	v16 =	vld [tilespmem:$0xD8D0]  }
0x5f: {  	v18 =	vld [tilespmem:$0xD950];
	_ =	sdelay $0x4  }
0x60: {  	s29 =	spop (v2sf);
	vm7 =	veq.s32 v16, v17;
	vm8 =	vle.s32 v18, s19  }
0x61: {  	vm9 =	vgt.s32 v16, v17;
	s18 =	sadd.s32 s18, s29;
	vm0 =	vmand vm7, vm8  }
0x62: {  	vm0 =	vmor vm9, vm0;
	p1 =	slt.s32 s18, $0x210;
	s20 =	smov.u32 s18  }
0x63: {  	vm0 =	vmand vm5, vm0;
	s20 =	simm.s32 @!p1 $0x210  }
0x64: {  	[tilespmem:s20+$0xB280] =	vst.msk vm0, v16;
	v16 =	vmpcnt.ones.xlane vm0  }
0x65: {  	[tilespmem:s20+$0xB500] =	vst.msk vm0, v18  }
0x66: {  	(v2sf) =	vpush v16, $0x0;
	v16 =	vld [tilespmem:$0xD8E0]  }
0x67: {  	v18 =	vld [tilespmem:$0xD960];
	_ =	sdelay $0x4  }
0x68: {  	vm10 =	veq.s32 v16, v17;
	vm11 =	vle.s32 v18, s19  }
0x69: {  	vm12 =	vgt.s32 v16, v17;
	vm0 =	vmand vm10, vm11  }
0x6a: {  	vm0 =	vmor vm12, vm0  }
0x6b: {  	vm0 =	vmand vm4, vm0  }
0x6c: {  	v63 =	vmpcnt.ones.xlane vm0;
	_ =	sdelay $0x1  }
0x6d: {  	(v2sf) =	vpush v63, $0x0;
	_ =	sdelay $0x2  }
0x6e: {  	s30 =	spop (v2sf)  }
0x6f: {  	s18 =	sadd.s32 s18, s30  }
0x70: {  	p1 =	slt.s32 s18, $0x210;
	s20 =	smov.u32 s18  }
0x71: {  	s20 =	simm.s32 @!p1 $0x210  }
0x72: {  	[tilespmem:s20+$0xB280] =	vst.msk vm0, v16  }
0x73: {  	[tilespmem:s20+$0xB500] =	vst.msk vm0, v18  }
0x74: {  	v16 =	vld [tilespmem:$0xD8F0]  }
0x75: {  	v18 =	vld [tilespmem:$0xD970];
	_ =	sdelay $0x4  }
0x76: {  	s31 =	spop (v2sf);
	vm13 =	veq.s32 v16, v17;
	vm14 =	vle.s32 v18, s19  }
0x77: {  	vm15 =	vgt.s32 v16, v17;
	s18 =	sadd.s32 s18, s31;
	vm0 =	vmand vm13, vm14  }
0x78: {  	vm0 =	vmor vm15, vm0;
	p1 =	slt.s32 s18, $0x210  }
0x79: {  	vm0 =	vmand vm2, vm0;
	s18 =	simm.s32 @!p1 $0x210  }
0x7a: {  	[tilespmem:s18+$0xB280] =	vst.msk vm0, v16  }
0x7b: {  	[tilespmem:s18+$0xB500] =	vst.msk vm0, v18  }
0x7c: {  	[spmem:s1] =	stream.linear.scatter [tilespmem:s15], [sflag:$0x1], $0x280, $0x38;
	[tilespmem:$0xD9D0] =	vst v63  }
0x7d: {  	_ =	swait.ge [sflag:s10], $0x280  }
0x7e: {  	[sflag:s10] =	ssyncset.done $0x0  }
0x7f: {  	[sflag:s10] =	ssyncadd.s32 $0xFFFFFD80  }
0x80: {  	[spmem:s2] =	stream.linear.scatter [tilespmem:s16], [sflag:$0x1], $0x280, $0x38;
	[tilespmem:$0xD9D0] =	vst v63  }
0x81: {  	_ =	swait.ge [sflag:s10], $0x280  }
0x82: {  	[sflag:s10] =	ssyncset.done $0x0  }
0x83: {  	[sflag:s10] =	ssyncadd.s32 $0xFFFFFD80  }
.LBB2_29:
0x84: {  	[bflag:$0x0] =	sbarrier.arrive $0xFFFF  }
0x85: {  	[tilespmem:s15], [sflag:$0x1] =	stream.linear.gather [spmem:s1], $0x280, $0x38;
	[tilespmem:$0xD9D0] =	vst v63  }
0x86: {  	_ =	swait.ge [sflag:s10], $0x280  }
0x87: {  	[sflag:s10] =	ssyncset.done $0x0  }
0x88: {  	[sflag:s10] =	ssyncadd.s32 $0xFFFFFD80  }
0x89: {  	[tilespmem:s16], [sflag:$0x1] =	stream.linear.gather [spmem:s2], $0x280, $0x38;
	[tilespmem:$0xD9D0] =	vst v63  }
0x8a: {  	_ =	swait.ge [sflag:s10], $0x280  }
0x8b: {  	[sflag:s10] =	ssyncset.done $0x0  }
0x8c: {  	[sflag:s10] =	ssyncadd.s32 $0xFFFFFD80  }
0x8d: {  	v16 =	vld [tilespmem:$0xB500];
	_ =	sdelay $0x3  }
0x8e: {  	v17 =	vld [tilespmem:$0xB280]  }
0x8f: {  	vm0 =	vge.s32 v16, v0;
	vm1 =	vlt.s32 v16, v1  }
0x90: {  	vm0 =	vmand vm0, vm1  }
0x91: {  	v16 =	vsub.s32 v16, v0;
	_ =	sdelay $0x1  }
0x92: {  	v18 =	vshra.s32 v17, $0x1F  }
0x93: {  	v18 =	vand.u32 $0x7FFFFFFF, v18  }
0x94: {  	v17 =	vxor.u32 v17, v18  }
0x95: {  	[tilespmem:v16+s3+$0x0] =	vst.idx.msk vm0, v17  }
0x96: {  	v16 =	vld [tilespmem:$0xB510];
	_ =	sdelay $0x3  }
0x97: {  	v17 =	vld [tilespmem:$0xB290]  }
0x98: {  	vm10 =	vge.s32 v16, v0;
	vm11 =	vlt.s32 v16, v1  }
0x99: {  	vm0 =	vmand vm10, vm11  }
0x9a: {  	v16 =	vsub.s32 v16, v0;
	_ =	sdelay $0x1  }
0x9b: {  	v31 =	vshra.s32 v17, $0x1F  }
0x9c: {  	v18 =	vand.u32 $0x7FFFFFFF, v31  }
0x9d: {  	v17 =	vxor.u32 v17, v18  }
0x9e: {  	[tilespmem:v16+s3+$0x0] =	vst.idx.msk vm0, v17  }
0x9f: {  	v16 =	vld [tilespmem:$0xB520];
	_ =	sdelay $0x3  }
0xa0: {  	v17 =	vld [tilespmem:$0xB2A0]  }
0xa1: {  	vm12 =	vge.s32 v16, v0;
	vm13 =	vlt.s32 v16, v1  }
0xa2: {  	vm0 =	vmand vm12, vm13  }
0xa3: {  	v16 =	vsub.s32 v16, v0;
	_ =	sdelay $0x1  }
0xa4: {  	v32 =	vshra.s32 v17, $0x1F  }
0xa5: {  	v18 =	vand.u32 $0x7FFFFFFF, v32  }
0xa6: {  	v17 =	vxor.u32 v17, v18  }
0xa7: {  	[tilespmem:v16+s3+$0x0] =	vst.idx.msk vm0, v17  }
0xa8: {  	v16 =	vld [tilespmem:$0xB530];
	_ =	sdelay $0x3  }
0xa9: {  	v17 =	vld [tilespmem:$0xB2B0]  }
0xaa: {  	vm14 =	vge.s32 v16, v0;
	vm15 =	vlt.s32 v16, v1  }
0xab: {  	vm0 =	vmand vm14, vm15  }
0xac: {  	v16 =	vsub.s32 v16, v0;
	_ =	sdelay $0x1  }
0xad: {  	v33 =	vshra.s32 v17, $0x1F  }
0xae: {  	v18 =	vand.u32 $0x7FFFFFFF, v33  }
0xaf: {  	v17 =	vxor.u32 v17, v18  }
0xb0: {  	[tilespmem:v16+s3+$0x0] =	vst.idx.msk vm0, v17  }
0xb1: {  	v16 =	vld [tilespmem:$0xB540];
	_ =	sdelay $0x3  }
0xb2: {  	v17 =	vld [tilespmem:$0xB2C0]  }
0xb3: {  	vm4 =	vge.s32 v16, v0;
	vm5 =	vlt.s32 v16, v1  }
0xb4: {  	vm0 =	vmand vm4, vm5  }
0xb5: {  	v16 =	vsub.s32 v16, v0;
	_ =	sdelay $0x1  }
0xb6: {  	v34 =	vshra.s32 v17, $0x1F  }
0xb7: {  	v18 =	vand.u32 $0x7FFFFFFF, v34  }
0xb8: {  	v17 =	vxor.u32 v17, v18  }
0xb9: {  	[tilespmem:v16+s3+$0x0] =	vst.idx.msk vm0, v17  }
0xba: {  	v16 =	vld [tilespmem:$0xB550];
	_ =	sdelay $0x3  }
0xbb: {  	v17 =	vld [tilespmem:$0xB2D0]  }
0xbc: {  	vm6 =	vge.s32 v16, v0;
	vm7 =	vlt.s32 v16, v1  }
0xbd: {  	vm0 =	vmand vm6, vm7  }
0xbe: {  	v16 =	vsub.s32 v16, v0;
	_ =	sdelay $0x1  }
0xbf: {  	v35 =	vshra.s32 v17, $0x1F  }
0xc0: {  	v18 =	vand.u32 $0x7FFFFFFF, v35  }
0xc1: {  	v17 =	vxor.u32 v17, v18  }
0xc2: {  	[tilespmem:v16+s3+$0x0] =	vst.idx.msk vm0, v17  }
0xc3: {  	v16 =	vld [tilespmem:$0xB560];
	_ =	sdelay $0x3  }
0xc4: {  	v17 =	vld [tilespmem:$0xB2E0]  }
0xc5: {  	vm8 =	vge.s32 v16, v0;
	vm9 =	vlt.s32 v16, v1  }
0xc6: {  	vm0 =	vmand vm8, vm9  }
0xc7: {  	v16 =	vsub.s32 v16, v0;
	_ =	sdelay $0x1  }
0xc8: {  	v36 =	vshra.s32 v17, $0x1F  }
0xc9: {  	v18 =	vand.u32 $0x7FFFFFFF, v36  }
0xca: {  	v17 =	vxor.u32 v17, v18  }
0xcb: {  	[tilespmem:v16+s3+$0x0] =	vst.idx.msk vm0, v17  }
0xcc: {  	v16 =	vld [tilespmem:$0xB570];
	_ =	sdelay $0x3  }
0xcd: {  	v17 =	vld [tilespmem:$0xB2F0]  }
0xce: {  	vm10 =	vge.s32 v16, v0;
	vm11 =	vlt.s32 v16, v1  }
0xcf: {  	vm0 =	vmand vm10, vm11  }
0xd0: {  	v16 =	vsub.s32 v16, v0;
	_ =	sdelay $0x1  }
0xd1: {  	v37 =	vshra.s32 v17, $0x1F  }
0xd2: {  	v18 =	vand.u32 $0x7FFFFFFF, v37  }
0xd3: {  	v17 =	vxor.u32 v17, v18  }
0xd4: {  	[tilespmem:v16+s3+$0x0] =	vst.idx.msk vm0, v17  }
0xd5: {  	v16 =	vld [tilespmem:$0xB580];
	_ =	sdelay $0x3  }
0xd6: {  	v17 =	vld [tilespmem:$0xB300]  }
0xd7: {  	vm12 =	vge.s32 v16, v0;
	vm13 =	vlt.s32 v16, v1  }
0xd8: {  	vm0 =	vmand vm12, vm13  }
0xd9: {  	v16 =	vsub.s32 v16, v0;
	_ =	sdelay $0x1  }
0xda: {  	v38 =	vshra.s32 v17, $0x1F  }
0xdb: {  	v18 =	vand.u32 $0x7FFFFFFF, v38  }
0xdc: {  	v17 =	vxor.u32 v17, v18  }
0xdd: {  	[tilespmem:v16+s3+$0x0] =	vst.idx.msk vm0, v17  }
0xde: {  	v16 =	vld [tilespmem:$0xB590];
	_ =	sdelay $0x3  }
0xdf: {  	v17 =	vld [tilespmem:$0xB310]  }
0xe0: {  	vm14 =	vge.s32 v16, v0;
	vm15 =	vlt.s32 v16, v1  }
0xe1: {  	vm0 =	vmand vm14, vm15  }
0xe2: {  	v16 =	vsub.s32 v16, v0;
	_ =	sdelay $0x1  }
0xe3: {  	v39 =	vshra.s32 v17, $0x1F  }
0xe4: {  	v18 =	vand.u32 $0x7FFFFFFF, v39  }
0xe5: {  	v17 =	vxor.u32 v17, v18  }
0xe6: {  	[tilespmem:v16+s3+$0x0] =	vst.idx.msk vm0, v17  }
0xe7: {  	v16 =	vld [tilespmem:$0xB5A0];
	_ =	sdelay $0x3  }
0xe8: {  	v17 =	vld [tilespmem:$0xB320]  }
0xe9: {  	vm4 =	vge.s32 v16, v0;
	vm5 =	vlt.s32 v16, v1  }
0xea: {  	vm0 =	vmand vm4, vm5  }
0xeb: {  	v16 =	vsub.s32 v16, v0;
	_ =	sdelay $0x1  }
0xec: {  	v40 =	vshra.s32 v17, $0x1F  }
0xed: {  	v18 =	vand.u32 $0x7FFFFFFF, v40  }
0xee: {  	v17 =	vxor.u32 v17, v18  }
0xef: {  	[tilespmem:v16+s3+$0x0] =	vst.idx.msk vm0, v17  }
0xf0: {  	v16 =	vld [tilespmem:$0xB5B0];
	_ =	sdelay $0x3  }
0xf1: {  	v17 =	vld [tilespmem:$0xB330]  }
0xf2: {  	vm6 =	vge.s32 v16, v0;
	vm7 =	vlt.s32 v16, v1  }
0xf3: {  	vm0 =	vmand vm6, vm7  }
0xf4: {  	v16 =	vsub.s32 v16, v0;
	_ =	sdelay $0x1  }
0xf5: {  	v41 =	vshra.s32 v17, $0x1F  }
0xf6: {  	v18 =	vand.u32 $0x7FFFFFFF, v41  }
0xf7: {  	v17 =	vxor.u32 v17, v18  }
0xf8: {  	[tilespmem:v16+s3+$0x0] =	vst.idx.msk vm0, v17  }
0xf9: {  	v16 =	vld [tilespmem:$0xB5C0];
	_ =	sdelay $0x3  }
0xfa: {  	v17 =	vld [tilespmem:$0xB340]  }
0xfb: {  	vm8 =	vge.s32 v16, v0;
	vm9 =	vlt.s32 v16, v1  }
0xfc: {  	vm0 =	vmand vm8, vm9  }
0xfd: {  	v16 =	vsub.s32 v16, v0;
	_ =	sdelay $0x1  }
0xfe: {  	v42 =	vshra.s32 v17, $0x1F  }
0xff: {  	v18 =	vand.u32 $0x7FFFFFFF, v42  }
0x100: {  	v17 =	vxor.u32 v17, v18  }
0x101: {  	[tilespmem:v16+s3+$0x0] =	vst.idx.msk vm0, v17  }
0x102: {  	v16 =	vld [tilespmem:$0xB5D0];
	_ =	sdelay $0x3  }
0x103: {  	v17 =	vld [tilespmem:$0xB350]  }
0x104: {  	vm10 =	vge.s32 v16, v0;
	vm11 =	vlt.s32 v16, v1  }
0x105: {  	vm0 =	vmand vm10, vm11  }
0x106: {  	v16 =	vsub.s32 v16, v0;
	_ =	sdelay $0x1  }
0x107: {  	v43 =	vshra.s32 v17, $0x1F  }
0x108: {  	v18 =	vand.u32 $0x7FFFFFFF, v43  }
0x109: {  	v17 =	vxor.u32 v17, v18  }
0x10a: {  	[tilespmem:v16+s3+$0x0] =	vst.idx.msk vm0, v17  }
0x10b: {  	v16 =	vld [tilespmem:$0xB5E0];
	_ =	sdelay $0x3  }
0x10c: {  	v17 =	vld [tilespmem:$0xB360]  }
0x10d: {  	vm12 =	vge.s32 v16, v0;
	vm13 =	vlt.s32 v16, v1  }
0x10e: {  	vm0 =	vmand vm12, vm13  }
0x10f: {  	v16 =	vsub.s32 v16, v0;
	_ =	sdelay $0x1  }
0x110: {  	v44 =	vshra.s32 v17, $0x1F  }
0x111: {  	v18 =	vand.u32 $0x7FFFFFFF, v44  }
0x112: {  	v17 =	vxor.u32 v17, v18  }
0x113: {  	[tilespmem:v16+s3+$0x0] =	vst.idx.msk vm0, v17  }
0x114: {  	v16 =	vld [tilespmem:$0xB5F0];
	_ =	sdelay $0x3  }
0x115: {  	v17 =	vld [tilespmem:$0xB370]  }
0x116: {  	vm14 =	vge.s32 v16, v0;
	vm15 =	vlt.s32 v16, v1  }
0x117: {  	vm0 =	vmand vm14, vm15  }
0x118: {  	v16 =	vsub.s32 v16, v0;
	_ =	sdelay $0x1  }
0x119: {  	v45 =	vshra.s32 v17, $0x1F  }
0x11a: {  	v18 =	vand.u32 $0x7FFFFFFF, v45  }
0x11b: {  	v17 =	vxor.u32 v17, v18  }
0x11c: {  	[tilespmem:v16+s3+$0x0] =	vst.idx.msk vm0, v17  }
0x11d: {  	v16 =	vld [tilespmem:$0xB600];
	_ =	sdelay $0x3  }
0x11e: {  	v17 =	vld [tilespmem:$0xB380]  }
0x11f: {  	vm4 =	vge.s32 v16, v0;
	vm5 =	vlt.s32 v16, v1  }
0x120: {  	vm0 =	vmand vm4, vm5  }
0x121: {  	v16 =	vsub.s32 v16, v0;
	_ =	sdelay $0x1  }
0x122: {  	v46 =	vshra.s32 v17, $0x1F  }
0x123: {  	v18 =	vand.u32 $0x7FFFFFFF, v46  }
0x124: {  	v17 =	vxor.u32 v17, v18  }
0x125: {  	[tilespmem:v16+s3+$0x0] =	vst.idx.msk vm0, v17  }
0x126: {  	v16 =	vld [tilespmem:$0xB610];
	_ =	sdelay $0x3  }
0x127: {  	v17 =	vld [tilespmem:$0xB390]  }
0x128: {  	vm6 =	vge.s32 v16, v0;
	vm7 =	vlt.s32 v16, v1  }
0x129: {  	vm0 =	vmand vm6, vm7  }
0x12a: {  	v16 =	vsub.s32 v16, v0;
	_ =	sdelay $0x1  }
0x12b: {  	v47 =	vshra.s32 v17, $0x1F  }
0x12c: {  	v18 =	vand.u32 $0x7FFFFFFF, v47  }
0x12d: {  	v17 =	vxor.u32 v17, v18  }
0x12e: {  	[tilespmem:v16+s3+$0x0] =	vst.idx.msk vm0, v17  }
0x12f: {  	v16 =	vld [tilespmem:$0xB620];
	_ =	sdelay $0x3  }
0x130: {  	v17 =	vld [tilespmem:$0xB3A0]  }
0x131: {  	vm8 =	vge.s32 v16, v0;
	vm9 =	vlt.s32 v16, v1  }
0x132: {  	vm0 =	vmand vm8, vm9  }
0x133: {  	v16 =	vsub.s32 v16, v0;
	_ =	sdelay $0x1  }
0x134: {  	v48 =	vshra.s32 v17, $0x1F  }
0x135: {  	v18 =	vand.u32 $0x7FFFFFFF, v48  }
0x136: {  	v17 =	vxor.u32 v17, v18  }
0x137: {  	[tilespmem:v16+s3+$0x0] =	vst.idx.msk vm0, v17  }
0x138: {  	v16 =	vld [tilespmem:$0xB630];
	_ =	sdelay $0x3  }
0x139: {  	v17 =	vld [tilespmem:$0xB3B0]  }
0x13a: {  	vm10 =	vge.s32 v16, v0;
	vm11 =	vlt.s32 v16, v1  }
0x13b: {  	vm0 =	vmand vm10, vm11  }
0x13c: {  	v16 =	vsub.s32 v16, v0;
	_ =	sdelay $0x1  }
0x13d: {  	v49 =	vshra.s32 v17, $0x1F  }
0x13e: {  	v18 =	vand.u32 $0x7FFFFFFF, v49  }
0x13f: {  	v17 =	vxor.u32 v17, v18  }
0x140: {  	[tilespmem:v16+s3+$0x0] =	vst.idx.msk vm0, v17  }
0x141: {  	v16 =	vld [tilespmem:$0xB640];
	_ =	sdelay $0x3  }
0x142: {  	v17 =	vld [tilespmem:$0xB3C0]  }
0x143: {  	vm12 =	vge.s32 v16, v0;
	vm13 =	vlt.s32 v16, v1  }
0x144: {  	vm0 =	vmand vm12, vm13  }
0x145: {  	v16 =	vsub.s32 v16, v0;
	_ =	sdelay $0x1  }
0x146: {  	v50 =	vshra.s32 v17, $0x1F  }
0x147: {  	v18 =	vand.u32 $0x7FFFFFFF, v50  }
0x148: {  	v17 =	vxor.u32 v17, v18  }
0x149: {  	[tilespmem:v16+s3+$0x0] =	vst.idx.msk vm0, v17  }
0x14a: {  	v16 =	vld [tilespmem:$0xB650];
	_ =	sdelay $0x3  }
0x14b: {  	v17 =	vld [tilespmem:$0xB3D0]  }
0x14c: {  	vm14 =	vge.s32 v16, v0;
	vm15 =	vlt.s32 v16, v1  }
0x14d: {  	vm0 =	vmand vm14, vm15  }
0x14e: {  	v16 =	vsub.s32 v16, v0;
	_ =	sdelay $0x1  }
0x14f: {  	v51 =	vshra.s32 v17, $0x1F  }
0x150: {  	v18 =	vand.u32 $0x7FFFFFFF, v51  }
0x151: {  	v17 =	vxor.u32 v17, v18  }
0x152: {  	[tilespmem:v16+s3+$0x0] =	vst.idx.msk vm0, v17  }
0x153: {  	v16 =	vld [tilespmem:$0xB660];
	_ =	sdelay $0x3  }
0x154: {  	v17 =	vld [tilespmem:$0xB3E0]  }
0x155: {  	vm4 =	vge.s32 v16, v0;
	vm5 =	vlt.s32 v16, v1  }
0x156: {  	vm0 =	vmand vm4, vm5  }
0x157: {  	v16 =	vsub.s32 v16, v0;
	_ =	sdelay $0x1  }
0x158: {  	v52 =	vshra.s32 v17, $0x1F  }
0x159: {  	v18 =	vand.u32 $0x7FFFFFFF, v52  }
0x15a: {  	v17 =	vxor.u32 v17, v18  }
0x15b: {  	[tilespmem:v16+s3+$0x0] =	vst.idx.msk vm0, v17  }
0x15c: {  	v16 =	vld [tilespmem:$0xB670];
	_ =	sdelay $0x3  }
0x15d: {  	v17 =	vld [tilespmem:$0xB3F0]  }
0x15e: {  	vm6 =	vge.s32 v16, v0;
	vm7 =	vlt.s32 v16, v1  }
0x15f: {  	vm0 =	vmand vm6, vm7  }
0x160: {  	v16 =	vsub.s32 v16, v0;
	_ =	sdelay $0x1  }
0x161: {  	v53 =	vshra.s32 v17, $0x1F  }
0x162: {  	v18 =	vand.u32 $0x7FFFFFFF, v53  }
0x163: {  	v17 =	vxor.u32 v17, v18  }
0x164: {  	[tilespmem:v16+s3+$0x0] =	vst.idx.msk vm0, v17  }
0x165: {  	v16 =	vld [tilespmem:$0xB680];
	_ =	sdelay $0x3  }
0x166: {  	v17 =	vld [tilespmem:$0xB400]  }
0x167: {  	vm8 =	vge.s32 v16, v0;
	vm9 =	vlt.s32 v16, v1  }
0x168: {  	vm0 =	vmand vm8, vm9  }
0x169: {  	v16 =	vsub.s32 v16, v0;
	_ =	sdelay $0x1  }
0x16a: {  	v54 =	vshra.s32 v17, $0x1F  }
0x16b: {  	v18 =	vand.u32 $0x7FFFFFFF, v54  }
0x16c: {  	v17 =	vxor.u32 v17, v18  }
0x16d: {  	[tilespmem:v16+s3+$0x0] =	vst.idx.msk vm0, v17  }
0x16e: {  	v16 =	vld [tilespmem:$0xB690];
	_ =	sdelay $0x3  }
0x16f: {  	v17 =	vld [tilespmem:$0xB410]  }
0x170: {  	vm10 =	vge.s32 v16, v0;
	vm11 =	vlt.s32 v16, v1  }
0x171: {  	vm0 =	vmand vm10, vm11  }
0x172: {  	v16 =	vsub.s32 v16, v0;
	_ =	sdelay $0x1  }
0x173: {  	v55 =	vshra.s32 v17, $0x1F  }
0x174: {  	v18 =	vand.u32 $0x7FFFFFFF, v55  }
0x175: {  	v17 =	vxor.u32 v17, v18  }
0x176: {  	[tilespmem:v16+s3+$0x0] =	vst.idx.msk vm0, v17  }
0x177: {  	v16 =	vld [tilespmem:$0xB6A0];
	_ =	sdelay $0x3  }
0x178: {  	v17 =	vld [tilespmem:$0xB420]  }
0x179: {  	vm12 =	vge.s32 v16, v0;
	vm13 =	vlt.s32 v16, v1  }
0x17a: {  	vm0 =	vmand vm12, vm13  }
0x17b: {  	v16 =	vsub.s32 v16, v0;
	_ =	sdelay $0x1  }
0x17c: {  	v56 =	vshra.s32 v17, $0x1F  }
0x17d: {  	v18 =	vand.u32 $0x7FFFFFFF, v56  }
0x17e: {  	v17 =	vxor.u32 v17, v18  }
0x17f: {  	[tilespmem:v16+s3+$0x0] =	vst.idx.msk vm0, v17  }
0x180: {  	v16 =	vld [tilespmem:$0xB6B0];
	_ =	sdelay $0x3  }
0x181: {  	v17 =	vld [tilespmem:$0xB430]  }
0x182: {  	vm14 =	vge.s32 v16, v0;
	vm15 =	vlt.s32 v16, v1  }
0x183: {  	vm0 =	vmand vm14, vm15  }
0x184: {  	v16 =	vsub.s32 v16, v0;
	_ =	sdelay $0x1  }
0x185: {  	v57 =	vshra.s32 v17, $0x1F  }
0x186: {  	v18 =	vand.u32 $0x7FFFFFFF, v57  }
0x187: {  	v17 =	vxor.u32 v17, v18  }
0x188: {  	[tilespmem:v16+s3+$0x0] =	vst.idx.msk vm0, v17  }
0x189: {  	v16 =	vld [tilespmem:$0xB6C0];
	_ =	sdelay $0x3  }
0x18a: {  	v17 =	vld [tilespmem:$0xB440]  }
0x18b: {  	vm4 =	vge.s32 v16, v0;
	vm5 =	vlt.s32 v16, v1  }
0x18c: {  	vm0 =	vmand vm4, vm5  }
0x18d: {  	v16 =	vsub.s32 v16, v0;
	_ =	sdelay $0x1  }
0x18e: {  	v58 =	vshra.s32 v17, $0x1F  }
0x18f: {  	v18 =	vand.u32 $0x7FFFFFFF, v58  }
0x190: {  	v17 =	vxor.u32 v17, v18  }
0x191: {  	[tilespmem:v16+s3+$0x0] =	vst.idx.msk vm0, v17  }
0x192: {  	v16 =	vld [tilespmem:$0xB6D0];
	_ =	sdelay $0x3  }
0x193: {  	v17 =	vld [tilespmem:$0xB450]  }
0x194: {  	vm6 =	vge.s32 v16, v0;
	vm7 =	vlt.s32 v16, v1  }
0x195: {  	vm0 =	vmand vm6, vm7  }
0x196: {  	v16 =	vsub.s32 v16, v0;
	_ =	sdelay $0x1  }
0x197: {  	v59 =	vshra.s32 v17, $0x1F  }
0x198: {  	v18 =	vand.u32 $0x7FFFFFFF, v59  }
0x199: {  	v17 =	vxor.u32 v17, v18  }
0x19a: {  	[tilespmem:v16+s3+$0x0] =	vst.idx.msk vm0, v17  }
0x19b: {  	v16 =	vld [tilespmem:$0xB6E0];
	_ =	sdelay $0x3  }
0x19c: {  	v17 =	vld [tilespmem:$0xB460]  }
0x19d: {  	vm8 =	vge.s32 v16, v0;
	vm9 =	vlt.s32 v16, v1  }
0x19e: {  	vm0 =	vmand vm8, vm9  }
0x19f: {  	v16 =	vsub.s32 v16, v0;
	_ =	sdelay $0x1  }
0x1a0: {  	v60 =	vshra.s32 v17, $0x1F  }
0x1a1: {  	v18 =	vand.u32 $0x7FFFFFFF, v60  }
0x1a2: {  	v17 =	vxor.u32 v17, v18  }
0x1a3: {  	[tilespmem:v16+s3+$0x0] =	vst.idx.msk vm0, v17  }
0x1a4: {  	v16 =	vld [tilespmem:$0xB6F0];
	_ =	sdelay $0x3  }
0x1a5: {  	v17 =	vld [tilespmem:$0xB470]  }
0x1a6: {  	vm10 =	vge.s32 v16, v0;
	vm11 =	vlt.s32 v16, v1  }
0x1a7: {  	vm0 =	vmand vm10, vm11  }
0x1a8: {  	v16 =	vsub.s32 v16, v0;
	_ =	sdelay $0x1  }
0x1a9: {  	v61 =	vshra.s32 v17, $0x1F  }
0x1aa: {  	v18 =	vand.u32 $0x7FFFFFFF, v61  }
0x1ab: {  	v17 =	vxor.u32 v17, v18  }
0x1ac: {  	[tilespmem:v16+s3+$0x0] =	vst.idx.msk vm0, v17  }
0x1ad: {  	v16 =	vld [tilespmem:$0xB700];
	_ =	sdelay $0x3  }
0x1ae: {  	v17 =	vld [tilespmem:$0xB480]  }
0x1af: {  	vm12 =	vge.s32 v16, v0;
	vm13 =	vlt.s32 v16, v1  }
0x1b0: {  	vm0 =	vmand vm12, vm13  }
0x1b1: {  	v16 =	vsub.s32 v16, v0;
	_ =	sdelay $0x1  }
0x1b2: {  	v62 =	vshra.s32 v17, $0x1F  }
0x1b3: {  	v18 =	vand.u32 $0x7FFFFFFF, v62  }
0x1b4: {  	v17 =	vxor.u32 v17, v18  }
0x1b5: {  	[tilespmem:v16+s3+$0x0] =	vst.idx.msk vm0, v17  }
0x1b6: {  	v16 =	vld [tilespmem:$0xB710];
	_ =	sdelay $0x3  }
0x1b7: {  	v17 =	vld [tilespmem:$0xB490]  }
0x1b8: {  	vm14 =	vge.s32 v16, v0;
	vm15 =	vlt.s32 v16, v1  }
0x1b9: {  	vm0 =	vmand vm14, vm15  }
0x1ba: {  	v16 =	vsub.s32 v16, v0;
	_ =	sdelay $0x1  }
0x1bb: {  	v63 =	vshra.s32 v17, $0x1F  }
0x1bc: {  	s17 =	sadd.s32 $0x1, s17;
	v18 =	vand.u32 $0x7FFFFFFF, v63  }
0x1bd: {  	p1 =	sne.s32 s17, s8;
	v17 =	vxor.u32 v17, v18  }
.Ltmp1:
0x1be: {  	[tilespmem:v16+s3+$0x0] =	vst.idx.msk vm0, v17;
	(pc) =	sbr.rel @!p1 .LBB2_30-.Ltmp1, $4  }
0x1bf: {  	[hbm4b:s7+s3] =	stream.linear.scatter [tilespmem:s3], [sflag:$0x1], $0x7A30, $0x38;
	[tilespmem:$0xD9D0] =	vst v63  }
0x1c0: {  	_ =	swait.ge [sflag:s10], $0x7A30  }
0x1c1: {  	[sflag:s10] =	ssyncset.done $0x0  }
0x1c2: {  	[sflag:s10] =	ssyncadd.s32 $0xFFFF85D0  }
.LBB2_1:
0x1c3: {  	s18 =	simm.s32 $0x40  }
0x1c4: {  	[tilespmem:s18+$0xFFFFFFC0] =	vst v2  }
0x1c5: {  	[tilespmem:s18+$0x30] =	vst v2  }
0x1c6: {  	[tilespmem:s18+$0x20] =	vst v2  }
0x1c7: {  	[tilespmem:s18+$0x10] =	vst v2  }
0x1c8: {  	[tilespmem:s18+$0x0] =	vst v2  }
0x1c9: {  	[tilespmem:s18+$0xFFFFFFF0] =	vst v2  }
0x1ca: {  	s19 =	simm.s32 $0x0;
	[tilespmem:s18+$0xFFFFFFE0] =	vst v2  }
.LBB2_2:
0x1cb: {  	s19 =	sadd.s32 $0x8, s19;
	[tilespmem:s18+$0xFFFFFFD0] =	vst v2;
	s18 =	sadd.s32 $0x80, s18  }
0x1cc: {  	[tilespmem:s18+$0xFFFFFFC0] =	vst v2;
	p1 =	slt.u32 s19, $0x798  }
0x1cd: {  	[tilespmem:s18+$0x30] =	vst v2  }
.Ltmp2:
0x1ce: {  	[tilespmem:s18+$0x20] =	vst v2;
	(pc) =	sbr.rel @p1 .LBB2_2-.Ltmp2, $4  }
0x1cf: {  	[tilespmem:s18+$0x10] =	vst v2  }
0x1d0: {  	[tilespmem:s18+$0x0] =	vst v2  }
0x1d1: {  	[tilespmem:s18+$0xFFFFFFF0] =	vst v2  }
0x1d2: {  	[tilespmem:s18+$0xFFFFFFE0] =	vst v2  }
.Ltmp3:
0x1d3: {  	(pc) =	sbr.rel @p0 .LBB2_29-.Ltmp3, $4  }
0x1d4: {  	[tilespmem:s18+$0xFFFFFFD0] =	vst v2  }
0x1d5: {  	[tilespmem:$0x7A00] =	vst v2  }
0x1d6: {  	[tilespmem:$0x7A10] =	vst v2  }
0x1d7: {  	[tilespmem:$0x7A20] =	vst v2  }
0x1d8: {  	s18 =	simm.s32 $0x0  }
0x1d9: {  	[tilespmem:s9], [sflag:$0x1] =	stream.linear.gather [hbm4b:s4+s18], $0x1000, $0x38;
	[tilespmem:$0xD9D0] =	vst v63  }
0x1da: {  	_ =	swait.ge [sflag:s10], $0x1000  }
0x1db: {  	[sflag:s10] =	ssyncset.done $0x0  }
0x1dc: {  	[sflag:s10] =	ssyncadd.s32 $0xFFFFF000  }
0x1dd: {  	[tilespmem:s11], [sflag:$0x1] =	stream.linear.gather [hbm4b:s5+s18], $0x1000, $0x38;
	[tilespmem:$0xD9D0] =	vst v63  }
0x1de: {  	_ =	swait.ge [sflag:s10], $0x1000  }
0x1df: {  	[sflag:s10] =	ssyncset.done $0x0  }
0x1e0: {  	[sflag:s10] =	ssyncadd.s32 $0xFFFFF000  }
0x1e1: {  	[tilespmem:s12], [sflag:$0x1] =	stream.linear.gather [hbm4b:s6+s18], $0x1000, $0x38;
	[tilespmem:$0xD9D0] =	vst v63  }
0x1e2: {  	_ =	swait.ge [sflag:s10], $0x1000  }
0x1e3: {  	s19 =	sand.u32 $0x70, s18;
	s20 =	sand.u32 $0xF00, s18;
	[sflag:s10] =	ssyncset.done $0x0  }
0x1e4: {  	s19 =	sor.u32 s19, s20;
	[sflag:s10] =	ssyncadd.s32 $0xFFFFF000  }
0x1e5: {  	v16 =	vld [tilespmem:s19+$0x9B00]  }
0x1e6: {  	v17 =	vld [tilespmem:s19+$0x9A80];
	_ =	sdelay $0x3  }
0x1e7: {  	s21 =	simm.s32 $0x10;
	s20 =	simm.s32 $0x20  }
0x1e8: {  	s21 =	sand.u32 $0x70, s21;
	s22 =	sand.u32 $0xF00, s20;
	s19 =	simm.s32 $0xAA80;
	v16 =	vadd.s32 v17, v16  }
0x1e9: {  	s22 =	sor.u32 s21, s22;
	s21 =	simm.s32 $0x20;
	[tilespmem:s19+$0x0] =	vst v16  }
.LBB2_5:
0x1ea: {  	p1 =	sne.s32 s21, $0x7F0;
	v16 =	vld [tilespmem:s22+$0x9B00]  }
0x1eb: {  	v17 =	vld [tilespmem:s22+$0x9A80];
	_ =	sdelay $0x1  }
.Ltmp4:
0x1ec: {  	(pc) =	sbr.rel @p1 .LBB2_5-.Ltmp4, $4  }
0x1ed: {  	_ = 	snop  }
0x1ee: {  	s20 =	sadd.s32 $0x20, s20  }
0x1ef: {  	s19 =	sadd.s32 $0x10, s19;
	s22 =	sand.u32 $0x70, s21;
	s23 =	sand.u32 $0xF00, s20;
	v16 =	vadd.s32 v17, v16  }
0x1f0: {  	s21 =	sadd.s32 $0x10, s21;
	s22 =	sor.u32 s22, s23;
	[tilespmem:s19+$0x0] =	vst v16  }
0x1f1: {  	v16 =	vld [tilespmem:s22+$0x9B00]  }
0x1f2: {  	v17 =	vld [tilespmem:s22+$0x9A80];
	_ =	sdelay $0x4  }
0x1f3: {  	s19 =	sadd.s32 $0x10, s19;
	v16 =	vadd.s32 v17, v16  }
0x1f4: {  	s28 =	simm.s32 $0xB270;
	[tilespmem:s19+$0x0] =	vst v16  }
0x1f5: {  	v24 =	vld [tilespmem:s28+$0x0]  }
0x1f6: {  	s29 =	simm.s32 $0xB260  }
0x1f7: {  	v18 =	vld [tilespmem:s29+$0x0];
	_ =	sdelay $0x2  }
0x1f8: {  	(xrf0) =	vadd.scan.msk.s32 $0xffff, v24;
	_ =	sdelay $0x1  }
0x1f9: {  	(xrf0) =	vadd.scan.msk.s32 $0xffff, v18;
	_ =	sdelay $0x3  }
0x1fa: {  	s30 =	simm.s32 $0xB250;
	v22, _, _ =	vpop (xrf0)  }
0x1fb: {  	v17 =	vld [tilespmem:s30+$0x0];
	(v2sf) =	vpush v22, $0xF  }
0x1fc: {  	v20, _, _ =	vpop (xrf0)  }
0x1fd: {  	(v2sf) =	vpush v20, $0xF;
	_ =	sdelay $0x2  }
0x1fe: {  	s31 =	simm.s32 $0xB240;
	(xrf0) =	vadd.scan.msk.s32 $0xffff, v17  }
0x1ff: {  	v16 =	vld [tilespmem:s31+$0x0];
	_ =	sdelay $0x3  }
0x200: {  	s22 =	simm.s32 $0x7F0;
	s21 =	simm.s32 $0x7E0;
	s20 =	simm.s32 $0x7D0  }
0x201: {  	v19 =	vimm.s32 $0xFFFFFFFF;
	s23 =	simm.s32 $0x7B0;
	s24 =	simm.s32 $0xB230;
	s19 =	simm.s32 $0x7C0;
	v24 =	vadd.s32 s18, v24;
	(xrf0) =	vadd.scan.msk.s32 $0xffff, v16;
	v23 =	vbroadcast v22, $0xF;
	v21, _, _ =	vpop (xrf0)  }
.LBB2_7:
0x202: {  	(v2sf) =	vpush v21, $0xF;
	v25 =	vsub.s32 v24, v22;
	v24 =	vmovc v18;
	v18 =	vmovc v17;
	v17 =	vmov v16;
	v16 =	vld [tilespmem:s24+$0x0];
	s25 =	smov.u32 s23;
	p1 =	sne.s32 s23, $0x0  }
.Ltmp5:
0x203: {  	s23 =	sadd.s32 $0xFFFFFFF0, s23;
	v22 =	vmov v20;
	v20 =	vmov v21;
	v23 =	vadd.s32 v23, v25;
	(pc) =	sbr.rel @p1 .LBB2_7-.Ltmp5, $4  }
0x204: {  	v21 =	vor.u32 s22, v3;
	s22 =	smov.u32 s21;
	s21 =	smov.u32 s20;
	s20 =	smov.u32 s19;
	vm0 =	vgt.s32 v23, $0x1FF  }
0x205: {  	s19 =	smov.u32 s25;
	v25 =	vnsel vm0, $0xFFFFFFFF, v21;
	s26 =	spop (v2sf)  }
0x206: {  	s18 =	sadd.s32 s18, s26;
	vm0 =	vgt.s32 v19, v25  }
0x207: {  	s24 =	sadd.s32 $0xFFFFFFF0, s24;
	v23 =	vbroadcast v22, $0xF;
	(xrf0) =	vadd.scan.msk.s32 $0xffff, v16;
	v21, _, _ =	vpop (xrf0);
	v24 =	vadd.s32 s18, v24;
	v19 =	vsel vm0, v19, v25  }
0x208: {  	(v2sf) =	vpush v21, $0xF;
	_ =	sdelay $0x8  }
0x209: {  	s23 =	spop (v2sf)  }
0x20a: {  	v22 =	vsub.s32 v24, v22;
	s18 =	sadd.s32 s18, s23  }
0x20b: {  	v60 =	vbroadcast v20, $0xF;
	v22 =	vadd.s32 v23, v22;
	v18 =	vadd.s32 s18, v18  }
0x20c: {  	v59 =	vor.u32 s22, v3;
	vm0 =	vgt.s32 v22, $0x1FF;
	v18 =	vsub.s32 v18, v20  }
0x20d: {  	v61 =	vnsel vm0, $0xFFFFFFFF, v59;
	v18 =	vadd.s32 v60, v18;
	s26 =	spop (v2sf)  }
0x20e: {  	v20 =	vor.u32 s21, v3;
	vm0 =	vgt.s32 v19, v61;
	vm13 =	vgt.s32 v18, $0x1FF;
	s18 =	sadd.s32 s18, s26  }
0x20f: {  	v18 =	vnsel vm13, $0xFFFFFFFF, v20;
	v20 =	vbroadcast v21, $0xF;
	v17 =	vadd.s32 s18, v17;
	s28 =	spop (v2sf)  }
0x210: {  	v63 =	vor.u32 s20, v3;
	v19 =	vsel vm0, v19, v61;
	v62, _, _ =	vpop (xrf0);
	v17 =	vsub.s32 v17, v21;
	s18 =	sadd.s32 s18, s28  }
0x211: {  	v17 =	vadd.s32 v20, v17;
	v20 =	vbroadcast v62, $0xF;
	v16 =	vadd.s32 s18, v16  }
0x212: {  	vm0 =	vgt.s32 v19, v18;
	vm1 =	vgt.s32 v17, $0x1FF;
	v16 =	vsub.s32 v16, v62  }
0x213: {  	v17 =	vsel vm0, v19, v18;
	v18 =	vnsel vm1, $0xFFFFFFFF, v63;
	v16 =	vadd.s32 v20, v16  }
0x214: {  	v19 =	vor.u32 s19, v3;
	vm0 =	vgt.s32 v17, v18;
	vm14 =	vgt.s32 v16, $0x1FF  }
0x215: {  	v16 =	vsel vm0, v17, v18;
	v17 =	vnsel vm14, $0xFFFFFFFF, v19  }
0x216: {  	vm0 =	vgt.s32 v16, v17  }
0x217: {  	v16 =	vsel vm0, v16, v17  }
0x218: {  	v16 =	vxor.u32 $0x80000000, v16  }
0x219: {  	(xrf0) =	vmax.scan.msk.u32 $0xffff, v16;
	_ =	sdelay $0x5  }
0x21a: {  	(v2sf) =	vpush v62, $0xF;
	v16, _, _ =	vpop (xrf0)  }
0x21b: {  	(v2sf) =	vpush v16, $0xF;
	_ =	sdelay $0xc  }
0x21c: {  	s29 =	simm.s32 $0xAA80  }
0x21d: {  	v18 =	vld [tilespmem:s29+$0x0];
	s30 =	spop (v2sf)  }
0x21e: {  	s31 =	spop (v2sf)  }
0x21f: {  	s19 =	simm.s32 $0x0;
	s18 =	sxor.u32 $0x80000000, s31  }
0x220: {  	v17 =	vor.u32 s19, v3;
	v16 =	vmov s18  }
0x221: {  	vm15 =	vgt.s32 v17, v16  }
0x222: {  	s19 =	simm.s32 $0xAA90;
	s18 =	simm.s32 $0x10;
	v17 =	vimm.s32 $0x0;
	v18 =	vnsel vm15, $0x0, v18  }
.LBB2_9:
0x223: {  	v19 =	vld [tilespmem:s19+$0x0];
	p1 =	sne.s32 s18, $0x7F0;
	v17 =	vadd.s32 v17, v18;
	s20 =	smov.u32 s18;
	s18 =	sadd.s32 $0x10, s18  }
.Ltmp6:
0x224: {  	(pc) =	sbr.rel @p1 .LBB2_9-.Ltmp6, $4  }
0x225: {  	_ = 	snop  }
0x226: {  	v18 =	vor.u32 s20, v3  }
0x227: {  	vm0 =	vgt.s32 v18, v16  }
0x228: {  	s19 =	sadd.s32 $0x10, s19;
	v18 =	vnsel vm0, $0x0, v19  }
0x229: {  	[tilespmem:$0xB280] =	vst v4  }
0x22a: {  	[tilespmem:$0xB500] =	vst v5  }
0x22b: {  	[tilespmem:$0xB290] =	vst v4  }
0x22c: {  	[tilespmem:$0xB510] =	vst v5  }
0x22d: {  	[tilespmem:$0xB2A0] =	vst v4  }
0x22e: {  	[tilespmem:$0xB520] =	vst v5  }
0x22f: {  	[tilespmem:$0xB2B0] =	vst v4  }
0x230: {  	[tilespmem:$0xB530] =	vst v5  }
0x231: {  	[tilespmem:$0xB2C0] =	vst v4  }
0x232: {  	[tilespmem:$0xB540] =	vst v5  }
0x233: {  	[tilespmem:$0xB2D0] =	vst v4  }
0x234: {  	[tilespmem:$0xB550] =	vst v5  }
0x235: {  	[tilespmem:$0xB2E0] =	vst v4  }
0x236: {  	[tilespmem:$0xB560] =	vst v5  }
0x237: {  	[tilespmem:$0xB2F0] =	vst v4  }
0x238: {  	[tilespmem:$0xB570] =	vst v5  }
0x239: {  	[tilespmem:$0xB300] =	vst v4  }
0x23a: {  	[tilespmem:$0xB580] =	vst v5  }
0x23b: {  	[tilespmem:$0xB310] =	vst v4  }
0x23c: {  	[tilespmem:$0xB590] =	vst v5  }
0x23d: {  	[tilespmem:$0xB320] =	vst v4  }
0x23e: {  	[tilespmem:$0xB5A0] =	vst v5  }
0x23f: {  	[tilespmem:$0xB330] =	vst v4  }
0x240: {  	[tilespmem:$0xB5B0] =	vst v5  }
0x241: {  	[tilespmem:$0xB340] =	vst v4  }
0x242: {  	[tilespmem:$0xB5C0] =	vst v5  }
0x243: {  	[tilespmem:$0xB350] =	vst v4  }
0x244: {  	[tilespmem:$0xB5D0] =	vst v5  }
0x245: {  	[tilespmem:$0xB360] =	vst v4  }
0x246: {  	[tilespmem:$0xB5E0] =	vst v5  }
0x247: {  	[tilespmem:$0xB370] =	vst v4  }
0x248: {  	[tilespmem:$0xB5F0] =	vst v5  }
0x249: {  	[tilespmem:$0xB380] =	vst v4  }
0x24a: {  	[tilespmem:$0xB600] =	vst v5  }
0x24b: {  	[tilespmem:$0xB390] =	vst v4  }
0x24c: {  	[tilespmem:$0xB610] =	vst v5  }
0x24d: {  	[tilespmem:$0xB3A0] =	vst v4  }
0x24e: {  	[tilespmem:$0xB620] =	vst v5  }
0x24f: {  	[tilespmem:$0xB3B0] =	vst v4  }
0x250: {  	[tilespmem:$0xB630] =	vst v5  }
0x251: {  	[tilespmem:$0xB3C0] =	vst v4  }
0x252: {  	[tilespmem:$0xB640] =	vst v5  }
0x253: {  	[tilespmem:$0xB3D0] =	vst v4  }
0x254: {  	[tilespmem:$0xB650] =	vst v5  }
0x255: {  	[tilespmem:$0xB3E0] =	vst v4  }
0x256: {  	[tilespmem:$0xB660] =	vst v5  }
0x257: {  	[tilespmem:$0xB3F0] =	vst v4  }
0x258: {  	[tilespmem:$0xB670] =	vst v5  }
0x259: {  	[tilespmem:$0xB400] =	vst v4  }
0x25a: {  	[tilespmem:$0xB680] =	vst v5  }
0x25b: {  	[tilespmem:$0xB410] =	vst v4  }
0x25c: {  	[tilespmem:$0xB690] =	vst v5  }
0x25d: {  	[tilespmem:$0xB420] =	vst v4  }
0x25e: {  	[tilespmem:$0xB6A0] =	vst v5  }
0x25f: {  	[tilespmem:$0xB430] =	vst v4  }
0x260: {  	[tilespmem:$0xB6B0] =	vst v5  }
0x261: {  	[tilespmem:$0xB440] =	vst v4  }
0x262: {  	[tilespmem:$0xB6C0] =	vst v5  }
0x263: {  	[tilespmem:$0xB450] =	vst v4  }
0x264: {  	[tilespmem:$0xB6D0] =	vst v5  }
0x265: {  	[tilespmem:$0xB460] =	vst v4  }
0x266: {  	[tilespmem:$0xB6E0] =	vst v5  }
0x267: {  	[tilespmem:$0xB470] =	vst v4  }
0x268: {  	[tilespmem:$0xB6F0] =	vst v5  }
0x269: {  	[tilespmem:$0xB480] =	vst v4  }
0x26a: {  	[tilespmem:$0xB700] =	vst v5  }
0x26b: {  	[tilespmem:$0xB490] =	vst v4  }
0x26c: {  	[tilespmem:$0xB710] =	vst v5;
	s18 =	simm.s32 $0x7A90  }
0x26d: {  	v19 =	vld [tilespmem:s18+$0xFFFFFFF0];
	_ =	sdelay $0x2  }
0x26e: {  	s19 =	simm.s32 $0x8A90  }
0x26f: {  	v20 =	vld [tilespmem:s19+$0xFFFFFFF0]  }
0x270: {  	v21 =	vshra.s32 v19, $0x15  }
0x271: {  	p1 =	por $0x1, $0x1;
	s20 =	simm.s32 $0x0;
	v21 =	vadd.s32 $0x400, v21  }
0x272: {  	s20 =	simm.s32 @!p1 $0x210;
	vm0 =	vgt.s32 v21, v16  }
0x273: {  	s21 =	simm.s32 $0x0;
	p1 =	por $0x1, $0x1;
	[tilespmem:s20+$0xB280] =	vst.msk vm0, v19  }
0x274: {  	s21 =	simm.s32 @!p1 $0x7F0;
	vm1 =	veq.s32 v21, v16;
	[tilespmem:s20+$0xB500] =	vst.msk vm0, v20  }
0x275: {  	[tilespmem:s21+$0xB780] =	vst.msk vm1, v19;
	v19 =	vmpcnt.ones.xlane vm0;
	_ =	sdelay $0x1  }
0x276: {  	v21 =	vmpcnt.ones.xlane vm1;
	(v2sf) =	vpush v19, $0x0;
	_ =	sdelay $0x1  }
0x277: {  	(v2sf) =	vpush v21, $0x0;
	_ =	sdelay $0x7  }
0x278: {  	[tilespmem:s21+$0xBF80] =	vst.msk vm1, v20  }
0x279: {  	v20 =	vld [tilespmem:s18+$0x0];
	_ =	sdelay $0x3  }
0x27a: {  	v63 =	vld [tilespmem:s19+$0x0];
	s30 =	spop (v2sf)  }
0x27b: {  	v19 =	vshra.s32 v20, $0x15;
	s22 =	sadd.s32 $0x0, s30  }
0x27c: {  	v19 =	vadd.s32 $0x400, v19;
	s31 =	spop (v2sf);
	p1 =	slt.s32 s22, $0x210;
	s19 =	smov.u32 s22  }
0x27d: {  	vm14 =	vgt.s32 v19, v16;
	s21 =	sadd.s32 $0x0, s31;
	s19 =	simm.s32 @!p1 $0x210  }
0x27e: {  	v62 =	vmpcnt.ones.xlane vm14;
	p1 =	slt.s32 s21, $0x7F0;
	s18 =	smov.u32 s21;
	[tilespmem:s19+$0xB280] =	vst.msk vm14, v20  }
0x27f: {  	vm15 =	veq.s32 v19, v16;
	s18 =	simm.s32 @!p1 $0x7F0;
	[tilespmem:s19+$0xB500] =	vst.msk vm14, v63  }
0x280: {  	(v2sf) =	vpush v62, $0x0;
	[tilespmem:s18+$0xB780] =	vst.msk vm15, v20;
	v20 =	vmpcnt.ones.xlane vm15;
	_ =	sdelay $0x1  }
0x281: {  	(v2sf) =	vpush v20, $0x0;
	_ =	sdelay $0x8  }
0x282: {  	s19 =	simm.s32 $0x7AB0;
	[tilespmem:s18+$0xBF80] =	vst.msk vm15, v63  }
0x283: {  	v19 =	vld [tilespmem:s19+$0xFFFFFFF0];
	_ =	sdelay $0x1  }
0x284: {  	s18 =	simm.s32 $0x8AB0  }
0x285: {  	v17 =	vadd.s32 v17, v18;
	s20 =	simm.s32 $0x2;
	v18 =	vld [tilespmem:s18+$0xFFFFFFF0];
	s23 =	spop (v2sf)  }
.LBB2_11:
0x286: {  	s20 =	sadd.s32 $0x2, s20  }
0x287: {  	v20 =	vshra.s32 v19, $0x15;
	s22 =	sadd.s32 s22, s23;
	s23 =	spop (v2sf);
	p1 =	slt.u32 s20, $0xFE  }
0x288: {  	v20 =	vadd.s32 $0x400, v20;
	p2 =	slt.s32 s22, $0x210;
	s21 =	sadd.s32 s21, s23;
	s23 =	smov.u32 s22  }
0x289: {  	vm0 =	vgt.s32 v20, v16;
	s23 =	simm.s32 @!p2 $0x210;
	p2 =	slt.s32 s21, $0x7F0  }
0x28a: {  	[tilespmem:s23+$0xB280] =	vst.msk vm0, v19;
	v21 =	vmpcnt.ones.xlane vm0  }
0x28b: {  	[tilespmem:s23+$0xB500] =	vst.msk vm0, v18;
	s23 =	smov.u32 s21  }
0x28c: {  	vm0 =	veq.s32 v20, v16;
	s23 =	simm.s32 @!p2 $0x7F0  }
0x28d: {  	[tilespmem:s23+$0xB780] =	vst.msk vm0, v19;
	v19 =	vmpcnt.ones.xlane vm0;
	(v2sf) =	vpush v21, $0x0  }
0x28e: {  	[tilespmem:s23+$0xBF80] =	vst.msk vm0, v18  }
0x28f: {  	v18 =	vld [tilespmem:s19+$0x0];
	(v2sf) =	vpush v19, $0x0;
	_ =	sdelay $0x4  }
0x290: {  	v19 =	vshra.s32 v18, $0x15  }
0x291: {  	v19 =	vadd.s32 $0x400, v19  }
0x292: {  	vm0 =	vgt.s32 v19, v16;
	vm1 =	veq.s32 v19, v16  }
0x293: {  	v19 =	vmpcnt.ones.xlane vm0;
	v20 =	vmpcnt.ones.xlane vm1;
	_ =	sdelay $0x1  }
0x294: {  	(v2sf) =	vpush v19, $0x0  }
0x295: {  	(v2sf) =	vpush v20, $0x0;
	_ =	sdelay $0x1  }
0x296: {  	v19 =	vld [tilespmem:s18+$0x0];
	s23 =	spop (v2sf)  }
0x297: {  	s22 =	sadd.s32 s22, s23  }
0x298: {  	s23 =	spop (v2sf)  }
0x299: {  	p2 =	slt.s32 s22, $0x210;
	s21 =	sadd.s32 s21, s23;
	s23 =	smov.u32 s22  }
0x29a: {  	s23 =	simm.s32 @!p2 $0x210  }
0x29b: {  	p2 =	slt.s32 s21, $0x7F0;
	[tilespmem:s23+$0xB280] =	vst.msk vm0, v18  }
0x29c: {  	[tilespmem:s23+$0xB500] =	vst.msk vm0, v19;
	s23 =	smov.u32 s21  }
0x29d: {  	s23 =	simm.s32 @!p2 $0x7F0  }
0x29e: {  	[tilespmem:s23+$0xB780] =	vst.msk vm1, v18  }
0x29f: {  	s19 =	sadd.s32 $0x20, s19;
	[tilespmem:s23+$0xBF80] =	vst.msk vm1, v19  }
.Ltmp7:
0x2a0: {  	v19 =	vld [tilespmem:s19+$0xFFFFFFF0];
	(pc) =	sbr.rel @p1 .LBB2_11-.Ltmp7, $3  }
0x2a1: {  	_ =	sdelay $0x1  }
0x2a2: {  	s18 =	sadd.s32 $0x20, s18  }
0x2a3: {  	v18 =	vld [tilespmem:s18+$0xFFFFFFF0];
	s23 =	spop (v2sf)  }
0x2a4: {  	v20 =	vshra.s32 v19, $0x15;
	s20 =	sadd.s32 s22, s23  }
0x2a5: {  	s26 =	spop (v2sf);
	v20 =	vadd.s32 $0x400, v20;
	p1 =	slt.s32 s20, $0x210;
	s23 =	smov.u32 s20  }
0x2a6: {  	s21 =	sadd.s32 s21, s26;
	vm0 =	vgt.s32 v20, v16;
	s23 =	simm.s32 @!p1 $0x210  }
0x2a7: {  	p1 =	slt.s32 s21, $0x7F0;
	s22 =	smov.u32 s21;
	[tilespmem:s23+$0xB280] =	vst.msk vm0, v19  }
0x2a8: {  	vm1 =	veq.s32 v20, v16;
	s22 =	simm.s32 @!p1 $0x7F0;
	[tilespmem:s23+$0xB500] =	vst.msk vm0, v18  }
0x2a9: {  	[tilespmem:s22+$0xB780] =	vst.msk vm1, v19;
	v19 =	vmpcnt.ones.xlane vm0;
	_ =	sdelay $0x1  }
0x2aa: {  	v20 =	vmpcnt.ones.xlane vm1;
	(v2sf) =	vpush v19, $0x0  }
0x2ab: {  	[tilespmem:s22+$0xBF80] =	vst.msk vm1, v18  }
0x2ac: {  	v18 =	vld [tilespmem:s19+$0x0];
	(v2sf) =	vpush v20, $0x0;
	_ =	sdelay $0x4  }
0x2ad: {  	v19 =	vshra.s32 v18, $0x15  }
0x2ae: {  	v19 =	vadd.s32 $0x400, v19  }
0x2af: {  	vm14 =	vgt.s32 v19, v16  }
0x2b0: {  	vm15 =	veq.s32 v19, v16;
	v16 =	vmpcnt.ones.xlane vm14  }
0x2b1: {  	v19 =	vmpcnt.ones.xlane vm15  }
0x2b2: {  	(v2sf) =	vpush v16, $0x0  }
0x2b3: {  	(v2sf) =	vpush v19, $0x0;
	_ =	sdelay $0x1  }
0x2b4: {  	v16 =	vld [tilespmem:s18+$0x0];
	s28 =	spop (v2sf)  }
0x2b5: {  	s18 =	sadd.s32 s20, s28  }
0x2b6: {  	s29 =	spop (v2sf);
	p1 =	slt.s32 s18, $0x210;
	s20 =	smov.u32 s18  }
0x2b7: {  	s19 =	sadd.s32 s21, s29;
	s20 =	simm.s32 @!p1 $0x210  }
0x2b8: {  	p1 =	slt.s32 s19, $0x7F0;
	s21 =	smov.u32 s19;
	[tilespmem:s20+$0xB280] =	vst.msk vm14, v18  }
0x2b9: {  	s21 =	simm.s32 @!p1 $0x7F0;
	[tilespmem:s20+$0xB500] =	vst.msk vm14, v16  }
0x2ba: {  	[tilespmem:s21+$0xB780] =	vst.msk vm15, v18  }
0x2bb: {  	s20 =	simm.s32 $0xC7C0;
	[tilespmem:s21+$0xBF80] =	vst.msk vm15, v16  }
0x2bc: {  	[tilespmem:s20+$0xFFFFFFC0] =	vst v6  }
0x2bd: {  	p1 =	por $0x1, $0x1;
	[tilespmem:s20+$0x30] =	vst v6  }
.Ltmp8:
0x2be: {  	[tilespmem:s20+$0x20] =	vst v6;
	(pc) =	sbr.rel @!p1 .LBB2_14-.Ltmp8, $4  }
0x2bf: {  	[tilespmem:s20+$0x10] =	vst v6  }
0x2c0: {  	[tilespmem:s20+$0x0] =	vst v6;
	s30 =	spop (v2sf)  }
0x2c1: {  	[tilespmem:s20+$0xFFFFFFF0] =	vst v6;
	s31 =	spop (v2sf)  }
0x2c2: {  	s21 =	simm.s32 $0x0;
	[tilespmem:s20+$0xFFFFFFE0] =	vst v6;
	s18 =	sadd.s32 s18, s30;
	s19 =	sadd.s32 s19, s31  }
.LBB2_13:
0x2c3: {  	s21 =	sadd.s32 $0x8, s21;
	[tilespmem:s20+$0xFFFFFFD0] =	vst v6;
	s20 =	sadd.s32 $0x80, s20  }
0x2c4: {  	[tilespmem:s20+$0xFFFFFFC0] =	vst v6;
	p1 =	slt.u32 s21, $0xF8  }
0x2c5: {  	[tilespmem:s20+$0x30] =	vst v6  }
.Ltmp9:
0x2c6: {  	[tilespmem:s20+$0x20] =	vst v6;
	(pc) =	sbr.rel @p1 .LBB2_13-.Ltmp9, $4  }
0x2c7: {  	[tilespmem:s20+$0x10] =	vst v6  }
0x2c8: {  	[tilespmem:s20+$0x0] =	vst v6  }
0x2c9: {  	[tilespmem:s20+$0xFFFFFFF0] =	vst v6  }
0x2ca: {  	[tilespmem:s20+$0xFFFFFFE0] =	vst v6  }
.LBB2_14:
0x2cb: {  	[tilespmem:s20+$0xFFFFFFD0] =	vst v6;
	v16 =	vmov s19;
	s20 =	simm.s32 $0x0;
	s19 =	simm.s32 $0xB780;
	s21 =	simm.s32 $0x0  }
.LBB2_15:
0x2cc: {  	v18 =	vld [tilespmem:s19+$0x0];
	_ =	sdelay $0x4  }
0x2cd: {  	v19 =	vor.u32 s21, v3;
	v18 =	vshrl.u32 v18, $0xD  }
0x2ce: {  	vm0 =	vlt.s32 v19, v16;
	v18 =	vand.u32 $0xFF, v18  }
0x2cf: {  	p1 =	seq.s32 s21, $0x7F0;
	v18 =	vor.u32 v7, v18  }
.Ltmp10:
0x2d0: {  	_ = 	snop;
	(pc) =	sbr.rel @!p1 .LBB2_15-.Ltmp10, $3  }
0x2d1: {  	_ =	sdelay $0x1  }
0x2d2: {  	s22 =	simm.s32 $0xC780  }
0x2d3: {  	s19 =	sadd.s32 $0x10, s19;
	s21 =	sadd.s32 $0x10, s21;
	[tilespmem:v18+s22+$0x0] =	vst.idx.add.s32.msk vm0, v8  }
0x2d4: {  	s20 =	sand.u32 $0xF0, s20;
	v19 =	vld [tilespmem:s22+$0x0]  }
0x2d5: {  	v18 =	vld [tilespmem:s20+$0xC880]  }
0x2d6: {  	v20 =	vld [tilespmem:s20+$0xC980]  }
0x2d7: {  	v21 =	vld [tilespmem:s20+$0xCA80]  }
0x2d8: {  	v22 =	vld [tilespmem:s20+$0xCB80]  }
0x2d9: {  	v23 =	vld [tilespmem:s20+$0xCC80]  }
0x2da: {  	v18 =	vadd.s32 v19, v18;
	v19 =	vld [tilespmem:s20+$0xCD80]  }
0x2db: {  	v18 =	vadd.s32 v20, v18;
	v20 =	vld [tilespmem:s20+$0xCE80]  }
0x2dc: {  	v58 =	vld [tilespmem:s20+$0xCF80];
	v18 =	vadd.s32 v21, v18  }
0x2dd: {  	v59 =	vld [tilespmem:s20+$0xD080];
	v18 =	vadd.s32 v22, v18  }
0x2de: {  	v60 =	vld [tilespmem:s20+$0xD180];
	v18 =	vadd.s32 v23, v18  }
0x2df: {  	v18 =	vadd.s32 v19, v18;
	v19 =	vld [tilespmem:s20+$0xD280]  }
0x2e0: {  	v18 =	vadd.s32 v20, v18;
	v20 =	vld [tilespmem:s20+$0xD380]  }
0x2e1: {  	v61 =	vld [tilespmem:s20+$0xD480];
	v18 =	vadd.s32 v58, v18  }
0x2e2: {  	v62 =	vld [tilespmem:s20+$0xD580];
	v18 =	vadd.s32 v59, v18  }
0x2e3: {  	v63 =	vld [tilespmem:s20+$0xD680];
	v18 =	vadd.s32 v60, v18  }
0x2e4: {  	v18 =	vadd.s32 v19, v18  }
0x2e5: {  	v18 =	vadd.s32 v20, v18  }
0x2e6: {  	v18 =	vadd.s32 v61, v18  }
0x2e7: {  	v18 =	vadd.s32 v62, v18  }
0x2e8: {  	s19 =	simm.s32 $0xD780;
	s31 =	simm.s32 $0x10;
	v18 =	vadd.s32 v63, v18  }
0x2e9: {  	s20 =	sand.u32 $0xF0, s31;
	[tilespmem:s19+$0x0] =	vst v18  }
0x2ea: {  	s22 =	simm.s32 $0x20;
	s21 =	simm.s32 $0xC790;
	v18 =	vld [tilespmem:s20+$0xC880]  }
.LBB2_17:
0x2eb: {  	p1 =	seq.s32 s22, $0xF0;
	v19 =	vld [tilespmem:s21+$0x0]  }
0x2ec: {  	v20 =	vld [tilespmem:s20+$0xC980]  }
0x2ed: {  	v21 =	vld [tilespmem:s20+$0xCA80]  }
0x2ee: {  	v22 =	vld [tilespmem:s20+$0xCB80]  }
0x2ef: {  	v23 =	vld [tilespmem:s20+$0xCC80]  }
0x2f0: {  	v18 =	vadd.s32 v19, v18;
	v19 =	vld [tilespmem:s20+$0xCD80]  }
0x2f1: {  	v18 =	vadd.s32 v20, v18;
	v20 =	vld [tilespmem:s20+$0xCE80]  }
0x2f2: {  	v18 =	vadd.s32 v21, v18;
	v21 =	vld [tilespmem:s20+$0xCF80]  }
0x2f3: {  	v18 =	vadd.s32 v22, v18;
	v22 =	vld [tilespmem:s20+$0xD080]  }
0x2f4: {  	v18 =	vadd.s32 v23, v18;
	v23 =	vld [tilespmem:s20+$0xD180]  }
0x2f5: {  	v18 =	vadd.s32 v19, v18;
	v19 =	vld [tilespmem:s20+$0xD280]  }
0x2f6: {  	v18 =	vadd.s32 v20, v18;
	v20 =	vld [tilespmem:s20+$0xD380]  }
0x2f7: {  	v18 =	vadd.s32 v21, v18;
	v21 =	vld [tilespmem:s20+$0xD480]  }
0x2f8: {  	v18 =	vadd.s32 v22, v18;
	v22 =	vld [tilespmem:s20+$0xD580]  }
0x2f9: {  	v18 =	vadd.s32 v23, v18;
	v23 =	vld [tilespmem:s20+$0xD680]  }
0x2fa: {  	v18 =	vadd.s32 v19, v18  }
0x2fb: {  	v18 =	vadd.s32 v20, v18  }
.Ltmp11:
0x2fc: {  	v18 =	vadd.s32 v21, v18;
	(pc) =	sbr.rel @!p1 .LBB2_17-.Ltmp11, $4  }
0x2fd: {  	v18 =	vadd.s32 v22, v18  }
0x2fe: {  	s19 =	sadd.s32 $0x10, s19;
	v18 =	vadd.s32 v23, v18  }
0x2ff: {  	s20 =	sand.u32 $0xF0, s22;
	[tilespmem:s19+$0x0] =	vst v18  }
0x300: {  	s21 =	sadd.s32 $0x10, s21;
	s22 =	sadd.s32 $0x10, s22;
	v18 =	vld [tilespmem:s20+$0xC880]  }
0x301: {  	v19 =	vld [tilespmem:s21+$0x0]  }
0x302: {  	v20 =	vld [tilespmem:s20+$0xC980]  }
0x303: {  	v21 =	vld [tilespmem:s20+$0xCA80]  }
0x304: {  	v22 =	vld [tilespmem:s20+$0xCB80]  }
0x305: {  	v23 =	vld [tilespmem:s20+$0xCC80]  }
0x306: {  	v18 =	vadd.s32 v19, v18;
	v19 =	vld [tilespmem:s20+$0xCD80]  }
0x307: {  	v18 =	vadd.s32 v20, v18;
	v20 =	vld [tilespmem:s20+$0xCE80]  }
0x308: {  	v18 =	vadd.s32 v21, v18;
	v21 =	vld [tilespmem:s20+$0xCF80]  }
0x309: {  	v18 =	vadd.s32 v22, v18;
	v22 =	vld [tilespmem:s20+$0xD080]  }
0x30a: {  	v18 =	vadd.s32 v23, v18;
	v23 =	vld [tilespmem:s20+$0xD180]  }
0x30b: {  	v18 =	vadd.s32 v19, v18;
	v19 =	vld [tilespmem:s20+$0xD280]  }
0x30c: {  	v18 =	vadd.s32 v20, v18;
	v20 =	vld [tilespmem:s20+$0xD380]  }
0x30d: {  	v18 =	vadd.s32 v21, v18;
	v21 =	vld [tilespmem:s20+$0xD480]  }
0x30e: {  	(xrf0) =	vadd.scan.msk.s32 $0xffff, v17;
	v18 =	vadd.s32 v22, v18;
	v22 =	vld [tilespmem:s20+$0xD580]  }
0x30f: {  	v18 =	vadd.s32 v23, v18;
	v23 =	vld [tilespmem:s20+$0xD680]  }
0x310: {  	v18 =	vadd.s32 v19, v18  }
0x311: {  	v18 =	vadd.s32 v20, v18  }
0x312: {  	v18 =	vadd.s32 v21, v18  }
0x313: {  	v18 =	vadd.s32 v22, v18  }
0x314: {  	s19 =	sadd.s32 $0x10, s19;
	v17, _, _ =	vpop (xrf0);
	v18 =	vadd.s32 v23, v18  }
0x315: {  	s28 =	simm.s32 $0xD870;
	(v2sf) =	vpush v17, $0xF;
	[tilespmem:s19+$0x0] =	vst v18  }
0x316: {  	v26 =	vld [tilespmem:s28+$0x0]  }
0x317: {  	s29 =	simm.s32 $0xD860  }
0x318: {  	v21 =	vld [tilespmem:s29+$0x0];
	_ =	sdelay $0x2  }
0x319: {  	(xrf0) =	vadd.scan.msk.s32 $0xffff, v26;
	_ =	sdelay $0x1  }
0x31a: {  	(xrf0) =	vadd.scan.msk.s32 $0xffff, v21;
	_ =	sdelay $0x3  }
0x31b: {  	s30 =	simm.s32 $0xD850;
	v24, _, _ =	vpop (xrf0)  }
0x31c: {  	v20 =	vld [tilespmem:s30+$0x0];
	(v2sf) =	vpush v24, $0xF  }
0x31d: {  	v22, _, _ =	vpop (xrf0)  }
0x31e: {  	s26 =	spop (v2sf);
	(v2sf) =	vpush v22, $0xF;
	_ =	sdelay $0x2  }
0x31f: {  	s31 =	simm.s32 $0xD840;
	(xrf0) =	vadd.scan.msk.s32 $0xffff, v20  }
0x320: {  	v19 =	vld [tilespmem:s31+$0x0];
	_ =	sdelay $0x2  }
0x321: {  	s22 =	simm.s32 $0x0;
	s23 =	simm.s32 $0xF0  }
0x322: {  	s24 =	simm.s32 $0xE0;
	s21 =	simm.s32 $0xD0;
	v18 =	vimm.s32 $0xFFFFFFFF;
	s19 =	ssub.s32 $0x200, s26  }
0x323: {  	s25 =	simm.s32 $0xB0;
	s20 =	simm.s32 $0xC0;
	s26 =	simm.s32 $0xD830;
	v17 =	vmov s19;
	v26 =	vadd.s32 s22, v26;
	(xrf0) =	vadd.scan.msk.s32 $0xffff, v19;
	v25 =	vbroadcast v24, $0xF;
	v23, _, _ =	vpop (xrf0)  }
.LBB2_19:
0x324: {  	(v2sf) =	vpush v23, $0xF;
	v27 =	vsub.s32 v26, v24;
	v26 =	vmovc v21;
	v21 =	vmovc v20;
	v20 =	vmov v19;
	v19 =	vld [tilespmem:s26+$0x0];
	s28 =	smov.u32 s25;
	p1 =	sne.s32 s25, $0x0  }
.Ltmp12:
0x325: {  	s25 =	sadd.s32 $0xFFFFFFF0, s25;
	v24 =	vmov v22;
	v22 =	vmov v23;
	v25 =	vadd.s32 v25, v27;
	(pc) =	sbr.rel @p1 .LBB2_19-.Ltmp12, $4  }
0x326: {  	v23 =	vor.u32 s23, v3;
	s23 =	smov.u32 s24;
	s24 =	smov.u32 s21;
	s21 =	smov.u32 s20;
	vm0 =	vlt.s32 v25, v17  }
0x327: {  	s20 =	smov.u32 s28;
	v27 =	vsel vm0, $0xFFFFFFFF, v23;
	s29 =	spop (v2sf)  }
0x328: {  	s22 =	sadd.s32 s22, s29;
	vm0 =	vgt.s32 v18, v27  }
0x329: {  	s26 =	sadd.s32 $0xFFFFFFF0, s26;
	v25 =	vbroadcast v24, $0xF;
	(xrf0) =	vadd.scan.msk.s32 $0xffff, v19;
	v23, _, _ =	vpop (xrf0);
	v26 =	vadd.s32 s22, v26;
	v18 =	vsel vm0, v18, v27  }
0x32a: {  	(v2sf) =	vpush v23, $0xF;
	_ =	sdelay $0x8  }
0x32b: {  	v24 =	vsub.s32 v26, v24;
	s25 =	spop (v2sf)  }
0x32c: {  	v60 =	vor.u32 s23, v3;
	v24 =	vadd.s32 v25, v24;
	s22 =	sadd.s32 s22, s25  }
0x32d: {  	v61 =	vbroadcast v22, $0xF;
	vm0 =	vlt.s32 v24, v17;
	v21 =	vadd.s32 s22, v21  }
0x32e: {  	v62 =	vsel vm0, $0xFFFFFFFF, v60;
	v21 =	vsub.s32 v21, v22  }
0x32f: {  	vm0 =	vgt.s32 v18, v62;
	v21 =	vadd.s32 v61, v21;
	s26 =	spop (v2sf)  }
0x330: {  	v22 =	vor.u32 s24, v3;
	v18 =	vsel vm0, v18, v62;
	vm13 =	vlt.s32 v21, v17;
	s22 =	sadd.s32 s22, s26  }
0x331: {  	v21 =	vsel vm13, $0xFFFFFFFF, v22;
	v22 =	vbroadcast v23, $0xF;
	v20 =	vadd.s32 s22, v20;
	s28 =	spop (v2sf)  }
0x332: {  	v63, _, _ =	vpop (xrf0);
	vm0 =	vgt.s32 v18, v21;
	v20 =	vsub.s32 v20, v23;
	s22 =	sadd.s32 s22, s28  }
0x333: {  	v20 =	vadd.s32 v22, v20;
	v22 =	vbroadcast v63, $0xF;
	v19 =	vadd.s32 s22, v19  }
0x334: {  	v23 =	vor.u32 s21, v3;
	vm1 =	vlt.s32 v20, v17;
	v19 =	vsub.s32 v19, v63  }
0x335: {  	v18 =	vsel vm0, v18, v21;
	v20 =	vsel vm1, $0xFFFFFFFF, v23;
	v19 =	vadd.s32 v22, v19  }
0x336: {  	v21 =	vor.u32 s20, v3;
	vm0 =	vgt.s32 v18, v20;
	vm14 =	vlt.s32 v19, v17  }
0x337: {  	v17 =	vsel vm0, v18, v20;
	v18 =	vsel vm14, $0xFFFFFFFF, v21  }
0x338: {  	vm0 =	vgt.s32 v17, v18  }
0x339: {  	v17 =	vsel vm0, v17, v18  }
0x33a: {  	v17 =	vxor.u32 $0x80000000, v17  }
0x33b: {  	(xrf0) =	vmax.scan.msk.u32 $0xffff, v17;
	_ =	sdelay $0x5  }
0x33c: {  	(v2sf) =	vpush v63, $0xF;
	v17, _, _ =	vpop (xrf0)  }
0x33d: {  	(v2sf) =	vpush v17, $0xF;
	_ =	sdelay $0xc  }
0x33e: {  	s29 =	simm.s32 $0xD780  }
0x33f: {  	v20 =	vld [tilespmem:s29+$0x0];
	s30 =	spop (v2sf)  }
0x340: {  	s31 =	spop (v2sf)  }
0x341: {  	s20 =	simm.s32 $0x0;
	s21 =	sxor.u32 $0x80000000, s31  }
0x342: {  	v18 =	vor.u32 s20, v3;
	v17 =	vmov s21  }
0x343: {  	vm15 =	vgt.s32 v18, v17  }
0x344: {  	s22 =	simm.s32 $0xD790;
	v19 =	vimm.s32 $0x0;
	s21 =	simm.s32 $0x10;
	v20 =	vnsel vm15, $0x0, v20  }
.LBB2_21:
0x345: {  	v21 =	vld [tilespmem:s22+$0x0];
	p1 =	sne.s32 s21, $0xF0;
	v19 =	vadd.s32 v19, v20;
	s23 =	smov.u32 s21;
	s21 =	sadd.s32 $0x10, s21  }
.Ltmp13:
0x346: {  	(pc) =	sbr.rel @p1 .LBB2_21-.Ltmp13, $4  }
0x347: {  	_ = 	snop  }
0x348: {  	v20 =	vor.u32 s23, v3  }
0x349: {  	vm0 =	vgt.s32 v20, v17  }
0x34a: {  	s22 =	sadd.s32 $0x10, s22;
	v20 =	vnsel vm0, $0x0, v21  }
0x34b: {  	s21 =	simm.s32 $0xB780  }
0x34c: {  	v21 =	vld [tilespmem:s21+$0x0];
	_ =	sdelay $0x4  }
0x34d: {  	v22 =	vshrl.u32 v21, $0xD  }
0x34e: {  	v22 =	vand.u32 $0xFF, v22  }
0x34f: {  	vm0 =	vlt.s32 v18, v16;
	vm1 =	vgt.s32 v22, v17  }
0x350: {  	s30 =	simm.s32 $0xBF80;
	s31 =	simm.s32 $0x10;
	vm2 =	veq.s32 v22, v17;
	vm1 =	vmand vm0, vm1  }
0x351: {  	v18 =	vld [tilespmem:s30+$0x0];
	v22 =	vor.u32 s31, v3;
	vm0 =	vmand vm0, vm2;
	v23 =	vmpcnt.ones.xlane vm1  }
0x352: {  	vm2 =	vlt.s32 v22, v16;
	v22 =	vmpcnt.ones.xlane vm0  }
0x353: {  	p1 =	slt.s32 s18, $0x210;
	s21 =	smov.u32 s18;
	(v2sf) =	vpush v23, $0x0  }
0x354: {  	s21 =	simm.s32 @!p1 $0x210;
	(v2sf) =	vpush v22, $0x0  }
0x355: {  	s22 =	simm.s32 $0x0;
	p1 =	por $0x1, $0x1;
	[tilespmem:s21+$0xB280] =	vst.msk vm1, v21  }
0x356: {  	s22 =	simm.s32 @!p1 $0x70;
	[tilespmem:s21+$0xB500] =	vst.msk vm1, v18  }
0x357: {  	[tilespmem:s22+$0xD880] =	vst.msk vm0, v21  }
0x358: {  	s21 =	simm.s32 $0xB790;
	[tilespmem:s22+$0xD900] =	vst.msk vm0, v18  }
0x359: {  	v18 =	vld [tilespmem:s21+$0x0];
	_ =	sdelay $0x4  }
0x35a: {  	v21 =	vshrl.u32 v18, $0xD  }
0x35b: {  	v21 =	vand.u32 $0xFF, v21  }
0x35c: {  	vm0 =	vgt.s32 v21, v17;
	vm3 =	veq.s32 v21, v17  }
0x35d: {  	s22 =	simm.s32 $0xBF90;
	vm1 =	vmand vm2, vm0;
	vm0 =	vmand vm2, vm3  }
0x35e: {  	v19 =	vadd.s32 v19, v20;
	s23 =	simm.s32 $0x20;
	v20 =	vld [tilespmem:s22+$0x0];
	v22 =	vmpcnt.ones.xlane vm1;
	v21 =	vmpcnt.ones.xlane vm0;
	s24 =	spop (v2sf)  }
.LBB2_23:
0x35f: {  	s18 =	sadd.s32 s18, s24;
	s24 =	spop (v2sf)  }
0x360: {  	s25 =	smov.u32 s23;
	s26 =	sadd.s32 $0x10, s23;
	p1 =	sne.s32 s23, $0x7F0  }
0x361: {  	p2 =	slt.s32 s18, $0x210;
	(v2sf) =	vpush v22, $0x0;
	s20 =	sadd.s32 s20, s24;
	s23 =	smov.u32 s18  }
0x362: {  	s23 =	simm.s32 @!p2 $0x210;
	p2 =	slt.s32 s20, $0x70;
	(v2sf) =	vpush v21, $0x0  }
0x363: {  	[tilespmem:s23+$0xB280] =	vst.msk vm1, v18  }
0x364: {  	[tilespmem:s23+$0xB500] =	vst.msk vm1, v20;
	s23 =	smov.u32 s20  }
0x365: {  	s23 =	simm.s32 @!p2 $0x70  }
0x366: {  	[tilespmem:s23+$0xD880] =	vst.msk vm0, v18  }
0x367: {  	s21 =	sadd.s32 $0x10, s21;
	[tilespmem:s23+$0xD900] =	vst.msk vm0, v20  }
0x368: {  	v18 =	vld [tilespmem:s21+$0x0];
	_ =	sdelay $0x4  }
.Ltmp14:
0x369: {  	v20 =	vshrl.u32 v18, $0xD;
	(pc) =	sbr.rel @p1 .LBB2_23-.Ltmp14, $4  }
0x36a: {  	v21 =	vor.u32 s25, v3;
	v20 =	vand.u32 $0xFF, v20  }
0x36b: {  	vm0 =	vlt.s32 v21, v16;
	vm1 =	vgt.s32 v20, v17;
	vm2 =	veq.s32 v20, v17  }
0x36c: {  	s22 =	sadd.s32 $0x10, s22;
	vm1 =	vmand vm0, vm1;
	vm0 =	vmand vm0, vm2  }
0x36d: {  	s23 =	smov.u32 s26;
	v20 =	vld [tilespmem:s22+$0x0];
	v22 =	vmpcnt.ones.xlane vm1;
	v21 =	vmpcnt.ones.xlane vm0;
	s24 =	spop (v2sf)  }
0x36e: {  	s18 =	sadd.s32 s18, s24  }
0x36f: {  	s21 =	spop (v2sf);
	p1 =	slt.s32 s18, $0x210;
	s22 =	smov.u32 s18  }
0x370: {  	s20 =	sadd.s32 s20, s21;
	s22 =	simm.s32 @!p1 $0x210  }
0x371: {  	p1 =	slt.s32 s20, $0x70;
	s21 =	smov.u32 s20;
	[tilespmem:s22+$0xB280] =	vst.msk vm1, v18  }
0x372: {  	(xrf0) =	vadd.scan.msk.s32 $0xffff, v19;
	s21 =	simm.s32 @!p1 $0x70;
	[tilespmem:s22+$0xB500] =	vst.msk vm1, v20  }
0x373: {  	[tilespmem:s21+$0xD880] =	vst.msk vm0, v18  }
0x374: {  	[tilespmem:s21+$0xD900] =	vst.msk vm0, v20  }
0x375: {  	v16 =	vld [tilespmem:$0xD880];
	_ =	sdelay $0x1  }
0x376: {  	(v2sf) =	vpush v22, $0x0  }
0x377: {  	(v2sf) =	vpush v21, $0x0;
	v17, _, _ =	vpop (xrf0)  }
0x378: {  	(v2sf) =	vpush v17, $0xF  }
0x379: {  	(v2sf) =	vpush v16, $0x0;
	_ =	sdelay $0xa  }
0x37a: {  	v18 =	vld [tilespmem:$0xD890]  }
0x37b: {  	v20 =	vld [tilespmem:$0xD8F0];
	s26 =	spop (v2sf)  }
0x37c: {  	v22 =	vld [tilespmem:$0xD8C0];
	s28 =	spop (v2sf)  }
0x37d: {  	v23 =	vld [tilespmem:$0xD8D0];
	s20 =	sadd.s32 s20, s28;
	s29 =	spop (v2sf)  }
0x37e: {  	v24 =	vld [tilespmem:$0xD8E0];
	v17 =	vmov s20;
	s30 =	spop (v2sf)  }
0x37f: {  	s31 =	simm.s32 $0x1000;
	v21 =	vld [tilespmem:$0xD8B0];
	vm6 =	vgt.s32 v17, v9;
	vm7 =	vgt.s32 v17, v10;
	vm10 =	vgt.s32 v17, v11;
	s23 =	sand.u32 $0xFFFFE000, s30  }
0x380: {  	v19 =	vld [tilespmem:$0xD8A0];
	vm11 =	vgt.s32 v17, v12;
	vm12 =	vgt.s32 v17, v13;
	vm13 =	vgt.s32 v17, v14;
	s21 =	sor.u32 s31, s23  }
0x381: {  	s18 =	sadd.s32 s18, s26;
	vm14 =	vgt.s32 v17, v15;
	vm15 =	vgt.s32 v17, v3;
	s20 =	ssub.s32 s19, s29;
	s19 =	simm.s32 $0x1;
	vm8 =	vge.s32 v20, s21  }
.LBB2_25:
0x382: {  	s22 =	smov.u32 s23  }
0x383: {  	p1 =	sne.s32 s19, $0xC;
	vm0 =	vge.s32 v22, s21;
	vm1 =	vge.s32 v23, s21;
	vm2 =	vge.s32 v24, s21  }
0x384: {  	vm3 =	vge.s32 v16, s21;
	vm4 =	vge.s32 v18, s21;
	vm5 =	vge.s32 v21, s21  }
0x385: {  	vm9 =	vge.s32 v19, s21;
	vm3 =	vmand vm15, vm3;
	vm4 =	vmand vm14, vm4  }
0x386: {  	v17 =	vsel vm3, $0x1, v6;
	v25 =	vsel vm4, $0x1, v6;
	vm3 =	vmand vm13, vm9  }
0x387: {  	v17 =	vadd.s32 v17, v25;
	v25 =	vsel vm3, $0x1, v6;
	vm3 =	vmand vm12, vm5  }
0x388: {  	vm0 =	vmand vm11, vm0;
	v17 =	vadd.s32 v25, v17;
	v25 =	vsel vm3, $0x1, v6  }
0x389: {  	v17 =	vadd.s32 v25, v17;
	v25 =	vsel vm0, $0x1, v6;
	vm0 =	vmand vm10, vm1  }
0x38a: {  	v17 =	vadd.s32 v25, v17;
	v25 =	vsel vm0, $0x1, v6;
	vm0 =	vmand vm7, vm2  }
0x38b: {  	v17 =	vadd.s32 v25, v17;
	v25 =	vsel vm0, $0x1, v6;
	vm0 =	vmand vm6, vm8  }
0x38c: {  	v17 =	vadd.s32 v25, v17;
	v25 =	vsel vm0, $0x1, v6  }
0x38d: {  	v17 =	vadd.s32 v25, v17  }
0x38e: {  	(xrf0) =	vadd.scan.msk.s32 $0xffff, v17;
	_ =	sdelay $0x5  }
0x38f: {  	v17, _, _ =	vpop (xrf0)  }
0x390: {  	(v2sf) =	vpush v17, $0xF;
	_ =	sdelay $0xe  }
.Ltmp15:
0x391: {  	s23 =	spop (v2sf);
	(pc) =	sbr.rel @p1 .LBB2_25-.Ltmp15, $4  }
0x392: {  	p2 =	slt.s32 s23, s20;
	s23 =	smov.u32 s21  }
0x393: {  	s24 =	sshrl.u32 s13, s19;
	s23 =	smov.u32 @p2 s22  }
0x394: {  	s21 =	sor.u32 s24, s23  }
0x395: {  	s19 =	sadd.s32 $0x1, s19;
	vm8 =	vge.s32 v20, s21  }
0x396: {  	vm0 =	vge.s32 v22, s21;
	vm1 =	vge.s32 v23, s21;
	vm2 =	vge.s32 v24, s21  }
0x397: {  	vm3 =	vge.s32 v16, s21;
	vm4 =	vge.s32 v18, s21;
	vm5 =	vge.s32 v21, s21  }
0x398: {  	vm9 =	vge.s32 v19, s21;
	vm3 =	vmand vm15, vm3;
	vm4 =	vmand vm14, vm4  }
0x399: {  	v17 =	vsel vm3, $0x1, v6;
	v25 =	vsel vm4, $0x1, v6;
	vm3 =	vmand vm13, vm9  }
0x39a: {  	v17 =	vadd.s32 v17, v25;
	v25 =	vsel vm3, $0x1, v6;
	vm3 =	vmand vm12, vm5  }
0x39b: {  	vm0 =	vmand vm11, vm0;
	v17 =	vadd.s32 v25, v17;
	v25 =	vsel vm3, $0x1, v6  }
0x39c: {  	v17 =	vadd.s32 v25, v17;
	v25 =	vsel vm0, $0x1, v6;
	vm0 =	vmand vm10, vm1  }
0x39d: {  	v17 =	vadd.s32 v25, v17;
	v25 =	vsel vm0, $0x1, v6;
	vm0 =	vmand vm7, vm2  }
0x39e: {  	v17 =	vadd.s32 v25, v17;
	v25 =	vsel vm0, $0x1, v6;
	vm0 =	vmand vm6, vm8  }
0x39f: {  	v17 =	vadd.s32 v25, v17;
	v25 =	vsel vm0, $0x1, v6  }
0x3a0: {  	v17 =	vadd.s32 v25, v17  }
0x3a1: {  	(xrf0) =	vadd.scan.msk.s32 $0xffff, v17;
	_ =	sdelay $0x5  }
0x3a2: {  	v17, _, _ =	vpop (xrf0)  }
0x3a3: {  	(v2sf) =	vpush v17, $0xF;
	_ =	sdelay $0xe  }
0x3a4: {  	s19 =	spop (v2sf)  }
0x3a5: {  	v17 =	vimm.s32 $0x0;
	p1 =	slt.s32 s19, s20  }
0x3a6: {  	v17 =	vsel vm15, $0xFFFFFFFF, v17;
	s21 =	smov.u32 @p1 s23  }
0x3a7: {  	[tilespmem:$0x1FF70] =	vst v17;
	v17 =	vimm.s32 $0x0;
	vm0 =	vgt.s32 v16, s21;
	vm1 =	vgt.s32 v18, s21  }
0x3a8: {  	v17 =	vsel vm14, $0xFFFFFFFF, v17;
	vm0 =	vmand vm15, vm0;
	vm1 =	vmand vm14, vm1  }
0x3a9: {  	[tilespmem:$0x1FF80] =	vst v17;
	v17 =	vsel vm0, $0x1, v6;
	v25 =	vsel vm1, $0x1, v6  }
0x3aa: {  	vm0 =	vgt.s32 v19, s21;
	v17 =	vadd.s32 v17, v25;
	v25 =	vimm.s32 $0x0  }
0x3ab: {  	vm1 =	vgt.s32 v21, s21;
	vm0 =	vmand vm13, vm0;
	v25 =	vsel vm13, $0xFFFFFFFF, v25  }
0x3ac: {  	[tilespmem:$0x1FF90] =	vst v25;
	v25 =	vsel vm0, $0x1, v6;
	vm0 =	vmand vm12, vm1;
	vm1 =	vgt.s32 v22, s21  }
0x3ad: {  	v17 =	vadd.s32 v25, v17;
	v25 =	vsel vm0, $0x1, v6;
	vm0 =	vmand vm11, vm1  }
0x3ae: {  	v17 =	vadd.s32 v25, v17;
	v25 =	vsel vm0, $0x1, v6  }
0x3af: {  	vm0 =	vgt.s32 v23, s21;
	v17 =	vadd.s32 v25, v17;
	v25 =	vimm.s32 $0x0  }
0x3b0: {  	vm1 =	vgt.s32 v24, s21;
	vm0 =	vmand vm10, vm0;
	v25 =	vsel vm10, $0xFFFFFFFF, v25  }
0x3b1: {  	[tilespmem:$0x1FFC0] =	vst v25;
	v25 =	vsel vm0, $0x1, v6;
	vm0 =	vmand vm7, vm1;
	vm1 =	vgt.s32 v20, s21  }
0x3b2: {  	v17 =	vadd.s32 v25, v17;
	v25 =	vsel vm0, $0x1, v6;
	vm0 =	vmand vm6, vm1  }
0x3b3: {  	v17 =	vadd.s32 v25, v17;
	v25 =	vsel vm0, $0x1, v6  }
0x3b4: {  	v17 =	vadd.s32 v25, v17  }
0x3b5: {  	(xrf0) =	vadd.scan.msk.s32 $0xffff, v17;
	_ =	sdelay $0x5  }
0x3b6: {  	v17, _, _ =	vpop (xrf0)  }
0x3b7: {  	(v2sf) =	vpush v17, $0xF;
	_ =	sdelay $0x1  }
0x3b8: {  	v26 =	vimm.s32 $0x0  }
0x3b9: {  	v26 =	vsel vm12, $0xFFFFFFFF, v26  }
0x3ba: {  	[tilespmem:$0x1FFA0] =	vst v26;
	v26 =	vimm.s32 $0x0  }
0x3bb: {  	v26 =	vsel vm11, $0xFFFFFFFF, v26  }
0x3bc: {  	v27 =	vld [tilespmem:$0xD950];
	[tilespmem:$0x1FFB0] =	vst v26;
	v26 =	vimm.s32 $0x0  }
0x3bd: {  	v28 =	vld [tilespmem:$0xD960];
	v26 =	vsel vm7, $0xFFFFFFFF, v26  }
0x3be: {  	v29 =	vld [tilespmem:$0xD970];
	[tilespmem:$0x1FFD0] =	vst v26;
	v26 =	vimm.s32 $0x0  }
0x3bf: {  	v30 =	vld [tilespmem:$0xD940];
	v26 =	vsel vm6, $0xFFFFFFFF, v26  }
0x3c0: {  	[tilespmem:$0x1FFE0] =	vst v26;
	v26 =	vld [tilespmem:$0xD930];
	v17 =	vmov s21  }
0x3c1: {  	v25 =	vld [tilespmem:$0xD920];
	vm12 =	veq.s32 v20, v17  }
0x3c2: {  	s31 =	simm.s32 $0x80000;
	s19 =	simm.s32 $0x0;
	vm0 =	veq.s32 v24, v17;
	v20 =	vimm.s32 $0x0;
	vm13 =	veq.s32 v23, v17  }
0x3c3: {  	s21 =	sor.u32 s31, s19;
	vm15 =	veq.s32 v22, v17;
	vm10 =	veq.s32 v21, v17;
	vm11 =	veq.s32 v19, v17  }
0x3c4: {  	vm14 =	veq.s32 v18, v17;
	vm9 =	veq.s32 v16, v17;
	vm2 =	vlt.s32 v27, s21  }
0x3c5: {  	v18 =	vld [tilespmem:$0xD900];
	vm3 =	vlt.s32 v28, s21;
	vm1 =	vlt.s32 v29, s21;
	v20 =	vsel vm0, $0xFFFFFFFF, v20;
	s22 =	spop (v2sf)  }
0x3c6: {  	v19 =	vld [tilespmem:$0xD910];
	vm4 =	vlt.s32 v26, s21;
	vm5 =	vlt.s32 v30, s21;
	vm0 =	vlt.s32 v25, s21;
	[tilespmem:$0x1FFF0] =	vst v20;
	s20 =	ssub.s32 s20, s22;
	s22 =	simm.s32 $0x1  }
.LBB2_27:
0x3c7: {  	v20 =	vld [tilespmem:$0x1FFF0];
	_ =	sdelay $0x4  }
0x3c8: {  	vm8 =	vnez.u8 v20;
	v20 =	vld [tilespmem:$0x1FF70];
	_ =	sdelay $0x3  }
0x3c9: {  	v22 =	vld [tilespmem:$0x1FF90]  }
0x3ca: {  	vm3 =	vmand vm8, vm3;
	vm8 =	vnez.u8 v20;
	v20 =	vld [tilespmem:$0x1FF80];
	_ =	sdelay $0x1  }
0x3cb: {  	vm6 =	vlt.s32 v18, s21;
	v54 =	vld [tilespmem:$0x1FFA0]  }
0x3cc: {  	vm6 =	vmand vm9, vm6  }
0x3cd: {  	vm0 =	vmand vm11, vm0;
	v56 =	vld [tilespmem:$0x1FFB0];
	vm6 =	vmand vm6, vm8  }
0x3ce: {  	vm8 =	vnez.u8 v20;
	v20 =	vsel vm6, $0x1, v6;
	vm6 =	vnez.u8 v22  }
0x3cf: {  	v58 =	vld [tilespmem:$0x1FFC0];
	vm0 =	vmand vm0, vm6  }
0x3d0: {  	vm4 =	vmand vm10, vm4;
	v53 =	vsel vm0, $0x1, v6;
	vm0 =	vnez.u8 v54  }
0x3d1: {  	vm7 =	vlt.s32 v19, s21;
	vm5 =	vmand vm15, vm5;
	v60 =	vld [tilespmem:$0x1FFD0];
	vm0 =	vmand vm4, vm0  }
0x3d2: {  	vm7 =	vmand vm14, vm7;
	v55 =	vsel vm0, $0x1, v6;
	vm0 =	vnez.u8 v56  }
0x3d3: {  	vm2 =	vmand vm13, vm2;
	v62 =	vld [tilespmem:$0x1FFE0];
	vm7 =	vmand vm7, vm8;
	vm0 =	vmand vm5, vm0  }
0x3d4: {  	v21 =	vsel vm7, $0x1, v6;
	v57 =	vsel vm0, $0x1, v6;
	vm0 =	vnez.u8 v58  }
0x3d5: {  	v20 =	vadd.s32 v20, v21;
	vm0 =	vmand vm2, vm0  }
0x3d6: {  	v20 =	vadd.s32 v53, v20;
	v59 =	vsel vm0, $0x1, v6;
	vm0 =	vnez.u8 v60  }
0x3d7: {  	vm1 =	vmand vm12, vm1;
	v20 =	vadd.s32 v55, v20;
	vm0 =	vmand vm3, vm0  }
0x3d8: {  	v20 =	vadd.s32 v57, v20;
	v61 =	vsel vm0, $0x1, v6;
	vm0 =	vnez.u8 v62  }
0x3d9: {  	v20 =	vadd.s32 v59, v20;
	vm0 =	vmand vm1, vm0  }
0x3da: {  	v20 =	vadd.s32 v61, v20;
	v63 =	vsel vm0, $0x1, v6  }
0x3db: {  	v20 =	vadd.s32 v63, v20  }
0x3dc: {  	(xrf0) =	vadd.scan.msk.s32 $0xffff, v20;
	_ =	sdelay $0x5  }
0x3dd: {  	v20, _, _ =	vpop (xrf0)  }
0x3de: {  	(v2sf) =	vpush v20, $0xF;
	_ =	sdelay $0xe  }
0x3df: {  	p1 =	sne.s32 s22, $0x13;
	s23 =	spop (v2sf)  }
.Ltmp16:
0x3e0: {  	p2 =	slt.s32 s23, s20;
	(pc) =	sbr.rel @p1 .LBB2_27-.Ltmp16, $4  }
0x3e1: {  	s31 =	sshrl.u32 s14, s22;
	s19 =	smov.u32 @p2 s21  }
0x3e2: {  	s21 =	sor.u32 s31, s19  }
0x3e3: {  	vm2 =	vlt.s32 v27, s21;
	vm3 =	vlt.s32 v28, s21;
	vm1 =	vlt.s32 v29, s21  }
0x3e4: {  	s22 =	sadd.s32 $0x1, s22;
	vm0 =	vlt.s32 v25, s21;
	vm4 =	vlt.s32 v26, s21;
	vm5 =	vlt.s32 v30, s21  }
.Ltmp17:
0x3e5: {  	_ = 	snop;
	(pc) =	sbr.rel .LBB2_28-.Ltmp17, $1  }
0x3e6: {  	_ =	sdelay $0x3  }
.LBB2_30:
0x3e7: {  	_ =	sfence.sel $0x180000  }
0x3e8: {  	[bflag:$0x0] =	sbarrier.arrive $0xFFFF  }
0x3e9: {  	_ =	strace $0x9000004A  }
0x3ea: {  	s0 =	sadd.s32 @!p0 $0x100000, s0;
	[bflag:$0x2] =	sbarrier.arrive $0xFFFF  }
0x3eb: {  	[sflag:s0] =	ssyncadd.tile.s32 @!p0 $0x1;
	_ =	shalt  }
.Lfunc_end2:
_tile_overlayer_lowered:
.L_overlay_start_2:
0x3ec: {  	(tag) =	ssettag $0x2  }
0x3ed: {  	s0 =	rddreg [dreg:$0x0];
	s2 =	stileid.u32  }
0x3ee: {  	s1 =	rddreg [dreg:$0x1];
	p0 =	sne.s32 s2, $0x0  }
0x3ef: {  	s3 =	rddreg [dreg:$0x2];
	[bflag:$0x3] =	sbarrier.arrive $0xFFFF;
	s2 =	simm.s32 @!p0 $0x1C01  }
0x3f0: {  	[timem:s3], [sflag:s2] =	dma.local @!p0 [hbm:s0], s1  }
0x3f1: {  	s0 =	simm.s32 @!p0 $0x1  }
0x3f2: {  	_ =	swait.ge @!p0 [sflag:s0], s1  }
0x3f3: {  	s1 =	ssub.s32 @!p0 $0x0, s1;
	[sflag:s0] =	ssyncset.done @!p0 $0x0  }
0x3f4: {  	[sflag:s0] =	ssyncadd.s32 @!p0 s1  }
0x3f5: {  	[bflag:$0x3] =	sbarrier.arrive $0xFFFF  }
0x3f6: {  	_ =	shalt  }

</sc_bundles>
